<compile_context>
chip_gen: v7x
topology: tpu7x:2x2x1
jax: 0.10.2.dev20260603
libtpu: 0.0.44.dev20260713+nightly
codegen_flags: <defaults>
</compile_context>

<pallas_src>
import jax
import jax.numpy as jnp
from jax import lax
from jax.experimental import pallas as pl
from jax.experimental.pallas import tpu as pltpu
from jax.experimental.pallas import tpu_sc as plsc

N = 10000
D = 128
E = 320000
NC = 2
NS = 16
LANES = 16
BLANES = 32
CHUNK = 80
UNROLL = 8
EDGES_PER_TILE = E // (NC * NS)
CHUNKS_PER_TILE = EDGES_PER_TILE // CHUNK
N_PER_TILE = N // NS


def _agg_body(x_hbm, col_hbm, row_hbm, w_hbm, out_hbm,
              colb, rowb, wb, rows0, rows1, rows2, agg,
              g0, g1, g2, s0, s1, s2):
    c = lax.axis_index("c")
    s = lax.axis_index("s")
    wid = c * NS + s
    cbase = wid * CHUNKS_PER_TILE
    bufs = (rows0, rows1, rows2)
    gsems = (g0, g1, g2)
    ssems = (s0, s1, s2)

    pltpu.sync_copy(col_hbm.at[pl.ds(cbase, CHUNKS_PER_TILE)], colb)
    pltpu.sync_copy(row_hbm.at[pl.ds(cbase, CHUNKS_PER_TILE)], rowb)
    pltpu.sync_copy(w_hbm.at[pl.ds(cbase, CHUNKS_PER_TILE)], wb)

    def zero_row(r, carry):
        for j in range(D // BLANES):
            rows0[r, pl.ds(j * BLANES, BLANES)] = jnp.zeros(
                (BLANES,), jnp.bfloat16)
        return carry
    lax.fori_loop(0, CHUNK, zero_row, 0)
    for k in range(N_PER_TILE // CHUNK):
        pltpu.sync_copy(rows0, agg.at[pl.ds(s * N_PER_TILE + k * CHUNK, CHUNK)])
    rem = N_PER_TILE % CHUNK
    if rem:
        pltpu.sync_copy(
            rows0.at[pl.ds(0, rem)],
            agg.at[pl.ds(s * N_PER_TILE + (N_PER_TILE // CHUNK) * CHUNK, rem)])
    plsc.subcore_barrier()

    def start_gather(chunk, b):
        pltpu.async_copy(x_hbm.at[colb.at[chunk]], bufs[b], gsems[b])

    def wait_gather(chunk, b):
        pltpu.make_async_copy(x_hbm.at[colb.at[chunk]], bufs[b], gsems[b]).wait()

    def start_scatter(chunk, b):
        pltpu.async_copy(bufs[b], agg.at[rowb.at[chunk]], ssems[b], add=True)

    def wait_scatter(chunk, b):
        pltpu.make_async_copy(bufs[b], agg.at[rowb.at[chunk]], ssems[b]).wait()

    def scale(chunk, b):
        buf = bufs[b]
        def body(i, carry):
            e0 = i * UNROLL
            for u in range(UNROLL):
                e = e0 + u
                wsplat = plsc.load_gather(
                    wb, [jnp.full((LANES,), chunk, dtype=jnp.int32),
                         jnp.full((LANES,), e, dtype=jnp.int32)])
                wsplat_bf = plsc.pack(wsplat, wsplat,
                                      format=plsc.PackFormat.INTERLEAVED)
                for j in range(D // BLANES):
                    sl = pl.ds(j * BLANES, BLANES)
                    buf[e, sl] = buf[e, sl] * wsplat_bf
            return carry
        lax.fori_loop(0, CHUNK // UNROLL, body, 0)

    NCH = CHUNKS_PER_TILE
    start_gather(0, 0)
    start_gather(1, 1)
    wait_gather(0, 0)
    scale(0, 0)
    start_scatter(0, 0)
    start_gather(2, 2)

    def tri(k, carry):
        for off in range(3):
            i = 3 * k + 1 + off
            b = (1 + off) % 3
            wait_gather(i, b)
            scale(i, b)
            start_scatter(i, b)
            prev_b = (b + 2) % 3
            wait_scatter(i - 1, prev_b)
            start_gather(i + 2, prev_b)
        return carry
    lax.fori_loop(0, 40, tri, 0)

    wait_gather(121, 1)
    scale(121, 1)
    start_scatter(121, 1)
    wait_scatter(120, 0)
    start_gather(123, 0)

    wait_gather(122, 2)
    scale(122, 2)
    start_scatter(122, 2)
    wait_scatter(121, 1)
    start_gather(124, 1)

    wait_gather(123, 0)
    scale(123, 0)
    start_scatter(123, 0)
    wait_scatter(122, 2)

    wait_gather(124, 1)
    scale(124, 1)
    start_scatter(124, 1)
    wait_scatter(123, 0)
    wait_scatter(124, 1)

    plsc.subcore_barrier()
    pltpu.sync_copy(agg.at[pl.ds(s * N_PER_TILE, N_PER_TILE)],
                    out_hbm.at[c].at[pl.ds(s * N_PER_TILE, N_PER_TILE)])


_agg = pl.kernel(
    _agg_body,
    out_type=jax.ShapeDtypeStruct((NC, N, D), jnp.bfloat16),
    mesh=plsc.VectorSubcoreMesh(core_axis_name="c", subcore_axis_name="s"),
    compiler_params=pltpu.CompilerParams(use_tc_tiling_on_sc=False,
                                         needs_layout_passes=False),
    scratch_types=[
        pltpu.VMEM((CHUNKS_PER_TILE, CHUNK), jnp.int32),
        pltpu.VMEM((CHUNKS_PER_TILE, CHUNK), jnp.int32),
        pltpu.VMEM((CHUNKS_PER_TILE, CHUNK), jnp.float32),
        pltpu.VMEM((CHUNK, D), jnp.bfloat16),
        pltpu.VMEM((CHUNK, D), jnp.bfloat16),
        pltpu.VMEM((CHUNK, D), jnp.bfloat16),
        pltpu.VMEM_SHARED((N, D), jnp.bfloat16),
        pltpu.SemaphoreType.DMA,
        pltpu.SemaphoreType.DMA,
        pltpu.SemaphoreType.DMA,
        pltpu.SemaphoreType.DMA,
        pltpu.SemaphoreType.DMA,
        pltpu.SemaphoreType.DMA,
    ],
)


def _mm_body(x_ref, pa_ref, pb_ref, w1_ref, w2_ref, b_ref, o_ref):
    agg = (pa_ref[...].astype(jnp.float32) + pb_ref[...].astype(jnp.float32))
    o_ref[...] = (
        jnp.dot(x_ref[...], w1_ref[...], preferred_element_type=jnp.float32)
        + jnp.dot(agg, w2_ref[...], preferred_element_type=jnp.float32)
        + b_ref[...]
    )


def kernel(input, edge_index, edge_weight, weight, bias):
    x = input
    x_bf = x.astype(jnp.bfloat16)
    row2d = edge_index[0].reshape(E // CHUNK, CHUNK)
    col2d = edge_index[1].reshape(E // CHUNK, CHUNK)
    w2d = edge_weight.reshape(E // CHUNK, CHUNK)
    partials = _agg(x_bf, col2d, row2d, w2d)

    w1 = weight[:D]
    w2 = weight[D:]
    BLK = 1000
    out = pl.pallas_call(
        _mm_body,
        grid=(N // BLK,),
        in_specs=[
            pl.BlockSpec((BLK, D), lambda i: (i, 0)),
            pl.BlockSpec((BLK, D), lambda i: (i, 0)),
            pl.BlockSpec((BLK, D), lambda i: (i, 0)),
            pl.BlockSpec((D, D), lambda i: (0, 0)),
            pl.BlockSpec((D, D), lambda i: (0, 0)),
            pl.BlockSpec((1, D), lambda i: (0, 0)),
        ],
        out_specs=pl.BlockSpec((BLK, D), lambda i: (i, 0)),
        out_shape=jax.ShapeDtypeStruct((N, D), jnp.float32),
    )(x, partials[0], partials[1], w1, w2, bias.reshape(1, D))
    return out

# --- scband reference (transcript-rebuilt; emitter-appended) ---
"""Pipeline reference for scband-graph-sageconvolution-3418793968132 (READ-ONLY COPY).

The authoritative reference and input builder live on the scoring server;
editing this copy changes nothing except your own understanding.
"""

import jax, jax.numpy as jnp
import numpy as np

N = 10000
E = 320000
D_IN = 128
D_OUT = 128


def setup_inputs(seed: int = 0) -> dict:
    key = jax.random.key(seed)
    k1, k2, k3, k4, k5 = jax.random.split(key, 5)
    x = jax.random.normal(k1, (N, D_IN), dtype=jnp.float32)
    edge_index = jax.random.randint(k2, (2, E), 0, N, dtype=jnp.int32)
    edge_weight = jax.random.uniform(k3, (E,), dtype=jnp.float32)
    stdv = 1.0 / np.sqrt(D_OUT)
    weight = jax.random.uniform(k4, (2 * D_IN, D_OUT), minval=-stdv, maxval=stdv, dtype=jnp.float32)
    bias = jax.random.uniform(k5, (D_OUT,), minval=-stdv, maxval=stdv, dtype=jnp.float32)
    return {"input": x, "edge_index": edge_index, "edge_weight": edge_weight, "weight": weight, "bias": bias}


def reference(input, edge_index, edge_weight, weight, bias):
    # torch.spmm(adj, input): out[i] = sum_j adj[i, j] * input[j]
    # adj given in COO form: edge_index[0] = row (dst), edge_index[1] = col (src)
    row = edge_index[0]
    col = edge_index[1]
    msgs = jnp.take(input, col, axis=0) * edge_weight[:, None]
    neighbor_weighted_sum = jax.ops.segment_sum(msgs, row, num_segments=input.shape[0])
    concat_features = jnp.concatenate([input, neighbor_weighted_sum], axis=-1)
    output = concat_features @ weight
    return output + bias

if __name__ == "__main__":
    import jax
    _d = setup_inputs()
    print(jax.jit(kernel)(*tuple(_d.values())))

</pallas_src>

<mosaic_0001>
#map = affine_map<(d0, d1) -> (0, 0)>
#map1 = affine_map<(d0, d1) -> (0, 0, 0)>
module attributes {stable_mosaic.version = 14 : i64} {
  func.func @_agg_body(%arg0: i32, %arg1: i32, %arg2: memref<10000x128xbf16, #tpu.memory_space<hbm>>, %arg3: memref<4000x80xi32, #tpu.memory_space<hbm>>, %arg4: memref<4000x80xi32, #tpu.memory_space<hbm>>, %arg5: memref<4000x80xf32, #tpu.memory_space<hbm>>, %arg6: memref<2x10000x128xbf16, #tpu.memory_space<hbm>>, %arg7: memref<125x80xi32, #tpu.memory_space<vmem>>, %arg8: memref<125x80xi32, #tpu.memory_space<vmem>>, %arg9: memref<125x80xf32, #tpu.memory_space<vmem>>, %arg10: memref<80x128xbf16, #tpu.memory_space<vmem>>, %arg11: memref<80x128xbf16, #tpu.memory_space<vmem>>, %arg12: memref<80x128xbf16, #tpu.memory_space<vmem>>, %arg13: memref<10000x128xbf16, #tpu.memory_space<vmem_shared>>, %arg14: memref<!tpu.dma_semaphore, #tpu.memory_space<semaphore_mem>>, %arg15: memref<!tpu.dma_semaphore, #tpu.memory_space<semaphore_mem>>, %arg16: memref<!tpu.dma_semaphore, #tpu.memory_space<semaphore_mem>>, %arg17: memref<!tpu.dma_semaphore, #tpu.memory_space<semaphore_mem>>, %arg18: memref<!tpu.dma_semaphore, #tpu.memory_space<semaphore_mem>>, %arg19: memref<!tpu.dma_semaphore, #tpu.memory_space<semaphore_mem>>) attributes {dimension_semantics = [#tpu.dimension_semantics<core_parallel>, #tpu.dimension_semantics<subcore_parallel>], iteration_bounds = array<i64: 2, 16>, scalar_prefetch = 0 : i64, scratch_operands = 13 : i64, tpu.core_type = #tpu.core_type<sc_vector_subcore>, window_params = [{transform_indices = #map}, {transform_indices = #map}, {transform_indices = #map}, {transform_indices = #map}, {transform_indices = #map1}]} {
    %mul3A = arith.constant 16 : i32
    %mul3A_0 = arith.muli %arg0, %mul3A : i32
    %add3A = arith.addi %mul3A_0, %arg1 : i32
    %mul3A_1 = arith.constant 125 : i32
    %mul3A_2 = arith.muli %add3A, %mul3A_1 : i32
    "tpu.region"() ({
      %run_scoped3A = tpu.sem_alloc : memref<!tpu.dma_semaphore, #tpu.memory_space<semaphore_mem>>
      %dma_start3A_219 = arith.constant 0 : i32
      %dma_start3A_220 = tpu.memref_slice %arg3[%mul3A_2, %dma_start3A_219] : memref<4000x80xi32, #tpu.memory_space<hbm>> -> memref<125x80xi32, #tpu.memory_space<hbm>>
      %dma_start3A_221 = arith.constant 0 : i32
      %dma_start3A_222 = tpu.memref_slice %arg3[%mul3A_2, %dma_start3A_221] : memref<4000x80xi32, #tpu.memory_space<hbm>> -> memref<125x80xi32, #tpu.memory_space<hbm>>
      tpu.enqueue_dma source(%dma_start3A_222 : memref<125x80xi32, #tpu.memory_space<hbm>>) target(%arg7 : memref<125x80xi32, #tpu.memory_space<vmem>>) target_semaphore(%run_scoped3A : memref<!tpu.dma_semaphore, #tpu.memory_space<semaphore_mem>>)
      %dma_wait3A_223 = arith.constant 0 : i32
      %dma_wait3A_224 = tpu.memref_slice %arg3[%mul3A_2, %dma_wait3A_223] : memref<4000x80xi32, #tpu.memory_space<hbm>> -> memref<125x80xi32, #tpu.memory_space<hbm>>
      %dma_wait3A_225 = arith.constant 0 : i32
      %dma_wait3A_226 = tpu.memref_slice %arg3[%mul3A_2, %dma_wait3A_225] : memref<4000x80xi32, #tpu.memory_space<hbm>> -> memref<125x80xi32, #tpu.memory_space<hbm>>
      tpu.wait_dma2 semaphore(%run_scoped3A : memref<!tpu.dma_semaphore, #tpu.memory_space<semaphore_mem>>) src(%dma_wait3A_226 : memref<125x80xi32, #tpu.memory_space<hbm>>) dst(%arg7 : memref<125x80xi32, #tpu.memory_space<vmem>>)
      tpu.yield
    }) : () -> ()
    "tpu.region"() ({
      %run_scoped3A = tpu.sem_alloc : memref<!tpu.dma_semaphore, #tpu.memory_space<semaphore_mem>>
      %dma_start3A_219 = arith.constant 0 : i32
      %dma_start3A_220 = tpu.memref_slice %arg4[%mul3A_2, %dma_start3A_219] : memref<4000x80xi32, #tpu.memory_space<hbm>> -> memref<125x80xi32, #tpu.memory_space<hbm>>
      %dma_start3A_221 = arith.constant 0 : i32
      %dma_start3A_222 = tpu.memref_slice %arg4[%mul3A_2, %dma_start3A_221] : memref<4000x80xi32, #tpu.memory_space<hbm>> -> memref<125x80xi32, #tpu.memory_space<hbm>>
      tpu.enqueue_dma source(%dma_start3A_222 : memref<125x80xi32, #tpu.memory_space<hbm>>) target(%arg8 : memref<125x80xi32, #tpu.memory_space<vmem>>) target_semaphore(%run_scoped3A : memref<!tpu.dma_semaphore, #tpu.memory_space<semaphore_mem>>)
      %dma_wait3A_223 = arith.constant 0 : i32
      %dma_wait3A_224 = tpu.memref_slice %arg4[%mul3A_2, %dma_wait3A_223] : memref<4000x80xi32, #tpu.memory_space<hbm>> -> memref<125x80xi32, #tpu.memory_space<hbm>>
      %dma_wait3A_225 = arith.constant 0 : i32
      %dma_wait3A_226 = tpu.memref_slice %arg4[%mul3A_2, %dma_wait3A_225] : memref<4000x80xi32, #tpu.memory_space<hbm>> -> memref<125x80xi32, #tpu.memory_space<hbm>>
      tpu.wait_dma2 semaphore(%run_scoped3A : memref<!tpu.dma_semaphore, #tpu.memory_space<semaphore_mem>>) src(%dma_wait3A_226 : memref<125x80xi32, #tpu.memory_space<hbm>>) dst(%arg8 : memref<125x80xi32, #tpu.memory_space<vmem>>)
      tpu.yield
    }) : () -> ()
    "tpu.region"() ({
      %run_scoped3A = tpu.sem_alloc : memref<!tpu.dma_semaphore, #tpu.memory_space<semaphore_mem>>
      %dma_start3A_219 = arith.constant 0 : i32
      %dma_start3A_220 = tpu.memref_slice %arg5[%mul3A_2, %dma_start3A_219] : memref<4000x80xf32, #tpu.memory_space<hbm>> -> memref<125x80xf32, #tpu.memory_space<hbm>>
      %dma_start3A_221 = arith.constant 0 : i32
      %dma_start3A_222 = tpu.memref_slice %arg5[%mul3A_2, %dma_start3A_221] : memref<4000x80xf32, #tpu.memory_space<hbm>> -> memref<125x80xf32, #tpu.memory_space<hbm>>
      tpu.enqueue_dma source(%dma_start3A_222 : memref<125x80xf32, #tpu.memory_space<hbm>>) target(%arg9 : memref<125x80xf32, #tpu.memory_space<vmem>>) target_semaphore(%run_scoped3A : memref<!tpu.dma_semaphore, #tpu.memory_space<semaphore_mem>>)
      %dma_wait3A_223 = arith.constant 0 : i32
      %dma_wait3A_224 = tpu.memref_slice %arg5[%mul3A_2, %dma_wait3A_223] : memref<4000x80xf32, #tpu.memory_space<hbm>> -> memref<125x80xf32, #tpu.memory_space<hbm>>
      %dma_wait3A_225 = arith.constant 0 : i32
      %dma_wait3A_226 = tpu.memref_slice %arg5[%mul3A_2, %dma_wait3A_225] : memref<4000x80xf32, #tpu.memory_space<hbm>> -> memref<125x80xf32, #tpu.memory_space<hbm>>
      tpu.wait_dma2 semaphore(%run_scoped3A : memref<!tpu.dma_semaphore, #tpu.memory_space<semaphore_mem>>) src(%dma_wait3A_226 : memref<125x80xf32, #tpu.memory_space<hbm>>) dst(%arg9 : memref<125x80xf32, #tpu.memory_space<vmem>>)
      tpu.yield
    }) : () -> ()
    %scan3A = arith.constant 0 : i32
    %scan3A_3 = arith.constant 0 : i32
    %scan3A_4 = arith.constant 80 : i32
    %scan3A_5 = arith.addi %scan3A_3, %scan3A_4 : i32
    %scan3A_6 = arith.constant 1 : i32
    scf.for %scan3A_219 = %scan3A_3 to %scan3A_5 step %scan3A_6  : i32 {
      %broadcast_in_dim3A = arith.constant 0.000000e+00 : bf16
      %broadcast_in_dim3A_220 = vector.broadcast %broadcast_in_dim3A : bf16 to vector<32xbf16>
      %swap3A = arith.index_cast %scan3A_219 : i32 to index
      %swap3A_221 = arith.constant 0 : index
      %swap3A_222 = tpu.vector_load %arg10[%swap3A, %swap3A_221] {strides = array<i32>} : memref<80x128xbf16, #tpu.memory_space<vmem>>, vector<32xbf16>,
      tpu.vector_store %arg10[%swap3A, %swap3A_221], %broadcast_in_dim3A_220 {strides = array<i32>} : memref<80x128xbf16, #tpu.memory_space<vmem>>, vector<32xbf16>,
      %broadcast_in_dim3A_223 = arith.constant 0.000000e+00 : bf16
      %broadcast_in_dim3A_224 = vector.broadcast %broadcast_in_dim3A_223 : bf16 to vector<32xbf16>
      %swap3A_225 = arith.index_cast %scan3A_219 : i32 to index
      %swap3A_226 = arith.constant 32 : index
      %swap3A_227 = tpu.vector_load %arg10[%swap3A_225, %swap3A_226] {strides = array<i32>} : memref<80x128xbf16, #tpu.memory_space<vmem>>, vector<32xbf16>,
      tpu.vector_store %arg10[%swap3A_225, %swap3A_226], %broadcast_in_dim3A_224 {strides = array<i32>} : memref<80x128xbf16, #tpu.memory_space<vmem>>, vector<32xbf16>,
      %broadcast_in_dim3A_228 = arith.constant 0.000000e+00 : bf16
      %broadcast_in_dim3A_229 = vector.broadcast %broadcast_in_dim3A_228 : bf16 to vector<32xbf16>
      %swap3A_230 = arith.index_cast %scan3A_219 : i32 to index
      %swap3A_231 = arith.constant 64 : index
      %swap3A_232 = tpu.vector_load %arg10[%swap3A_230, %swap3A_231] {strides = array<i32>} : memref<80x128xbf16, #tpu.memory_space<vmem>>, vector<32xbf16>,
      tpu.vector_store %arg10[%swap3A_230, %swap3A_231], %broadcast_in_dim3A_229 {strides = array<i32>} : memref<80x128xbf16, #tpu.memory_space<vmem>>, vector<32xbf16>,
      %broadcast_in_dim3A_233 = arith.constant 0.000000e+00 : bf16
      %broadcast_in_dim3A_234 = vector.broadcast %broadcast_in_dim3A_233 : bf16 to vector<32xbf16>
      %swap3A_235 = arith.index_cast %scan3A_219 : i32 to index
      %swap3A_236 = arith.constant 96 : index
      %swap3A_237 = tpu.vector_load %arg10[%swap3A_235, %swap3A_236] {strides = array<i32>} : memref<80x128xbf16, #tpu.memory_space<vmem>>, vector<32xbf16>,
      tpu.vector_store %arg10[%swap3A_235, %swap3A_236], %broadcast_in_dim3A_234 {strides = array<i32>} : memref<80x128xbf16, #tpu.memory_space<vmem>>, vector<32xbf16>,
    }
    %scan3A_7 = arith.constant 80 : i32
    %mul3A_8 = arith.constant 625 : i32
    %mul3A_9 = arith.muli %arg1, %mul3A_8 : i32
    %add3A_10 = arith.constant 0 : i32
    %add3A_11 = arith.addi %mul3A_9, %add3A_10 : i32
    "tpu.region"() ({
      %run_scoped3A = tpu.sem_alloc : memref<!tpu.dma_semaphore, #tpu.memory_space<semaphore_mem>>
      %dma_start3A_219 = arith.constant 0 : i32
      %dma_start3A_220 = tpu.memref_slice %arg13[%add3A_11, %dma_start3A_219] : memref<10000x128xbf16, #tpu.memory_space<vmem_shared>> -> memref<80x128xbf16, #tpu.memory_space<vmem_shared>>
      %dma_start3A_221 = arith.constant 0 : i32
      %dma_start3A_222 = tpu.memref_slice %arg13[%add3A_11, %dma_start3A_221] : memref<10000x128xbf16, #tpu.memory_space<vmem_shared>> -> memref<80x128xbf16, #tpu.memory_space<vmem_shared>>
      tpu.enqueue_dma source(%arg10 : memref<80x128xbf16, #tpu.memory_space<vmem>>) target(%dma_start3A_222 : memref<80x128xbf16, #tpu.memory_space<vmem_shared>>) target_semaphore(%run_scoped3A : memref<!tpu.dma_semaphore, #tpu.memory_space<semaphore_mem>>)
      %dma_wait3A_223 = arith.constant 0 : i32
      %dma_wait3A_224 = tpu.memref_slice %arg13[%add3A_11, %dma_wait3A_223] : memref<10000x128xbf16, #tpu.memory_space<vmem_shared>> -> memref<80x128xbf16, #tpu.memory_space<vmem_shared>>
      %dma_wait3A_225 = arith.constant 0 : i32
      %dma_wait3A_226 = tpu.memref_slice %arg13[%add3A_11, %dma_wait3A_225] : memref<10000x128xbf16, #tpu.memory_space<vmem_shared>> -> memref<80x128xbf16, #tpu.memory_space<vmem_shared>>
      tpu.wait_dma2 semaphore(%run_scoped3A : memref<!tpu.dma_semaphore, #tpu.memory_space<semaphore_mem>>) src(%arg10 : memref<80x128xbf16, #tpu.memory_space<vmem>>) dst(%dma_wait3A_226 : memref<80x128xbf16, #tpu.memory_space<vmem_shared>>)
      tpu.yield
    }) : () -> ()
    %mul3A_12 = arith.constant 625 : i32
    %mul3A_13 = arith.muli %arg1, %mul3A_12 : i32
    %add3A_14 = arith.constant 80 : i32
    %add3A_15 = arith.addi %mul3A_13, %add3A_14 : i32
    "tpu.region"() ({
      %run_scoped3A = tpu.sem_alloc : memref<!tpu.dma_semaphore, #tpu.memory_space<semaphore_mem>>
      %dma_start3A_219 = arith.constant 0 : i32
      %dma_start3A_220 = tpu.memref_slice %arg13[%add3A_15, %dma_start3A_219] : memref<10000x128xbf16, #tpu.memory_space<vmem_shared>> -> memref<80x128xbf16, #tpu.memory_space<vmem_shared>>
      %dma_start3A_221 = arith.constant 0 : i32
      %dma_start3A_222 = tpu.memref_slice %arg13[%add3A_15, %dma_start3A_221] : memref<10000x128xbf16, #tpu.memory_space<vmem_shared>> -> memref<80x128xbf16, #tpu.memory_space<vmem_shared>>
      tpu.enqueue_dma source(%arg10 : memref<80x128xbf16, #tpu.memory_space<vmem>>) target(%dma_start3A_222 : memref<80x128xbf16, #tpu.memory_space<vmem_shared>>) target_semaphore(%run_scoped3A : memref<!tpu.dma_semaphore, #tpu.memory_space<semaphore_mem>>)
      %dma_wait3A_223 = arith.constant 0 : i32
      %dma_wait3A_224 = tpu.memref_slice %arg13[%add3A_15, %dma_wait3A_223] : memref<10000x128xbf16, #tpu.memory_space<vmem_shared>> -> memref<80x128xbf16, #tpu.memory_space<vmem_shared>>
      %dma_wait3A_225 = arith.constant 0 : i32
      %dma_wait3A_226 = tpu.memref_slice %arg13[%add3A_15, %dma_wait3A_225] : memref<10000x128xbf16, #tpu.memory_space<vmem_shared>> -> memref<80x128xbf16, #tpu.memory_space<vmem_shared>>
      tpu.wait_dma2 semaphore(%run_scoped3A : memref<!tpu.dma_semaphore, #tpu.memory_space<semaphore_mem>>) src(%arg10 : memref<80x128xbf16, #tpu.memory_space<vmem>>) dst(%dma_wait3A_226 : memref<80x128xbf16, #tpu.memory_space<vmem_shared>>)
      tpu.yield
    }) : () -> ()
    %mul3A_16 = arith.constant 625 : i32
    %mul3A_17 = arith.muli %arg1, %mul3A_16 : i32
    %add3A_18 = arith.constant 160 : i32
    %add3A_19 = arith.addi %mul3A_17, %add3A_18 : i32
    "tpu.region"() ({
      %run_scoped3A = tpu.sem_alloc : memref<!tpu.dma_semaphore, #tpu.memory_space<semaphore_mem>>
      %dma_start3A_219 = arith.constant 0 : i32
      %dma_start3A_220 = tpu.memref_slice %arg13[%add3A_19, %dma_start3A_219] : memref<10000x128xbf16, #tpu.memory_space<vmem_shared>> -> memref<80x128xbf16, #tpu.memory_space<vmem_shared>>
      %dma_start3A_221 = arith.constant 0 : i32
      %dma_start3A_222 = tpu.memref_slice %arg13[%add3A_19, %dma_start3A_221] : memref<10000x128xbf16, #tpu.memory_space<vmem_shared>> -> memref<80x128xbf16, #tpu.memory_space<vmem_shared>>
      tpu.enqueue_dma source(%arg10 : memref<80x128xbf16, #tpu.memory_space<vmem>>) target(%dma_start3A_222 : memref<80x128xbf16, #tpu.memory_space<vmem_shared>>) target_semaphore(%run_scoped3A : memref<!tpu.dma_semaphore, #tpu.memory_space<semaphore_mem>>)
      %dma_wait3A_223 = arith.constant 0 : i32
      %dma_wait3A_224 = tpu.memref_slice %arg13[%add3A_19, %dma_wait3A_223] : memref<10000x128xbf16, #tpu.memory_space<vmem_shared>> -> memref<80x128xbf16, #tpu.memory_space<vmem_shared>>
      %dma_wait3A_225 = arith.constant 0 : i32
      %dma_wait3A_226 = tpu.memref_slice %arg13[%add3A_19, %dma_wait3A_225] : memref<10000x128xbf16, #tpu.memory_space<vmem_shared>> -> memref<80x128xbf16, #tpu.memory_space<vmem_shared>>
      tpu.wait_dma2 semaphore(%run_scoped3A : memref<!tpu.dma_semaphore, #tpu.memory_space<semaphore_mem>>) src(%arg10 : memref<80x128xbf16, #tpu.memory_space<vmem>>) dst(%dma_wait3A_226 : memref<80x128xbf16, #tpu.memory_space<vmem_shared>>)
      tpu.yield
    }) : () -> ()
    %mul3A_20 = arith.constant 625 : i32
    %mul3A_21 = arith.muli %arg1, %mul3A_20 : i32
    %add3A_22 = arith.constant 240 : i32
    %add3A_23 = arith.addi %mul3A_21, %add3A_22 : i32
    "tpu.region"() ({
      %run_scoped3A = tpu.sem_alloc : memref<!tpu.dma_semaphore, #tpu.memory_space<semaphore_mem>>
      %dma_start3A_219 = arith.constant 0 : i32
      %dma_start3A_220 = tpu.memref_slice %arg13[%add3A_23, %dma_start3A_219] : memref<10000x128xbf16, #tpu.memory_space<vmem_shared>> -> memref<80x128xbf16, #tpu.memory_space<vmem_shared>>
      %dma_start3A_221 = arith.constant 0 : i32
      %dma_start3A_222 = tpu.memref_slice %arg13[%add3A_23, %dma_start3A_221] : memref<10000x128xbf16, #tpu.memory_space<vmem_shared>> -> memref<80x128xbf16, #tpu.memory_space<vmem_shared>>
      tpu.enqueue_dma source(%arg10 : memref<80x128xbf16, #tpu.memory_space<vmem>>) target(%dma_start3A_222 : memref<80x128xbf16, #tpu.memory_space<vmem_shared>>) target_semaphore(%run_scoped3A : memref<!tpu.dma_semaphore, #tpu.memory_space<semaphore_mem>>)
      %dma_wait3A_223 = arith.constant 0 : i32
      %dma_wait3A_224 = tpu.memref_slice %arg13[%add3A_23, %dma_wait3A_223] : memref<10000x128xbf16, #tpu.memory_space<vmem_shared>> -> memref<80x128xbf16, #tpu.memory_space<vmem_shared>>
      %dma_wait3A_225 = arith.constant 0 : i32
      %dma_wait3A_226 = tpu.memref_slice %arg13[%add3A_23, %dma_wait3A_225] : memref<10000x128xbf16, #tpu.memory_space<vmem_shared>> -> memref<80x128xbf16, #tpu.memory_space<vmem_shared>>
      tpu.wait_dma2 semaphore(%run_scoped3A : memref<!tpu.dma_semaphore, #tpu.memory_space<semaphore_mem>>) src(%arg10 : memref<80x128xbf16, #tpu.memory_space<vmem>>) dst(%dma_wait3A_226 : memref<80x128xbf16, #tpu.memory_space<vmem_shared>>)
      tpu.yield
    }) : () -> ()
    %mul3A_24 = arith.constant 625 : i32
    %mul3A_25 = arith.muli %arg1, %mul3A_24 : i32
    %add3A_26 = arith.constant 320 : i32
    %add3A_27 = arith.addi %mul3A_25, %add3A_26 : i32
    "tpu.region"() ({
      %run_scoped3A = tpu.sem_alloc : memref<!tpu.dma_semaphore, #tpu.memory_space<semaphore_mem>>
      %dma_start3A_219 = arith.constant 0 : i32
      %dma_start3A_220 = tpu.memref_slice %arg13[%add3A_27, %dma_start3A_219] : memref<10000x128xbf16, #tpu.memory_space<vmem_shared>> -> memref<80x128xbf16, #tpu.memory_space<vmem_shared>>
      %dma_start3A_221 = arith.constant 0 : i32
      %dma_start3A_222 = tpu.memref_slice %arg13[%add3A_27, %dma_start3A_221] : memref<10000x128xbf16, #tpu.memory_space<vmem_shared>> -> memref<80x128xbf16, #tpu.memory_space<vmem_shared>>
      tpu.enqueue_dma source(%arg10 : memref<80x128xbf16, #tpu.memory_space<vmem>>) target(%dma_start3A_222 : memref<80x128xbf16, #tpu.memory_space<vmem_shared>>) target_semaphore(%run_scoped3A : memref<!tpu.dma_semaphore, #tpu.memory_space<semaphore_mem>>)
      %dma_wait3A_223 = arith.constant 0 : i32
      %dma_wait3A_224 = tpu.memref_slice %arg13[%add3A_27, %dma_wait3A_223] : memref<10000x128xbf16, #tpu.memory_space<vmem_shared>> -> memref<80x128xbf16, #tpu.memory_space<vmem_shared>>
      %dma_wait3A_225 = arith.constant 0 : i32
      %dma_wait3A_226 = tpu.memref_slice %arg13[%add3A_27, %dma_wait3A_225] : memref<10000x128xbf16, #tpu.memory_space<vmem_shared>> -> memref<80x128xbf16, #tpu.memory_space<vmem_shared>>
      tpu.wait_dma2 semaphore(%run_scoped3A : memref<!tpu.dma_semaphore, #tpu.memory_space<semaphore_mem>>) src(%arg10 : memref<80x128xbf16, #tpu.memory_space<vmem>>) dst(%dma_wait3A_226 : memref<80x128xbf16, #tpu.memory_space<vmem_shared>>)
      tpu.yield
    }) : () -> ()
    %mul3A_28 = arith.constant 625 : i32
    %mul3A_29 = arith.muli %arg1, %mul3A_28 : i32
    %add3A_30 = arith.constant 400 : i32
    %add3A_31 = arith.addi %mul3A_29, %add3A_30 : i32
    "tpu.region"() ({
      %run_scoped3A = tpu.sem_alloc : memref<!tpu.dma_semaphore, #tpu.memory_space<semaphore_mem>>
      %dma_start3A_219 = arith.constant 0 : i32
      %dma_start3A_220 = tpu.memref_slice %arg13[%add3A_31, %dma_start3A_219] : memref<10000x128xbf16, #tpu.memory_space<vmem_shared>> -> memref<80x128xbf16, #tpu.memory_space<vmem_shared>>
      %dma_start3A_221 = arith.constant 0 : i32
      %dma_start3A_222 = tpu.memref_slice %arg13[%add3A_31, %dma_start3A_221] : memref<10000x128xbf16, #tpu.memory_space<vmem_shared>> -> memref<80x128xbf16, #tpu.memory_space<vmem_shared>>
      tpu.enqueue_dma source(%arg10 : memref<80x128xbf16, #tpu.memory_space<vmem>>) target(%dma_start3A_222 : memref<80x128xbf16, #tpu.memory_space<vmem_shared>>) target_semaphore(%run_scoped3A : memref<!tpu.dma_semaphore, #tpu.memory_space<semaphore_mem>>)
      %dma_wait3A_223 = arith.constant 0 : i32
      %dma_wait3A_224 = tpu.memref_slice %arg13[%add3A_31, %dma_wait3A_223] : memref<10000x128xbf16, #tpu.memory_space<vmem_shared>> -> memref<80x128xbf16, #tpu.memory_space<vmem_shared>>
      %dma_wait3A_225 = arith.constant 0 : i32
      %dma_wait3A_226 = tpu.memref_slice %arg13[%add3A_31, %dma_wait3A_225] : memref<10000x128xbf16, #tpu.memory_space<vmem_shared>> -> memref<80x128xbf16, #tpu.memory_space<vmem_shared>>
      tpu.wait_dma2 semaphore(%run_scoped3A : memref<!tpu.dma_semaphore, #tpu.memory_space<semaphore_mem>>) src(%arg10 : memref<80x128xbf16, #tpu.memory_space<vmem>>) dst(%dma_wait3A_226 : memref<80x128xbf16, #tpu.memory_space<vmem_shared>>)
      tpu.yield
    }) : () -> ()
    %mul3A_32 = arith.constant 625 : i32
    %mul3A_33 = arith.muli %arg1, %mul3A_32 : i32
    %add3A_34 = arith.constant 480 : i32
    %add3A_35 = arith.addi %mul3A_33, %add3A_34 : i32
    "tpu.region"() ({
      %run_scoped3A = tpu.sem_alloc : memref<!tpu.dma_semaphore, #tpu.memory_space<semaphore_mem>>
      %dma_start3A_219 = arith.constant 0 : i32
      %dma_start3A_220 = tpu.memref_slice %arg13[%add3A_35, %dma_start3A_219] : memref<10000x128xbf16, #tpu.memory_space<vmem_shared>> -> memref<80x128xbf16, #tpu.memory_space<vmem_shared>>
      %dma_start3A_221 = arith.constant 0 : i32
      %dma_start3A_222 = tpu.memref_slice %arg13[%add3A_35, %dma_start3A_221] : memref<10000x128xbf16, #tpu.memory_space<vmem_shared>> -> memref<80x128xbf16, #tpu.memory_space<vmem_shared>>
      tpu.enqueue_dma source(%arg10 : memref<80x128xbf16, #tpu.memory_space<vmem>>) target(%dma_start3A_222 : memref<80x128xbf16, #tpu.memory_space<vmem_shared>>) target_semaphore(%run_scoped3A : memref<!tpu.dma_semaphore, #tpu.memory_space<semaphore_mem>>)
      %dma_wait3A_223 = arith.constant 0 : i32
      %dma_wait3A_224 = tpu.memref_slice %arg13[%add3A_35, %dma_wait3A_223] : memref<10000x128xbf16, #tpu.memory_space<vmem_shared>> -> memref<80x128xbf16, #tpu.memory_space<vmem_shared>>
      %dma_wait3A_225 = arith.constant 0 : i32
      %dma_wait3A_226 = tpu.memref_slice %arg13[%add3A_35, %dma_wait3A_225] : memref<10000x128xbf16, #tpu.memory_space<vmem_shared>> -> memref<80x128xbf16, #tpu.memory_space<vmem_shared>>
      tpu.wait_dma2 semaphore(%run_scoped3A : memref<!tpu.dma_semaphore, #tpu.memory_space<semaphore_mem>>) src(%arg10 : memref<80x128xbf16, #tpu.memory_space<vmem>>) dst(%dma_wait3A_226 : memref<80x128xbf16, #tpu.memory_space<vmem_shared>>)
      tpu.yield
    }) : () -> ()
    %mul3A_36 = arith.constant 625 : i32
    %mul3A_37 = arith.muli %arg1, %mul3A_36 : i32
    %add3A_38 = arith.constant 560 : i32
    %add3A_39 = arith.addi %mul3A_37, %add3A_38 : i32
    "tpu.region"() ({
      %run_scoped3A = tpu.sem_alloc : memref<!tpu.dma_semaphore, #tpu.memory_space<semaphore_mem>>
      %dma_start3A_219 = arith.constant 0 : i32
      %dma_start3A_220 = arith.constant 0 : i32
      %dma_start3A_221 = tpu.memref_slice %arg10[%dma_start3A_219, %dma_start3A_220] : memref<80x128xbf16, #tpu.memory_space<vmem>> -> memref<65x128xbf16, #tpu.memory_space<vmem>>
      %dma_start3A_222 = arith.constant 0 : i32
      %dma_start3A_223 = tpu.memref_slice %arg13[%add3A_39, %dma_start3A_222] : memref<10000x128xbf16, #tpu.memory_space<vmem_shared>> -> memref<65x128xbf16, #tpu.memory_space<vmem_shared>>
      %dma_start3A_224 = arith.constant 0 : i32
      %dma_start3A_225 = tpu.memref_slice %arg13[%add3A_39, %dma_start3A_224] : memref<10000x128xbf16, #tpu.memory_space<vmem_shared>> -> memref<65x128xbf16, #tpu.memory_space<vmem_shared>>
      %dma_start3A_226 = arith.constant 0 : i32
      %dma_start3A_227 = arith.constant 0 : i32
      %dma_start3A_228 = tpu.memref_slice %arg10[%dma_start3A_226, %dma_start3A_227] : memref<80x128xbf16, #tpu.memory_space<vmem>> -> memref<65x128xbf16, #tpu.memory_space<vmem>>
      tpu.enqueue_dma source(%dma_start3A_228 : memref<65x128xbf16, #tpu.memory_space<vmem>>) target(%dma_start3A_225 : memref<65x128xbf16, #tpu.memory_space<vmem_shared>>) target_semaphore(%run_scoped3A : memref<!tpu.dma_semaphore, #tpu.memory_space<semaphore_mem>>)
      %dma_wait3A_229 = arith.constant 0 : i32
      %dma_wait3A_230 = arith.constant 0 : i32
      %dma_wait3A_231 = tpu.memref_slice %arg10[%dma_wait3A_229, %dma_wait3A_230] : memref<80x128xbf16, #tpu.memory_space<vmem>> -> memref<65x128xbf16, #tpu.memory_space<vmem>>
      %dma_wait3A_232 = arith.constant 0 : i32
      %dma_wait3A_233 = tpu.memref_slice %arg13[%add3A_39, %dma_wait3A_232] : memref<10000x128xbf16, #tpu.memory_space<vmem_shared>> -> memref<65x128xbf16, #tpu.memory_space<vmem_shared>>
      %dma_wait3A_234 = arith.constant 0 : i32
      %dma_wait3A_235 = tpu.memref_slice %arg13[%add3A_39, %dma_wait3A_234] : memref<10000x128xbf16, #tpu.memory_space<vmem_shared>> -> memref<65x128xbf16, #tpu.memory_space<vmem_shared>>
      %dma_wait3A_236 = arith.constant 0 : i32
      %dma_wait3A_237 = arith.constant 0 : i32
      %dma_wait3A_238 = tpu.memref_slice %arg10[%dma_wait3A_236, %dma_wait3A_237] : memref<80x128xbf16, #tpu.memory_space<vmem>> -> memref<65x128xbf16, #tpu.memory_space<vmem>>
      tpu.wait_dma2 semaphore(%run_scoped3A : memref<!tpu.dma_semaphore, #tpu.memory_space<semaphore_mem>>) src(%dma_wait3A_238 : memref<65x128xbf16, #tpu.memory_space<vmem>>) dst(%dma_wait3A_235 : memref<65x128xbf16, #tpu.memory_space<vmem_shared>>)
      tpu.yield
    }) : () -> ()
    %barrier3A = arith.constant 0 : index
    tpu.barrier barrier_id(%barrier3A)
    %dma_start3A = arith.constant 0 : i32
    %dma_start3A_40 = arith.constant 0 : i32
    %dma_start3A_41 = tpu.memref_slice %arg7[%dma_start3A, %dma_start3A_40] : memref<125x80xi32, #tpu.memory_space<vmem>> -> memref<1x80xi32, #tpu.memory_space<vmem>>
    %dma_start3A_42 = tpu.memref_squeeze %dma_start3A_41 : memref<1x80xi32, #tpu.memory_space<vmem>> -> memref<80xi32, #tpu.memory_space<vmem>>
    %dma_start3A_43 = arith.constant 0 : i32
    %dma_start3A_44 = arith.constant 0 : i32
    %dma_start3A_45 = tpu.memref_slice %arg2[%dma_start3A_43, %dma_start3A_44] : memref<10000x128xbf16, #tpu.memory_space<hbm>> -> memref<10000x128xbf16, #tpu.memory_space<hbm>>
    tpu.enqueue_indirect_dma source(%dma_start3A_45 : memref<10000x128xbf16, #tpu.memory_space<hbm>>) target(%arg10 : memref<80x128xbf16, #tpu.memory_space<vmem>>) offsets(%dma_start3A_42 : memref<80xi32, #tpu.memory_space<vmem>>) semaphore(%arg14 : memref<!tpu.dma_semaphore, #tpu.memory_space<semaphore_mem>>)
    %dma_start3A_46 = arith.constant 1 : i32
    %dma_start3A_47 = arith.constant 0 : i32
    %dma_start3A_48 = tpu.memref_slice %arg7[%dma_start3A_46, %dma_start3A_47] : memref<125x80xi32, #tpu.memory_space<vmem>> -> memref<1x80xi32, #tpu.memory_space<vmem>>
    %dma_start3A_49 = tpu.memref_squeeze %dma_start3A_48 : memref<1x80xi32, #tpu.memory_space<vmem>> -> memref<80xi32, #tpu.memory_space<vmem>>
    %dma_start3A_50 = arith.constant 0 : i32
    %dma_start3A_51 = arith.constant 0 : i32
    %dma_start3A_52 = tpu.memref_slice %arg2[%dma_start3A_50, %dma_start3A_51] : memref<10000x128xbf16, #tpu.memory_space<hbm>> -> memref<10000x128xbf16, #tpu.memory_space<hbm>>
    tpu.enqueue_indirect_dma source(%dma_start3A_52 : memref<10000x128xbf16, #tpu.memory_space<hbm>>) target(%arg11 : memref<80x128xbf16, #tpu.memory_space<vmem>>) offsets(%dma_start3A_49 : memref<80xi32, #tpu.memory_space<vmem>>) semaphore(%arg15 : memref<!tpu.dma_semaphore, #tpu.memory_space<semaphore_mem>>)
    %dma_wait3A = arith.constant 0 : i32
    %dma_wait3A_53 = arith.constant 0 : i32
    %dma_wait3A_54 = tpu.memref_slice %arg7[%dma_wait3A, %dma_wait3A_53] : memref<125x80xi32, #tpu.memory_space<vmem>> -> memref<1x80xi32, #tpu.memory_space<vmem>>
    %dma_wait3A_55 = tpu.memref_squeeze %dma_wait3A_54 : memref<1x80xi32, #tpu.memory_space<vmem>> -> memref<80xi32, #tpu.memory_space<vmem>>
    %dma_wait3A_56 = arith.constant 0 : i32
    %dma_wait3A_57 = arith.constant 0 : i32
    %dma_wait3A_58 = tpu.memref_slice %arg2[%dma_wait3A_56, %dma_wait3A_57] : memref<10000x128xbf16, #tpu.memory_space<hbm>> -> memref<10000x128xbf16, #tpu.memory_space<hbm>>
    tpu.wait_indirect_dma semaphore(%arg14 : memref<!tpu.dma_semaphore, #tpu.memory_space<semaphore_mem>>) src(%dma_wait3A_58 : memref<10000x128xbf16, #tpu.memory_space<hbm>>) dst(%arg10 : memref<80x128xbf16, #tpu.memory_space<vmem>>)
    %scan3A_59 = arith.constant 0 : i32
    %scan3A_60 = arith.constant 0 : i32
    %scan3A_61 = arith.constant 10 : i32
    %scan3A_62 = arith.addi %scan3A_60, %scan3A_61 : i32
    %scan3A_63 = arith.constant 1 : i32
    scf.for %scan3A_219 = %scan3A_60 to %scan3A_62 step %scan3A_63  : i32 {
      %mul3A_220 = arith.constant 8 : i32
      %mul3A_221 = arith.muli %scan3A_219, %mul3A_220 : i32
      %add3A_222 = arith.constant 0 : i32
      %add3A_223 = arith.addi %mul3A_221, %add3A_222 : i32
      %broadcast_in_dim3A = arith.constant 0 : i32
      %broadcast_in_dim3A_224 = vector.broadcast %broadcast_in_dim3A : i32 to vector<16xi32>
      %broadcast_in_dim3A_225 = vector.broadcast %add3A_223 : i32 to vector<16xi32>
      %gather3A = tpu.vector_load_idx %arg9[%broadcast_in_dim3A_224, %broadcast_in_dim3A_225] : memref<125x80xf32, #tpu.memory_space<vmem>>[vector<16xi32>, vector<16xi32>], vector<16xf32>,
      %pack3A = tpu.pack_subelements %gather3A, %gather3A {pack_format = #tpu.pack_format<interleaved>, positions = array<i32: 0, 1>} : vector<16xf32>, vector<16xf32> -> vector<32xbf16>
      %get3A = arith.index_cast %add3A_223 : i32 to index
      %get3A_226 = arith.constant 0 : index
      %get3A_227 = tpu.vector_load %arg10[%get3A, %get3A_226] {strides = array<i32>} : memref<80x128xbf16, #tpu.memory_space<vmem>>, vector<32xbf16>,
      %mul3A_228 = arith.mulf %get3A_227, %pack3A : vector<32xbf16>
      %swap3A = arith.index_cast %add3A_223 : i32 to index
      %swap3A_229 = arith.constant 0 : index
      %swap3A_230 = tpu.vector_load %arg10[%swap3A, %swap3A_229] {strides = array<i32>} : memref<80x128xbf16, #tpu.memory_space<vmem>>, vector<32xbf16>,
      tpu.vector_store %arg10[%swap3A, %swap3A_229], %mul3A_228 {strides = array<i32>} : memref<80x128xbf16, #tpu.memory_space<vmem>>, vector<32xbf16>,
      %get3A_231 = arith.index_cast %add3A_223 : i32 to index
      %get3A_232 = arith.constant 32 : index
      %get3A_233 = tpu.vector_load %arg10[%get3A_231, %get3A_232] {strides = array<i32>} : memref<80x128xbf16, #tpu.memory_space<vmem>>, vector<32xbf16>,
      %mul3A_234 = arith.mulf %get3A_233, %pack3A : vector<32xbf16>
      %swap3A_235 = arith.index_cast %add3A_223 : i32 to index
      %swap3A_236 = arith.constant 32 : index
      %swap3A_237 = tpu.vector_load %arg10[%swap3A_235, %swap3A_236] {strides = array<i32>} : memref<80x128xbf16, #tpu.memory_space<vmem>>, vector<32xbf16>,
      tpu.vector_store %arg10[%swap3A_235, %swap3A_236], %mul3A_234 {strides = array<i32>} : memref<80x128xbf16, #tpu.memory_space<vmem>>, vector<32xbf16>,
      %get3A_238 = arith.index_cast %add3A_223 : i32 to index
      %get3A_239 = arith.constant 64 : index
      %get3A_240 = tpu.vector_load %arg10[%get3A_238, %get3A_239] {strides = array<i32>} : memref<80x128xbf16, #tpu.memory_space<vmem>>, vector<32xbf16>,
      %mul3A_241 = arith.mulf %get3A_240, %pack3A : vector<32xbf16>
      %swap3A_242 = arith.index_cast %add3A_223 : i32 to index
      %swap3A_243 = arith.constant 64 : index
      %swap3A_244 = tpu.vector_load %arg10[%swap3A_242, %swap3A_243] {strides = array<i32>} : memref<80x128xbf16, #tpu.memory_space<vmem>>, vector<32xbf16>,
      tpu.vector_store %arg10[%swap3A_242, %swap3A_243], %mul3A_241 {strides = array<i32>} : memref<80x128xbf16, #tpu.memory_space<vmem>>, vector<32xbf16>,
      %get3A_245 = arith.index_cast %add3A_223 : i32 to index
      %get3A_246 = arith.constant 96 : index
      %get3A_247 = tpu.vector_load %arg10[%get3A_245, %get3A_246] {strides = array<i32>} : memref<80x128xbf16, #tpu.memory_space<vmem>>, vector<32xbf16>,
      %mul3A_248 = arith.mulf %get3A_247, %pack3A : vector<32xbf16>
      %swap3A_249 = arith.index_cast %add3A_223 : i32 to index
      %swap3A_250 = arith.constant 96 : index
      %swap3A_251 = tpu.vector_load %arg10[%swap3A_249, %swap3A_250] {strides = array<i32>} : memref<80x128xbf16, #tpu.memory_space<vmem>>, vector<32xbf16>,
      tpu.vector_store %arg10[%swap3A_249, %swap3A_250], %mul3A_248 {strides = array<i32>} : memref<80x128xbf16, #tpu.memory_space<vmem>>, vector<32xbf16>,
      %add3A_252 = arith.constant 1 : i32
      %add3A_253 = arith.addi %mul3A_221, %add3A_252 : i32
      %broadcast_in_dim3A_254 = arith.constant 0 : i32
      %broadcast_in_dim3A_255 = vector.broadcast %broadcast_in_dim3A_254 : i32 to vector<16xi32>
      %broadcast_in_dim3A_256 = vector.broadcast %add3A_253 : i32 to vector<16xi32>
      %gather3A_257 = tpu.vector_load_idx %arg9[%broadcast_in_dim3A_255, %broadcast_in_dim3A_256] : memref<125x80xf32, #tpu.memory_space<vmem>>[vector<16xi32>, vector<16xi32>], vector<16xf32>,
      %pack3A_258 = tpu.pack_subelements %gather3A_257, %gather3A_257 {pack_format = #tpu.pack_format<interleaved>, positions = array<i32: 0, 1>} : vector<16xf32>, vector<16xf32> -> vector<32xbf16>
      %get3A_259 = arith.index_cast %add3A_253 : i32 to index
      %get3A_260 = arith.constant 0 : index
      %get3A_261 = tpu.vector_load %arg10[%get3A_259, %get3A_260] {strides = array<i32>} : memref<80x128xbf16, #tpu.memory_space<vmem>>, vector<32xbf16>,
      %mul3A_262 = arith.mulf %get3A_261, %pack3A_258 : vector<32xbf16>
      %swap3A_263 = arith.index_cast %add3A_253 : i32 to index
      %swap3A_264 = arith.constant 0 : index
      %swap3A_265 = tpu.vector_load %arg10[%swap3A_263, %swap3A_264] {strides = array<i32>} : memref<80x128xbf16, #tpu.memory_space<vmem>>, vector<32xbf16>,
      tpu.vector_store %arg10[%swap3A_263, %swap3A_264], %mul3A_262 {strides = array<i32>} : memref<80x128xbf16, #tpu.memory_space<vmem>>, vector<32xbf16>,
      %get3A_266 = arith.index_cast %add3A_253 : i32 to index
      %get3A_267 = arith.constant 32 : index
      %get3A_268 = tpu.vector_load %arg10[%get3A_266, %get3A_267] {strides = array<i32>} : memref<80x128xbf16, #tpu.memory_space<vmem>>, vector<32xbf16>,
      %mul3A_269 = arith.mulf %get3A_268, %pack3A_258 : vector<32xbf16>
      %swap3A_270 = arith.index_cast %add3A_253 : i32 to index
      %swap3A_271 = arith.constant 32 : index
      %swap3A_272 = tpu.vector_load %arg10[%swap3A_270, %swap3A_271] {strides = array<i32>} : memref<80x128xbf16, #tpu.memory_space<vmem>>, vector<32xbf16>,
      tpu.vector_store %arg10[%swap3A_270, %swap3A_271], %mul3A_269 {strides = array<i32>} : memref<80x128xbf16, #tpu.memory_space<vmem>>, vector<32xbf16>,
      %get3A_273 = arith.index_cast %add3A_253 : i32 to index
      %get3A_274 = arith.constant 64 : index
      %get3A_275 = tpu.vector_load %arg10[%get3A_273, %get3A_274] {strides = array<i32>} : memref<80x128xbf16, #tpu.memory_space<vmem>>, vector<32xbf16>,
      %mul3A_276 = arith.mulf %get3A_275, %pack3A_258 : vector<32xbf16>
      %swap3A_277 = arith.index_cast %add3A_253 : i32 to index
      %swap3A_278 = arith.constant 64 : index
      %swap3A_279 = tpu.vector_load %arg10[%swap3A_277, %swap3A_278] {strides = array<i32>} : memref<80x128xbf16, #tpu.memory_space<vmem>>, vector<32xbf16>,
      tpu.vector_store %arg10[%swap3A_277, %swap3A_278], %mul3A_276 {strides = array<i32>} : memref<80x128xbf16, #tpu.memory_space<vmem>>, vector<32xbf16>,
      %get3A_280 = arith.index_cast %add3A_253 : i32 to index
      %get3A_281 = arith.constant 96 : index
      %get3A_282 = tpu.vector_load %arg10[%get3A_280, %get3A_281] {strides = array<i32>} : memref<80x128xbf16, #tpu.memory_space<vmem>>, vector<32xbf16>,
      %mul3A_283 = arith.mulf %get3A_282, %pack3A_258 : vector<32xbf16>
      %swap3A_284 = arith.index_cast %add3A_253 : i32 to index
      %swap3A_285 = arith.constant 96 : index
      %swap3A_286 = tpu.vector_load %arg10[%swap3A_284, %swap3A_285] {strides = array<i32>} : memref<80x128xbf16, #tpu.memory_space<vmem>>, vector<32xbf16>,
      tpu.vector_store %arg10[%swap3A_284, %swap3A_285], %mul3A_283 {strides = array<i32>} : memref<80x128xbf16, #tpu.memory_space<vmem>>, vector<32xbf16>,
      %add3A_287 = arith.constant 2 : i32
      %add3A_288 = arith.addi %mul3A_221, %add3A_287 : i32
      %broadcast_in_dim3A_289 = arith.constant 0 : i32
      %broadcast_in_dim3A_290 = vector.broadcast %broadcast_in_dim3A_289 : i32 to vector<16xi32>
      %broadcast_in_dim3A_291 = vector.broadcast %add3A_288 : i32 to vector<16xi32>
      %gather3A_292 = tpu.vector_load_idx %arg9[%broadcast_in_dim3A_290, %broadcast_in_dim3A_291] : memref<125x80xf32, #tpu.memory_space<vmem>>[vector<16xi32>, vector<16xi32>], vector<16xf32>,
      %pack3A_293 = tpu.pack_subelements %gather3A_292, %gather3A_292 {pack_format = #tpu.pack_format<interleaved>, positions = array<i32: 0, 1>} : vector<16xf32>, vector<16xf32> -> vector<32xbf16>
      %get3A_294 = arith.index_cast %add3A_288 : i32 to index
      %get3A_295 = arith.constant 0 : index
      %get3A_296 = tpu.vector_load %arg10[%get3A_294, %get3A_295] {strides = array<i32>} : memref<80x128xbf16, #tpu.memory_space<vmem>>, vector<32xbf16>,
      %mul3A_297 = arith.mulf %get3A_296, %pack3A_293 : vector<32xbf16>
      %swap3A_298 = arith.index_cast %add3A_288 : i32 to index
      %swap3A_299 = arith.constant 0 : index
      %swap3A_300 = tpu.vector_load %arg10[%swap3A_298, %swap3A_299] {strides = array<i32>} : memref<80x128xbf16, #tpu.memory_space<vmem>>, vector<32xbf16>,
      tpu.vector_store %arg10[%swap3A_298, %swap3A_299], %mul3A_297 {strides = array<i32>} : memref<80x128xbf16, #tpu.memory_space<vmem>>, vector<32xbf16>,
      %get3A_301 = arith.index_cast %add3A_288 : i32 to index
      %get3A_302 = arith.constant 32 : index
      %get3A_303 = tpu.vector_load %arg10[%get3A_301, %get3A_302] {strides = array<i32>} : memref<80x128xbf16, #tpu.memory_space<vmem>>, vector<32xbf16>,
      %mul3A_304 = arith.mulf %get3A_303, %pack3A_293 : vector<32xbf16>
      %swap3A_305 = arith.index_cast %add3A_288 : i32 to index
      %swap3A_306 = arith.constant 32 : index
      %swap3A_307 = tpu.vector_load %arg10[%swap3A_305, %swap3A_306] {strides = array<i32>} : memref<80x128xbf16, #tpu.memory_space<vmem>>, vector<32xbf16>,
      tpu.vector_store %arg10[%swap3A_305, %swap3A_306], %mul3A_304 {strides = array<i32>} : memref<80x128xbf16, #tpu.memory_space<vmem>>, vector<32xbf16>,
      %get3A_308 = arith.index_cast %add3A_288 : i32 to index
      %get3A_309 = arith.constant 64 : index
      %get3A_310 = tpu.vector_load %arg10[%get3A_308, %get3A_309] {strides = array<i32>} : memref<80x128xbf16, #tpu.memory_space<vmem>>, vector<32xbf16>,
      %mul3A_311 = arith.mulf %get3A_310, %pack3A_293 : vector<32xbf16>
      %swap3A_312 = arith.index_cast %add3A_288 : i32 to index
      %swap3A_313 = arith.constant 64 : index
      %swap3A_314 = tpu.vector_load %arg10[%swap3A_312, %swap3A_313] {strides = array<i32>} : memref<80x128xbf16, #tpu.memory_space<vmem>>, vector<32xbf16>,
      tpu.vector_store %arg10[%swap3A_312, %swap3A_313], %mul3A_311 {strides = array<i32>} : memref<80x128xbf16, #tpu.memory_space<vmem>>, vector<32xbf16>,
      %get3A_315 = arith.index_cast %add3A_288 : i32 to index
      %get3A_316 = arith.constant 96 : index
      %get3A_317 = tpu.vector_load %arg10[%get3A_315, %get3A_316] {strides = array<i32>} : memref<80x128xbf16, #tpu.memory_space<vmem>>, vector<32xbf16>,
      %mul3A_318 = arith.mulf %get3A_317, %pack3A_293 : vector<32xbf16>
      %swap3A_319 = arith.index_cast %add3A_288 : i32 to index
      %swap3A_320 = arith.constant 96 : index
      %swap3A_321 = tpu.vector_load %arg10[%swap3A_319, %swap3A_320] {strides = array<i32>} : memref<80x128xbf16, #tpu.memory_space<vmem>>, vector<32xbf16>,
      tpu.vector_store %arg10[%swap3A_319, %swap3A_320], %mul3A_318 {strides = array<i32>} : memref<80x128xbf16, #tpu.memory_space<vmem>>, vector<32xbf16>,
      %add3A_322 = arith.constant 3 : i32
      %add3A_323 = arith.addi %mul3A_221, %add3A_322 : i32
      %broadcast_in_dim3A_324 = arith.constant 0 : i32
      %broadcast_in_dim3A_325 = vector.broadcast %broadcast_in_dim3A_324 : i32 to vector<16xi32>
      %broadcast_in_dim3A_326 = vector.broadcast %add3A_323 : i32 to vector<16xi32>
      %gather3A_327 = tpu.vector_load_idx %arg9[%broadcast_in_dim3A_325, %broadcast_in_dim3A_326] : memref<125x80xf32, #tpu.memory_space<vmem>>[vector<16xi32>, vector<16xi32>], vector<16xf32>,
      %pack3A_328 = tpu.pack_subelements %gather3A_327, %gather3A_327 {pack_format = #tpu.pack_format<interleaved>, positions = array<i32: 0, 1>} : vector<16xf32>, vector<16xf32> -> vector<32xbf16>
      %get3A_329 = arith.index_cast %add3A_323 : i32 to index
      %get3A_330 = arith.constant 0 : index
      %get3A_331 = tpu.vector_load %arg10[%get3A_329, %get3A_330] {strides = array<i32>} : memref<80x128xbf16, #tpu.memory_space<vmem>>, vector<32xbf16>,
      %mul3A_332 = arith.mulf %get3A_331, %pack3A_328 : vector<32xbf16>
      %swap3A_333 = arith.index_cast %add3A_323 : i32 to index
      %swap3A_334 = arith.constant 0 : index
      %swap3A_335 = tpu.vector_load %arg10[%swap3A_333, %swap3A_334] {strides = array<i32>} : memref<80x128xbf16, #tpu.memory_space<vmem>>, vector<32xbf16>,
      tpu.vector_store %arg10[%swap3A_333, %swap3A_334], %mul3A_332 {strides = array<i32>} : memref<80x128xbf16, #tpu.memory_space<vmem>>, vector<32xbf16>,
      %get3A_336 = arith.index_cast %add3A_323 : i32 to index
      %get3A_337 = arith.constant 32 : index
      %get3A_338 = tpu.vector_load %arg10[%get3A_336, %get3A_337] {strides = array<i32>} : memref<80x128xbf16, #tpu.memory_space<vmem>>, vector<32xbf16>,
      %mul3A_339 = arith.mulf %get3A_338, %pack3A_328 : vector<32xbf16>
      %swap3A_340 = arith.index_cast %add3A_323 : i32 to index
      %swap3A_341 = arith.constant 32 : index
      %swap3A_342 = tpu.vector_load %arg10[%swap3A_340, %swap3A_341] {strides = array<i32>} : memref<80x128xbf16, #tpu.memory_space<vmem>>, vector<32xbf16>,
      tpu.vector_store %arg10[%swap3A_340, %swap3A_341], %mul3A_339 {strides = array<i32>} : memref<80x128xbf16, #tpu.memory_space<vmem>>, vector<32xbf16>,
      %get3A_343 = arith.index_cast %add3A_323 : i32 to index
      %get3A_344 = arith.constant 64 : index
      %get3A_345 = tpu.vector_load %arg10[%get3A_343, %get3A_344] {strides = array<i32>} : memref<80x128xbf16, #tpu.memory_space<vmem>>, vector<32xbf16>,
      %mul3A_346 = arith.mulf %get3A_345, %pack3A_328 : vector<32xbf16>
      %swap3A_347 = arith.index_cast %add3A_323 : i32 to index
      %swap3A_348 = arith.constant 64 : index
      %swap3A_349 = tpu.vector_load %arg10[%swap3A_347, %swap3A_348] {strides = array<i32>} : memref<80x128xbf16, #tpu.memory_space<vmem>>, vector<32xbf16>,
      tpu.vector_store %arg10[%swap3A_347, %swap3A_348], %mul3A_346 {strides = array<i32>} : memref<80x128xbf16, #tpu.memory_space<vmem>>, vector<32xbf16>,
      %get3A_350 = arith.index_cast %add3A_323 : i32 to index
      %get3A_351 = arith.constant 96 : index
      %get3A_352 = tpu.vector_load %arg10[%get3A_350, %get3A_351] {strides = array<i32>} : memref<80x128xbf16, #tpu.memory_space<vmem>>, vector<32xbf16>,
      %mul3A_353 = arith.mulf %get3A_352, %pack3A_328 : vector<32xbf16>
      %swap3A_354 = arith.index_cast %add3A_323 : i32 to index
      %swap3A_355 = arith.constant 96 : index
      %swap3A_356 = tpu.vector_load %arg10[%swap3A_354, %swap3A_355] {strides = array<i32>} : memref<80x128xbf16, #tpu.memory_space<vmem>>, vector<32xbf16>,
      tpu.vector_store %arg10[%swap3A_354, %swap3A_355], %mul3A_353 {strides = array<i32>} : memref<80x128xbf16, #tpu.memory_space<vmem>>, vector<32xbf16>,
      %add3A_357 = arith.constant 4 : i32
      %add3A_358 = arith.addi %mul3A_221, %add3A_357 : i32
      %broadcast_in_dim3A_359 = arith.constant 0 : i32
      %broadcast_in_dim3A_360 = vector.broadcast %broadcast_in_dim3A_359 : i32 to vector<16xi32>
      %broadcast_in_dim3A_361 = vector.broadcast %add3A_358 : i32 to vector<16xi32>
      %gather3A_362 = tpu.vector_load_idx %arg9[%broadcast_in_dim3A_360, %broadcast_in_dim3A_361] : memref<125x80xf32, #tpu.memory_space<vmem>>[vector<16xi32>, vector<16xi32>], vector<16xf32>,
      %pack3A_363 = tpu.pack_subelements %gather3A_362, %gather3A_362 {pack_format = #tpu.pack_format<interleaved>, positions = array<i32: 0, 1>} : vector<16xf32>, vector<16xf32> -> vector<32xbf16>
      %get3A_364 = arith.index_cast %add3A_358 : i32 to index
      %get3A_365 = arith.constant 0 : index
      %get3A_366 = tpu.vector_load %arg10[%get3A_364, %get3A_365] {strides = array<i32>} : memref<80x128xbf16, #tpu.memory_space<vmem>>, vector<32xbf16>,
      %mul3A_367 = arith.mulf %get3A_366, %pack3A_363 : vector<32xbf16>
      %swap3A_368 = arith.index_cast %add3A_358 : i32 to index
      %swap3A_369 = arith.constant 0 : index
      %swap3A_370 = tpu.vector_load %arg10[%swap3A_368, %swap3A_369] {strides = array<i32>} : memref<80x128xbf16, #tpu.memory_space<vmem>>, vector<32xbf16>,
      tpu.vector_store %arg10[%swap3A_368, %swap3A_369], %mul3A_367 {strides = array<i32>} : memref<80x128xbf16, #tpu.memory_space<vmem>>, vector<32xbf16>,
      %get3A_371 = arith.index_cast %add3A_358 : i32 to index
      %get3A_372 = arith.constant 32 : index
      %get3A_373 = tpu.vector_load %arg10[%get3A_371, %get3A_372] {strides = array<i32>} : memref<80x128xbf16, #tpu.memory_space<vmem>>, vector<32xbf16>,
      %mul3A_374 = arith.mulf %get3A_373, %pack3A_363 : vector<32xbf16>
      %swap3A_375 = arith.index_cast %add3A_358 : i32 to index
      %swap3A_376 = arith.constant 32 : index
      %swap3A_377 = tpu.vector_load %arg10[%swap3A_375, %swap3A_376] {strides = array<i32>} : memref<80x128xbf16, #tpu.memory_space<vmem>>, vector<32xbf16>,
      tpu.vector_store %arg10[%swap3A_375, %swap3A_376], %mul3A_374 {strides = array<i32>} : memref<80x128xbf16, #tpu.memory_space<vmem>>, vector<32xbf16>,
      %get3A_378 = arith.index_cast %add3A_358 : i32 to index
      %get3A_379 = arith.constant 64 : index
      %get3A_380 = tpu.vector_load %arg10[%get3A_378, %get3A_379] {strides = array<i32>} : memref<80x128xbf16, #tpu.memory_space<vmem>>, vector<32xbf16>,
      %mul3A_381 = arith.mulf %get3A_380, %pack3A_363 : vector<32xbf16>
      %swap3A_382 = arith.index_cast %add3A_358 : i32 to index
      %swap3A_383 = arith.constant 64 : index
      %swap3A_384 = tpu.vector_load %arg10[%swap3A_382, %swap3A_383] {strides = array<i32>} : memref<80x128xbf16, #tpu.memory_space<vmem>>, vector<32xbf16>,
      tpu.vector_store %arg10[%swap3A_382, %swap3A_383], %mul3A_381 {strides = array<i32>} : memref<80x128xbf16, #tpu.memory_space<vmem>>, vector<32xbf16>,
      %get3A_385 = arith.index_cast %add3A_358 : i32 to index
      %get3A_386 = arith.constant 96 : index
      %get3A_387 = tpu.vector_load %arg10[%get3A_385, %get3A_386] {strides = array<i32>} : memref<80x128xbf16, #tpu.memory_space<vmem>>, vector<32xbf16>,
      %mul3A_388 = arith.mulf %get3A_387, %pack3A_363 : vector<32xbf16>
      %swap3A_389 = arith.index_cast %add3A_358 : i32 to index
      %swap3A_390 = arith.constant 96 : index
      %swap3A_391 = tpu.vector_load %arg10[%swap3A_389, %swap3A_390] {strides = array<i32>} : memref<80x128xbf16, #tpu.memory_space<vmem>>, vector<32xbf16>,
      tpu.vector_store %arg10[%swap3A_389, %swap3A_390], %mul3A_388 {strides = array<i32>} : memref<80x128xbf16, #tpu.memory_space<vmem>>, vector<32xbf16>,
      %add3A_392 = arith.constant 5 : i32
      %add3A_393 = arith.addi %mul3A_221, %add3A_392 : i32
      %broadcast_in_dim3A_394 = arith.constant 0 : i32
      %broadcast_in_dim3A_395 = vector.broadcast %broadcast_in_dim3A_394 : i32 to vector<16xi32>
      %broadcast_in_dim3A_396 = vector.broadcast %add3A_393 : i32 to vector<16xi32>
      %gather3A_397 = tpu.vector_load_idx %arg9[%broadcast_in_dim3A_395, %broadcast_in_dim3A_396] : memref<125x80xf32, #tpu.memory_space<vmem>>[vector<16xi32>, vector<16xi32>], vector<16xf32>,
      %pack3A_398 = tpu.pack_subelements %gather3A_397, %gather3A_397 {pack_format = #tpu.pack_format<interleaved>, positions = array<i32: 0, 1>} : vector<16xf32>, vector<16xf32> -> vector<32xbf16>
      %get3A_399 = arith.index_cast %add3A_393 : i32 to index
      %get3A_400 = arith.constant 0 : index
      %get3A_401 = tpu.vector_load %arg10[%get3A_399, %get3A_400] {strides = array<i32>} : memref<80x128xbf16, #tpu.memory_space<vmem>>, vector<32xbf16>,
      %mul3A_402 = arith.mulf %get3A_401, %pack3A_398 : vector<32xbf16>
      %swap3A_403 = arith.index_cast %add3A_393 : i32 to index
      %swap3A_404 = arith.constant 0 : index
      %swap3A_405 = tpu.vector_load %arg10[%swap3A_403, %swap3A_404] {strides = array<i32>} : memref<80x128xbf16, #tpu.memory_space<vmem>>, vector<32xbf16>,
      tpu.vector_store %arg10[%swap3A_403, %swap3A_404], %mul3A_402 {strides = array<i32>} : memref<80x128xbf16, #tpu.memory_space<vmem>>, vector<32xbf16>,
      %get3A_406 = arith.index_cast %add3A_393 : i32 to index
      %get3A_407 = arith.constant 32 : index
      %get3A_408 = tpu.vector_load %arg10[%get3A_406, %get3A_407] {strides = array<i32>} : memref<80x128xbf16, #tpu.memory_space<vmem>>, vector<32xbf16>,
      %mul3A_409 = arith.mulf %get3A_408, %pack3A_398 : vector<32xbf16>
      %swap3A_410 = arith.index_cast %add3A_393 : i32 to index
      %swap3A_411 = arith.constant 32 : index
      %swap3A_412 = tpu.vector_load %arg10[%swap3A_410, %swap3A_411] {strides = array<i32>} : memref<80x128xbf16, #tpu.memory_space<vmem>>, vector<32xbf16>,
      tpu.vector_store %arg10[%swap3A_410, %swap3A_411], %mul3A_409 {strides = array<i32>} : memref<80x128xbf16, #tpu.memory_space<vmem>>, vector<32xbf16>,
      %get3A_413 = arith.index_cast %add3A_393 : i32 to index
      %get3A_414 = arith.constant 64 : index
      %get3A_415 = tpu.vector_load %arg10[%get3A_413, %get3A_414] {strides = array<i32>} : memref<80x128xbf16, #tpu.memory_space<vmem>>, vector<32xbf16>,
      %mul3A_416 = arith.mulf %get3A_415, %pack3A_398 : vector<32xbf16>
      %swap3A_417 = arith.index_cast %add3A_393 : i32 to index
      %swap3A_418 = arith.constant 64 : index
      %swap3A_419 = tpu.vector_load %arg10[%swap3A_417, %swap3A_418] {strides = array<i32>} : memref<80x128xbf16, #tpu.memory_space<vmem>>, vector<32xbf16>,
      tpu.vector_store %arg10[%swap3A_417, %swap3A_418], %mul3A_416 {strides = array<i32>} : memref<80x128xbf16, #tpu.memory_space<vmem>>, vector<32xbf16>,
      %get3A_420 = arith.index_cast %add3A_393 : i32 to index
      %get3A_421 = arith.constant 96 : index
      %get3A_422 = tpu.vector_load %arg10[%get3A_420, %get3A_421] {strides = array<i32>} : memref<80x128xbf16, #tpu.memory_space<vmem>>, vector<32xbf16>,
      %mul3A_423 = arith.mulf %get3A_422, %pack3A_398 : vector<32xbf16>
      %swap3A_424 = arith.index_cast %add3A_393 : i32 to index
      %swap3A_425 = arith.constant 96 : index
      %swap3A_426 = tpu.vector_load %arg10[%swap3A_424, %swap3A_425] {strides = array<i32>} : memref<80x128xbf16, #tpu.memory_space<vmem>>, vector<32xbf16>,
      tpu.vector_store %arg10[%swap3A_424, %swap3A_425], %mul3A_423 {strides = array<i32>} : memref<80x128xbf16, #tpu.memory_space<vmem>>, vector<32xbf16>,
      %add3A_427 = arith.constant 6 : i32
      %add3A_428 = arith.addi %mul3A_221, %add3A_427 : i32
      %broadcast_in_dim3A_429 = arith.constant 0 : i32
      %broadcast_in_dim3A_430 = vector.broadcast %broadcast_in_dim3A_429 : i32 to vector<16xi32>
      %broadcast_in_dim3A_431 = vector.broadcast %add3A_428 : i32 to vector<16xi32>
      %gather3A_432 = tpu.vector_load_idx %arg9[%broadcast_in_dim3A_430, %broadcast_in_dim3A_431] : memref<125x80xf32, #tpu.memory_space<vmem>>[vector<16xi32>, vector<16xi32>], vector<16xf32>,
      %pack3A_433 = tpu.pack_subelements %gather3A_432, %gather3A_432 {pack_format = #tpu.pack_format<interleaved>, positions = array<i32: 0, 1>} : vector<16xf32>, vector<16xf32> -> vector<32xbf16>
      %get3A_434 = arith.index_cast %add3A_428 : i32 to index
      %get3A_435 = arith.constant 0 : index
      %get3A_436 = tpu.vector_load %arg10[%get3A_434, %get3A_435] {strides = array<i32>} : memref<80x128xbf16, #tpu.memory_space<vmem>>, vector<32xbf16>,
      %mul3A_437 = arith.mulf %get3A_436, %pack3A_433 : vector<32xbf16>
      %swap3A_438 = arith.index_cast %add3A_428 : i32 to index
      %swap3A_439 = arith.constant 0 : index
      %swap3A_440 = tpu.vector_load %arg10[%swap3A_438, %swap3A_439] {strides = array<i32>} : memref<80x128xbf16, #tpu.memory_space<vmem>>, vector<32xbf16>,
      tpu.vector_store %arg10[%swap3A_438, %swap3A_439], %mul3A_437 {strides = array<i32>} : memref<80x128xbf16, #tpu.memory_space<vmem>>, vector<32xbf16>,
      %get3A_441 = arith.index_cast %add3A_428 : i32 to index
      %get3A_442 = arith.constant 32 : index
      %get3A_443 = tpu.vector_load %arg10[%get3A_441, %get3A_442] {strides = array<i32>} : memref<80x128xbf16, #tpu.memory_space<vmem>>, vector<32xbf16>,
      %mul3A_444 = arith.mulf %get3A_443, %pack3A_433 : vector<32xbf16>
      %swap3A_445 = arith.index_cast %add3A_428 : i32 to index
      %swap3A_446 = arith.constant 32 : index
      %swap3A_447 = tpu.vector_load %arg10[%swap3A_445, %swap3A_446] {strides = array<i32>} : memref<80x128xbf16, #tpu.memory_space<vmem>>, vector<32xbf16>,
      tpu.vector_store %arg10[%swap3A_445, %swap3A_446], %mul3A_444 {strides = array<i32>} : memref<80x128xbf16, #tpu.memory_space<vmem>>, vector<32xbf16>,
      %get3A_448 = arith.index_cast %add3A_428 : i32 to index
      %get3A_449 = arith.constant 64 : index
      %get3A_450 = tpu.vector_load %arg10[%get3A_448, %get3A_449] {strides = array<i32>} : memref<80x128xbf16, #tpu.memory_space<vmem>>, vector<32xbf16>,
      %mul3A_451 = arith.mulf %get3A_450, %pack3A_433 : vector<32xbf16>
      %swap3A_452 = arith.index_cast %add3A_428 : i32 to index
      %swap3A_453 = arith.constant 64 : index
      %swap3A_454 = tpu.vector_load %arg10[%swap3A_452, %swap3A_453] {strides = array<i32>} : memref<80x128xbf16, #tpu.memory_space<vmem>>, vector<32xbf16>,
      tpu.vector_store %arg10[%swap3A_452, %swap3A_453], %mul3A_451 {strides = array<i32>} : memref<80x128xbf16, #tpu.memory_space<vmem>>, vector<32xbf16>,
      %get3A_455 = arith.index_cast %add3A_428 : i32 to index
      %get3A_456 = arith.constant 96 : index
      %get3A_457 = tpu.vector_load %arg10[%get3A_455, %get3A_456] {strides = array<i32>} : memref<80x128xbf16, #tpu.memory_space<vmem>>, vector<32xbf16>,
      %mul3A_458 = arith.mulf %get3A_457, %pack3A_433 : vector<32xbf16>
      %swap3A_459 = arith.index_cast %add3A_428 : i32 to index
      %swap3A_460 = arith.constant 96 : index
      %swap3A_461 = tpu.vector_load %arg10[%swap3A_459, %swap3A_460] {strides = array<i32>} : memref<80x128xbf16, #tpu.memory_space<vmem>>, vector<32xbf16>,
      tpu.vector_store %arg10[%swap3A_459, %swap3A_460], %mul3A_458 {strides = array<i32>} : memref<80x128xbf16, #tpu.memory_space<vmem>>, vector<32xbf16>,
      %add3A_462 = arith.constant 7 : i32
      %add3A_463 = arith.addi %mul3A_221, %add3A_462 : i32
      %broadcast_in_dim3A_464 = arith.constant 0 : i32
      %broadcast_in_dim3A_465 = vector.broadcast %broadcast_in_dim3A_464 : i32 to vector<16xi32>
      %broadcast_in_dim3A_466 = vector.broadcast %add3A_463 : i32 to vector<16xi32>
      %gather3A_467 = tpu.vector_load_idx %arg9[%broadcast_in_dim3A_465, %broadcast_in_dim3A_466] : memref<125x80xf32, #tpu.memory_space<vmem>>[vector<16xi32>, vector<16xi32>], vector<16xf32>,
      %pack3A_468 = tpu.pack_subelements %gather3A_467, %gather3A_467 {pack_format = #tpu.pack_format<interleaved>, positions = array<i32: 0, 1>} : vector<16xf32>, vector<16xf32> -> vector<32xbf16>
      %get3A_469 = arith.index_cast %add3A_463 : i32 to index
      %get3A_470 = arith.constant 0 : index
      %get3A_471 = tpu.vector_load %arg10[%get3A_469, %get3A_470] {strides = array<i32>} : memref<80x128xbf16, #tpu.memory_space<vmem>>, vector<32xbf16>,
      %mul3A_472 = arith.mulf %get3A_471, %pack3A_468 : vector<32xbf16>
      %swap3A_473 = arith.index_cast %add3A_463 : i32 to index
      %swap3A_474 = arith.constant 0 : index
      %swap3A_475 = tpu.vector_load %arg10[%swap3A_473, %swap3A_474] {strides = array<i32>} : memref<80x128xbf16, #tpu.memory_space<vmem>>, vector<32xbf16>,
      tpu.vector_store %arg10[%swap3A_473, %swap3A_474], %mul3A_472 {strides = array<i32>} : memref<80x128xbf16, #tpu.memory_space<vmem>>, vector<32xbf16>,
      %get3A_476 = arith.index_cast %add3A_463 : i32 to index
      %get3A_477 = arith.constant 32 : index
      %get3A_478 = tpu.vector_load %arg10[%get3A_476, %get3A_477] {strides = array<i32>} : memref<80x128xbf16, #tpu.memory_space<vmem>>, vector<32xbf16>,
      %mul3A_479 = arith.mulf %get3A_478, %pack3A_468 : vector<32xbf16>
      %swap3A_480 = arith.index_cast %add3A_463 : i32 to index
      %swap3A_481 = arith.constant 32 : index
      %swap3A_482 = tpu.vector_load %arg10[%swap3A_480, %swap3A_481] {strides = array<i32>} : memref<80x128xbf16, #tpu.memory_space<vmem>>, vector<32xbf16>,
      tpu.vector_store %arg10[%swap3A_480, %swap3A_481], %mul3A_479 {strides = array<i32>} : memref<80x128xbf16, #tpu.memory_space<vmem>>, vector<32xbf16>,
      %get3A_483 = arith.index_cast %add3A_463 : i32 to index
      %get3A_484 = arith.constant 64 : index
      %get3A_485 = tpu.vector_load %arg10[%get3A_483, %get3A_484] {strides = array<i32>} : memref<80x128xbf16, #tpu.memory_space<vmem>>, vector<32xbf16>,
      %mul3A_486 = arith.mulf %get3A_485, %pack3A_468 : vector<32xbf16>
      %swap3A_487 = arith.index_cast %add3A_463 : i32 to index
      %swap3A_488 = arith.constant 64 : index
      %swap3A_489 = tpu.vector_load %arg10[%swap3A_487, %swap3A_488] {strides = array<i32>} : memref<80x128xbf16, #tpu.memory_space<vmem>>, vector<32xbf16>,
      tpu.vector_store %arg10[%swap3A_487, %swap3A_488], %mul3A_486 {strides = array<i32>} : memref<80x128xbf16, #tpu.memory_space<vmem>>, vector<32xbf16>,
      %get3A_490 = arith.index_cast %add3A_463 : i32 to index
      %get3A_491 = arith.constant 96 : index
      %get3A_492 = tpu.vector_load %arg10[%get3A_490, %get3A_491] {strides = array<i32>} : memref<80x128xbf16, #tpu.memory_space<vmem>>, vector<32xbf16>,
      %mul3A_493 = arith.mulf %get3A_492, %pack3A_468 : vector<32xbf16>
      %swap3A_494 = arith.index_cast %add3A_463 : i32 to index
      %swap3A_495 = arith.constant 96 : index
      %swap3A_496 = tpu.vector_load %arg10[%swap3A_494, %swap3A_495] {strides = array<i32>} : memref<80x128xbf16, #tpu.memory_space<vmem>>, vector<32xbf16>,
      tpu.vector_store %arg10[%swap3A_494, %swap3A_495], %mul3A_493 {strides = array<i32>} : memref<80x128xbf16, #tpu.memory_space<vmem>>, vector<32xbf16>,
    }
    %scan3A_64 = arith.constant 10 : i32
    %dma_start3A_65 = arith.constant 0 : i32
    %dma_start3A_66 = arith.constant 0 : i32
    %dma_start3A_67 = tpu.memref_slice %arg8[%dma_start3A_65, %dma_start3A_66] : memref<125x80xi32, #tpu.memory_space<vmem>> -> memref<1x80xi32, #tpu.memory_space<vmem>>
    %dma_start3A_68 = tpu.memref_squeeze %dma_start3A_67 : memref<1x80xi32, #tpu.memory_space<vmem>> -> memref<80xi32, #tpu.memory_space<vmem>>
    %dma_start3A_69 = arith.constant 0 : i32
    %dma_start3A_70 = arith.constant 0 : i32
    %dma_start3A_71 = tpu.memref_slice %arg13[%dma_start3A_69, %dma_start3A_70] : memref<10000x128xbf16, #tpu.memory_space<vmem_shared>> -> memref<10000x128xbf16, #tpu.memory_space<vmem_shared>>
    tpu.enqueue_indirect_dma source(%arg10 : memref<80x128xbf16, #tpu.memory_space<vmem>>) target(%dma_start3A_71 : memref<10000x128xbf16, #tpu.memory_space<vmem_shared>>) offsets(%dma_start3A_68 : memref<80xi32, #tpu.memory_space<vmem>>) semaphore(%arg17 : memref<!tpu.dma_semaphore, #tpu.memory_space<semaphore_mem>>) {add = true}
    %dma_start3A_72 = arith.constant 2 : i32
    %dma_start3A_73 = arith.constant 0 : i32
    %dma_start3A_74 = tpu.memref_slice %arg7[%dma_start3A_72, %dma_start3A_73] : memref<125x80xi32, #tpu.memory_space<vmem>> -> memref<1x80xi32, #tpu.memory_space<vmem>>
    %dma_start3A_75 = tpu.memref_squeeze %dma_start3A_74 : memref<1x80xi32, #tpu.memory_space<vmem>> -> memref<80xi32, #tpu.memory_space<vmem>>
    %dma_start3A_76 = arith.constant 0 : i32
    %dma_start3A_77 = arith.constant 0 : i32
    %dma_start3A_78 = tpu.memref_slice %arg2[%dma_start3A_76, %dma_start3A_77] : memref<10000x128xbf16, #tpu.memory_space<hbm>> -> memref<10000x128xbf16, #tpu.memory_space<hbm>>
    tpu.enqueue_indirect_dma source(%dma_start3A_78 : memref<10000x128xbf16, #tpu.memory_space<hbm>>) target(%arg12 : memref<80x128xbf16, #tpu.memory_space<vmem>>) offsets(%dma_start3A_75 : memref<80xi32, #tpu.memory_space<vmem>>) semaphore(%arg16 : memref<!tpu.dma_semaphore, #tpu.memory_space<semaphore_mem>>)
    %scan3A_79 = arith.constant 0 : i32
    %scan3A_80 = arith.constant 0 : i32
    %scan3A_81 = arith.constant 40 : i32
    %scan3A_82 = arith.addi %scan3A_80, %scan3A_81 : i32
    %scan3A_83 = arith.constant 1 : i32
    scf.for %scan3A_219 = %scan3A_80 to %scan3A_82 step %scan3A_83  : i32 {
      %mul3A_220 = arith.constant 3 : i32
      %mul3A_221 = arith.muli %mul3A_220, %scan3A_219 : i32
      %add3A_222 = arith.constant 1 : i32
      %add3A_223 = arith.addi %mul3A_221, %add3A_222 : i32
      %add3A_224 = arith.constant 0 : i32
      %add3A_225 = arith.addi %add3A_223, %add3A_224 : i32
      %dma_wait3A_226 = arith.constant 0 : i32
      %dma_wait3A_227 = tpu.memref_slice %arg7[%add3A_225, %dma_wait3A_226] : memref<125x80xi32, #tpu.memory_space<vmem>> -> memref<1x80xi32, #tpu.memory_space<vmem>>
      %dma_wait3A_228 = tpu.memref_squeeze %dma_wait3A_227 : memref<1x80xi32, #tpu.memory_space<vmem>> -> memref<80xi32, #tpu.memory_space<vmem>>
      %dma_wait3A_229 = arith.constant 0 : i32
      %dma_wait3A_230 = arith.constant 0 : i32
      %dma_wait3A_231 = tpu.memref_slice %arg2[%dma_wait3A_229, %dma_wait3A_230] : memref<10000x128xbf16, #tpu.memory_space<hbm>> -> memref<10000x128xbf16, #tpu.memory_space<hbm>>
      tpu.wait_indirect_dma semaphore(%arg15 : memref<!tpu.dma_semaphore, #tpu.memory_space<semaphore_mem>>) src(%dma_wait3A_231 : memref<10000x128xbf16, #tpu.memory_space<hbm>>) dst(%arg11 : memref<80x128xbf16, #tpu.memory_space<vmem>>)
      %scan3A_232 = arith.constant 0 : i32
      %scan3A_233 = arith.constant 0 : i32
      %scan3A_234 = arith.constant 10 : i32
      %scan3A_235 = arith.addi %scan3A_233, %scan3A_234 : i32
      %scan3A_236 = arith.constant 1 : i32
      scf.for %scan3A_339 = %scan3A_233 to %scan3A_235 step %scan3A_236  : i32 {
        %mul3A_340 = arith.constant 8 : i32
        %mul3A_341 = arith.muli %scan3A_339, %mul3A_340 : i32
        %add3A_342 = arith.constant 0 : i32
        %add3A_343 = arith.addi %mul3A_341, %add3A_342 : i32
        %broadcast_in_dim3A = vector.broadcast %add3A_225 : i32 to vector<16xi32>
        %broadcast_in_dim3A_344 = vector.broadcast %add3A_343 : i32 to vector<16xi32>
        %gather3A = tpu.vector_load_idx %arg9[%broadcast_in_dim3A, %broadcast_in_dim3A_344] : memref<125x80xf32, #tpu.memory_space<vmem>>[vector<16xi32>, vector<16xi32>], vector<16xf32>,
        %pack3A = tpu.pack_subelements %gather3A, %gather3A {pack_format = #tpu.pack_format<interleaved>, positions = array<i32: 0, 1>} : vector<16xf32>, vector<16xf32> -> vector<32xbf16>
        %get3A = arith.index_cast %add3A_343 : i32 to index
        %get3A_345 = arith.constant 0 : index
        %get3A_346 = tpu.vector_load %arg11[%get3A, %get3A_345] {strides = array<i32>} : memref<80x128xbf16, #tpu.memory_space<vmem>>, vector<32xbf16>,
        %mul3A_347 = arith.mulf %get3A_346, %pack3A : vector<32xbf16>
        %swap3A = arith.index_cast %add3A_343 : i32 to index
        %swap3A_348 = arith.constant 0 : index
        %swap3A_349 = tpu.vector_load %arg11[%swap3A, %swap3A_348] {strides = array<i32>} : memref<80x128xbf16, #tpu.memory_space<vmem>>, vector<32xbf16>,
        tpu.vector_store %arg11[%swap3A, %swap3A_348], %mul3A_347 {strides = array<i32>} : memref<80x128xbf16, #tpu.memory_space<vmem>>, vector<32xbf16>,
        %get3A_350 = arith.index_cast %add3A_343 : i32 to index
        %get3A_351 = arith.constant 32 : index
        %get3A_352 = tpu.vector_load %arg11[%get3A_350, %get3A_351] {strides = array<i32>} : memref<80x128xbf16, #tpu.memory_space<vmem>>, vector<32xbf16>,
        %mul3A_353 = arith.mulf %get3A_352, %pack3A : vector<32xbf16>
        %swap3A_354 = arith.index_cast %add3A_343 : i32 to index
        %swap3A_355 = arith.constant 32 : index
        %swap3A_356 = tpu.vector_load %arg11[%swap3A_354, %swap3A_355] {strides = array<i32>} : memref<80x128xbf16, #tpu.memory_space<vmem>>, vector<32xbf16>,
        tpu.vector_store %arg11[%swap3A_354, %swap3A_355], %mul3A_353 {strides = array<i32>} : memref<80x128xbf16, #tpu.memory_space<vmem>>, vector<32xbf16>,
        %get3A_357 = arith.index_cast %add3A_343 : i32 to index
        %get3A_358 = arith.constant 64 : index
        %get3A_359 = tpu.vector_load %arg11[%get3A_357, %get3A_358] {strides = array<i32>} : memref<80x128xbf16, #tpu.memory_space<vmem>>, vector<32xbf16>,
        %mul3A_360 = arith.mulf %get3A_359, %pack3A : vector<32xbf16>
        %swap3A_361 = arith.index_cast %add3A_343 : i32 to index
        %swap3A_362 = arith.constant 64 : index
        %swap3A_363 = tpu.vector_load %arg11[%swap3A_361, %swap3A_362] {strides = array<i32>} : memref<80x128xbf16, #tpu.memory_space<vmem>>, vector<32xbf16>,
        tpu.vector_store %arg11[%swap3A_361, %swap3A_362], %mul3A_360 {strides = array<i32>} : memref<80x128xbf16, #tpu.memory_space<vmem>>, vector<32xbf16>,
        %get3A_364 = arith.index_cast %add3A_343 : i32 to index
        %get3A_365 = arith.constant 96 : index
        %get3A_366 = tpu.vector_load %arg11[%get3A_364, %get3A_365] {strides = array<i32>} : memref<80x128xbf16, #tpu.memory_space<vmem>>, vector<32xbf16>,
        %mul3A_367 = arith.mulf %get3A_366, %pack3A : vector<32xbf16>
        %swap3A_368 = arith.index_cast %add3A_343 : i32 to index
        %swap3A_369 = arith.constant 96 : index
        %swap3A_370 = tpu.vector_load %arg11[%swap3A_368, %swap3A_369] {strides = array<i32>} : memref<80x128xbf16, #tpu.memory_space<vmem>>, vector<32xbf16>,
        tpu.vector_store %arg11[%swap3A_368, %swap3A_369], %mul3A_367 {strides = array<i32>} : memref<80x128xbf16, #tpu.memory_space<vmem>>, vector<32xbf16>,
        %add3A_371 = arith.constant 1 : i32
        %add3A_372 = arith.addi %mul3A_341, %add3A_371 : i32
        %broadcast_in_dim3A_373 = vector.broadcast %add3A_225 : i32 to vector<16xi32>
        %broadcast_in_dim3A_374 = vector.broadcast %add3A_372 : i32 to vector<16xi32>
        %gather3A_375 = tpu.vector_load_idx %arg9[%broadcast_in_dim3A_373, %broadcast_in_dim3A_374] : memref<125x80xf32, #tpu.memory_space<vmem>>[vector<16xi32>, vector<16xi32>], vector<16xf32>,
        %pack3A_376 = tpu.pack_subelements %gather3A_375, %gather3A_375 {pack_format = #tpu.pack_format<interleaved>, positions = array<i32: 0, 1>} : vector<16xf32>, vector<16xf32> -> vector<32xbf16>
        %get3A_377 = arith.index_cast %add3A_372 : i32 to index
        %get3A_378 = arith.constant 0 : index
        %get3A_379 = tpu.vector_load %arg11[%get3A_377, %get3A_378] {strides = array<i32>} : memref<80x128xbf16, #tpu.memory_space<vmem>>, vector<32xbf16>,
        %mul3A_380 = arith.mulf %get3A_379, %pack3A_376 : vector<32xbf16>
        %swap3A_381 = arith.index_cast %add3A_372 : i32 to index
        %swap3A_382 = arith.constant 0 : index
        %swap3A_383 = tpu.vector_load %arg11[%swap3A_381, %swap3A_382] {strides = array<i32>} : memref<80x128xbf16, #tpu.memory_space<vmem>>, vector<32xbf16>,
        tpu.vector_store %arg11[%swap3A_381, %swap3A_382], %mul3A_380 {strides = array<i32>} : memref<80x128xbf16, #tpu.memory_space<vmem>>, vector<32xbf16>,
        %get3A_384 = arith.index_cast %add3A_372 : i32 to index
        %get3A_385 = arith.constant 32 : index
        %get3A_386 = tpu.vector_load %arg11[%get3A_384, %get3A_385] {strides = array<i32>} : memref<80x128xbf16, #tpu.memory_space<vmem>>, vector<32xbf16>,
        %mul3A_387 = arith.mulf %get3A_386, %pack3A_376 : vector<32xbf16>
        %swap3A_388 = arith.index_cast %add3A_372 : i32 to index
        %swap3A_389 = arith.constant 32 : index
        %swap3A_390 = tpu.vector_load %arg11[%swap3A_388, %swap3A_389] {strides = array<i32>} : memref<80x128xbf16, #tpu.memory_space<vmem>>, vector<32xbf16>,
        tpu.vector_store %arg11[%swap3A_388, %swap3A_389], %mul3A_387 {strides = array<i32>} : memref<80x128xbf16, #tpu.memory_space<vmem>>, vector<32xbf16>,
        %get3A_391 = arith.index_cast %add3A_372 : i32 to index
        %get3A_392 = arith.constant 64 : index
        %get3A_393 = tpu.vector_load %arg11[%get3A_391, %get3A_392] {strides = array<i32>} : memref<80x128xbf16, #tpu.memory_space<vmem>>, vector<32xbf16>,
        %mul3A_394 = arith.mulf %get3A_393, %pack3A_376 : vector<32xbf16>
        %swap3A_395 = arith.index_cast %add3A_372 : i32 to index
        %swap3A_396 = arith.constant 64 : index
        %swap3A_397 = tpu.vector_load %arg11[%swap3A_395, %swap3A_396] {strides = array<i32>} : memref<80x128xbf16, #tpu.memory_space<vmem>>, vector<32xbf16>,
        tpu.vector_store %arg11[%swap3A_395, %swap3A_396], %mul3A_394 {strides = array<i32>} : memref<80x128xbf16, #tpu.memory_space<vmem>>, vector<32xbf16>,
        %get3A_398 = arith.index_cast %add3A_372 : i32 to index
        %get3A_399 = arith.constant 96 : index
        %get3A_400 = tpu.vector_load %arg11[%get3A_398, %get3A_399] {strides = array<i32>} : memref<80x128xbf16, #tpu.memory_space<vmem>>, vector<32xbf16>,
        %mul3A_401 = arith.mulf %get3A_400, %pack3A_376 : vector<32xbf16>
        %swap3A_402 = arith.index_cast %add3A_372 : i32 to index
        %swap3A_403 = arith.constant 96 : index
        %swap3A_404 = tpu.vector_load %arg11[%swap3A_402, %swap3A_403] {strides = array<i32>} : memref<80x128xbf16, #tpu.memory_space<vmem>>, vector<32xbf16>,
        tpu.vector_store %arg11[%swap3A_402, %swap3A_403], %mul3A_401 {strides = array<i32>} : memref<80x128xbf16, #tpu.memory_space<vmem>>, vector<32xbf16>,
        %add3A_405 = arith.constant 2 : i32
        %add3A_406 = arith.addi %mul3A_341, %add3A_405 : i32
        %broadcast_in_dim3A_407 = vector.broadcast %add3A_225 : i32 to vector<16xi32>
        %broadcast_in_dim3A_408 = vector.broadcast %add3A_406 : i32 to vector<16xi32>
        %gather3A_409 = tpu.vector_load_idx %arg9[%broadcast_in_dim3A_407, %broadcast_in_dim3A_408] : memref<125x80xf32, #tpu.memory_space<vmem>>[vector<16xi32>, vector<16xi32>], vector<16xf32>,
        %pack3A_410 = tpu.pack_subelements %gather3A_409, %gather3A_409 {pack_format = #tpu.pack_format<interleaved>, positions = array<i32: 0, 1>} : vector<16xf32>, vector<16xf32> -> vector<32xbf16>
        %get3A_411 = arith.index_cast %add3A_406 : i32 to index
        %get3A_412 = arith.constant 0 : index
        %get3A_413 = tpu.vector_load %arg11[%get3A_411, %get3A_412] {strides = array<i32>} : memref<80x128xbf16, #tpu.memory_space<vmem>>, vector<32xbf16>,
        %mul3A_414 = arith.mulf %get3A_413, %pack3A_410 : vector<32xbf16>
        %swap3A_415 = arith.index_cast %add3A_406 : i32 to index
        %swap3A_416 = arith.constant 0 : index
        %swap3A_417 = tpu.vector_load %arg11[%swap3A_415, %swap3A_416] {strides = array<i32>} : memref<80x128xbf16, #tpu.memory_space<vmem>>, vector<32xbf16>,
        tpu.vector_store %arg11[%swap3A_415, %swap3A_416], %mul3A_414 {strides = array<i32>} : memref<80x128xbf16, #tpu.memory_space<vmem>>, vector<32xbf16>,
        %get3A_418 = arith.index_cast %add3A_406 : i32 to index
        %get3A_419 = arith.constant 32 : index
        %get3A_420 = tpu.vector_load %arg11[%get3A_418, %get3A_419] {strides = array<i32>} : memref<80x128xbf16, #tpu.memory_space<vmem>>, vector<32xbf16>,
        %mul3A_421 = arith.mulf %get3A_420, %pack3A_410 : vector<32xbf16>
        %swap3A_422 = arith.index_cast %add3A_406 : i32 to index
        %swap3A_423 = arith.constant 32 : index
        %swap3A_424 = tpu.vector_load %arg11[%swap3A_422, %swap3A_423] {strides = array<i32>} : memref<80x128xbf16, #tpu.memory_space<vmem>>, vector<32xbf16>,
        tpu.vector_store %arg11[%swap3A_422, %swap3A_423], %mul3A_421 {strides = array<i32>} : memref<80x128xbf16, #tpu.memory_space<vmem>>, vector<32xbf16>,
        %get3A_425 = arith.index_cast %add3A_406 : i32 to index
        %get3A_426 = arith.constant 64 : index
        %get3A_427 = tpu.vector_load %arg11[%get3A_425, %get3A_426] {strides = array<i32>} : memref<80x128xbf16, #tpu.memory_space<vmem>>, vector<32xbf16>,
        %mul3A_428 = arith.mulf %get3A_427, %pack3A_410 : vector<32xbf16>
        %swap3A_429 = arith.index_cast %add3A_406 : i32 to index
        %swap3A_430 = arith.constant 64 : index
        %swap3A_431 = tpu.vector_load %arg11[%swap3A_429, %swap3A_430] {strides = array<i32>} : memref<80x128xbf16, #tpu.memory_space<vmem>>, vector<32xbf16>,
        tpu.vector_store %arg11[%swap3A_429, %swap3A_430], %mul3A_428 {strides = array<i32>} : memref<80x128xbf16, #tpu.memory_space<vmem>>, vector<32xbf16>,
        %get3A_432 = arith.index_cast %add3A_406 : i32 to index
        %get3A_433 = arith.constant 96 : index
        %get3A_434 = tpu.vector_load %arg11[%get3A_432, %get3A_433] {strides = array<i32>} : memref<80x128xbf16, #tpu.memory_space<vmem>>, vector<32xbf16>,
        %mul3A_435 = arith.mulf %get3A_434, %pack3A_410 : vector<32xbf16>
        %swap3A_436 = arith.index_cast %add3A_406 : i32 to index
        %swap3A_437 = arith.constant 96 : index
        %swap3A_438 = tpu.vector_load %arg11[%swap3A_436, %swap3A_437] {strides = array<i32>} : memref<80x128xbf16, #tpu.memory_space<vmem>>, vector<32xbf16>,
        tpu.vector_store %arg11[%swap3A_436, %swap3A_437], %mul3A_435 {strides = array<i32>} : memref<80x128xbf16, #tpu.memory_space<vmem>>, vector<32xbf16>,
        %add3A_439 = arith.constant 3 : i32
        %add3A_440 = arith.addi %mul3A_341, %add3A_439 : i32
        %broadcast_in_dim3A_441 = vector.broadcast %add3A_225 : i32 to vector<16xi32>
        %broadcast_in_dim3A_442 = vector.broadcast %add3A_440 : i32 to vector<16xi32>
        %gather3A_443 = tpu.vector_load_idx %arg9[%broadcast_in_dim3A_441, %broadcast_in_dim3A_442] : memref<125x80xf32, #tpu.memory_space<vmem>>[vector<16xi32>, vector<16xi32>], vector<16xf32>,
        %pack3A_444 = tpu.pack_subelements %gather3A_443, %gather3A_443 {pack_format = #tpu.pack_format<interleaved>, positions = array<i32: 0, 1>} : vector<16xf32>, vector<16xf32> -> vector<32xbf16>
        %get3A_445 = arith.index_cast %add3A_440 : i32 to index
        %get3A_446 = arith.constant 0 : index
        %get3A_447 = tpu.vector_load %arg11[%get3A_445, %get3A_446] {strides = array<i32>} : memref<80x128xbf16, #tpu.memory_space<vmem>>, vector<32xbf16>,
        %mul3A_448 = arith.mulf %get3A_447, %pack3A_444 : vector<32xbf16>
        %swap3A_449 = arith.index_cast %add3A_440 : i32 to index
        %swap3A_450 = arith.constant 0 : index
        %swap3A_451 = tpu.vector_load %arg11[%swap3A_449, %swap3A_450] {strides = array<i32>} : memref<80x128xbf16, #tpu.memory_space<vmem>>, vector<32xbf16>,
        tpu.vector_store %arg11[%swap3A_449, %swap3A_450], %mul3A_448 {strides = array<i32>} : memref<80x128xbf16, #tpu.memory_space<vmem>>, vector<32xbf16>,
        %get3A_452 = arith.index_cast %add3A_440 : i32 to index
        %get3A_453 = arith.constant 32 : index
        %get3A_454 = tpu.vector_load %arg11[%get3A_452, %get3A_453] {strides = array<i32>} : memref<80x128xbf16, #tpu.memory_space<vmem>>, vector<32xbf16>,
        %mul3A_455 = arith.mulf %get3A_454, %pack3A_444 : vector<32xbf16>
        %swap3A_456 = arith.index_cast %add3A_440 : i32 to index
        %swap3A_457 = arith.constant 32 : index
        %swap3A_458 = tpu.vector_load %arg11[%swap3A_456, %swap3A_457] {strides = array<i32>} : memref<80x128xbf16, #tpu.memory_space<vmem>>, vector<32xbf16>,
        tpu.vector_store %arg11[%swap3A_456, %swap3A_457], %mul3A_455 {strides = array<i32>} : memref<80x128xbf16, #tpu.memory_space<vmem>>, vector<32xbf16>,
        %get3A_459 = arith.index_cast %add3A_440 : i32 to index
        %get3A_460 = arith.constant 64 : index
        %get3A_461 = tpu.vector_load %arg11[%get3A_459, %get3A_460] {strides = array<i32>} : memref<80x128xbf16, #tpu.memory_space<vmem>>, vector<32xbf16>,
        %mul3A_462 = arith.mulf %get3A_461, %pack3A_444 : vector<32xbf16>
        %swap3A_463 = arith.index_cast %add3A_440 : i32 to index
        %swap3A_464 = arith.constant 64 : index
        %swap3A_465 = tpu.vector_load %arg11[%swap3A_463, %swap3A_464] {strides = array<i32>} : memref<80x128xbf16, #tpu.memory_space<vmem>>, vector<32xbf16>,
        tpu.vector_store %arg11[%swap3A_463, %swap3A_464], %mul3A_462 {strides = array<i32>} : memref<80x128xbf16, #tpu.memory_space<vmem>>, vector<32xbf16>,
        %get3A_466 = arith.index_cast %add3A_440 : i32 to index
        %get3A_467 = arith.constant 96 : index
        %get3A_468 = tpu.vector_load %arg11[%get3A_466, %get3A_467] {strides = array<i32>} : memref<80x128xbf16, #tpu.memory_space<vmem>>, vector<32xbf16>,
        %mul3A_469 = arith.mulf %get3A_468, %pack3A_444 : vector<32xbf16>
        %swap3A_470 = arith.index_cast %add3A_440 : i32 to index
        %swap3A_471 = arith.constant 96 : index
        %swap3A_472 = tpu.vector_load %arg11[%swap3A_470, %swap3A_471] {strides = array<i32>} : memref<80x128xbf16, #tpu.memory_space<vmem>>, vector<32xbf16>,
        tpu.vector_store %arg11[%swap3A_470, %swap3A_471], %mul3A_469 {strides = array<i32>} : memref<80x128xbf16, #tpu.memory_space<vmem>>, vector<32xbf16>,
        %add3A_473 = arith.constant 4 : i32
        %add3A_474 = arith.addi %mul3A_341, %add3A_473 : i32
        %broadcast_in_dim3A_475 = vector.broadcast %add3A_225 : i32 to vector<16xi32>
        %broadcast_in_dim3A_476 = vector.broadcast %add3A_474 : i32 to vector<16xi32>
        %gather3A_477 = tpu.vector_load_idx %arg9[%broadcast_in_dim3A_475, %broadcast_in_dim3A_476] : memref<125x80xf32, #tpu.memory_space<vmem>>[vector<16xi32>, vector<16xi32>], vector<16xf32>,
        %pack3A_478 = tpu.pack_subelements %gather3A_477, %gather3A_477 {pack_format = #tpu.pack_format<interleaved>, positions = array<i32: 0, 1>} : vector<16xf32>, vector<16xf32> -> vector<32xbf16>
        %get3A_479 = arith.index_cast %add3A_474 : i32 to index
        %get3A_480 = arith.constant 0 : index
        %get3A_481 = tpu.vector_load %arg11[%get3A_479, %get3A_480] {strides = array<i32>} : memref<80x128xbf16, #tpu.memory_space<vmem>>, vector<32xbf16>,
        %mul3A_482 = arith.mulf %get3A_481, %pack3A_478 : vector<32xbf16>
        %swap3A_483 = arith.index_cast %add3A_474 : i32 to index
        %swap3A_484 = arith.constant 0 : index
        %swap3A_485 = tpu.vector_load %arg11[%swap3A_483, %swap3A_484] {strides = array<i32>} : memref<80x128xbf16, #tpu.memory_space<vmem>>, vector<32xbf16>,
        tpu.vector_store %arg11[%swap3A_483, %swap3A_484], %mul3A_482 {strides = array<i32>} : memref<80x128xbf16, #tpu.memory_space<vmem>>, vector<32xbf16>,
        %get3A_486 = arith.index_cast %add3A_474 : i32 to index
        %get3A_487 = arith.constant 32 : index
        %get3A_488 = tpu.vector_load %arg11[%get3A_486, %get3A_487] {strides = array<i32>} : memref<80x128xbf16, #tpu.memory_space<vmem>>, vector<32xbf16>,
        %mul3A_489 = arith.mulf %get3A_488, %pack3A_478 : vector<32xbf16>
        %swap3A_490 = arith.index_cast %add3A_474 : i32 to index
        %swap3A_491 = arith.constant 32 : index
        %swap3A_492 = tpu.vector_load %arg11[%swap3A_490, %swap3A_491] {strides = array<i32>} : memref<80x128xbf16, #tpu.memory_space<vmem>>, vector<32xbf16>,
        tpu.vector_store %arg11[%swap3A_490, %swap3A_491], %mul3A_489 {strides = array<i32>} : memref<80x128xbf16, #tpu.memory_space<vmem>>, vector<32xbf16>,
        %get3A_493 = arith.index_cast %add3A_474 : i32 to index
        %get3A_494 = arith.constant 64 : index
        %get3A_495 = tpu.vector_load %arg11[%get3A_493, %get3A_494] {strides = array<i32>} : memref<80x128xbf16, #tpu.memory_space<vmem>>, vector<32xbf16>,
        %mul3A_496 = arith.mulf %get3A_495, %pack3A_478 : vector<32xbf16>
        %swap3A_497 = arith.index_cast %add3A_474 : i32 to index
        %swap3A_498 = arith.constant 64 : index
        %swap3A_499 = tpu.vector_load %arg11[%swap3A_497, %swap3A_498] {strides = array<i32>} : memref<80x128xbf16, #tpu.memory_space<vmem>>, vector<32xbf16>,
        tpu.vector_store %arg11[%swap3A_497, %swap3A_498], %mul3A_496 {strides = array<i32>} : memref<80x128xbf16, #tpu.memory_space<vmem>>, vector<32xbf16>,
        %get3A_500 = arith.index_cast %add3A_474 : i32 to index
        %get3A_501 = arith.constant 96 : index
        %get3A_502 = tpu.vector_load %arg11[%get3A_500, %get3A_501] {strides = array<i32>} : memref<80x128xbf16, #tpu.memory_space<vmem>>, vector<32xbf16>,
        %mul3A_503 = arith.mulf %get3A_502, %pack3A_478 : vector<32xbf16>
        %swap3A_504 = arith.index_cast %add3A_474 : i32 to index
        %swap3A_505 = arith.constant 96 : index
        %swap3A_506 = tpu.vector_load %arg11[%swap3A_504, %swap3A_505] {strides = array<i32>} : memref<80x128xbf16, #tpu.memory_space<vmem>>, vector<32xbf16>,
        tpu.vector_store %arg11[%swap3A_504, %swap3A_505], %mul3A_503 {strides = array<i32>} : memref<80x128xbf16, #tpu.memory_space<vmem>>, vector<32xbf16>,
        %add3A_507 = arith.constant 5 : i32
        %add3A_508 = arith.addi %mul3A_341, %add3A_507 : i32
        %broadcast_in_dim3A_509 = vector.broadcast %add3A_225 : i32 to vector<16xi32>
        %broadcast_in_dim3A_510 = vector.broadcast %add3A_508 : i32 to vector<16xi32>
        %gather3A_511 = tpu.vector_load_idx %arg9[%broadcast_in_dim3A_509, %broadcast_in_dim3A_510] : memref<125x80xf32, #tpu.memory_space<vmem>>[vector<16xi32>, vector<16xi32>], vector<16xf32>,
        %pack3A_512 = tpu.pack_subelements %gather3A_511, %gather3A_511 {pack_format = #tpu.pack_format<interleaved>, positions = array<i32: 0, 1>} : vector<16xf32>, vector<16xf32> -> vector<32xbf16>
        %get3A_513 = arith.index_cast %add3A_508 : i32 to index
        %get3A_514 = arith.constant 0 : index
        %get3A_515 = tpu.vector_load %arg11[%get3A_513, %get3A_514] {strides = array<i32>} : memref<80x128xbf16, #tpu.memory_space<vmem>>, vector<32xbf16>,
        %mul3A_516 = arith.mulf %get3A_515, %pack3A_512 : vector<32xbf16>
        %swap3A_517 = arith.index_cast %add3A_508 : i32 to index
        %swap3A_518 = arith.constant 0 : index
        %swap3A_519 = tpu.vector_load %arg11[%swap3A_517, %swap3A_518] {strides = array<i32>} : memref<80x128xbf16, #tpu.memory_space<vmem>>, vector<32xbf16>,
        tpu.vector_store %arg11[%swap3A_517, %swap3A_518], %mul3A_516 {strides = array<i32>} : memref<80x128xbf16, #tpu.memory_space<vmem>>, vector<32xbf16>,
        %get3A_520 = arith.index_cast %add3A_508 : i32 to index
        %get3A_521 = arith.constant 32 : index
        %get3A_522 = tpu.vector_load %arg11[%get3A_520, %get3A_521] {strides = array<i32>} : memref<80x128xbf16, #tpu.memory_space<vmem>>, vector<32xbf16>,
        %mul3A_523 = arith.mulf %get3A_522, %pack3A_512 : vector<32xbf16>
        %swap3A_524 = arith.index_cast %add3A_508 : i32 to index
        %swap3A_525 = arith.constant 32 : index
        %swap3A_526 = tpu.vector_load %arg11[%swap3A_524, %swap3A_525] {strides = array<i32>} : memref<80x128xbf16, #tpu.memory_space<vmem>>, vector<32xbf16>,
        tpu.vector_store %arg11[%swap3A_524, %swap3A_525], %mul3A_523 {strides = array<i32>} : memref<80x128xbf16, #tpu.memory_space<vmem>>, vector<32xbf16>,
        %get3A_527 = arith.index_cast %add3A_508 : i32 to index
        %get3A_528 = arith.constant 64 : index
        %get3A_529 = tpu.vector_load %arg11[%get3A_527, %get3A_528] {strides = array<i32>} : memref<80x128xbf16, #tpu.memory_space<vmem>>, vector<32xbf16>,
        %mul3A_530 = arith.mulf %get3A_529, %pack3A_512 : vector<32xbf16>
        %swap3A_531 = arith.index_cast %add3A_508 : i32 to index
        %swap3A_532 = arith.constant 64 : index
        %swap3A_533 = tpu.vector_load %arg11[%swap3A_531, %swap3A_532] {strides = array<i32>} : memref<80x128xbf16, #tpu.memory_space<vmem>>, vector<32xbf16>,
        tpu.vector_store %arg11[%swap3A_531, %swap3A_532], %mul3A_530 {strides = array<i32>} : memref<80x128xbf16, #tpu.memory_space<vmem>>, vector<32xbf16>,
        %get3A_534 = arith.index_cast %add3A_508 : i32 to index
        %get3A_535 = arith.constant 96 : index
        %get3A_536 = tpu.vector_load %arg11[%get3A_534, %get3A_535] {strides = array<i32>} : memref<80x128xbf16, #tpu.memory_space<vmem>>, vector<32xbf16>,
        %mul3A_537 = arith.mulf %get3A_536, %pack3A_512 : vector<32xbf16>
        %swap3A_538 = arith.index_cast %add3A_508 : i32 to index
        %swap3A_539 = arith.constant 96 : index
        %swap3A_540 = tpu.vector_load %arg11[%swap3A_538, %swap3A_539] {strides = array<i32>} : memref<80x128xbf16, #tpu.memory_space<vmem>>, vector<32xbf16>,
        tpu.vector_store %arg11[%swap3A_538, %swap3A_539], %mul3A_537 {strides = array<i32>} : memref<80x128xbf16, #tpu.memory_space<vmem>>, vector<32xbf16>,
        %add3A_541 = arith.constant 6 : i32
        %add3A_542 = arith.addi %mul3A_341, %add3A_541 : i32
        %broadcast_in_dim3A_543 = vector.broadcast %add3A_225 : i32 to vector<16xi32>
        %broadcast_in_dim3A_544 = vector.broadcast %add3A_542 : i32 to vector<16xi32>
        %gather3A_545 = tpu.vector_load_idx %arg9[%broadcast_in_dim3A_543, %broadcast_in_dim3A_544] : memref<125x80xf32, #tpu.memory_space<vmem>>[vector<16xi32>, vector<16xi32>], vector<16xf32>,
        %pack3A_546 = tpu.pack_subelements %gather3A_545, %gather3A_545 {pack_format = #tpu.pack_format<interleaved>, positions = array<i32: 0, 1>} : vector<16xf32>, vector<16xf32> -> vector<32xbf16>
        %get3A_547 = arith.index_cast %add3A_542 : i32 to index
        %get3A_548 = arith.constant 0 : index
        %get3A_549 = tpu.vector_load %arg11[%get3A_547, %get3A_548] {strides = array<i32>} : memref<80x128xbf16, #tpu.memory_space<vmem>>, vector<32xbf16>,
        %mul3A_550 = arith.mulf %get3A_549, %pack3A_546 : vector<32xbf16>
        %swap3A_551 = arith.index_cast %add3A_542 : i32 to index
        %swap3A_552 = arith.constant 0 : index
        %swap3A_553 = tpu.vector_load %arg11[%swap3A_551, %swap3A_552] {strides = array<i32>} : memref<80x128xbf16, #tpu.memory_space<vmem>>, vector<32xbf16>,
        tpu.vector_store %arg11[%swap3A_551, %swap3A_552], %mul3A_550 {strides = array<i32>} : memref<80x128xbf16, #tpu.memory_space<vmem>>, vector<32xbf16>,
        %get3A_554 = arith.index_cast %add3A_542 : i32 to index
        %get3A_555 = arith.constant 32 : index
        %get3A_556 = tpu.vector_load %arg11[%get3A_554, %get3A_555] {strides = array<i32>} : memref<80x128xbf16, #tpu.memory_space<vmem>>, vector<32xbf16>,
        %mul3A_557 = arith.mulf %get3A_556, %pack3A_546 : vector<32xbf16>
        %swap3A_558 = arith.index_cast %add3A_542 : i32 to index
        %swap3A_559 = arith.constant 32 : index
        %swap3A_560 = tpu.vector_load %arg11[%swap3A_558, %swap3A_559] {strides = array<i32>} : memref<80x128xbf16, #tpu.memory_space<vmem>>, vector<32xbf16>,
        tpu.vector_store %arg11[%swap3A_558, %swap3A_559], %mul3A_557 {strides = array<i32>} : memref<80x128xbf16, #tpu.memory_space<vmem>>, vector<32xbf16>,
        %get3A_561 = arith.index_cast %add3A_542 : i32 to index
        %get3A_562 = arith.constant 64 : index
        %get3A_563 = tpu.vector_load %arg11[%get3A_561, %get3A_562] {strides = array<i32>} : memref<80x128xbf16, #tpu.memory_space<vmem>>, vector<32xbf16>,
        %mul3A_564 = arith.mulf %get3A_563, %pack3A_546 : vector<32xbf16>
        %swap3A_565 = arith.index_cast %add3A_542 : i32 to index
        %swap3A_566 = arith.constant 64 : index
        %swap3A_567 = tpu.vector_load %arg11[%swap3A_565, %swap3A_566] {strides = array<i32>} : memref<80x128xbf16, #tpu.memory_space<vmem>>, vector<32xbf16>,
        tpu.vector_store %arg11[%swap3A_565, %swap3A_566], %mul3A_564 {strides = array<i32>} : memref<80x128xbf16, #tpu.memory_space<vmem>>, vector<32xbf16>,
        %get3A_568 = arith.index_cast %add3A_542 : i32 to index
        %get3A_569 = arith.constant 96 : index
        %get3A_570 = tpu.vector_load %arg11[%get3A_568, %get3A_569] {strides = array<i32>} : memref<80x128xbf16, #tpu.memory_space<vmem>>, vector<32xbf16>,
        %mul3A_571 = arith.mulf %get3A_570, %pack3A_546 : vector<32xbf16>
        %swap3A_572 = arith.index_cast %add3A_542 : i32 to index
        %swap3A_573 = arith.constant 96 : index
        %swap3A_574 = tpu.vector_load %arg11[%swap3A_572, %swap3A_573] {strides = array<i32>} : memref<80x128xbf16, #tpu.memory_space<vmem>>, vector<32xbf16>,
        tpu.vector_store %arg11[%swap3A_572, %swap3A_573], %mul3A_571 {strides = array<i32>} : memref<80x128xbf16, #tpu.memory_space<vmem>>, vector<32xbf16>,
        %add3A_575 = arith.constant 7 : i32
        %add3A_576 = arith.addi %mul3A_341, %add3A_575 : i32
        %broadcast_in_dim3A_577 = vector.broadcast %add3A_225 : i32 to vector<16xi32>
        %broadcast_in_dim3A_578 = vector.broadcast %add3A_576 : i32 to vector<16xi32>
        %gather3A_579 = tpu.vector_load_idx %arg9[%broadcast_in_dim3A_577, %broadcast_in_dim3A_578] : memref<125x80xf32, #tpu.memory_space<vmem>>[vector<16xi32>, vector<16xi32>], vector<16xf32>,
        %pack3A_580 = tpu.pack_subelements %gather3A_579, %gather3A_579 {pack_format = #tpu.pack_format<interleaved>, positions = array<i32: 0, 1>} : vector<16xf32>, vector<16xf32> -> vector<32xbf16>
        %get3A_581 = arith.index_cast %add3A_576 : i32 to index
        %get3A_582 = arith.constant 0 : index
        %get3A_583 = tpu.vector_load %arg11[%get3A_581, %get3A_582] {strides = array<i32>} : memref<80x128xbf16, #tpu.memory_space<vmem>>, vector<32xbf16>,
        %mul3A_584 = arith.mulf %get3A_583, %pack3A_580 : vector<32xbf16>
        %swap3A_585 = arith.index_cast %add3A_576 : i32 to index
        %swap3A_586 = arith.constant 0 : index
        %swap3A_587 = tpu.vector_load %arg11[%swap3A_585, %swap3A_586] {strides = array<i32>} : memref<80x128xbf16, #tpu.memory_space<vmem>>, vector<32xbf16>,
        tpu.vector_store %arg11[%swap3A_585, %swap3A_586], %mul3A_584 {strides = array<i32>} : memref<80x128xbf16, #tpu.memory_space<vmem>>, vector<32xbf16>,
        %get3A_588 = arith.index_cast %add3A_576 : i32 to index
        %get3A_589 = arith.constant 32 : index
        %get3A_590 = tpu.vector_load %arg11[%get3A_588, %get3A_589] {strides = array<i32>} : memref<80x128xbf16, #tpu.memory_space<vmem>>, vector<32xbf16>,
        %mul3A_591 = arith.mulf %get3A_590, %pack3A_580 : vector<32xbf16>
        %swap3A_592 = arith.index_cast %add3A_576 : i32 to index
        %swap3A_593 = arith.constant 32 : index
        %swap3A_594 = tpu.vector_load %arg11[%swap3A_592, %swap3A_593] {strides = array<i32>} : memref<80x128xbf16, #tpu.memory_space<vmem>>, vector<32xbf16>,
        tpu.vector_store %arg11[%swap3A_592, %swap3A_593], %mul3A_591 {strides = array<i32>} : memref<80x128xbf16, #tpu.memory_space<vmem>>, vector<32xbf16>,
        %get3A_595 = arith.index_cast %add3A_576 : i32 to index
        %get3A_596 = arith.constant 64 : index
        %get3A_597 = tpu.vector_load %arg11[%get3A_595, %get3A_596] {strides = array<i32>} : memref<80x128xbf16, #tpu.memory_space<vmem>>, vector<32xbf16>,
        %mul3A_598 = arith.mulf %get3A_597, %pack3A_580 : vector<32xbf16>
        %swap3A_599 = arith.index_cast %add3A_576 : i32 to index
        %swap3A_600 = arith.constant 64 : index
        %swap3A_601 = tpu.vector_load %arg11[%swap3A_599, %swap3A_600] {strides = array<i32>} : memref<80x128xbf16, #tpu.memory_space<vmem>>, vector<32xbf16>,
        tpu.vector_store %arg11[%swap3A_599, %swap3A_600], %mul3A_598 {strides = array<i32>} : memref<80x128xbf16, #tpu.memory_space<vmem>>, vector<32xbf16>,
        %get3A_602 = arith.index_cast %add3A_576 : i32 to index
        %get3A_603 = arith.constant 96 : index
        %get3A_604 = tpu.vector_load %arg11[%get3A_602, %get3A_603] {strides = array<i32>} : memref<80x128xbf16, #tpu.memory_space<vmem>>, vector<32xbf16>,
        %mul3A_605 = arith.mulf %get3A_604, %pack3A_580 : vector<32xbf16>
        %swap3A_606 = arith.index_cast %add3A_576 : i32 to index
        %swap3A_607 = arith.constant 96 : index
        %swap3A_608 = tpu.vector_load %arg11[%swap3A_606, %swap3A_607] {strides = array<i32>} : memref<80x128xbf16, #tpu.memory_space<vmem>>, vector<32xbf16>,
        tpu.vector_store %arg11[%swap3A_606, %swap3A_607], %mul3A_605 {strides = array<i32>} : memref<80x128xbf16, #tpu.memory_space<vmem>>, vector<32xbf16>,
      }
      %scan3A_237 = arith.constant 10 : i32
      %dma_start3A_238 = arith.constant 0 : i32
      %dma_start3A_239 = tpu.memref_slice %arg8[%add3A_225, %dma_start3A_238] : memref<125x80xi32, #tpu.memory_space<vmem>> -> memref<1x80xi32, #tpu.memory_space<vmem>>
      %dma_start3A_240 = tpu.memref_squeeze %dma_start3A_239 : memref<1x80xi32, #tpu.memory_space<vmem>> -> memref<80xi32, #tpu.memory_space<vmem>>
      %dma_start3A_241 = arith.constant 0 : i32
      %dma_start3A_242 = arith.constant 0 : i32
      %dma_start3A_243 = tpu.memref_slice %arg13[%dma_start3A_241, %dma_start3A_242] : memref<10000x128xbf16, #tpu.memory_space<vmem_shared>> -> memref<10000x128xbf16, #tpu.memory_space<vmem_shared>>
      tpu.enqueue_indirect_dma source(%arg11 : memref<80x128xbf16, #tpu.memory_space<vmem>>) target(%dma_start3A_243 : memref<10000x128xbf16, #tpu.memory_space<vmem_shared>>) offsets(%dma_start3A_240 : memref<80xi32, #tpu.memory_space<vmem>>) semaphore(%arg18 : memref<!tpu.dma_semaphore, #tpu.memory_space<semaphore_mem>>) {add = true}
      %sub3A = arith.constant 1 : i32
      %sub3A_244 = arith.subi %add3A_225, %sub3A : i32
      %dma_wait3A_245 = arith.constant 0 : i32
      %dma_wait3A_246 = tpu.memref_slice %arg8[%sub3A_244, %dma_wait3A_245] : memref<125x80xi32, #tpu.memory_space<vmem>> -> memref<1x80xi32, #tpu.memory_space<vmem>>
      %dma_wait3A_247 = tpu.memref_squeeze %dma_wait3A_246 : memref<1x80xi32, #tpu.memory_space<vmem>> -> memref<80xi32, #tpu.memory_space<vmem>>
      %dma_wait3A_248 = arith.constant 0 : i32
      %dma_wait3A_249 = arith.constant 0 : i32
      %dma_wait3A_250 = tpu.memref_slice %arg13[%dma_wait3A_248, %dma_wait3A_249] : memref<10000x128xbf16, #tpu.memory_space<vmem_shared>> -> memref<10000x128xbf16, #tpu.memory_space<vmem_shared>>
      tpu.wait_indirect_dma semaphore(%arg17 : memref<!tpu.dma_semaphore, #tpu.memory_space<semaphore_mem>>) src(%arg10 : memref<80x128xbf16, #tpu.memory_space<vmem>>) dst(%dma_wait3A_250 : memref<10000x128xbf16, #tpu.memory_space<vmem_shared>>)
      %add3A_251 = arith.constant 2 : i32
      %add3A_252 = arith.addi %add3A_225, %add3A_251 : i32
      %dma_start3A_253 = arith.constant 0 : i32
      %dma_start3A_254 = tpu.memref_slice %arg7[%add3A_252, %dma_start3A_253] : memref<125x80xi32, #tpu.memory_space<vmem>> -> memref<1x80xi32, #tpu.memory_space<vmem>>
      %dma_start3A_255 = tpu.memref_squeeze %dma_start3A_254 : memref<1x80xi32, #tpu.memory_space<vmem>> -> memref<80xi32, #tpu.memory_space<vmem>>
      %dma_start3A_256 = arith.constant 0 : i32
      %dma_start3A_257 = arith.constant 0 : i32
      %dma_start3A_258 = tpu.memref_slice %arg2[%dma_start3A_256, %dma_start3A_257] : memref<10000x128xbf16, #tpu.memory_space<hbm>> -> memref<10000x128xbf16, #tpu.memory_space<hbm>>
      tpu.enqueue_indirect_dma source(%dma_start3A_258 : memref<10000x128xbf16, #tpu.memory_space<hbm>>) target(%arg10 : memref<80x128xbf16, #tpu.memory_space<vmem>>) offsets(%dma_start3A_255 : memref<80xi32, #tpu.memory_space<vmem>>) semaphore(%arg14 : memref<!tpu.dma_semaphore, #tpu.memory_space<semaphore_mem>>)
      %mul3A_259 = arith.constant 3 : i32
      %mul3A_260 = arith.muli %mul3A_259, %scan3A_219 : i32
      %add3A_261 = arith.constant 1 : i32
      %add3A_262 = arith.addi %mul3A_260, %add3A_261 : i32
      %add3A_263 = arith.constant 1 : i32
      %add3A_264 = arith.addi %add3A_262, %add3A_263 : i32
      %dma_wait3A_265 = arith.constant 0 : i32
      %dma_wait3A_266 = tpu.memref_slice %arg7[%add3A_264, %dma_wait3A_265] : memref<125x80xi32, #tpu.memory_space<vmem>> -> memref<1x80xi32, #tpu.memory_space<vmem>>
      %dma_wait3A_267 = tpu.memref_squeeze %dma_wait3A_266 : memref<1x80xi32, #tpu.memory_space<vmem>> -> memref<80xi32, #tpu.memory_space<vmem>>
      %dma_wait3A_268 = arith.constant 0 : i32
      %dma_wait3A_269 = arith.constant 0 : i32
      %dma_wait3A_270 = tpu.memref_slice %arg2[%dma_wait3A_268, %dma_wait3A_269] : memref<10000x128xbf16, #tpu.memory_space<hbm>> -> memref<10000x128xbf16, #tpu.memory_space<hbm>>
      tpu.wait_indirect_dma semaphore(%arg16 : memref<!tpu.dma_semaphore, #tpu.memory_space<semaphore_mem>>) src(%dma_wait3A_270 : memref<10000x128xbf16, #tpu.memory_space<hbm>>) dst(%arg12 : memref<80x128xbf16, #tpu.memory_space<vmem>>)
      %scan3A_271 = arith.constant 0 : i32
      %scan3A_272 = arith.constant 0 : i32
      %scan3A_273 = arith.constant 10 : i32
      %scan3A_274 = arith.addi %scan3A_272, %scan3A_273 : i32
      %scan3A_275 = arith.constant 1 : i32
      scf.for %scan3A_339 = %scan3A_272 to %scan3A_274 step %scan3A_275  : i32 {
        %mul3A_340 = arith.constant 8 : i32
        %mul3A_341 = arith.muli %scan3A_339, %mul3A_340 : i32
        %add3A_342 = arith.constant 0 : i32
        %add3A_343 = arith.addi %mul3A_341, %add3A_342 : i32
        %broadcast_in_dim3A = vector.broadcast %add3A_264 : i32 to vector<16xi32>
        %broadcast_in_dim3A_344 = vector.broadcast %add3A_343 : i32 to vector<16xi32>
        %gather3A = tpu.vector_load_idx %arg9[%broadcast_in_dim3A, %broadcast_in_dim3A_344] : memref<125x80xf32, #tpu.memory_space<vmem>>[vector<16xi32>, vector<16xi32>], vector<16xf32>,
        %pack3A = tpu.pack_subelements %gather3A, %gather3A {pack_format = #tpu.pack_format<interleaved>, positions = array<i32: 0, 1>} : vector<16xf32>, vector<16xf32> -> vector<32xbf16>
        %get3A = arith.index_cast %add3A_343 : i32 to index
        %get3A_345 = arith.constant 0 : index
        %get3A_346 = tpu.vector_load %arg12[%get3A, %get3A_345] {strides = array<i32>} : memref<80x128xbf16, #tpu.memory_space<vmem>>, vector<32xbf16>,
        %mul3A_347 = arith.mulf %get3A_346, %pack3A : vector<32xbf16>
        %swap3A = arith.index_cast %add3A_343 : i32 to index
        %swap3A_348 = arith.constant 0 : index
        %swap3A_349 = tpu.vector_load %arg12[%swap3A, %swap3A_348] {strides = array<i32>} : memref<80x128xbf16, #tpu.memory_space<vmem>>, vector<32xbf16>,
        tpu.vector_store %arg12[%swap3A, %swap3A_348], %mul3A_347 {strides = array<i32>} : memref<80x128xbf16, #tpu.memory_space<vmem>>, vector<32xbf16>,
        %get3A_350 = arith.index_cast %add3A_343 : i32 to index
        %get3A_351 = arith.constant 32 : index
        %get3A_352 = tpu.vector_load %arg12[%get3A_350, %get3A_351] {strides = array<i32>} : memref<80x128xbf16, #tpu.memory_space<vmem>>, vector<32xbf16>,
        %mul3A_353 = arith.mulf %get3A_352, %pack3A : vector<32xbf16>
        %swap3A_354 = arith.index_cast %add3A_343 : i32 to index
        %swap3A_355 = arith.constant 32 : index
        %swap3A_356 = tpu.vector_load %arg12[%swap3A_354, %swap3A_355] {strides = array<i32>} : memref<80x128xbf16, #tpu.memory_space<vmem>>, vector<32xbf16>,
        tpu.vector_store %arg12[%swap3A_354, %swap3A_355], %mul3A_353 {strides = array<i32>} : memref<80x128xbf16, #tpu.memory_space<vmem>>, vector<32xbf16>,
        %get3A_357 = arith.index_cast %add3A_343 : i32 to index
        %get3A_358 = arith.constant 64 : index
        %get3A_359 = tpu.vector_load %arg12[%get3A_357, %get3A_358] {strides = array<i32>} : memref<80x128xbf16, #tpu.memory_space<vmem>>, vector<32xbf16>,
        %mul3A_360 = arith.mulf %get3A_359, %pack3A : vector<32xbf16>
        %swap3A_361 = arith.index_cast %add3A_343 : i32 to index
        %swap3A_362 = arith.constant 64 : index
        %swap3A_363 = tpu.vector_load %arg12[%swap3A_361, %swap3A_362] {strides = array<i32>} : memref<80x128xbf16, #tpu.memory_space<vmem>>, vector<32xbf16>,
        tpu.vector_store %arg12[%swap3A_361, %swap3A_362], %mul3A_360 {strides = array<i32>} : memref<80x128xbf16, #tpu.memory_space<vmem>>, vector<32xbf16>,
        %get3A_364 = arith.index_cast %add3A_343 : i32 to index
        %get3A_365 = arith.constant 96 : index
        %get3A_366 = tpu.vector_load %arg12[%get3A_364, %get3A_365] {strides = array<i32>} : memref<80x128xbf16, #tpu.memory_space<vmem>>, vector<32xbf16>,
        %mul3A_367 = arith.mulf %get3A_366, %pack3A : vector<32xbf16>
        %swap3A_368 = arith.index_cast %add3A_343 : i32 to index
        %swap3A_369 = arith.constant 96 : index
        %swap3A_370 = tpu.vector_load %arg12[%swap3A_368, %swap3A_369] {strides = array<i32>} : memref<80x128xbf16, #tpu.memory_space<vmem>>, vector<32xbf16>,
        tpu.vector_store %arg12[%swap3A_368, %swap3A_369], %mul3A_367 {strides = array<i32>} : memref<80x128xbf16, #tpu.memory_space<vmem>>, vector<32xbf16>,
        %add3A_371 = arith.constant 1 : i32
        %add3A_372 = arith.addi %mul3A_341, %add3A_371 : i32
        %broadcast_in_dim3A_373 = vector.broadcast %add3A_264 : i32 to vector<16xi32>
        %broadcast_in_dim3A_374 = vector.broadcast %add3A_372 : i32 to vector<16xi32>
        %gather3A_375 = tpu.vector_load_idx %arg9[%broadcast_in_dim3A_373, %broadcast_in_dim3A_374] : memref<125x80xf32, #tpu.memory_space<vmem>>[vector<16xi32>, vector<16xi32>], vector<16xf32>,
        %pack3A_376 = tpu.pack_subelements %gather3A_375, %gather3A_375 {pack_format = #tpu.pack_format<interleaved>, positions = array<i32: 0, 1>} : vector<16xf32>, vector<16xf32> -> vector<32xbf16>
        %get3A_377 = arith.index_cast %add3A_372 : i32 to index
        %get3A_378 = arith.constant 0 : index
        %get3A_379 = tpu.vector_load %arg12[%get3A_377, %get3A_378] {strides = array<i32>} : memref<80x128xbf16, #tpu.memory_space<vmem>>, vector<32xbf16>,
        %mul3A_380 = arith.mulf %get3A_379, %pack3A_376 : vector<32xbf16>
        %swap3A_381 = arith.index_cast %add3A_372 : i32 to index
        %swap3A_382 = arith.constant 0 : index
        %swap3A_383 = tpu.vector_load %arg12[%swap3A_381, %swap3A_382] {strides = array<i32>} : memref<80x128xbf16, #tpu.memory_space<vmem>>, vector<32xbf16>,
        tpu.vector_store %arg12[%swap3A_381, %swap3A_382], %mul3A_380 {strides = array<i32>} : memref<80x128xbf16, #tpu.memory_space<vmem>>, vector<32xbf16>,
        %get3A_384 = arith.index_cast %add3A_372 : i32 to index
        %get3A_385 = arith.constant 32 : index
        %get3A_386 = tpu.vector_load %arg12[%get3A_384, %get3A_385] {strides = array<i32>} : memref<80x128xbf16, #tpu.memory_space<vmem>>, vector<32xbf16>,
        %mul3A_387 = arith.mulf %get3A_386, %pack3A_376 : vector<32xbf16>
        %swap3A_388 = arith.index_cast %add3A_372 : i32 to index
        %swap3A_389 = arith.constant 32 : index
        %swap3A_390 = tpu.vector_load %arg12[%swap3A_388, %swap3A_389] {strides = array<i32>} : memref<80x128xbf16, #tpu.memory_space<vmem>>, vector<32xbf16>,
        tpu.vector_store %arg12[%swap3A_388, %swap3A_389], %mul3A_387 {strides = array<i32>} : memref<80x128xbf16, #tpu.memory_space<vmem>>, vector<32xbf16>,
        %get3A_391 = arith.index_cast %add3A_372 : i32 to index
        %get3A_392 = arith.constant 64 : index
        %get3A_393 = tpu.vector_load %arg12[%get3A_391, %get3A_392] {strides = array<i32>} : memref<80x128xbf16, #tpu.memory_space<vmem>>, vector<32xbf16>,
        %mul3A_394 = arith.mulf %get3A_393, %pack3A_376 : vector<32xbf16>
        %swap3A_395 = arith.index_cast %add3A_372 : i32 to index
        %swap3A_396 = arith.constant 64 : index
        %swap3A_397 = tpu.vector_load %arg12[%swap3A_395, %swap3A_396] {strides = array<i32>} : memref<80x128xbf16, #tpu.memory_space<vmem>>, vector<32xbf16>,
        tpu.vector_store %arg12[%swap3A_395, %swap3A_396], %mul3A_394 {strides = array<i32>} : memref<80x128xbf16, #tpu.memory_space<vmem>>, vector<32xbf16>,
        %get3A_398 = arith.index_cast %add3A_372 : i32 to index
        %get3A_399 = arith.constant 96 : index
        %get3A_400 = tpu.vector_load %arg12[%get3A_398, %get3A_399] {strides = array<i32>} : memref<80x128xbf16, #tpu.memory_space<vmem>>, vector<32xbf16>,
        %mul3A_401 = arith.mulf %get3A_400, %pack3A_376 : vector<32xbf16>
        %swap3A_402 = arith.index_cast %add3A_372 : i32 to index
        %swap3A_403 = arith.constant 96 : index
        %swap3A_404 = tpu.vector_load %arg12[%swap3A_402, %swap3A_403] {strides = array<i32>} : memref<80x128xbf16, #tpu.memory_space<vmem>>, vector<32xbf16>,
        tpu.vector_store %arg12[%swap3A_402, %swap3A_403], %mul3A_401 {strides = array<i32>} : memref<80x128xbf16, #tpu.memory_space<vmem>>, vector<32xbf16>,
        %add3A_405 = arith.constant 2 : i32
        %add3A_406 = arith.addi %mul3A_341, %add3A_405 : i32
        %broadcast_in_dim3A_407 = vector.broadcast %add3A_264 : i32 to vector<16xi32>
        %broadcast_in_dim3A_408 = vector.broadcast %add3A_406 : i32 to vector<16xi32>
        %gather3A_409 = tpu.vector_load_idx %arg9[%broadcast_in_dim3A_407, %broadcast_in_dim3A_408] : memref<125x80xf32, #tpu.memory_space<vmem>>[vector<16xi32>, vector<16xi32>], vector<16xf32>,
        %pack3A_410 = tpu.pack_subelements %gather3A_409, %gather3A_409 {pack_format = #tpu.pack_format<interleaved>, positions = array<i32: 0, 1>} : vector<16xf32>, vector<16xf32> -> vector<32xbf16>
        %get3A_411 = arith.index_cast %add3A_406 : i32 to index
        %get3A_412 = arith.constant 0 : index
        %get3A_413 = tpu.vector_load %arg12[%get3A_411, %get3A_412] {strides = array<i32>} : memref<80x128xbf16, #tpu.memory_space<vmem>>, vector<32xbf16>,
        %mul3A_414 = arith.mulf %get3A_413, %pack3A_410 : vector<32xbf16>
        %swap3A_415 = arith.index_cast %add3A_406 : i32 to index
        %swap3A_416 = arith.constant 0 : index
        %swap3A_417 = tpu.vector_load %arg12[%swap3A_415, %swap3A_416] {strides = array<i32>} : memref<80x128xbf16, #tpu.memory_space<vmem>>, vector<32xbf16>,
        tpu.vector_store %arg12[%swap3A_415, %swap3A_416], %mul3A_414 {strides = array<i32>} : memref<80x128xbf16, #tpu.memory_space<vmem>>, vector<32xbf16>,
        %get3A_418 = arith.index_cast %add3A_406 : i32 to index
        %get3A_419 = arith.constant 32 : index
        %get3A_420 = tpu.vector_load %arg12[%get3A_418, %get3A_419] {strides = array<i32>} : memref<80x128xbf16, #tpu.memory_space<vmem>>, vector<32xbf16>,
        %mul3A_421 = arith.mulf %get3A_420, %pack3A_410 : vector<32xbf16>
        %swap3A_422 = arith.index_cast %add3A_406 : i32 to index
        %swap3A_423 = arith.constant 32 : index
        %swap3A_424 = tpu.vector_load %arg12[%swap3A_422, %swap3A_423] {strides = array<i32>} : memref<80x128xbf16, #tpu.memory_space<vmem>>, vector<32xbf16>,
        tpu.vector_store %arg12[%swap3A_422, %swap3A_423], %mul3A_421 {strides = array<i32>} : memref<80x128xbf16, #tpu.memory_space<vmem>>, vector<32xbf16>,
        %get3A_425 = arith.index_cast %add3A_406 : i32 to index
        %get3A_426 = arith.constant 64 : index
        %get3A_427 = tpu.vector_load %arg12[%get3A_425, %get3A_426] {strides = array<i32>} : memref<80x128xbf16, #tpu.memory_space<vmem>>, vector<32xbf16>,
        %mul3A_428 = arith.mulf %get3A_427, %pack3A_410 : vector<32xbf16>
        %swap3A_429 = arith.index_cast %add3A_406 : i32 to index
        %swap3A_430 = arith.constant 64 : index
        %swap3A_431 = tpu.vector_load %arg12[%swap3A_429, %swap3A_430] {strides = array<i32>} : memref<80x128xbf16, #tpu.memory_space<vmem>>, vector<32xbf16>,
        tpu.vector_store %arg12[%swap3A_429, %swap3A_430], %mul3A_428 {strides = array<i32>} : memref<80x128xbf16, #tpu.memory_space<vmem>>, vector<32xbf16>,
        %get3A_432 = arith.index_cast %add3A_406 : i32 to index
        %get3A_433 = arith.constant 96 : index
        %get3A_434 = tpu.vector_load %arg12[%get3A_432, %get3A_433] {strides = array<i32>} : memref<80x128xbf16, #tpu.memory_space<vmem>>, vector<32xbf16>,
        %mul3A_435 = arith.mulf %get3A_434, %pack3A_410 : vector<32xbf16>
        %swap3A_436 = arith.index_cast %add3A_406 : i32 to index
        %swap3A_437 = arith.constant 96 : index
        %swap3A_438 = tpu.vector_load %arg12[%swap3A_436, %swap3A_437] {strides = array<i32>} : memref<80x128xbf16, #tpu.memory_space<vmem>>, vector<32xbf16>,
        tpu.vector_store %arg12[%swap3A_436, %swap3A_437], %mul3A_435 {strides = array<i32>} : memref<80x128xbf16, #tpu.memory_space<vmem>>, vector<32xbf16>,
        %add3A_439 = arith.constant 3 : i32
        %add3A_440 = arith.addi %mul3A_341, %add3A_439 : i32
        %broadcast_in_dim3A_441 = vector.broadcast %add3A_264 : i32 to vector<16xi32>
        %broadcast_in_dim3A_442 = vector.broadcast %add3A_440 : i32 to vector<16xi32>
        %gather3A_443 = tpu.vector_load_idx %arg9[%broadcast_in_dim3A_441, %broadcast_in_dim3A_442] : memref<125x80xf32, #tpu.memory_space<vmem>>[vector<16xi32>, vector<16xi32>], vector<16xf32>,
        %pack3A_444 = tpu.pack_subelements %gather3A_443, %gather3A_443 {pack_format = #tpu.pack_format<interleaved>, positions = array<i32: 0, 1>} : vector<16xf32>, vector<16xf32> -> vector<32xbf16>
        %get3A_445 = arith.index_cast %add3A_440 : i32 to index
        %get3A_446 = arith.constant 0 : index
        %get3A_447 = tpu.vector_load %arg12[%get3A_445, %get3A_446] {strides = array<i32>} : memref<80x128xbf16, #tpu.memory_space<vmem>>, vector<32xbf16>,
        %mul3A_448 = arith.mulf %get3A_447, %pack3A_444 : vector<32xbf16>
        %swap3A_449 = arith.index_cast %add3A_440 : i32 to index
        %swap3A_450 = arith.constant 0 : index
        %swap3A_451 = tpu.vector_load %arg12[%swap3A_449, %swap3A_450] {strides = array<i32>} : memref<80x128xbf16, #tpu.memory_space<vmem>>, vector<32xbf16>,
        tpu.vector_store %arg12[%swap3A_449, %swap3A_450], %mul3A_448 {strides = array<i32>} : memref<80x128xbf16, #tpu.memory_space<vmem>>, vector<32xbf16>,
        %get3A_452 = arith.index_cast %add3A_440 : i32 to index
        %get3A_453 = arith.constant 32 : index
        %get3A_454 = tpu.vector_load %arg12[%get3A_452, %get3A_453] {strides = array<i32>} : memref<80x128xbf16, #tpu.memory_space<vmem>>, vector<32xbf16>,
        %mul3A_455 = arith.mulf %get3A_454, %pack3A_444 : vector<32xbf16>
        %swap3A_456 = arith.index_cast %add3A_440 : i32 to index
        %swap3A_457 = arith.constant 32 : index
        %swap3A_458 = tpu.vector_load %arg12[%swap3A_456, %swap3A_457] {strides = array<i32>} : memref<80x128xbf16, #tpu.memory_space<vmem>>, vector<32xbf16>,
        tpu.vector_store %arg12[%swap3A_456, %swap3A_457], %mul3A_455 {strides = array<i32>} : memref<80x128xbf16, #tpu.memory_space<vmem>>, vector<32xbf16>,
        %get3A_459 = arith.index_cast %add3A_440 : i32 to index
        %get3A_460 = arith.constant 64 : index
        %get3A_461 = tpu.vector_load %arg12[%get3A_459, %get3A_460] {strides = array<i32>} : memref<80x128xbf16, #tpu.memory_space<vmem>>, vector<32xbf16>,
        %mul3A_462 = arith.mulf %get3A_461, %pack3A_444 : vector<32xbf16>
        %swap3A_463 = arith.index_cast %add3A_440 : i32 to index
        %swap3A_464 = arith.constant 64 : index
        %swap3A_465 = tpu.vector_load %arg12[%swap3A_463, %swap3A_464] {strides = array<i32>} : memref<80x128xbf16, #tpu.memory_space<vmem>>, vector<32xbf16>,
        tpu.vector_store %arg12[%swap3A_463, %swap3A_464], %mul3A_462 {strides = array<i32>} : memref<80x128xbf16, #tpu.memory_space<vmem>>, vector<32xbf16>,
        %get3A_466 = arith.index_cast %add3A_440 : i32 to index
        %get3A_467 = arith.constant 96 : index
        %get3A_468 = tpu.vector_load %arg12[%get3A_466, %get3A_467] {strides = array<i32>} : memref<80x128xbf16, #tpu.memory_space<vmem>>, vector<32xbf16>,
        %mul3A_469 = arith.mulf %get3A_468, %pack3A_444 : vector<32xbf16>
        %swap3A_470 = arith.index_cast %add3A_440 : i32 to index
        %swap3A_471 = arith.constant 96 : index
        %swap3A_472 = tpu.vector_load %arg12[%swap3A_470, %swap3A_471] {strides = array<i32>} : memref<80x128xbf16, #tpu.memory_space<vmem>>, vector<32xbf16>,
        tpu.vector_store %arg12[%swap3A_470, %swap3A_471], %mul3A_469 {strides = array<i32>} : memref<80x128xbf16, #tpu.memory_space<vmem>>, vector<32xbf16>,
        %add3A_473 = arith.constant 4 : i32
        %add3A_474 = arith.addi %mul3A_341, %add3A_473 : i32
        %broadcast_in_dim3A_475 = vector.broadcast %add3A_264 : i32 to vector<16xi32>
        %broadcast_in_dim3A_476 = vector.broadcast %add3A_474 : i32 to vector<16xi32>
        %gather3A_477 = tpu.vector_load_idx %arg9[%broadcast_in_dim3A_475, %broadcast_in_dim3A_476] : memref<125x80xf32, #tpu.memory_space<vmem>>[vector<16xi32>, vector<16xi32>], vector<16xf32>,
        %pack3A_478 = tpu.pack_subelements %gather3A_477, %gather3A_477 {pack_format = #tpu.pack_format<interleaved>, positions = array<i32: 0, 1>} : vector<16xf32>, vector<16xf32> -> vector<32xbf16>
        %get3A_479 = arith.index_cast %add3A_474 : i32 to index
        %get3A_480 = arith.constant 0 : index
        %get3A_481 = tpu.vector_load %arg12[%get3A_479, %get3A_480] {strides = array<i32>} : memref<80x128xbf16, #tpu.memory_space<vmem>>, vector<32xbf16>,
        %mul3A_482 = arith.mulf %get3A_481, %pack3A_478 : vector<32xbf16>
        %swap3A_483 = arith.index_cast %add3A_474 : i32 to index
        %swap3A_484 = arith.constant 0 : index
        %swap3A_485 = tpu.vector_load %arg12[%swap3A_483, %swap3A_484] {strides = array<i32>} : memref<80x128xbf16, #tpu.memory_space<vmem>>, vector<32xbf16>,
        tpu.vector_store %arg12[%swap3A_483, %swap3A_484], %mul3A_482 {strides = array<i32>} : memref<80x128xbf16, #tpu.memory_space<vmem>>, vector<32xbf16>,
        %get3A_486 = arith.index_cast %add3A_474 : i32 to index
        %get3A_487 = arith.constant 32 : index
        %get3A_488 = tpu.vector_load %arg12[%get3A_486, %get3A_487] {strides = array<i32>} : memref<80x128xbf16, #tpu.memory_space<vmem>>, vector<32xbf16>,
        %mul3A_489 = arith.mulf %get3A_488, %pack3A_478 : vector<32xbf16>
        %swap3A_490 = arith.index_cast %add3A_474 : i32 to index
        %swap3A_491 = arith.constant 32 : index
        %swap3A_492 = tpu.vector_load %arg12[%swap3A_490, %swap3A_491] {strides = array<i32>} : memref<80x128xbf16, #tpu.memory_space<vmem>>, vector<32xbf16>,
        tpu.vector_store %arg12[%swap3A_490, %swap3A_491], %mul3A_489 {strides = array<i32>} : memref<80x128xbf16, #tpu.memory_space<vmem>>, vector<32xbf16>,
        %get3A_493 = arith.index_cast %add3A_474 : i32 to index
        %get3A_494 = arith.constant 64 : index
        %get3A_495 = tpu.vector_load %arg12[%get3A_493, %get3A_494] {strides = array<i32>} : memref<80x128xbf16, #tpu.memory_space<vmem>>, vector<32xbf16>,
        %mul3A_496 = arith.mulf %get3A_495, %pack3A_478 : vector<32xbf16>
        %swap3A_497 = arith.index_cast %add3A_474 : i32 to index
        %swap3A_498 = arith.constant 64 : index
        %swap3A_499 = tpu.vector_load %arg12[%swap3A_497, %swap3A_498] {strides = array<i32>} : memref<80x128xbf16, #tpu.memory_space<vmem>>, vector<32xbf16>,
        tpu.vector_store %arg12[%swap3A_497, %swap3A_498], %mul3A_496 {strides = array<i32>} : memref<80x128xbf16, #tpu.memory_space<vmem>>, vector<32xbf16>,
        %get3A_500 = arith.index_cast %add3A_474 : i32 to index
        %get3A_501 = arith.constant 96 : index
        %get3A_502 = tpu.vector_load %arg12[%get3A_500, %get3A_501] {strides = array<i32>} : memref<80x128xbf16, #tpu.memory_space<vmem>>, vector<32xbf16>,
        %mul3A_503 = arith.mulf %get3A_502, %pack3A_478 : vector<32xbf16>
        %swap3A_504 = arith.index_cast %add3A_474 : i32 to index
        %swap3A_505 = arith.constant 96 : index
        %swap3A_506 = tpu.vector_load %arg12[%swap3A_504, %swap3A_505] {strides = array<i32>} : memref<80x128xbf16, #tpu.memory_space<vmem>>, vector<32xbf16>,
        tpu.vector_store %arg12[%swap3A_504, %swap3A_505], %mul3A_503 {strides = array<i32>} : memref<80x128xbf16, #tpu.memory_space<vmem>>, vector<32xbf16>,
        %add3A_507 = arith.constant 5 : i32
        %add3A_508 = arith.addi %mul3A_341, %add3A_507 : i32
        %broadcast_in_dim3A_509 = vector.broadcast %add3A_264 : i32 to vector<16xi32>
        %broadcast_in_dim3A_510 = vector.broadcast %add3A_508 : i32 to vector<16xi32>
        %gather3A_511 = tpu.vector_load_idx %arg9[%broadcast_in_dim3A_509, %broadcast_in_dim3A_510] : memref<125x80xf32, #tpu.memory_space<vmem>>[vector<16xi32>, vector<16xi32>], vector<16xf32>,
        %pack3A_512 = tpu.pack_subelements %gather3A_511, %gather3A_511 {pack_format = #tpu.pack_format<interleaved>, positions = array<i32: 0, 1>} : vector<16xf32>, vector<16xf32> -> vector<32xbf16>
        %get3A_513 = arith.index_cast %add3A_508 : i32 to index
        %get3A_514 = arith.constant 0 : index
        %get3A_515 = tpu.vector_load %arg12[%get3A_513, %get3A_514] {strides = array<i32>} : memref<80x128xbf16, #tpu.memory_space<vmem>>, vector<32xbf16>,
        %mul3A_516 = arith.mulf %get3A_515, %pack3A_512 : vector<32xbf16>
        %swap3A_517 = arith.index_cast %add3A_508 : i32 to index
        %swap3A_518 = arith.constant 0 : index
        %swap3A_519 = tpu.vector_load %arg12[%swap3A_517, %swap3A_518] {strides = array<i32>} : memref<80x128xbf16, #tpu.memory_space<vmem>>, vector<32xbf16>,
        tpu.vector_store %arg12[%swap3A_517, %swap3A_518], %mul3A_516 {strides = array<i32>} : memref<80x128xbf16, #tpu.memory_space<vmem>>, vector<32xbf16>,
        %get3A_520 = arith.index_cast %add3A_508 : i32 to index
        %get3A_521 = arith.constant 32 : index
        %get3A_522 = tpu.vector_load %arg12[%get3A_520, %get3A_521] {strides = array<i32>} : memref<80x128xbf16, #tpu.memory_space<vmem>>, vector<32xbf16>,
        %mul3A_523 = arith.mulf %get3A_522, %pack3A_512 : vector<32xbf16>
        %swap3A_524 = arith.index_cast %add3A_508 : i32 to index
        %swap3A_525 = arith.constant 32 : index
        %swap3A_526 = tpu.vector_load %arg12[%swap3A_524, %swap3A_525] {strides = array<i32>} : memref<80x128xbf16, #tpu.memory_space<vmem>>, vector<32xbf16>,
        tpu.vector_store %arg12[%swap3A_524, %swap3A_525], %mul3A_523 {strides = array<i32>} : memref<80x128xbf16, #tpu.memory_space<vmem>>, vector<32xbf16>,
        %get3A_527 = arith.index_cast %add3A_508 : i32 to index
        %get3A_528 = arith.constant 64 : index
        %get3A_529 = tpu.vector_load %arg12[%get3A_527, %get3A_528] {strides = array<i32>} : memref<80x128xbf16, #tpu.memory_space<vmem>>, vector<32xbf16>,
        %mul3A_530 = arith.mulf %get3A_529, %pack3A_512 : vector<32xbf16>
        %swap3A_531 = arith.index_cast %add3A_508 : i32 to index
        %swap3A_532 = arith.constant 64 : index
        %swap3A_533 = tpu.vector_load %arg12[%swap3A_531, %swap3A_532] {strides = array<i32>} : memref<80x128xbf16, #tpu.memory_space<vmem>>, vector<32xbf16>,
        tpu.vector_store %arg12[%swap3A_531, %swap3A_532], %mul3A_530 {strides = array<i32>} : memref<80x128xbf16, #tpu.memory_space<vmem>>, vector<32xbf16>,
        %get3A_534 = arith.index_cast %add3A_508 : i32 to index
        %get3A_535 = arith.constant 96 : index
        %get3A_536 = tpu.vector_load %arg12[%get3A_534, %get3A_535] {strides = array<i32>} : memref<80x128xbf16, #tpu.memory_space<vmem>>, vector<32xbf16>,
        %mul3A_537 = arith.mulf %get3A_536, %pack3A_512 : vector<32xbf16>
        %swap3A_538 = arith.index_cast %add3A_508 : i32 to index
        %swap3A_539 = arith.constant 96 : index
        %swap3A_540 = tpu.vector_load %arg12[%swap3A_538, %swap3A_539] {strides = array<i32>} : memref<80x128xbf16, #tpu.memory_space<vmem>>, vector<32xbf16>,
        tpu.vector_store %arg12[%swap3A_538, %swap3A_539], %mul3A_537 {strides = array<i32>} : memref<80x128xbf16, #tpu.memory_space<vmem>>, vector<32xbf16>,
        %add3A_541 = arith.constant 6 : i32
        %add3A_542 = arith.addi %mul3A_341, %add3A_541 : i32
        %broadcast_in_dim3A_543 = vector.broadcast %add3A_264 : i32 to vector<16xi32>
        %broadcast_in_dim3A_544 = vector.broadcast %add3A_542 : i32 to vector<16xi32>
        %gather3A_545 = tpu.vector_load_idx %arg9[%broadcast_in_dim3A_543, %broadcast_in_dim3A_544] : memref<125x80xf32, #tpu.memory_space<vmem>>[vector<16xi32>, vector<16xi32>], vector<16xf32>,
        %pack3A_546 = tpu.pack_subelements %gather3A_545, %gather3A_545 {pack_format = #tpu.pack_format<interleaved>, positions = array<i32: 0, 1>} : vector<16xf32>, vector<16xf32> -> vector<32xbf16>
        %get3A_547 = arith.index_cast %add3A_542 : i32 to index
        %get3A_548 = arith.constant 0 : index
        %get3A_549 = tpu.vector_load %arg12[%get3A_547, %get3A_548] {strides = array<i32>} : memref<80x128xbf16, #tpu.memory_space<vmem>>, vector<32xbf16>,
        %mul3A_550 = arith.mulf %get3A_549, %pack3A_546 : vector<32xbf16>
        %swap3A_551 = arith.index_cast %add3A_542 : i32 to index
        %swap3A_552 = arith.constant 0 : index
        %swap3A_553 = tpu.vector_load %arg12[%swap3A_551, %swap3A_552] {strides = array<i32>} : memref<80x128xbf16, #tpu.memory_space<vmem>>, vector<32xbf16>,
        tpu.vector_store %arg12[%swap3A_551, %swap3A_552], %mul3A_550 {strides = array<i32>} : memref<80x128xbf16, #tpu.memory_space<vmem>>, vector<32xbf16>,
        %get3A_554 = arith.index_cast %add3A_542 : i32 to index
        %get3A_555 = arith.constant 32 : index
        %get3A_556 = tpu.vector_load %arg12[%get3A_554, %get3A_555] {strides = array<i32>} : memref<80x128xbf16, #tpu.memory_space<vmem>>, vector<32xbf16>,
        %mul3A_557 = arith.mulf %get3A_556, %pack3A_546 : vector<32xbf16>
        %swap3A_558 = arith.index_cast %add3A_542 : i32 to index
        %swap3A_559 = arith.constant 32 : index
        %swap3A_560 = tpu.vector_load %arg12[%swap3A_558, %swap3A_559] {strides = array<i32>} : memref<80x128xbf16, #tpu.memory_space<vmem>>, vector<32xbf16>,
        tpu.vector_store %arg12[%swap3A_558, %swap3A_559], %mul3A_557 {strides = array<i32>} : memref<80x128xbf16, #tpu.memory_space<vmem>>, vector<32xbf16>,
        %get3A_561 = arith.index_cast %add3A_542 : i32 to index
        %get3A_562 = arith.constant 64 : index
        %get3A_563 = tpu.vector_load %arg12[%get3A_561, %get3A_562] {strides = array<i32>} : memref<80x128xbf16, #tpu.memory_space<vmem>>, vector<32xbf16>,
        %mul3A_564 = arith.mulf %get3A_563, %pack3A_546 : vector<32xbf16>
        %swap3A_565 = arith.index_cast %add3A_542 : i32 to index
        %swap3A_566 = arith.constant 64 : index
        %swap3A_567 = tpu.vector_load %arg12[%swap3A_565, %swap3A_566] {strides = array<i32>} : memref<80x128xbf16, #tpu.memory_space<vmem>>, vector<32xbf16>,
        tpu.vector_store %arg12[%swap3A_565, %swap3A_566], %mul3A_564 {strides = array<i32>} : memref<80x128xbf16, #tpu.memory_space<vmem>>, vector<32xbf16>,
        %get3A_568 = arith.index_cast %add3A_542 : i32 to index
        %get3A_569 = arith.constant 96 : index
        %get3A_570 = tpu.vector_load %arg12[%get3A_568, %get3A_569] {strides = array<i32>} : memref<80x128xbf16, #tpu.memory_space<vmem>>, vector<32xbf16>,
        %mul3A_571 = arith.mulf %get3A_570, %pack3A_546 : vector<32xbf16>
        %swap3A_572 = arith.index_cast %add3A_542 : i32 to index
        %swap3A_573 = arith.constant 96 : index
        %swap3A_574 = tpu.vector_load %arg12[%swap3A_572, %swap3A_573] {strides = array<i32>} : memref<80x128xbf16, #tpu.memory_space<vmem>>, vector<32xbf16>,
        tpu.vector_store %arg12[%swap3A_572, %swap3A_573], %mul3A_571 {strides = array<i32>} : memref<80x128xbf16, #tpu.memory_space<vmem>>, vector<32xbf16>,
        %add3A_575 = arith.constant 7 : i32
        %add3A_576 = arith.addi %mul3A_341, %add3A_575 : i32
        %broadcast_in_dim3A_577 = vector.broadcast %add3A_264 : i32 to vector<16xi32>
        %broadcast_in_dim3A_578 = vector.broadcast %add3A_576 : i32 to vector<16xi32>
        %gather3A_579 = tpu.vector_load_idx %arg9[%broadcast_in_dim3A_577, %broadcast_in_dim3A_578] : memref<125x80xf32, #tpu.memory_space<vmem>>[vector<16xi32>, vector<16xi32>], vector<16xf32>,
        %pack3A_580 = tpu.pack_subelements %gather3A_579, %gather3A_579 {pack_format = #tpu.pack_format<interleaved>, positions = array<i32: 0, 1>} : vector<16xf32>, vector<16xf32> -> vector<32xbf16>
        %get3A_581 = arith.index_cast %add3A_576 : i32 to index
        %get3A_582 = arith.constant 0 : index
        %get3A_583 = tpu.vector_load %arg12[%get3A_581, %get3A_582] {strides = array<i32>} : memref<80x128xbf16, #tpu.memory_space<vmem>>, vector<32xbf16>,
        %mul3A_584 = arith.mulf %get3A_583, %pack3A_580 : vector<32xbf16>
        %swap3A_585 = arith.index_cast %add3A_576 : i32 to index
        %swap3A_586 = arith.constant 0 : index
        %swap3A_587 = tpu.vector_load %arg12[%swap3A_585, %swap3A_586] {strides = array<i32>} : memref<80x128xbf16, #tpu.memory_space<vmem>>, vector<32xbf16>,
        tpu.vector_store %arg12[%swap3A_585, %swap3A_586], %mul3A_584 {strides = array<i32>} : memref<80x128xbf16, #tpu.memory_space<vmem>>, vector<32xbf16>,
        %get3A_588 = arith.index_cast %add3A_576 : i32 to index
        %get3A_589 = arith.constant 32 : index
        %get3A_590 = tpu.vector_load %arg12[%get3A_588, %get3A_589] {strides = array<i32>} : memref<80x128xbf16, #tpu.memory_space<vmem>>, vector<32xbf16>,
        %mul3A_591 = arith.mulf %get3A_590, %pack3A_580 : vector<32xbf16>
        %swap3A_592 = arith.index_cast %add3A_576 : i32 to index
        %swap3A_593 = arith.constant 32 : index
        %swap3A_594 = tpu.vector_load %arg12[%swap3A_592, %swap3A_593] {strides = array<i32>} : memref<80x128xbf16, #tpu.memory_space<vmem>>, vector<32xbf16>,
        tpu.vector_store %arg12[%swap3A_592, %swap3A_593], %mul3A_591 {strides = array<i32>} : memref<80x128xbf16, #tpu.memory_space<vmem>>, vector<32xbf16>,
        %get3A_595 = arith.index_cast %add3A_576 : i32 to index
        %get3A_596 = arith.constant 64 : index
        %get3A_597 = tpu.vector_load %arg12[%get3A_595, %get3A_596] {strides = array<i32>} : memref<80x128xbf16, #tpu.memory_space<vmem>>, vector<32xbf16>,
        %mul3A_598 = arith.mulf %get3A_597, %pack3A_580 : vector<32xbf16>
        %swap3A_599 = arith.index_cast %add3A_576 : i32 to index
        %swap3A_600 = arith.constant 64 : index
        %swap3A_601 = tpu.vector_load %arg12[%swap3A_599, %swap3A_600] {strides = array<i32>} : memref<80x128xbf16, #tpu.memory_space<vmem>>, vector<32xbf16>,
        tpu.vector_store %arg12[%swap3A_599, %swap3A_600], %mul3A_598 {strides = array<i32>} : memref<80x128xbf16, #tpu.memory_space<vmem>>, vector<32xbf16>,
        %get3A_602 = arith.index_cast %add3A_576 : i32 to index
        %get3A_603 = arith.constant 96 : index
        %get3A_604 = tpu.vector_load %arg12[%get3A_602, %get3A_603] {strides = array<i32>} : memref<80x128xbf16, #tpu.memory_space<vmem>>, vector<32xbf16>,
        %mul3A_605 = arith.mulf %get3A_604, %pack3A_580 : vector<32xbf16>
        %swap3A_606 = arith.index_cast %add3A_576 : i32 to index
        %swap3A_607 = arith.constant 96 : index
        %swap3A_608 = tpu.vector_load %arg12[%swap3A_606, %swap3A_607] {strides = array<i32>} : memref<80x128xbf16, #tpu.memory_space<vmem>>, vector<32xbf16>,
        tpu.vector_store %arg12[%swap3A_606, %swap3A_607], %mul3A_605 {strides = array<i32>} : memref<80x128xbf16, #tpu.memory_space<vmem>>, vector<32xbf16>,
      }
      %scan3A_276 = arith.constant 10 : i32
      %dma_start3A_277 = arith.constant 0 : i32
      %dma_start3A_278 = tpu.memref_slice %arg8[%add3A_264, %dma_start3A_277] : memref<125x80xi32, #tpu.memory_space<vmem>> -> memref<1x80xi32, #tpu.memory_space<vmem>>
      %dma_start3A_279 = tpu.memref_squeeze %dma_start3A_278 : memref<1x80xi32, #tpu.memory_space<vmem>> -> memref<80xi32, #tpu.memory_space<vmem>>
      %dma_start3A_280 = arith.constant 0 : i32
      %dma_start3A_281 = arith.constant 0 : i32
      %dma_start3A_282 = tpu.memref_slice %arg13[%dma_start3A_280, %dma_start3A_281] : memref<10000x128xbf16, #tpu.memory_space<vmem_shared>> -> memref<10000x128xbf16, #tpu.memory_space<vmem_shared>>
      tpu.enqueue_indirect_dma source(%arg12 : memref<80x128xbf16, #tpu.memory_space<vmem>>) target(%dma_start3A_282 : memref<10000x128xbf16, #tpu.memory_space<vmem_shared>>) offsets(%dma_start3A_279 : memref<80xi32, #tpu.memory_space<vmem>>) semaphore(%arg19 : memref<!tpu.dma_semaphore, #tpu.memory_space<semaphore_mem>>) {add = true}
      %sub3A_283 = arith.constant 1 : i32
      %sub3A_284 = arith.subi %add3A_264, %sub3A_283 : i32
      %dma_wait3A_285 = arith.constant 0 : i32
      %dma_wait3A_286 = tpu.memref_slice %arg8[%sub3A_284, %dma_wait3A_285] : memref<125x80xi32, #tpu.memory_space<vmem>> -> memref<1x80xi32, #tpu.memory_space<vmem>>
      %dma_wait3A_287 = tpu.memref_squeeze %dma_wait3A_286 : memref<1x80xi32, #tpu.memory_space<vmem>> -> memref<80xi32, #tpu.memory_space<vmem>>
      %dma_wait3A_288 = arith.constant 0 : i32
      %dma_wait3A_289 = arith.constant 0 : i32
      %dma_wait3A_290 = tpu.memref_slice %arg13[%dma_wait3A_288, %dma_wait3A_289] : memref<10000x128xbf16, #tpu.memory_space<vmem_shared>> -> memref<10000x128xbf16, #tpu.memory_space<vmem_shared>>
      tpu.wait_indirect_dma semaphore(%arg18 : memref<!tpu.dma_semaphore, #tpu.memory_space<semaphore_mem>>) src(%arg11 : memref<80x128xbf16, #tpu.memory_space<vmem>>) dst(%dma_wait3A_290 : memref<10000x128xbf16, #tpu.memory_space<vmem_shared>>)
      %add3A_291 = arith.constant 2 : i32
      %add3A_292 = arith.addi %add3A_264, %add3A_291 : i32
      %dma_start3A_293 = arith.constant 0 : i32
      %dma_start3A_294 = tpu.memref_slice %arg7[%add3A_292, %dma_start3A_293] : memref<125x80xi32, #tpu.memory_space<vmem>> -> memref<1x80xi32, #tpu.memory_space<vmem>>
      %dma_start3A_295 = tpu.memref_squeeze %dma_start3A_294 : memref<1x80xi32, #tpu.memory_space<vmem>> -> memref<80xi32, #tpu.memory_space<vmem>>
      %dma_start3A_296 = arith.constant 0 : i32
      %dma_start3A_297 = arith.constant 0 : i32
      %dma_start3A_298 = tpu.memref_slice %arg2[%dma_start3A_296, %dma_start3A_297] : memref<10000x128xbf16, #tpu.memory_space<hbm>> -> memref<10000x128xbf16, #tpu.memory_space<hbm>>
      tpu.enqueue_indirect_dma source(%dma_start3A_298 : memref<10000x128xbf16, #tpu.memory_space<hbm>>) target(%arg11 : memref<80x128xbf16, #tpu.memory_space<vmem>>) offsets(%dma_start3A_295 : memref<80xi32, #tpu.memory_space<vmem>>) semaphore(%arg15 : memref<!tpu.dma_semaphore, #tpu.memory_space<semaphore_mem>>)
      %mul3A_299 = arith.constant 3 : i32
      %mul3A_300 = arith.muli %mul3A_299, %scan3A_219 : i32
      %add3A_301 = arith.constant 1 : i32
      %add3A_302 = arith.addi %mul3A_300, %add3A_301 : i32
      %add3A_303 = arith.constant 2 : i32
      %add3A_304 = arith.addi %add3A_302, %add3A_303 : i32
      %dma_wait3A_305 = arith.constant 0 : i32
      %dma_wait3A_306 = tpu.memref_slice %arg7[%add3A_304, %dma_wait3A_305] : memref<125x80xi32, #tpu.memory_space<vmem>> -> memref<1x80xi32, #tpu.memory_space<vmem>>
      %dma_wait3A_307 = tpu.memref_squeeze %dma_wait3A_306 : memref<1x80xi32, #tpu.memory_space<vmem>> -> memref<80xi32, #tpu.memory_space<vmem>>
      %dma_wait3A_308 = arith.constant 0 : i32
      %dma_wait3A_309 = arith.constant 0 : i32
      %dma_wait3A_310 = tpu.memref_slice %arg2[%dma_wait3A_308, %dma_wait3A_309] : memref<10000x128xbf16, #tpu.memory_space<hbm>> -> memref<10000x128xbf16, #tpu.memory_space<hbm>>
      tpu.wait_indirect_dma semaphore(%arg14 : memref<!tpu.dma_semaphore, #tpu.memory_space<semaphore_mem>>) src(%dma_wait3A_310 : memref<10000x128xbf16, #tpu.memory_space<hbm>>) dst(%arg10 : memref<80x128xbf16, #tpu.memory_space<vmem>>)
      %scan3A_311 = arith.constant 0 : i32
      %scan3A_312 = arith.constant 0 : i32
      %scan3A_313 = arith.constant 10 : i32
      %scan3A_314 = arith.addi %scan3A_312, %scan3A_313 : i32
      %scan3A_315 = arith.constant 1 : i32
      scf.for %scan3A_339 = %scan3A_312 to %scan3A_314 step %scan3A_315  : i32 {
        %mul3A_340 = arith.constant 8 : i32
        %mul3A_341 = arith.muli %scan3A_339, %mul3A_340 : i32
        %add3A_342 = arith.constant 0 : i32
        %add3A_343 = arith.addi %mul3A_341, %add3A_342 : i32
        %broadcast_in_dim3A = vector.broadcast %add3A_304 : i32 to vector<16xi32>
        %broadcast_in_dim3A_344 = vector.broadcast %add3A_343 : i32 to vector<16xi32>
        %gather3A = tpu.vector_load_idx %arg9[%broadcast_in_dim3A, %broadcast_in_dim3A_344] : memref<125x80xf32, #tpu.memory_space<vmem>>[vector<16xi32>, vector<16xi32>], vector<16xf32>,
        %pack3A = tpu.pack_subelements %gather3A, %gather3A {pack_format = #tpu.pack_format<interleaved>, positions = array<i32: 0, 1>} : vector<16xf32>, vector<16xf32> -> vector<32xbf16>
        %get3A = arith.index_cast %add3A_343 : i32 to index
        %get3A_345 = arith.constant 0 : index
        %get3A_346 = tpu.vector_load %arg10[%get3A, %get3A_345] {strides = array<i32>} : memref<80x128xbf16, #tpu.memory_space<vmem>>, vector<32xbf16>,
        %mul3A_347 = arith.mulf %get3A_346, %pack3A : vector<32xbf16>
        %swap3A = arith.index_cast %add3A_343 : i32 to index
        %swap3A_348 = arith.constant 0 : index
        %swap3A_349 = tpu.vector_load %arg10[%swap3A, %swap3A_348] {strides = array<i32>} : memref<80x128xbf16, #tpu.memory_space<vmem>>, vector<32xbf16>,
        tpu.vector_store %arg10[%swap3A, %swap3A_348], %mul3A_347 {strides = array<i32>} : memref<80x128xbf16, #tpu.memory_space<vmem>>, vector<32xbf16>,
        %get3A_350 = arith.index_cast %add3A_343 : i32 to index
        %get3A_351 = arith.constant 32 : index
        %get3A_352 = tpu.vector_load %arg10[%get3A_350, %get3A_351] {strides = array<i32>} : memref<80x128xbf16, #tpu.memory_space<vmem>>, vector<32xbf16>,
        %mul3A_353 = arith.mulf %get3A_352, %pack3A : vector<32xbf16>
        %swap3A_354 = arith.index_cast %add3A_343 : i32 to index
        %swap3A_355 = arith.constant 32 : index
        %swap3A_356 = tpu.vector_load %arg10[%swap3A_354, %swap3A_355] {strides = array<i32>} : memref<80x128xbf16, #tpu.memory_space<vmem>>, vector<32xbf16>,
        tpu.vector_store %arg10[%swap3A_354, %swap3A_355], %mul3A_353 {strides = array<i32>} : memref<80x128xbf16, #tpu.memory_space<vmem>>, vector<32xbf16>,
        %get3A_357 = arith.index_cast %add3A_343 : i32 to index
        %get3A_358 = arith.constant 64 : index
        %get3A_359 = tpu.vector_load %arg10[%get3A_357, %get3A_358] {strides = array<i32>} : memref<80x128xbf16, #tpu.memory_space<vmem>>, vector<32xbf16>,
        %mul3A_360 = arith.mulf %get3A_359, %pack3A : vector<32xbf16>
        %swap3A_361 = arith.index_cast %add3A_343 : i32 to index
        %swap3A_362 = arith.constant 64 : index
        %swap3A_363 = tpu.vector_load %arg10[%swap3A_361, %swap3A_362] {strides = array<i32>} : memref<80x128xbf16, #tpu.memory_space<vmem>>, vector<32xbf16>,
        tpu.vector_store %arg10[%swap3A_361, %swap3A_362], %mul3A_360 {strides = array<i32>} : memref<80x128xbf16, #tpu.memory_space<vmem>>, vector<32xbf16>,
        %get3A_364 = arith.index_cast %add3A_343 : i32 to index
        %get3A_365 = arith.constant 96 : index
        %get3A_366 = tpu.vector_load %arg10[%get3A_364, %get3A_365] {strides = array<i32>} : memref<80x128xbf16, #tpu.memory_space<vmem>>, vector<32xbf16>,
        %mul3A_367 = arith.mulf %get3A_366, %pack3A : vector<32xbf16>
        %swap3A_368 = arith.index_cast %add3A_343 : i32 to index
        %swap3A_369 = arith.constant 96 : index
        %swap3A_370 = tpu.vector_load %arg10[%swap3A_368, %swap3A_369] {strides = array<i32>} : memref<80x128xbf16, #tpu.memory_space<vmem>>, vector<32xbf16>,
        tpu.vector_store %arg10[%swap3A_368, %swap3A_369], %mul3A_367 {strides = array<i32>} : memref<80x128xbf16, #tpu.memory_space<vmem>>, vector<32xbf16>,
        %add3A_371 = arith.constant 1 : i32
        %add3A_372 = arith.addi %mul3A_341, %add3A_371 : i32
        %broadcast_in_dim3A_373 = vector.broadcast %add3A_304 : i32 to vector<16xi32>
        %broadcast_in_dim3A_374 = vector.broadcast %add3A_372 : i32 to vector<16xi32>
        %gather3A_375 = tpu.vector_load_idx %arg9[%broadcast_in_dim3A_373, %broadcast_in_dim3A_374] : memref<125x80xf32, #tpu.memory_space<vmem>>[vector<16xi32>, vector<16xi32>], vector<16xf32>,
        %pack3A_376 = tpu.pack_subelements %gather3A_375, %gather3A_375 {pack_format = #tpu.pack_format<interleaved>, positions = array<i32: 0, 1>} : vector<16xf32>, vector<16xf32> -> vector<32xbf16>
        %get3A_377 = arith.index_cast %add3A_372 : i32 to index
        %get3A_378 = arith.constant 0 : index
        %get3A_379 = tpu.vector_load %arg10[%get3A_377, %get3A_378] {strides = array<i32>} : memref<80x128xbf16, #tpu.memory_space<vmem>>, vector<32xbf16>,
        %mul3A_380 = arith.mulf %get3A_379, %pack3A_376 : vector<32xbf16>
        %swap3A_381 = arith.index_cast %add3A_372 : i32 to index
        %swap3A_382 = arith.constant 0 : index
        %swap3A_383 = tpu.vector_load %arg10[%swap3A_381, %swap3A_382] {strides = array<i32>} : memref<80x128xbf16, #tpu.memory_space<vmem>>, vector<32xbf16>,
        tpu.vector_store %arg10[%swap3A_381, %swap3A_382], %mul3A_380 {strides = array<i32>} : memref<80x128xbf16, #tpu.memory_space<vmem>>, vector<32xbf16>,
        %get3A_384 = arith.index_cast %add3A_372 : i32 to index
        %get3A_385 = arith.constant 32 : index
        %get3A_386 = tpu.vector_load %arg10[%get3A_384, %get3A_385] {strides = array<i32>} : memref<80x128xbf16, #tpu.memory_space<vmem>>, vector<32xbf16>,
        %mul3A_387 = arith.mulf %get3A_386, %pack3A_376 : vector<32xbf16>
        %swap3A_388 = arith.index_cast %add3A_372 : i32 to index
        %swap3A_389 = arith.constant 32 : index
        %swap3A_390 = tpu.vector_load %arg10[%swap3A_388, %swap3A_389] {strides = array<i32>} : memref<80x128xbf16, #tpu.memory_space<vmem>>, vector<32xbf16>,
        tpu.vector_store %arg10[%swap3A_388, %swap3A_389], %mul3A_387 {strides = array<i32>} : memref<80x128xbf16, #tpu.memory_space<vmem>>, vector<32xbf16>,
        %get3A_391 = arith.index_cast %add3A_372 : i32 to index
        %get3A_392 = arith.constant 64 : index
        %get3A_393 = tpu.vector_load %arg10[%get3A_391, %get3A_392] {strides = array<i32>} : memref<80x128xbf16, #tpu.memory_space<vmem>>, vector<32xbf16>,
        %mul3A_394 = arith.mulf %get3A_393, %pack3A_376 : vector<32xbf16>
        %swap3A_395 = arith.index_cast %add3A_372 : i32 to index
        %swap3A_396 = arith.constant 64 : index
        %swap3A_397 = tpu.vector_load %arg10[%swap3A_395, %swap3A_396] {strides = array<i32>} : memref<80x128xbf16, #tpu.memory_space<vmem>>, vector<32xbf16>,
        tpu.vector_store %arg10[%swap3A_395, %swap3A_396], %mul3A_394 {strides = array<i32>} : memref<80x128xbf16, #tpu.memory_space<vmem>>, vector<32xbf16>,
        %get3A_398 = arith.index_cast %add3A_372 : i32 to index
        %get3A_399 = arith.constant 96 : index
        %get3A_400 = tpu.vector_load %arg10[%get3A_398, %get3A_399] {strides = array<i32>} : memref<80x128xbf16, #tpu.memory_space<vmem>>, vector<32xbf16>,
        %mul3A_401 = arith.mulf %get3A_400, %pack3A_376 : vector<32xbf16>
        %swap3A_402 = arith.index_cast %add3A_372 : i32 to index
        %swap3A_403 = arith.constant 96 : index
        %swap3A_404 = tpu.vector_load %arg10[%swap3A_402, %swap3A_403] {strides = array<i32>} : memref<80x128xbf16, #tpu.memory_space<vmem>>, vector<32xbf16>,
        tpu.vector_store %arg10[%swap3A_402, %swap3A_403], %mul3A_401 {strides = array<i32>} : memref<80x128xbf16, #tpu.memory_space<vmem>>, vector<32xbf16>,
        %add3A_405 = arith.constant 2 : i32
        %add3A_406 = arith.addi %mul3A_341, %add3A_405 : i32
        %broadcast_in_dim3A_407 = vector.broadcast %add3A_304 : i32 to vector<16xi32>
        %broadcast_in_dim3A_408 = vector.broadcast %add3A_406 : i32 to vector<16xi32>
        %gather3A_409 = tpu.vector_load_idx %arg9[%broadcast_in_dim3A_407, %broadcast_in_dim3A_408] : memref<125x80xf32, #tpu.memory_space<vmem>>[vector<16xi32>, vector<16xi32>], vector<16xf32>,
        %pack3A_410 = tpu.pack_subelements %gather3A_409, %gather3A_409 {pack_format = #tpu.pack_format<interleaved>, positions = array<i32: 0, 1>} : vector<16xf32>, vector<16xf32> -> vector<32xbf16>
        %get3A_411 = arith.index_cast %add3A_406 : i32 to index
        %get3A_412 = arith.constant 0 : index
        %get3A_413 = tpu.vector_load %arg10[%get3A_411, %get3A_412] {strides = array<i32>} : memref<80x128xbf16, #tpu.memory_space<vmem>>, vector<32xbf16>,
        %mul3A_414 = arith.mulf %get3A_413, %pack3A_410 : vector<32xbf16>
        %swap3A_415 = arith.index_cast %add3A_406 : i32 to index
        %swap3A_416 = arith.constant 0 : index
        %swap3A_417 = tpu.vector_load %arg10[%swap3A_415, %swap3A_416] {strides = array<i32>} : memref<80x128xbf16, #tpu.memory_space<vmem>>, vector<32xbf16>,
        tpu.vector_store %arg10[%swap3A_415, %swap3A_416], %mul3A_414 {strides = array<i32>} : memref<80x128xbf16, #tpu.memory_space<vmem>>, vector<32xbf16>,
        %get3A_418 = arith.index_cast %add3A_406 : i32 to index
        %get3A_419 = arith.constant 32 : index
        %get3A_420 = tpu.vector_load %arg10[%get3A_418, %get3A_419] {strides = array<i32>} : memref<80x128xbf16, #tpu.memory_space<vmem>>, vector<32xbf16>,
        %mul3A_421 = arith.mulf %get3A_420, %pack3A_410 : vector<32xbf16>
        %swap3A_422 = arith.index_cast %add3A_406 : i32 to index
        %swap3A_423 = arith.constant 32 : index
        %swap3A_424 = tpu.vector_load %arg10[%swap3A_422, %swap3A_423] {strides = array<i32>} : memref<80x128xbf16, #tpu.memory_space<vmem>>, vector<32xbf16>,
        tpu.vector_store %arg10[%swap3A_422, %swap3A_423], %mul3A_421 {strides = array<i32>} : memref<80x128xbf16, #tpu.memory_space<vmem>>, vector<32xbf16>,
        %get3A_425 = arith.index_cast %add3A_406 : i32 to index
        %get3A_426 = arith.constant 64 : index
        %get3A_427 = tpu.vector_load %arg10[%get3A_425, %get3A_426] {strides = array<i32>} : memref<80x128xbf16, #tpu.memory_space<vmem>>, vector<32xbf16>,
        %mul3A_428 = arith.mulf %get3A_427, %pack3A_410 : vector<32xbf16>
        %swap3A_429 = arith.index_cast %add3A_406 : i32 to index
        %swap3A_430 = arith.constant 64 : index
        %swap3A_431 = tpu.vector_load %arg10[%swap3A_429, %swap3A_430] {strides = array<i32>} : memref<80x128xbf16, #tpu.memory_space<vmem>>, vector<32xbf16>,
        tpu.vector_store %arg10[%swap3A_429, %swap3A_430], %mul3A_428 {strides = array<i32>} : memref<80x128xbf16, #tpu.memory_space<vmem>>, vector<32xbf16>,
        %get3A_432 = arith.index_cast %add3A_406 : i32 to index
        %get3A_433 = arith.constant 96 : index
        %get3A_434 = tpu.vector_load %arg10[%get3A_432, %get3A_433] {strides = array<i32>} : memref<80x128xbf16, #tpu.memory_space<vmem>>, vector<32xbf16>,
        %mul3A_435 = arith.mulf %get3A_434, %pack3A_410 : vector<32xbf16>
        %swap3A_436 = arith.index_cast %add3A_406 : i32 to index
        %swap3A_437 = arith.constant 96 : index
        %swap3A_438 = tpu.vector_load %arg10[%swap3A_436, %swap3A_437] {strides = array<i32>} : memref<80x128xbf16, #tpu.memory_space<vmem>>, vector<32xbf16>,
        tpu.vector_store %arg10[%swap3A_436, %swap3A_437], %mul3A_435 {strides = array<i32>} : memref<80x128xbf16, #tpu.memory_space<vmem>>, vector<32xbf16>,
        %add3A_439 = arith.constant 3 : i32
        %add3A_440 = arith.addi %mul3A_341, %add3A_439 : i32
        %broadcast_in_dim3A_441 = vector.broadcast %add3A_304 : i32 to vector<16xi32>
        %broadcast_in_dim3A_442 = vector.broadcast %add3A_440 : i32 to vector<16xi32>
        %gather3A_443 = tpu.vector_load_idx %arg9[%broadcast_in_dim3A_441, %broadcast_in_dim3A_442] : memref<125x80xf32, #tpu.memory_space<vmem>>[vector<16xi32>, vector<16xi32>], vector<16xf32>,
        %pack3A_444 = tpu.pack_subelements %gather3A_443, %gather3A_443 {pack_format = #tpu.pack_format<interleaved>, positions = array<i32: 0, 1>} : vector<16xf32>, vector<16xf32> -> vector<32xbf16>
        %get3A_445 = arith.index_cast %add3A_440 : i32 to index
        %get3A_446 = arith.constant 0 : index
        %get3A_447 = tpu.vector_load %arg10[%get3A_445, %get3A_446] {strides = array<i32>} : memref<80x128xbf16, #tpu.memory_space<vmem>>, vector<32xbf16>,
        %mul3A_448 = arith.mulf %get3A_447, %pack3A_444 : vector<32xbf16>
        %swap3A_449 = arith.index_cast %add3A_440 : i32 to index
        %swap3A_450 = arith.constant 0 : index
        %swap3A_451 = tpu.vector_load %arg10[%swap3A_449, %swap3A_450] {strides = array<i32>} : memref<80x128xbf16, #tpu.memory_space<vmem>>, vector<32xbf16>,
        tpu.vector_store %arg10[%swap3A_449, %swap3A_450], %mul3A_448 {strides = array<i32>} : memref<80x128xbf16, #tpu.memory_space<vmem>>, vector<32xbf16>,
        %get3A_452 = arith.index_cast %add3A_440 : i32 to index
        %get3A_453 = arith.constant 32 : index
        %get3A_454 = tpu.vector_load %arg10[%get3A_452, %get3A_453] {strides = array<i32>} : memref<80x128xbf16, #tpu.memory_space<vmem>>, vector<32xbf16>,
        %mul3A_455 = arith.mulf %get3A_454, %pack3A_444 : vector<32xbf16>
        %swap3A_456 = arith.index_cast %add3A_440 : i32 to index
        %swap3A_457 = arith.constant 32 : index
        %swap3A_458 = tpu.vector_load %arg10[%swap3A_456, %swap3A_457] {strides = array<i32>} : memref<80x128xbf16, #tpu.memory_space<vmem>>, vector<32xbf16>,
        tpu.vector_store %arg10[%swap3A_456, %swap3A_457], %mul3A_455 {strides = array<i32>} : memref<80x128xbf16, #tpu.memory_space<vmem>>, vector<32xbf16>,
        %get3A_459 = arith.index_cast %add3A_440 : i32 to index
        %get3A_460 = arith.constant 64 : index
        %get3A_461 = tpu.vector_load %arg10[%get3A_459, %get3A_460] {strides = array<i32>} : memref<80x128xbf16, #tpu.memory_space<vmem>>, vector<32xbf16>,
        %mul3A_462 = arith.mulf %get3A_461, %pack3A_444 : vector<32xbf16>
        %swap3A_463 = arith.index_cast %add3A_440 : i32 to index
        %swap3A_464 = arith.constant 64 : index
        %swap3A_465 = tpu.vector_load %arg10[%swap3A_463, %swap3A_464] {strides = array<i32>} : memref<80x128xbf16, #tpu.memory_space<vmem>>, vector<32xbf16>,
        tpu.vector_store %arg10[%swap3A_463, %swap3A_464], %mul3A_462 {strides = array<i32>} : memref<80x128xbf16, #tpu.memory_space<vmem>>, vector<32xbf16>,
        %get3A_466 = arith.index_cast %add3A_440 : i32 to index
        %get3A_467 = arith.constant 96 : index
        %get3A_468 = tpu.vector_load %arg10[%get3A_466, %get3A_467] {strides = array<i32>} : memref<80x128xbf16, #tpu.memory_space<vmem>>, vector<32xbf16>,
        %mul3A_469 = arith.mulf %get3A_468, %pack3A_444 : vector<32xbf16>
        %swap3A_470 = arith.index_cast %add3A_440 : i32 to index
        %swap3A_471 = arith.constant 96 : index
        %swap3A_472 = tpu.vector_load %arg10[%swap3A_470, %swap3A_471] {strides = array<i32>} : memref<80x128xbf16, #tpu.memory_space<vmem>>, vector<32xbf16>,
        tpu.vector_store %arg10[%swap3A_470, %swap3A_471], %mul3A_469 {strides = array<i32>} : memref<80x128xbf16, #tpu.memory_space<vmem>>, vector<32xbf16>,
        %add3A_473 = arith.constant 4 : i32
        %add3A_474 = arith.addi %mul3A_341, %add3A_473 : i32
        %broadcast_in_dim3A_475 = vector.broadcast %add3A_304 : i32 to vector<16xi32>
        %broadcast_in_dim3A_476 = vector.broadcast %add3A_474 : i32 to vector<16xi32>
        %gather3A_477 = tpu.vector_load_idx %arg9[%broadcast_in_dim3A_475, %broadcast_in_dim3A_476] : memref<125x80xf32, #tpu.memory_space<vmem>>[vector<16xi32>, vector<16xi32>], vector<16xf32>,
        %pack3A_478 = tpu.pack_subelements %gather3A_477, %gather3A_477 {pack_format = #tpu.pack_format<interleaved>, positions = array<i32: 0, 1>} : vector<16xf32>, vector<16xf32> -> vector<32xbf16>
        %get3A_479 = arith.index_cast %add3A_474 : i32 to index
        %get3A_480 = arith.constant 0 : index
        %get3A_481 = tpu.vector_load %arg10[%get3A_479, %get3A_480] {strides = array<i32>} : memref<80x128xbf16, #tpu.memory_space<vmem>>, vector<32xbf16>,
        %mul3A_482 = arith.mulf %get3A_481, %pack3A_478 : vector<32xbf16>
        %swap3A_483 = arith.index_cast %add3A_474 : i32 to index
        %swap3A_484 = arith.constant 0 : index
        %swap3A_485 = tpu.vector_load %arg10[%swap3A_483, %swap3A_484] {strides = array<i32>} : memref<80x128xbf16, #tpu.memory_space<vmem>>, vector<32xbf16>,
        tpu.vector_store %arg10[%swap3A_483, %swap3A_484], %mul3A_482 {strides = array<i32>} : memref<80x128xbf16, #tpu.memory_space<vmem>>, vector<32xbf16>,
        %get3A_486 = arith.index_cast %add3A_474 : i32 to index
        %get3A_487 = arith.constant 32 : index
        %get3A_488 = tpu.vector_load %arg10[%get3A_486, %get3A_487] {strides = array<i32>} : memref<80x128xbf16, #tpu.memory_space<vmem>>, vector<32xbf16>,
        %mul3A_489 = arith.mulf %get3A_488, %pack3A_478 : vector<32xbf16>
        %swap3A_490 = arith.index_cast %add3A_474 : i32 to index
        %swap3A_491 = arith.constant 32 : index
        %swap3A_492 = tpu.vector_load %arg10[%swap3A_490, %swap3A_491] {strides = array<i32>} : memref<80x128xbf16, #tpu.memory_space<vmem>>, vector<32xbf16>,
        tpu.vector_store %arg10[%swap3A_490, %swap3A_491], %mul3A_489 {strides = array<i32>} : memref<80x128xbf16, #tpu.memory_space<vmem>>, vector<32xbf16>,
        %get3A_493 = arith.index_cast %add3A_474 : i32 to index
        %get3A_494 = arith.constant 64 : index
        %get3A_495 = tpu.vector_load %arg10[%get3A_493, %get3A_494] {strides = array<i32>} : memref<80x128xbf16, #tpu.memory_space<vmem>>, vector<32xbf16>,
        %mul3A_496 = arith.mulf %get3A_495, %pack3A_478 : vector<32xbf16>
        %swap3A_497 = arith.index_cast %add3A_474 : i32 to index
        %swap3A_498 = arith.constant 64 : index
        %swap3A_499 = tpu.vector_load %arg10[%swap3A_497, %swap3A_498] {strides = array<i32>} : memref<80x128xbf16, #tpu.memory_space<vmem>>, vector<32xbf16>,
        tpu.vector_store %arg10[%swap3A_497, %swap3A_498], %mul3A_496 {strides = array<i32>} : memref<80x128xbf16, #tpu.memory_space<vmem>>, vector<32xbf16>,
        %get3A_500 = arith.index_cast %add3A_474 : i32 to index
        %get3A_501 = arith.constant 96 : index
        %get3A_502 = tpu.vector_load %arg10[%get3A_500, %get3A_501] {strides = array<i32>} : memref<80x128xbf16, #tpu.memory_space<vmem>>, vector<32xbf16>,
        %mul3A_503 = arith.mulf %get3A_502, %pack3A_478 : vector<32xbf16>
        %swap3A_504 = arith.index_cast %add3A_474 : i32 to index
        %swap3A_505 = arith.constant 96 : index
        %swap3A_506 = tpu.vector_load %arg10[%swap3A_504, %swap3A_505] {strides = array<i32>} : memref<80x128xbf16, #tpu.memory_space<vmem>>, vector<32xbf16>,
        tpu.vector_store %arg10[%swap3A_504, %swap3A_505], %mul3A_503 {strides = array<i32>} : memref<80x128xbf16, #tpu.memory_space<vmem>>, vector<32xbf16>,
        %add3A_507 = arith.constant 5 : i32
        %add3A_508 = arith.addi %mul3A_341, %add3A_507 : i32
        %broadcast_in_dim3A_509 = vector.broadcast %add3A_304 : i32 to vector<16xi32>
        %broadcast_in_dim3A_510 = vector.broadcast %add3A_508 : i32 to vector<16xi32>
        %gather3A_511 = tpu.vector_load_idx %arg9[%broadcast_in_dim3A_509, %broadcast_in_dim3A_510] : memref<125x80xf32, #tpu.memory_space<vmem>>[vector<16xi32>, vector<16xi32>], vector<16xf32>,
        %pack3A_512 = tpu.pack_subelements %gather3A_511, %gather3A_511 {pack_format = #tpu.pack_format<interleaved>, positions = array<i32: 0, 1>} : vector<16xf32>, vector<16xf32> -> vector<32xbf16>
        %get3A_513 = arith.index_cast %add3A_508 : i32 to index
        %get3A_514 = arith.constant 0 : index
        %get3A_515 = tpu.vector_load %arg10[%get3A_513, %get3A_514] {strides = array<i32>} : memref<80x128xbf16, #tpu.memory_space<vmem>>, vector<32xbf16>,
        %mul3A_516 = arith.mulf %get3A_515, %pack3A_512 : vector<32xbf16>
        %swap3A_517 = arith.index_cast %add3A_508 : i32 to index
        %swap3A_518 = arith.constant 0 : index
        %swap3A_519 = tpu.vector_load %arg10[%swap3A_517, %swap3A_518] {strides = array<i32>} : memref<80x128xbf16, #tpu.memory_space<vmem>>, vector<32xbf16>,
        tpu.vector_store %arg10[%swap3A_517, %swap3A_518], %mul3A_516 {strides = array<i32>} : memref<80x128xbf16, #tpu.memory_space<vmem>>, vector<32xbf16>,
        %get3A_520 = arith.index_cast %add3A_508 : i32 to index
        %get3A_521 = arith.constant 32 : index
        %get3A_522 = tpu.vector_load %arg10[%get3A_520, %get3A_521] {strides = array<i32>} : memref<80x128xbf16, #tpu.memory_space<vmem>>, vector<32xbf16>,
        %mul3A_523 = arith.mulf %get3A_522, %pack3A_512 : vector<32xbf16>
        %swap3A_524 = arith.index_cast %add3A_508 : i32 to index
        %swap3A_525 = arith.constant 32 : index
        %swap3A_526 = tpu.vector_load %arg10[%swap3A_524, %swap3A_525] {strides = array<i32>} : memref<80x128xbf16, #tpu.memory_space<vmem>>, vector<32xbf16>,
        tpu.vector_store %arg10[%swap3A_524, %swap3A_525], %mul3A_523 {strides = array<i32>} : memref<80x128xbf16, #tpu.memory_space<vmem>>, vector<32xbf16>,
        %get3A_527 = arith.index_cast %add3A_508 : i32 to index
        %get3A_528 = arith.constant 64 : index
        %get3A_529 = tpu.vector_load %arg10[%get3A_527, %get3A_528] {strides = array<i32>} : memref<80x128xbf16, #tpu.memory_space<vmem>>, vector<32xbf16>,
        %mul3A_530 = arith.mulf %get3A_529, %pack3A_512 : vector<32xbf16>
        %swap3A_531 = arith.index_cast %add3A_508 : i32 to index
        %swap3A_532 = arith.constant 64 : index
        %swap3A_533 = tpu.vector_load %arg10[%swap3A_531, %swap3A_532] {strides = array<i32>} : memref<80x128xbf16, #tpu.memory_space<vmem>>, vector<32xbf16>,
        tpu.vector_store %arg10[%swap3A_531, %swap3A_532], %mul3A_530 {strides = array<i32>} : memref<80x128xbf16, #tpu.memory_space<vmem>>, vector<32xbf16>,
        %get3A_534 = arith.index_cast %add3A_508 : i32 to index
        %get3A_535 = arith.constant 96 : index
        %get3A_536 = tpu.vector_load %arg10[%get3A_534, %get3A_535] {strides = array<i32>} : memref<80x128xbf16, #tpu.memory_space<vmem>>, vector<32xbf16>,
        %mul3A_537 = arith.mulf %get3A_536, %pack3A_512 : vector<32xbf16>
        %swap3A_538 = arith.index_cast %add3A_508 : i32 to index
        %swap3A_539 = arith.constant 96 : index
        %swap3A_540 = tpu.vector_load %arg10[%swap3A_538, %swap3A_539] {strides = array<i32>} : memref<80x128xbf16, #tpu.memory_space<vmem>>, vector<32xbf16>,
        tpu.vector_store %arg10[%swap3A_538, %swap3A_539], %mul3A_537 {strides = array<i32>} : memref<80x128xbf16, #tpu.memory_space<vmem>>, vector<32xbf16>,
        %add3A_541 = arith.constant 6 : i32
        %add3A_542 = arith.addi %mul3A_341, %add3A_541 : i32
        %broadcast_in_dim3A_543 = vector.broadcast %add3A_304 : i32 to vector<16xi32>
        %broadcast_in_dim3A_544 = vector.broadcast %add3A_542 : i32 to vector<16xi32>
        %gather3A_545 = tpu.vector_load_idx %arg9[%broadcast_in_dim3A_543, %broadcast_in_dim3A_544] : memref<125x80xf32, #tpu.memory_space<vmem>>[vector<16xi32>, vector<16xi32>], vector<16xf32>,
        %pack3A_546 = tpu.pack_subelements %gather3A_545, %gather3A_545 {pack_format = #tpu.pack_format<interleaved>, positions = array<i32: 0, 1>} : vector<16xf32>, vector<16xf32> -> vector<32xbf16>
        %get3A_547 = arith.index_cast %add3A_542 : i32 to index
        %get3A_548 = arith.constant 0 : index
        %get3A_549 = tpu.vector_load %arg10[%get3A_547, %get3A_548] {strides = array<i32>} : memref<80x128xbf16, #tpu.memory_space<vmem>>, vector<32xbf16>,
        %mul3A_550 = arith.mulf %get3A_549, %pack3A_546 : vector<32xbf16>
        %swap3A_551 = arith.index_cast %add3A_542 : i32 to index
        %swap3A_552 = arith.constant 0 : index
        %swap3A_553 = tpu.vector_load %arg10[%swap3A_551, %swap3A_552] {strides = array<i32>} : memref<80x128xbf16, #tpu.memory_space<vmem>>, vector<32xbf16>,
        tpu.vector_store %arg10[%swap3A_551, %swap3A_552], %mul3A_550 {strides = array<i32>} : memref<80x128xbf16, #tpu.memory_space<vmem>>, vector<32xbf16>,
        %get3A_554 = arith.index_cast %add3A_542 : i32 to index
        %get3A_555 = arith.constant 32 : index
        %get3A_556 = tpu.vector_load %arg10[%get3A_554, %get3A_555] {strides = array<i32>} : memref<80x128xbf16, #tpu.memory_space<vmem>>, vector<32xbf16>,
        %mul3A_557 = arith.mulf %get3A_556, %pack3A_546 : vector<32xbf16>
        %swap3A_558 = arith.index_cast %add3A_542 : i32 to index
        %swap3A_559 = arith.constant 32 : index
        %swap3A_560 = tpu.vector_load %arg10[%swap3A_558, %swap3A_559] {strides = array<i32>} : memref<80x128xbf16, #tpu.memory_space<vmem>>, vector<32xbf16>,
        tpu.vector_store %arg10[%swap3A_558, %swap3A_559], %mul3A_557 {strides = array<i32>} : memref<80x128xbf16, #tpu.memory_space<vmem>>, vector<32xbf16>,
        %get3A_561 = arith.index_cast %add3A_542 : i32 to index
        %get3A_562 = arith.constant 64 : index
        %get3A_563 = tpu.vector_load %arg10[%get3A_561, %get3A_562] {strides = array<i32>} : memref<80x128xbf16, #tpu.memory_space<vmem>>, vector<32xbf16>,
        %mul3A_564 = arith.mulf %get3A_563, %pack3A_546 : vector<32xbf16>
        %swap3A_565 = arith.index_cast %add3A_542 : i32 to index
        %swap3A_566 = arith.constant 64 : index
        %swap3A_567 = tpu.vector_load %arg10[%swap3A_565, %swap3A_566] {strides = array<i32>} : memref<80x128xbf16, #tpu.memory_space<vmem>>, vector<32xbf16>,
        tpu.vector_store %arg10[%swap3A_565, %swap3A_566], %mul3A_564 {strides = array<i32>} : memref<80x128xbf16, #tpu.memory_space<vmem>>, vector<32xbf16>,
        %get3A_568 = arith.index_cast %add3A_542 : i32 to index
        %get3A_569 = arith.constant 96 : index
        %get3A_570 = tpu.vector_load %arg10[%get3A_568, %get3A_569] {strides = array<i32>} : memref<80x128xbf16, #tpu.memory_space<vmem>>, vector<32xbf16>,
        %mul3A_571 = arith.mulf %get3A_570, %pack3A_546 : vector<32xbf16>
        %swap3A_572 = arith.index_cast %add3A_542 : i32 to index
        %swap3A_573 = arith.constant 96 : index
        %swap3A_574 = tpu.vector_load %arg10[%swap3A_572, %swap3A_573] {strides = array<i32>} : memref<80x128xbf16, #tpu.memory_space<vmem>>, vector<32xbf16>,
        tpu.vector_store %arg10[%swap3A_572, %swap3A_573], %mul3A_571 {strides = array<i32>} : memref<80x128xbf16, #tpu.memory_space<vmem>>, vector<32xbf16>,
        %add3A_575 = arith.constant 7 : i32
        %add3A_576 = arith.addi %mul3A_341, %add3A_575 : i32
        %broadcast_in_dim3A_577 = vector.broadcast %add3A_304 : i32 to vector<16xi32>
        %broadcast_in_dim3A_578 = vector.broadcast %add3A_576 : i32 to vector<16xi32>
        %gather3A_579 = tpu.vector_load_idx %arg9[%broadcast_in_dim3A_577, %broadcast_in_dim3A_578] : memref<125x80xf32, #tpu.memory_space<vmem>>[vector<16xi32>, vector<16xi32>], vector<16xf32>,
        %pack3A_580 = tpu.pack_subelements %gather3A_579, %gather3A_579 {pack_format = #tpu.pack_format<interleaved>, positions = array<i32: 0, 1>} : vector<16xf32>, vector<16xf32> -> vector<32xbf16>
        %get3A_581 = arith.index_cast %add3A_576 : i32 to index
        %get3A_582 = arith.constant 0 : index
        %get3A_583 = tpu.vector_load %arg10[%get3A_581, %get3A_582] {strides = array<i32>} : memref<80x128xbf16, #tpu.memory_space<vmem>>, vector<32xbf16>,
        %mul3A_584 = arith.mulf %get3A_583, %pack3A_580 : vector<32xbf16>
        %swap3A_585 = arith.index_cast %add3A_576 : i32 to index
        %swap3A_586 = arith.constant 0 : index
        %swap3A_587 = tpu.vector_load %arg10[%swap3A_585, %swap3A_586] {strides = array<i32>} : memref<80x128xbf16, #tpu.memory_space<vmem>>, vector<32xbf16>,
        tpu.vector_store %arg10[%swap3A_585, %swap3A_586], %mul3A_584 {strides = array<i32>} : memref<80x128xbf16, #tpu.memory_space<vmem>>, vector<32xbf16>,
        %get3A_588 = arith.index_cast %add3A_576 : i32 to index
        %get3A_589 = arith.constant 32 : index
        %get3A_590 = tpu.vector_load %arg10[%get3A_588, %get3A_589] {strides = array<i32>} : memref<80x128xbf16, #tpu.memory_space<vmem>>, vector<32xbf16>,
        %mul3A_591 = arith.mulf %get3A_590, %pack3A_580 : vector<32xbf16>
        %swap3A_592 = arith.index_cast %add3A_576 : i32 to index
        %swap3A_593 = arith.constant 32 : index
        %swap3A_594 = tpu.vector_load %arg10[%swap3A_592, %swap3A_593] {strides = array<i32>} : memref<80x128xbf16, #tpu.memory_space<vmem>>, vector<32xbf16>,
        tpu.vector_store %arg10[%swap3A_592, %swap3A_593], %mul3A_591 {strides = array<i32>} : memref<80x128xbf16, #tpu.memory_space<vmem>>, vector<32xbf16>,
        %get3A_595 = arith.index_cast %add3A_576 : i32 to index
        %get3A_596 = arith.constant 64 : index
        %get3A_597 = tpu.vector_load %arg10[%get3A_595, %get3A_596] {strides = array<i32>} : memref<80x128xbf16, #tpu.memory_space<vmem>>, vector<32xbf16>,
        %mul3A_598 = arith.mulf %get3A_597, %pack3A_580 : vector<32xbf16>
        %swap3A_599 = arith.index_cast %add3A_576 : i32 to index
        %swap3A_600 = arith.constant 64 : index
        %swap3A_601 = tpu.vector_load %arg10[%swap3A_599, %swap3A_600] {strides = array<i32>} : memref<80x128xbf16, #tpu.memory_space<vmem>>, vector<32xbf16>,
        tpu.vector_store %arg10[%swap3A_599, %swap3A_600], %mul3A_598 {strides = array<i32>} : memref<80x128xbf16, #tpu.memory_space<vmem>>, vector<32xbf16>,
        %get3A_602 = arith.index_cast %add3A_576 : i32 to index
        %get3A_603 = arith.constant 96 : index
        %get3A_604 = tpu.vector_load %arg10[%get3A_602, %get3A_603] {strides = array<i32>} : memref<80x128xbf16, #tpu.memory_space<vmem>>, vector<32xbf16>,
        %mul3A_605 = arith.mulf %get3A_604, %pack3A_580 : vector<32xbf16>
        %swap3A_606 = arith.index_cast %add3A_576 : i32 to index
        %swap3A_607 = arith.constant 96 : index
        %swap3A_608 = tpu.vector_load %arg10[%swap3A_606, %swap3A_607] {strides = array<i32>} : memref<80x128xbf16, #tpu.memory_space<vmem>>, vector<32xbf16>,
        tpu.vector_store %arg10[%swap3A_606, %swap3A_607], %mul3A_605 {strides = array<i32>} : memref<80x128xbf16, #tpu.memory_space<vmem>>, vector<32xbf16>,
      }
      %scan3A_316 = arith.constant 10 : i32
      %dma_start3A_317 = arith.constant 0 : i32
      %dma_start3A_318 = tpu.memref_slice %arg8[%add3A_304, %dma_start3A_317] : memref<125x80xi32, #tpu.memory_space<vmem>> -> memref<1x80xi32, #tpu.memory_space<vmem>>
      %dma_start3A_319 = tpu.memref_squeeze %dma_start3A_318 : memref<1x80xi32, #tpu.memory_space<vmem>> -> memref<80xi32, #tpu.memory_space<vmem>>
      %dma_start3A_320 = arith.constant 0 : i32
      %dma_start3A_321 = arith.constant 0 : i32
      %dma_start3A_322 = tpu.memref_slice %arg13[%dma_start3A_320, %dma_start3A_321] : memref<10000x128xbf16, #tpu.memory_space<vmem_shared>> -> memref<10000x128xbf16, #tpu.memory_space<vmem_shared>>
      tpu.enqueue_indirect_dma source(%arg10 : memref<80x128xbf16, #tpu.memory_space<vmem>>) target(%dma_start3A_322 : memref<10000x128xbf16, #tpu.memory_space<vmem_shared>>) offsets(%dma_start3A_319 : memref<80xi32, #tpu.memory_space<vmem>>) semaphore(%arg17 : memref<!tpu.dma_semaphore, #tpu.memory_space<semaphore_mem>>) {add = true}
      %sub3A_323 = arith.constant 1 : i32
      %sub3A_324 = arith.subi %add3A_304, %sub3A_323 : i32
      %dma_wait3A_325 = arith.constant 0 : i32
      %dma_wait3A_326 = tpu.memref_slice %arg8[%sub3A_324, %dma_wait3A_325] : memref<125x80xi32, #tpu.memory_space<vmem>> -> memref<1x80xi32, #tpu.memory_space<vmem>>
      %dma_wait3A_327 = tpu.memref_squeeze %dma_wait3A_326 : memref<1x80xi32, #tpu.memory_space<vmem>> -> memref<80xi32, #tpu.memory_space<vmem>>
      %dma_wait3A_328 = arith.constant 0 : i32
      %dma_wait3A_329 = arith.constant 0 : i32
      %dma_wait3A_330 = tpu.memref_slice %arg13[%dma_wait3A_328, %dma_wait3A_329] : memref<10000x128xbf16, #tpu.memory_space<vmem_shared>> -> memref<10000x128xbf16, #tpu.memory_space<vmem_shared>>
      tpu.wait_indirect_dma semaphore(%arg19 : memref<!tpu.dma_semaphore, #tpu.memory_space<semaphore_mem>>) src(%arg12 : memref<80x128xbf16, #tpu.memory_space<vmem>>) dst(%dma_wait3A_330 : memref<10000x128xbf16, #tpu.memory_space<vmem_shared>>)
      %add3A_331 = arith.constant 2 : i32
      %add3A_332 = arith.addi %add3A_304, %add3A_331 : i32
      %dma_start3A_333 = arith.constant 0 : i32
      %dma_start3A_334 = tpu.memref_slice %arg7[%add3A_332, %dma_start3A_333] : memref<125x80xi32, #tpu.memory_space<vmem>> -> memref<1x80xi32, #tpu.memory_space<vmem>>
      %dma_start3A_335 = tpu.memref_squeeze %dma_start3A_334 : memref<1x80xi32, #tpu.memory_space<vmem>> -> memref<80xi32, #tpu.memory_space<vmem>>
      %dma_start3A_336 = arith.constant 0 : i32
      %dma_start3A_337 = arith.constant 0 : i32
      %dma_start3A_338 = tpu.memref_slice %arg2[%dma_start3A_336, %dma_start3A_337] : memref<10000x128xbf16, #tpu.memory_space<hbm>> -> memref<10000x128xbf16, #tpu.memory_space<hbm>>
      tpu.enqueue_indirect_dma source(%dma_start3A_338 : memref<10000x128xbf16, #tpu.memory_space<hbm>>) target(%arg12 : memref<80x128xbf16, #tpu.memory_space<vmem>>) offsets(%dma_start3A_335 : memref<80xi32, #tpu.memory_space<vmem>>) semaphore(%arg16 : memref<!tpu.dma_semaphore, #tpu.memory_space<semaphore_mem>>)
    }
    %scan3A_84 = arith.constant 40 : i32
    %dma_wait3A_85 = arith.constant 121 : i32
    %dma_wait3A_86 = arith.constant 0 : i32
    %dma_wait3A_87 = tpu.memref_slice %arg7[%dma_wait3A_85, %dma_wait3A_86] : memref<125x80xi32, #tpu.memory_space<vmem>> -> memref<1x80xi32, #tpu.memory_space<vmem>>
    %dma_wait3A_88 = tpu.memref_squeeze %dma_wait3A_87 : memref<1x80xi32, #tpu.memory_space<vmem>> -> memref<80xi32, #tpu.memory_space<vmem>>
    %dma_wait3A_89 = arith.constant 0 : i32
    %dma_wait3A_90 = arith.constant 0 : i32
    %dma_wait3A_91 = tpu.memref_slice %arg2[%dma_wait3A_89, %dma_wait3A_90] : memref<10000x128xbf16, #tpu.memory_space<hbm>> -> memref<10000x128xbf16, #tpu.memory_space<hbm>>
    tpu.wait_indirect_dma semaphore(%arg15 : memref<!tpu.dma_semaphore, #tpu.memory_space<semaphore_mem>>) src(%dma_wait3A_91 : memref<10000x128xbf16, #tpu.memory_space<hbm>>) dst(%arg11 : memref<80x128xbf16, #tpu.memory_space<vmem>>)
    %scan3A_92 = arith.constant 0 : i32
    %scan3A_93 = arith.constant 0 : i32
    %scan3A_94 = arith.constant 10 : i32
    %scan3A_95 = arith.addi %scan3A_93, %scan3A_94 : i32
    %scan3A_96 = arith.constant 1 : i32
    scf.for %scan3A_219 = %scan3A_93 to %scan3A_95 step %scan3A_96  : i32 {
      %mul3A_220 = arith.constant 8 : i32
      %mul3A_221 = arith.muli %scan3A_219, %mul3A_220 : i32
      %add3A_222 = arith.constant 0 : i32
      %add3A_223 = arith.addi %mul3A_221, %add3A_222 : i32
      %broadcast_in_dim3A = arith.constant 121 : i32
      %broadcast_in_dim3A_224 = vector.broadcast %broadcast_in_dim3A : i32 to vector<16xi32>
      %broadcast_in_dim3A_225 = vector.broadcast %add3A_223 : i32 to vector<16xi32>
      %gather3A = tpu.vector_load_idx %arg9[%broadcast_in_dim3A_224, %broadcast_in_dim3A_225] : memref<125x80xf32, #tpu.memory_space<vmem>>[vector<16xi32>, vector<16xi32>], vector<16xf32>,
      %pack3A = tpu.pack_subelements %gather3A, %gather3A {pack_format = #tpu.pack_format<interleaved>, positions = array<i32: 0, 1>} : vector<16xf32>, vector<16xf32> -> vector<32xbf16>
      %get3A = arith.index_cast %add3A_223 : i32 to index
      %get3A_226 = arith.constant 0 : index
      %get3A_227 = tpu.vector_load %arg11[%get3A, %get3A_226] {strides = array<i32>} : memref<80x128xbf16, #tpu.memory_space<vmem>>, vector<32xbf16>,
      %mul3A_228 = arith.mulf %get3A_227, %pack3A : vector<32xbf16>
      %swap3A = arith.index_cast %add3A_223 : i32 to index
      %swap3A_229 = arith.constant 0 : index
      %swap3A_230 = tpu.vector_load %arg11[%swap3A, %swap3A_229] {strides = array<i32>} : memref<80x128xbf16, #tpu.memory_space<vmem>>, vector<32xbf16>,
      tpu.vector_store %arg11[%swap3A, %swap3A_229], %mul3A_228 {strides = array<i32>} : memref<80x128xbf16, #tpu.memory_space<vmem>>, vector<32xbf16>,
      %get3A_231 = arith.index_cast %add3A_223 : i32 to index
      %get3A_232 = arith.constant 32 : index
      %get3A_233 = tpu.vector_load %arg11[%get3A_231, %get3A_232] {strides = array<i32>} : memref<80x128xbf16, #tpu.memory_space<vmem>>, vector<32xbf16>,
      %mul3A_234 = arith.mulf %get3A_233, %pack3A : vector<32xbf16>
      %swap3A_235 = arith.index_cast %add3A_223 : i32 to index
      %swap3A_236 = arith.constant 32 : index
      %swap3A_237 = tpu.vector_load %arg11[%swap3A_235, %swap3A_236] {strides = array<i32>} : memref<80x128xbf16, #tpu.memory_space<vmem>>, vector<32xbf16>,
      tpu.vector_store %arg11[%swap3A_235, %swap3A_236], %mul3A_234 {strides = array<i32>} : memref<80x128xbf16, #tpu.memory_space<vmem>>, vector<32xbf16>,
      %get3A_238 = arith.index_cast %add3A_223 : i32 to index
      %get3A_239 = arith.constant 64 : index
      %get3A_240 = tpu.vector_load %arg11[%get3A_238, %get3A_239] {strides = array<i32>} : memref<80x128xbf16, #tpu.memory_space<vmem>>, vector<32xbf16>,
      %mul3A_241 = arith.mulf %get3A_240, %pack3A : vector<32xbf16>
      %swap3A_242 = arith.index_cast %add3A_223 : i32 to index
      %swap3A_243 = arith.constant 64 : index
      %swap3A_244 = tpu.vector_load %arg11[%swap3A_242, %swap3A_243] {strides = array<i32>} : memref<80x128xbf16, #tpu.memory_space<vmem>>, vector<32xbf16>,
      tpu.vector_store %arg11[%swap3A_242, %swap3A_243], %mul3A_241 {strides = array<i32>} : memref<80x128xbf16, #tpu.memory_space<vmem>>, vector<32xbf16>,
      %get3A_245 = arith.index_cast %add3A_223 : i32 to index
      %get3A_246 = arith.constant 96 : index
      %get3A_247 = tpu.vector_load %arg11[%get3A_245, %get3A_246] {strides = array<i32>} : memref<80x128xbf16, #tpu.memory_space<vmem>>, vector<32xbf16>,
      %mul3A_248 = arith.mulf %get3A_247, %pack3A : vector<32xbf16>
      %swap3A_249 = arith.index_cast %add3A_223 : i32 to index
      %swap3A_250 = arith.constant 96 : index
      %swap3A_251 = tpu.vector_load %arg11[%swap3A_249, %swap3A_250] {strides = array<i32>} : memref<80x128xbf16, #tpu.memory_space<vmem>>, vector<32xbf16>,
      tpu.vector_store %arg11[%swap3A_249, %swap3A_250], %mul3A_248 {strides = array<i32>} : memref<80x128xbf16, #tpu.memory_space<vmem>>, vector<32xbf16>,
      %add3A_252 = arith.constant 1 : i32
      %add3A_253 = arith.addi %mul3A_221, %add3A_252 : i32
      %broadcast_in_dim3A_254 = arith.constant 121 : i32
      %broadcast_in_dim3A_255 = vector.broadcast %broadcast_in_dim3A_254 : i32 to vector<16xi32>
      %broadcast_in_dim3A_256 = vector.broadcast %add3A_253 : i32 to vector<16xi32>
      %gather3A_257 = tpu.vector_load_idx %arg9[%broadcast_in_dim3A_255, %broadcast_in_dim3A_256] : memref<125x80xf32, #tpu.memory_space<vmem>>[vector<16xi32>, vector<16xi32>], vector<16xf32>,
      %pack3A_258 = tpu.pack_subelements %gather3A_257, %gather3A_257 {pack_format = #tpu.pack_format<interleaved>, positions = array<i32: 0, 1>} : vector<16xf32>, vector<16xf32> -> vector<32xbf16>
      %get3A_259 = arith.index_cast %add3A_253 : i32 to index
      %get3A_260 = arith.constant 0 : index
      %get3A_261 = tpu.vector_load %arg11[%get3A_259, %get3A_260] {strides = array<i32>} : memref<80x128xbf16, #tpu.memory_space<vmem>>, vector<32xbf16>,
      %mul3A_262 = arith.mulf %get3A_261, %pack3A_258 : vector<32xbf16>
      %swap3A_263 = arith.index_cast %add3A_253 : i32 to index
      %swap3A_264 = arith.constant 0 : index
      %swap3A_265 = tpu.vector_load %arg11[%swap3A_263, %swap3A_264] {strides = array<i32>} : memref<80x128xbf16, #tpu.memory_space<vmem>>, vector<32xbf16>,
      tpu.vector_store %arg11[%swap3A_263, %swap3A_264], %mul3A_262 {strides = array<i32>} : memref<80x128xbf16, #tpu.memory_space<vmem>>, vector<32xbf16>,
      %get3A_266 = arith.index_cast %add3A_253 : i32 to index
      %get3A_267 = arith.constant 32 : index
      %get3A_268 = tpu.vector_load %arg11[%get3A_266, %get3A_267] {strides = array<i32>} : memref<80x128xbf16, #tpu.memory_space<vmem>>, vector<32xbf16>,
      %mul3A_269 = arith.mulf %get3A_268, %pack3A_258 : vector<32xbf16>
      %swap3A_270 = arith.index_cast %add3A_253 : i32 to index
      %swap3A_271 = arith.constant 32 : index
      %swap3A_272 = tpu.vector_load %arg11[%swap3A_270, %swap3A_271] {strides = array<i32>} : memref<80x128xbf16, #tpu.memory_space<vmem>>, vector<32xbf16>,
      tpu.vector_store %arg11[%swap3A_270, %swap3A_271], %mul3A_269 {strides = array<i32>} : memref<80x128xbf16, #tpu.memory_space<vmem>>, vector<32xbf16>,
      %get3A_273 = arith.index_cast %add3A_253 : i32 to index
      %get3A_274 = arith.constant 64 : index
      %get3A_275 = tpu.vector_load %arg11[%get3A_273, %get3A_274] {strides = array<i32>} : memref<80x128xbf16, #tpu.memory_space<vmem>>, vector<32xbf16>,
      %mul3A_276 = arith.mulf %get3A_275, %pack3A_258 : vector<32xbf16>
      %swap3A_277 = arith.index_cast %add3A_253 : i32 to index
      %swap3A_278 = arith.constant 64 : index
      %swap3A_279 = tpu.vector_load %arg11[%swap3A_277, %swap3A_278] {strides = array<i32>} : memref<80x128xbf16, #tpu.memory_space<vmem>>, vector<32xbf16>,
      tpu.vector_store %arg11[%swap3A_277, %swap3A_278], %mul3A_276 {strides = array<i32>} : memref<80x128xbf16, #tpu.memory_space<vmem>>, vector<32xbf16>,
      %get3A_280 = arith.index_cast %add3A_253 : i32 to index
      %get3A_281 = arith.constant 96 : index
      %get3A_282 = tpu.vector_load %arg11[%get3A_280, %get3A_281] {strides = array<i32>} : memref<80x128xbf16, #tpu.memory_space<vmem>>, vector<32xbf16>,
      %mul3A_283 = arith.mulf %get3A_282, %pack3A_258 : vector<32xbf16>
      %swap3A_284 = arith.index_cast %add3A_253 : i32 to index
      %swap3A_285 = arith.constant 96 : index
      %swap3A_286 = tpu.vector_load %arg11[%swap3A_284, %swap3A_285] {strides = array<i32>} : memref<80x128xbf16, #tpu.memory_space<vmem>>, vector<32xbf16>,
      tpu.vector_store %arg11[%swap3A_284, %swap3A_285], %mul3A_283 {strides = array<i32>} : memref<80x128xbf16, #tpu.memory_space<vmem>>, vector<32xbf16>,
      %add3A_287 = arith.constant 2 : i32
      %add3A_288 = arith.addi %mul3A_221, %add3A_287 : i32
      %broadcast_in_dim3A_289 = arith.constant 121 : i32
      %broadcast_in_dim3A_290 = vector.broadcast %broadcast_in_dim3A_289 : i32 to vector<16xi32>
      %broadcast_in_dim3A_291 = vector.broadcast %add3A_288 : i32 to vector<16xi32>
      %gather3A_292 = tpu.vector_load_idx %arg9[%broadcast_in_dim3A_290, %broadcast_in_dim3A_291] : memref<125x80xf32, #tpu.memory_space<vmem>>[vector<16xi32>, vector<16xi32>], vector<16xf32>,
      %pack3A_293 = tpu.pack_subelements %gather3A_292, %gather3A_292 {pack_format = #tpu.pack_format<interleaved>, positions = array<i32: 0, 1>} : vector<16xf32>, vector<16xf32> -> vector<32xbf16>
      %get3A_294 = arith.index_cast %add3A_288 : i32 to index
      %get3A_295 = arith.constant 0 : index
      %get3A_296 = tpu.vector_load %arg11[%get3A_294, %get3A_295] {strides = array<i32>} : memref<80x128xbf16, #tpu.memory_space<vmem>>, vector<32xbf16>,
      %mul3A_297 = arith.mulf %get3A_296, %pack3A_293 : vector<32xbf16>
      %swap3A_298 = arith.index_cast %add3A_288 : i32 to index
      %swap3A_299 = arith.constant 0 : index
      %swap3A_300 = tpu.vector_load %arg11[%swap3A_298, %swap3A_299] {strides = array<i32>} : memref<80x128xbf16, #tpu.memory_space<vmem>>, vector<32xbf16>,
      tpu.vector_store %arg11[%swap3A_298, %swap3A_299], %mul3A_297 {strides = array<i32>} : memref<80x128xbf16, #tpu.memory_space<vmem>>, vector<32xbf16>,
      %get3A_301 = arith.index_cast %add3A_288 : i32 to index
      %get3A_302 = arith.constant 32 : index
      %get3A_303 = tpu.vector_load %arg11[%get3A_301, %get3A_302] {strides = array<i32>} : memref<80x128xbf16, #tpu.memory_space<vmem>>, vector<32xbf16>,
      %mul3A_304 = arith.mulf %get3A_303, %pack3A_293 : vector<32xbf16>
      %swap3A_305 = arith.index_cast %add3A_288 : i32 to index
      %swap3A_306 = arith.constant 32 : index
      %swap3A_307 = tpu.vector_load %arg11[%swap3A_305, %swap3A_306] {strides = array<i32>} : memref<80x128xbf16, #tpu.memory_space<vmem>>, vector<32xbf16>,
      tpu.vector_store %arg11[%swap3A_305, %swap3A_306], %mul3A_304 {strides = array<i32>} : memref<80x128xbf16, #tpu.memory_space<vmem>>, vector<32xbf16>,
      %get3A_308 = arith.index_cast %add3A_288 : i32 to index
      %get3A_309 = arith.constant 64 : index
      %get3A_310 = tpu.vector_load %arg11[%get3A_308, %get3A_309] {strides = array<i32>} : memref<80x128xbf16, #tpu.memory_space<vmem>>, vector<32xbf16>,
      %mul3A_311 = arith.mulf %get3A_310, %pack3A_293 : vector<32xbf16>
      %swap3A_312 = arith.index_cast %add3A_288 : i32 to index
      %swap3A_313 = arith.constant 64 : index
      %swap3A_314 = tpu.vector_load %arg11[%swap3A_312, %swap3A_313] {strides = array<i32>} : memref<80x128xbf16, #tpu.memory_space<vmem>>, vector<32xbf16>,
      tpu.vector_store %arg11[%swap3A_312, %swap3A_313], %mul3A_311 {strides = array<i32>} : memref<80x128xbf16, #tpu.memory_space<vmem>>, vector<32xbf16>,
      %get3A_315 = arith.index_cast %add3A_288 : i32 to index
      %get3A_316 = arith.constant 96 : index
      %get3A_317 = tpu.vector_load %arg11[%get3A_315, %get3A_316] {strides = array<i32>} : memref<80x128xbf16, #tpu.memory_space<vmem>>, vector<32xbf16>,
      %mul3A_318 = arith.mulf %get3A_317, %pack3A_293 : vector<32xbf16>
      %swap3A_319 = arith.index_cast %add3A_288 : i32 to index
      %swap3A_320 = arith.constant 96 : index
      %swap3A_321 = tpu.vector_load %arg11[%swap3A_319, %swap3A_320] {strides = array<i32>} : memref<80x128xbf16, #tpu.memory_space<vmem>>, vector<32xbf16>,
      tpu.vector_store %arg11[%swap3A_319, %swap3A_320], %mul3A_318 {strides = array<i32>} : memref<80x128xbf16, #tpu.memory_space<vmem>>, vector<32xbf16>,
      %add3A_322 = arith.constant 3 : i32
      %add3A_323 = arith.addi %mul3A_221, %add3A_322 : i32
      %broadcast_in_dim3A_324 = arith.constant 121 : i32
      %broadcast_in_dim3A_325 = vector.broadcast %broadcast_in_dim3A_324 : i32 to vector<16xi32>
      %broadcast_in_dim3A_326 = vector.broadcast %add3A_323 : i32 to vector<16xi32>
      %gather3A_327 = tpu.vector_load_idx %arg9[%broadcast_in_dim3A_325, %broadcast_in_dim3A_326] : memref<125x80xf32, #tpu.memory_space<vmem>>[vector<16xi32>, vector<16xi32>], vector<16xf32>,
      %pack3A_328 = tpu.pack_subelements %gather3A_327, %gather3A_327 {pack_format = #tpu.pack_format<interleaved>, positions = array<i32: 0, 1>} : vector<16xf32>, vector<16xf32> -> vector<32xbf16>
      %get3A_329 = arith.index_cast %add3A_323 : i32 to index
      %get3A_330 = arith.constant 0 : index
      %get3A_331 = tpu.vector_load %arg11[%get3A_329, %get3A_330] {strides = array<i32>} : memref<80x128xbf16, #tpu.memory_space<vmem>>, vector<32xbf16>,
      %mul3A_332 = arith.mulf %get3A_331, %pack3A_328 : vector<32xbf16>
      %swap3A_333 = arith.index_cast %add3A_323 : i32 to index
      %swap3A_334 = arith.constant 0 : index
      %swap3A_335 = tpu.vector_load %arg11[%swap3A_333, %swap3A_334] {strides = array<i32>} : memref<80x128xbf16, #tpu.memory_space<vmem>>, vector<32xbf16>,
      tpu.vector_store %arg11[%swap3A_333, %swap3A_334], %mul3A_332 {strides = array<i32>} : memref<80x128xbf16, #tpu.memory_space<vmem>>, vector<32xbf16>,
      %get3A_336 = arith.index_cast %add3A_323 : i32 to index
      %get3A_337 = arith.constant 32 : index
      %get3A_338 = tpu.vector_load %arg11[%get3A_336, %get3A_337] {strides = array<i32>} : memref<80x128xbf16, #tpu.memory_space<vmem>>, vector<32xbf16>,
      %mul3A_339 = arith.mulf %get3A_338, %pack3A_328 : vector<32xbf16>
      %swap3A_340 = arith.index_cast %add3A_323 : i32 to index
      %swap3A_341 = arith.constant 32 : index
      %swap3A_342 = tpu.vector_load %arg11[%swap3A_340, %swap3A_341] {strides = array<i32>} : memref<80x128xbf16, #tpu.memory_space<vmem>>, vector<32xbf16>,
      tpu.vector_store %arg11[%swap3A_340, %swap3A_341], %mul3A_339 {strides = array<i32>} : memref<80x128xbf16, #tpu.memory_space<vmem>>, vector<32xbf16>,
      %get3A_343 = arith.index_cast %add3A_323 : i32 to index
      %get3A_344 = arith.constant 64 : index
      %get3A_345 = tpu.vector_load %arg11[%get3A_343, %get3A_344] {strides = array<i32>} : memref<80x128xbf16, #tpu.memory_space<vmem>>, vector<32xbf16>,
      %mul3A_346 = arith.mulf %get3A_345, %pack3A_328 : vector<32xbf16>
      %swap3A_347 = arith.index_cast %add3A_323 : i32 to index
      %swap3A_348 = arith.constant 64 : index
      %swap3A_349 = tpu.vector_load %arg11[%swap3A_347, %swap3A_348] {strides = array<i32>} : memref<80x128xbf16, #tpu.memory_space<vmem>>, vector<32xbf16>,
      tpu.vector_store %arg11[%swap3A_347, %swap3A_348], %mul3A_346 {strides = array<i32>} : memref<80x128xbf16, #tpu.memory_space<vmem>>, vector<32xbf16>,
      %get3A_350 = arith.index_cast %add3A_323 : i32 to index
      %get3A_351 = arith.constant 96 : index
      %get3A_352 = tpu.vector_load %arg11[%get3A_350, %get3A_351] {strides = array<i32>} : memref<80x128xbf16, #tpu.memory_space<vmem>>, vector<32xbf16>,
      %mul3A_353 = arith.mulf %get3A_352, %pack3A_328 : vector<32xbf16>
      %swap3A_354 = arith.index_cast %add3A_323 : i32 to index
      %swap3A_355 = arith.constant 96 : index
      %swap3A_356 = tpu.vector_load %arg11[%swap3A_354, %swap3A_355] {strides = array<i32>} : memref<80x128xbf16, #tpu.memory_space<vmem>>, vector<32xbf16>,
      tpu.vector_store %arg11[%swap3A_354, %swap3A_355], %mul3A_353 {strides = array<i32>} : memref<80x128xbf16, #tpu.memory_space<vmem>>, vector<32xbf16>,
      %add3A_357 = arith.constant 4 : i32
      %add3A_358 = arith.addi %mul3A_221, %add3A_357 : i32
      %broadcast_in_dim3A_359 = arith.constant 121 : i32
      %broadcast_in_dim3A_360 = vector.broadcast %broadcast_in_dim3A_359 : i32 to vector<16xi32>
      %broadcast_in_dim3A_361 = vector.broadcast %add3A_358 : i32 to vector<16xi32>
      %gather3A_362 = tpu.vector_load_idx %arg9[%broadcast_in_dim3A_360, %broadcast_in_dim3A_361] : memref<125x80xf32, #tpu.memory_space<vmem>>[vector<16xi32>, vector<16xi32>], vector<16xf32>,
      %pack3A_363 = tpu.pack_subelements %gather3A_362, %gather3A_362 {pack_format = #tpu.pack_format<interleaved>, positions = array<i32: 0, 1>} : vector<16xf32>, vector<16xf32> -> vector<32xbf16>
      %get3A_364 = arith.index_cast %add3A_358 : i32 to index
      %get3A_365 = arith.constant 0 : index
      %get3A_366 = tpu.vector_load %arg11[%get3A_364, %get3A_365] {strides = array<i32>} : memref<80x128xbf16, #tpu.memory_space<vmem>>, vector<32xbf16>,
      %mul3A_367 = arith.mulf %get3A_366, %pack3A_363 : vector<32xbf16>
      %swap3A_368 = arith.index_cast %add3A_358 : i32 to index
      %swap3A_369 = arith.constant 0 : index
      %swap3A_370 = tpu.vector_load %arg11[%swap3A_368, %swap3A_369] {strides = array<i32>} : memref<80x128xbf16, #tpu.memory_space<vmem>>, vector<32xbf16>,
      tpu.vector_store %arg11[%swap3A_368, %swap3A_369], %mul3A_367 {strides = array<i32>} : memref<80x128xbf16, #tpu.memory_space<vmem>>, vector<32xbf16>,
      %get3A_371 = arith.index_cast %add3A_358 : i32 to index
      %get3A_372 = arith.constant 32 : index
      %get3A_373 = tpu.vector_load %arg11[%get3A_371, %get3A_372] {strides = array<i32>} : memref<80x128xbf16, #tpu.memory_space<vmem>>, vector<32xbf16>,
      %mul3A_374 = arith.mulf %get3A_373, %pack3A_363 : vector<32xbf16>
      %swap3A_375 = arith.index_cast %add3A_358 : i32 to index
      %swap3A_376 = arith.constant 32 : index
      %swap3A_377 = tpu.vector_load %arg11[%swap3A_375, %swap3A_376] {strides = array<i32>} : memref<80x128xbf16, #tpu.memory_space<vmem>>, vector<32xbf16>,
      tpu.vector_store %arg11[%swap3A_375, %swap3A_376], %mul3A_374 {strides = array<i32>} : memref<80x128xbf16, #tpu.memory_space<vmem>>, vector<32xbf16>,
      %get3A_378 = arith.index_cast %add3A_358 : i32 to index
      %get3A_379 = arith.constant 64 : index
      %get3A_380 = tpu.vector_load %arg11[%get3A_378, %get3A_379] {strides = array<i32>} : memref<80x128xbf16, #tpu.memory_space<vmem>>, vector<32xbf16>,
      %mul3A_381 = arith.mulf %get3A_380, %pack3A_363 : vector<32xbf16>
      %swap3A_382 = arith.index_cast %add3A_358 : i32 to index
      %swap3A_383 = arith.constant 64 : index
      %swap3A_384 = tpu.vector_load %arg11[%swap3A_382, %swap3A_383] {strides = array<i32>} : memref<80x128xbf16, #tpu.memory_space<vmem>>, vector<32xbf16>,
      tpu.vector_store %arg11[%swap3A_382, %swap3A_383], %mul3A_381 {strides = array<i32>} : memref<80x128xbf16, #tpu.memory_space<vmem>>, vector<32xbf16>,
      %get3A_385 = arith.index_cast %add3A_358 : i32 to index
      %get3A_386 = arith.constant 96 : index
      %get3A_387 = tpu.vector_load %arg11[%get3A_385, %get3A_386] {strides = array<i32>} : memref<80x128xbf16, #tpu.memory_space<vmem>>, vector<32xbf16>,
      %mul3A_388 = arith.mulf %get3A_387, %pack3A_363 : vector<32xbf16>
      %swap3A_389 = arith.index_cast %add3A_358 : i32 to index
      %swap3A_390 = arith.constant 96 : index
      %swap3A_391 = tpu.vector_load %arg11[%swap3A_389, %swap3A_390] {strides = array<i32>} : memref<80x128xbf16, #tpu.memory_space<vmem>>, vector<32xbf16>,
      tpu.vector_store %arg11[%swap3A_389, %swap3A_390], %mul3A_388 {strides = array<i32>} : memref<80x128xbf16, #tpu.memory_space<vmem>>, vector<32xbf16>,
      %add3A_392 = arith.constant 5 : i32
      %add3A_393 = arith.addi %mul3A_221, %add3A_392 : i32
      %broadcast_in_dim3A_394 = arith.constant 121 : i32
      %broadcast_in_dim3A_395 = vector.broadcast %broadcast_in_dim3A_394 : i32 to vector<16xi32>
      %broadcast_in_dim3A_396 = vector.broadcast %add3A_393 : i32 to vector<16xi32>
      %gather3A_397 = tpu.vector_load_idx %arg9[%broadcast_in_dim3A_395, %broadcast_in_dim3A_396] : memref<125x80xf32, #tpu.memory_space<vmem>>[vector<16xi32>, vector<16xi32>], vector<16xf32>,
      %pack3A_398 = tpu.pack_subelements %gather3A_397, %gather3A_397 {pack_format = #tpu.pack_format<interleaved>, positions = array<i32: 0, 1>} : vector<16xf32>, vector<16xf32> -> vector<32xbf16>
      %get3A_399 = arith.index_cast %add3A_393 : i32 to index
      %get3A_400 = arith.constant 0 : index
      %get3A_401 = tpu.vector_load %arg11[%get3A_399, %get3A_400] {strides = array<i32>} : memref<80x128xbf16, #tpu.memory_space<vmem>>, vector<32xbf16>,
      %mul3A_402 = arith.mulf %get3A_401, %pack3A_398 : vector<32xbf16>
      %swap3A_403 = arith.index_cast %add3A_393 : i32 to index
      %swap3A_404 = arith.constant 0 : index
      %swap3A_405 = tpu.vector_load %arg11[%swap3A_403, %swap3A_404] {strides = array<i32>} : memref<80x128xbf16, #tpu.memory_space<vmem>>, vector<32xbf16>,
      tpu.vector_store %arg11[%swap3A_403, %swap3A_404], %mul3A_402 {strides = array<i32>} : memref<80x128xbf16, #tpu.memory_space<vmem>>, vector<32xbf16>,
      %get3A_406 = arith.index_cast %add3A_393 : i32 to index
      %get3A_407 = arith.constant 32 : index
      %get3A_408 = tpu.vector_load %arg11[%get3A_406, %get3A_407] {strides = array<i32>} : memref<80x128xbf16, #tpu.memory_space<vmem>>, vector<32xbf16>,
      %mul3A_409 = arith.mulf %get3A_408, %pack3A_398 : vector<32xbf16>
      %swap3A_410 = arith.index_cast %add3A_393 : i32 to index
      %swap3A_411 = arith.constant 32 : index
      %swap3A_412 = tpu.vector_load %arg11[%swap3A_410, %swap3A_411] {strides = array<i32>} : memref<80x128xbf16, #tpu.memory_space<vmem>>, vector<32xbf16>,
      tpu.vector_store %arg11[%swap3A_410, %swap3A_411], %mul3A_409 {strides = array<i32>} : memref<80x128xbf16, #tpu.memory_space<vmem>>, vector<32xbf16>,
      %get3A_413 = arith.index_cast %add3A_393 : i32 to index
      %get3A_414 = arith.constant 64 : index
      %get3A_415 = tpu.vector_load %arg11[%get3A_413, %get3A_414] {strides = array<i32>} : memref<80x128xbf16, #tpu.memory_space<vmem>>, vector<32xbf16>,
      %mul3A_416 = arith.mulf %get3A_415, %pack3A_398 : vector<32xbf16>
      %swap3A_417 = arith.index_cast %add3A_393 : i32 to index
      %swap3A_418 = arith.constant 64 : index
      %swap3A_419 = tpu.vector_load %arg11[%swap3A_417, %swap3A_418] {strides = array<i32>} : memref<80x128xbf16, #tpu.memory_space<vmem>>, vector<32xbf16>,
      tpu.vector_store %arg11[%swap3A_417, %swap3A_418], %mul3A_416 {strides = array<i32>} : memref<80x128xbf16, #tpu.memory_space<vmem>>, vector<32xbf16>,
      %get3A_420 = arith.index_cast %add3A_393 : i32 to index
      %get3A_421 = arith.constant 96 : index
      %get3A_422 = tpu.vector_load %arg11[%get3A_420, %get3A_421] {strides = array<i32>} : memref<80x128xbf16, #tpu.memory_space<vmem>>, vector<32xbf16>,
      %mul3A_423 = arith.mulf %get3A_422, %pack3A_398 : vector<32xbf16>
      %swap3A_424 = arith.index_cast %add3A_393 : i32 to index
      %swap3A_425 = arith.constant 96 : index
      %swap3A_426 = tpu.vector_load %arg11[%swap3A_424, %swap3A_425] {strides = array<i32>} : memref<80x128xbf16, #tpu.memory_space<vmem>>, vector<32xbf16>,
      tpu.vector_store %arg11[%swap3A_424, %swap3A_425], %mul3A_423 {strides = array<i32>} : memref<80x128xbf16, #tpu.memory_space<vmem>>, vector<32xbf16>,
      %add3A_427 = arith.constant 6 : i32
      %add3A_428 = arith.addi %mul3A_221, %add3A_427 : i32
      %broadcast_in_dim3A_429 = arith.constant 121 : i32
      %broadcast_in_dim3A_430 = vector.broadcast %broadcast_in_dim3A_429 : i32 to vector<16xi32>
      %broadcast_in_dim3A_431 = vector.broadcast %add3A_428 : i32 to vector<16xi32>
      %gather3A_432 = tpu.vector_load_idx %arg9[%broadcast_in_dim3A_430, %broadcast_in_dim3A_431] : memref<125x80xf32, #tpu.memory_space<vmem>>[vector<16xi32>, vector<16xi32>], vector<16xf32>,
      %pack3A_433 = tpu.pack_subelements %gather3A_432, %gather3A_432 {pack_format = #tpu.pack_format<interleaved>, positions = array<i32: 0, 1>} : vector<16xf32>, vector<16xf32> -> vector<32xbf16>
      %get3A_434 = arith.index_cast %add3A_428 : i32 to index
      %get3A_435 = arith.constant 0 : index
      %get3A_436 = tpu.vector_load %arg11[%get3A_434, %get3A_435] {strides = array<i32>} : memref<80x128xbf16, #tpu.memory_space<vmem>>, vector<32xbf16>,
      %mul3A_437 = arith.mulf %get3A_436, %pack3A_433 : vector<32xbf16>
      %swap3A_438 = arith.index_cast %add3A_428 : i32 to index
      %swap3A_439 = arith.constant 0 : index
      %swap3A_440 = tpu.vector_load %arg11[%swap3A_438, %swap3A_439] {strides = array<i32>} : memref<80x128xbf16, #tpu.memory_space<vmem>>, vector<32xbf16>,
      tpu.vector_store %arg11[%swap3A_438, %swap3A_439], %mul3A_437 {strides = array<i32>} : memref<80x128xbf16, #tpu.memory_space<vmem>>, vector<32xbf16>,
      %get3A_441 = arith.index_cast %add3A_428 : i32 to index
      %get3A_442 = arith.constant 32 : index
      %get3A_443 = tpu.vector_load %arg11[%get3A_441, %get3A_442] {strides = array<i32>} : memref<80x128xbf16, #tpu.memory_space<vmem>>, vector<32xbf16>,
      %mul3A_444 = arith.mulf %get3A_443, %pack3A_433 : vector<32xbf16>
      %swap3A_445 = arith.index_cast %add3A_428 : i32 to index
      %swap3A_446 = arith.constant 32 : index
      %swap3A_447 = tpu.vector_load %arg11[%swap3A_445, %swap3A_446] {strides = array<i32>} : memref<80x128xbf16, #tpu.memory_space<vmem>>, vector<32xbf16>,
      tpu.vector_store %arg11[%swap3A_445, %swap3A_446], %mul3A_444 {strides = array<i32>} : memref<80x128xbf16, #tpu.memory_space<vmem>>, vector<32xbf16>,
      %get3A_448 = arith.index_cast %add3A_428 : i32 to index
      %get3A_449 = arith.constant 64 : index
      %get3A_450 = tpu.vector_load %arg11[%get3A_448, %get3A_449] {strides = array<i32>} : memref<80x128xbf16, #tpu.memory_space<vmem>>, vector<32xbf16>,
      %mul3A_451 = arith.mulf %get3A_450, %pack3A_433 : vector<32xbf16>
      %swap3A_452 = arith.index_cast %add3A_428 : i32 to index
      %swap3A_453 = arith.constant 64 : index
      %swap3A_454 = tpu.vector_load %arg11[%swap3A_452, %swap3A_453] {strides = array<i32>} : memref<80x128xbf16, #tpu.memory_space<vmem>>, vector<32xbf16>,
      tpu.vector_store %arg11[%swap3A_452, %swap3A_453], %mul3A_451 {strides = array<i32>} : memref<80x128xbf16, #tpu.memory_space<vmem>>, vector<32xbf16>,
      %get3A_455 = arith.index_cast %add3A_428 : i32 to index
      %get3A_456 = arith.constant 96 : index
      %get3A_457 = tpu.vector_load %arg11[%get3A_455, %get3A_456] {strides = array<i32>} : memref<80x128xbf16, #tpu.memory_space<vmem>>, vector<32xbf16>,
      %mul3A_458 = arith.mulf %get3A_457, %pack3A_433 : vector<32xbf16>
      %swap3A_459 = arith.index_cast %add3A_428 : i32 to index
      %swap3A_460 = arith.constant 96 : index
      %swap3A_461 = tpu.vector_load %arg11[%swap3A_459, %swap3A_460] {strides = array<i32>} : memref<80x128xbf16, #tpu.memory_space<vmem>>, vector<32xbf16>,
      tpu.vector_store %arg11[%swap3A_459, %swap3A_460], %mul3A_458 {strides = array<i32>} : memref<80x128xbf16, #tpu.memory_space<vmem>>, vector<32xbf16>,
      %add3A_462 = arith.constant 7 : i32
      %add3A_463 = arith.addi %mul3A_221, %add3A_462 : i32
      %broadcast_in_dim3A_464 = arith.constant 121 : i32
      %broadcast_in_dim3A_465 = vector.broadcast %broadcast_in_dim3A_464 : i32 to vector<16xi32>
      %broadcast_in_dim3A_466 = vector.broadcast %add3A_463 : i32 to vector<16xi32>
      %gather3A_467 = tpu.vector_load_idx %arg9[%broadcast_in_dim3A_465, %broadcast_in_dim3A_466] : memref<125x80xf32, #tpu.memory_space<vmem>>[vector<16xi32>, vector<16xi32>], vector<16xf32>,
      %pack3A_468 = tpu.pack_subelements %gather3A_467, %gather3A_467 {pack_format = #tpu.pack_format<interleaved>, positions = array<i32: 0, 1>} : vector<16xf32>, vector<16xf32> -> vector<32xbf16>
      %get3A_469 = arith.index_cast %add3A_463 : i32 to index
      %get3A_470 = arith.constant 0 : index
      %get3A_471 = tpu.vector_load %arg11[%get3A_469, %get3A_470] {strides = array<i32>} : memref<80x128xbf16, #tpu.memory_space<vmem>>, vector<32xbf16>,
      %mul3A_472 = arith.mulf %get3A_471, %pack3A_468 : vector<32xbf16>
      %swap3A_473 = arith.index_cast %add3A_463 : i32 to index
      %swap3A_474 = arith.constant 0 : index
      %swap3A_475 = tpu.vector_load %arg11[%swap3A_473, %swap3A_474] {strides = array<i32>} : memref<80x128xbf16, #tpu.memory_space<vmem>>, vector<32xbf16>,
      tpu.vector_store %arg11[%swap3A_473, %swap3A_474], %mul3A_472 {strides = array<i32>} : memref<80x128xbf16, #tpu.memory_space<vmem>>, vector<32xbf16>,
      %get3A_476 = arith.index_cast %add3A_463 : i32 to index
      %get3A_477 = arith.constant 32 : index
      %get3A_478 = tpu.vector_load %arg11[%get3A_476, %get3A_477] {strides = array<i32>} : memref<80x128xbf16, #tpu.memory_space<vmem>>, vector<32xbf16>,
      %mul3A_479 = arith.mulf %get3A_478, %pack3A_468 : vector<32xbf16>
      %swap3A_480 = arith.index_cast %add3A_463 : i32 to index
      %swap3A_481 = arith.constant 32 : index
      %swap3A_482 = tpu.vector_load %arg11[%swap3A_480, %swap3A_481] {strides = array<i32>} : memref<80x128xbf16, #tpu.memory_space<vmem>>, vector<32xbf16>,
      tpu.vector_store %arg11[%swap3A_480, %swap3A_481], %mul3A_479 {strides = array<i32>} : memref<80x128xbf16, #tpu.memory_space<vmem>>, vector<32xbf16>,
      %get3A_483 = arith.index_cast %add3A_463 : i32 to index
      %get3A_484 = arith.constant 64 : index
      %get3A_485 = tpu.vector_load %arg11[%get3A_483, %get3A_484] {strides = array<i32>} : memref<80x128xbf16, #tpu.memory_space<vmem>>, vector<32xbf16>,
      %mul3A_486 = arith.mulf %get3A_485, %pack3A_468 : vector<32xbf16>
      %swap3A_487 = arith.index_cast %add3A_463 : i32 to index
      %swap3A_488 = arith.constant 64 : index
      %swap3A_489 = tpu.vector_load %arg11[%swap3A_487, %swap3A_488] {strides = array<i32>} : memref<80x128xbf16, #tpu.memory_space<vmem>>, vector<32xbf16>,
      tpu.vector_store %arg11[%swap3A_487, %swap3A_488], %mul3A_486 {strides = array<i32>} : memref<80x128xbf16, #tpu.memory_space<vmem>>, vector<32xbf16>,
      %get3A_490 = arith.index_cast %add3A_463 : i32 to index
      %get3A_491 = arith.constant 96 : index
      %get3A_492 = tpu.vector_load %arg11[%get3A_490, %get3A_491] {strides = array<i32>} : memref<80x128xbf16, #tpu.memory_space<vmem>>, vector<32xbf16>,
      %mul3A_493 = arith.mulf %get3A_492, %pack3A_468 : vector<32xbf16>
      %swap3A_494 = arith.index_cast %add3A_463 : i32 to index
      %swap3A_495 = arith.constant 96 : index
      %swap3A_496 = tpu.vector_load %arg11[%swap3A_494, %swap3A_495] {strides = array<i32>} : memref<80x128xbf16, #tpu.memory_space<vmem>>, vector<32xbf16>,
      tpu.vector_store %arg11[%swap3A_494, %swap3A_495], %mul3A_493 {strides = array<i32>} : memref<80x128xbf16, #tpu.memory_space<vmem>>, vector<32xbf16>,
    }
    %scan3A_97 = arith.constant 10 : i32
    %dma_start3A_98 = arith.constant 121 : i32
    %dma_start3A_99 = arith.constant 0 : i32
    %dma_start3A_100 = tpu.memref_slice %arg8[%dma_start3A_98, %dma_start3A_99] : memref<125x80xi32, #tpu.memory_space<vmem>> -> memref<1x80xi32, #tpu.memory_space<vmem>>
    %dma_start3A_101 = tpu.memref_squeeze %dma_start3A_100 : memref<1x80xi32, #tpu.memory_space<vmem>> -> memref<80xi32, #tpu.memory_space<vmem>>
    %dma_start3A_102 = arith.constant 0 : i32
    %dma_start3A_103 = arith.constant 0 : i32
    %dma_start3A_104 = tpu.memref_slice %arg13[%dma_start3A_102, %dma_start3A_103] : memref<10000x128xbf16, #tpu.memory_space<vmem_shared>> -> memref<10000x128xbf16, #tpu.memory_space<vmem_shared>>
    tpu.enqueue_indirect_dma source(%arg11 : memref<80x128xbf16, #tpu.memory_space<vmem>>) target(%dma_start3A_104 : memref<10000x128xbf16, #tpu.memory_space<vmem_shared>>) offsets(%dma_start3A_101 : memref<80xi32, #tpu.memory_space<vmem>>) semaphore(%arg18 : memref<!tpu.dma_semaphore, #tpu.memory_space<semaphore_mem>>) {add = true}
    %dma_wait3A_105 = arith.constant 120 : i32
    %dma_wait3A_106 = arith.constant 0 : i32
    %dma_wait3A_107 = tpu.memref_slice %arg8[%dma_wait3A_105, %dma_wait3A_106] : memref<125x80xi32, #tpu.memory_space<vmem>> -> memref<1x80xi32, #tpu.memory_space<vmem>>
    %dma_wait3A_108 = tpu.memref_squeeze %dma_wait3A_107 : memref<1x80xi32, #tpu.memory_space<vmem>> -> memref<80xi32, #tpu.memory_space<vmem>>
    %dma_wait3A_109 = arith.constant 0 : i32
    %dma_wait3A_110 = arith.constant 0 : i32
    %dma_wait3A_111 = tpu.memref_slice %arg13[%dma_wait3A_109, %dma_wait3A_110] : memref<10000x128xbf16, #tpu.memory_space<vmem_shared>> -> memref<10000x128xbf16, #tpu.memory_space<vmem_shared>>
    tpu.wait_indirect_dma semaphore(%arg17 : memref<!tpu.dma_semaphore, #tpu.memory_space<semaphore_mem>>) src(%arg10 : memref<80x128xbf16, #tpu.memory_space<vmem>>) dst(%dma_wait3A_111 : memref<10000x128xbf16, #tpu.memory_space<vmem_shared>>)
    %dma_start3A_112 = arith.constant 123 : i32
    %dma_start3A_113 = arith.constant 0 : i32
    %dma_start3A_114 = tpu.memref_slice %arg7[%dma_start3A_112, %dma_start3A_113] : memref<125x80xi32, #tpu.memory_space<vmem>> -> memref<1x80xi32, #tpu.memory_space<vmem>>
    %dma_start3A_115 = tpu.memref_squeeze %dma_start3A_114 : memref<1x80xi32, #tpu.memory_space<vmem>> -> memref<80xi32, #tpu.memory_space<vmem>>
    %dma_start3A_116 = arith.constant 0 : i32
    %dma_start3A_117 = arith.constant 0 : i32
    %dma_start3A_118 = tpu.memref_slice %arg2[%dma_start3A_116, %dma_start3A_117] : memref<10000x128xbf16, #tpu.memory_space<hbm>> -> memref<10000x128xbf16, #tpu.memory_space<hbm>>
    tpu.enqueue_indirect_dma source(%dma_start3A_118 : memref<10000x128xbf16, #tpu.memory_space<hbm>>) target(%arg10 : memref<80x128xbf16, #tpu.memory_space<vmem>>) offsets(%dma_start3A_115 : memref<80xi32, #tpu.memory_space<vmem>>) semaphore(%arg14 : memref<!tpu.dma_semaphore, #tpu.memory_space<semaphore_mem>>)
    %dma_wait3A_119 = arith.constant 122 : i32
    %dma_wait3A_120 = arith.constant 0 : i32
    %dma_wait3A_121 = tpu.memref_slice %arg7[%dma_wait3A_119, %dma_wait3A_120] : memref<125x80xi32, #tpu.memory_space<vmem>> -> memref<1x80xi32, #tpu.memory_space<vmem>>
    %dma_wait3A_122 = tpu.memref_squeeze %dma_wait3A_121 : memref<1x80xi32, #tpu.memory_space<vmem>> -> memref<80xi32, #tpu.memory_space<vmem>>
    %dma_wait3A_123 = arith.constant 0 : i32
    %dma_wait3A_124 = arith.constant 0 : i32
    %dma_wait3A_125 = tpu.memref_slice %arg2[%dma_wait3A_123, %dma_wait3A_124] : memref<10000x128xbf16, #tpu.memory_space<hbm>> -> memref<10000x128xbf16, #tpu.memory_space<hbm>>
    tpu.wait_indirect_dma semaphore(%arg16 : memref<!tpu.dma_semaphore, #tpu.memory_space<semaphore_mem>>) src(%dma_wait3A_125 : memref<10000x128xbf16, #tpu.memory_space<hbm>>) dst(%arg12 : memref<80x128xbf16, #tpu.memory_space<vmem>>)
    %scan3A_126 = arith.constant 0 : i32
    %scan3A_127 = arith.constant 0 : i32
    %scan3A_128 = arith.constant 10 : i32
    %scan3A_129 = arith.addi %scan3A_127, %scan3A_128 : i32
    %scan3A_130 = arith.constant 1 : i32
    scf.for %scan3A_219 = %scan3A_127 to %scan3A_129 step %scan3A_130  : i32 {
      %mul3A_220 = arith.constant 8 : i32
      %mul3A_221 = arith.muli %scan3A_219, %mul3A_220 : i32
      %add3A_222 = arith.constant 0 : i32
      %add3A_223 = arith.addi %mul3A_221, %add3A_222 : i32
      %broadcast_in_dim3A = arith.constant 122 : i32
      %broadcast_in_dim3A_224 = vector.broadcast %broadcast_in_dim3A : i32 to vector<16xi32>
      %broadcast_in_dim3A_225 = vector.broadcast %add3A_223 : i32 to vector<16xi32>
      %gather3A = tpu.vector_load_idx %arg9[%broadcast_in_dim3A_224, %broadcast_in_dim3A_225] : memref<125x80xf32, #tpu.memory_space<vmem>>[vector<16xi32>, vector<16xi32>], vector<16xf32>,
      %pack3A = tpu.pack_subelements %gather3A, %gather3A {pack_format = #tpu.pack_format<interleaved>, positions = array<i32: 0, 1>} : vector<16xf32>, vector<16xf32> -> vector<32xbf16>
      %get3A = arith.index_cast %add3A_223 : i32 to index
      %get3A_226 = arith.constant 0 : index
      %get3A_227 = tpu.vector_load %arg12[%get3A, %get3A_226] {strides = array<i32>} : memref<80x128xbf16, #tpu.memory_space<vmem>>, vector<32xbf16>,
      %mul3A_228 = arith.mulf %get3A_227, %pack3A : vector<32xbf16>
      %swap3A = arith.index_cast %add3A_223 : i32 to index
      %swap3A_229 = arith.constant 0 : index
      %swap3A_230 = tpu.vector_load %arg12[%swap3A, %swap3A_229] {strides = array<i32>} : memref<80x128xbf16, #tpu.memory_space<vmem>>, vector<32xbf16>,
      tpu.vector_store %arg12[%swap3A, %swap3A_229], %mul3A_228 {strides = array<i32>} : memref<80x128xbf16, #tpu.memory_space<vmem>>, vector<32xbf16>,
      %get3A_231 = arith.index_cast %add3A_223 : i32 to index
      %get3A_232 = arith.constant 32 : index
      %get3A_233 = tpu.vector_load %arg12[%get3A_231, %get3A_232] {strides = array<i32>} : memref<80x128xbf16, #tpu.memory_space<vmem>>, vector<32xbf16>,
      %mul3A_234 = arith.mulf %get3A_233, %pack3A : vector<32xbf16>
      %swap3A_235 = arith.index_cast %add3A_223 : i32 to index
      %swap3A_236 = arith.constant 32 : index
      %swap3A_237 = tpu.vector_load %arg12[%swap3A_235, %swap3A_236] {strides = array<i32>} : memref<80x128xbf16, #tpu.memory_space<vmem>>, vector<32xbf16>,
      tpu.vector_store %arg12[%swap3A_235, %swap3A_236], %mul3A_234 {strides = array<i32>} : memref<80x128xbf16, #tpu.memory_space<vmem>>, vector<32xbf16>,
      %get3A_238 = arith.index_cast %add3A_223 : i32 to index
      %get3A_239 = arith.constant 64 : index
      %get3A_240 = tpu.vector_load %arg12[%get3A_238, %get3A_239] {strides = array<i32>} : memref<80x128xbf16, #tpu.memory_space<vmem>>, vector<32xbf16>,
      %mul3A_241 = arith.mulf %get3A_240, %pack3A : vector<32xbf16>
      %swap3A_242 = arith.index_cast %add3A_223 : i32 to index
      %swap3A_243 = arith.constant 64 : index
      %swap3A_244 = tpu.vector_load %arg12[%swap3A_242, %swap3A_243] {strides = array<i32>} : memref<80x128xbf16, #tpu.memory_space<vmem>>, vector<32xbf16>,
      tpu.vector_store %arg12[%swap3A_242, %swap3A_243], %mul3A_241 {strides = array<i32>} : memref<80x128xbf16, #tpu.memory_space<vmem>>, vector<32xbf16>,
      %get3A_245 = arith.index_cast %add3A_223 : i32 to index
      %get3A_246 = arith.constant 96 : index
      %get3A_247 = tpu.vector_load %arg12[%get3A_245, %get3A_246] {strides = array<i32>} : memref<80x128xbf16, #tpu.memory_space<vmem>>, vector<32xbf16>,
      %mul3A_248 = arith.mulf %get3A_247, %pack3A : vector<32xbf16>
      %swap3A_249 = arith.index_cast %add3A_223 : i32 to index
      %swap3A_250 = arith.constant 96 : index
      %swap3A_251 = tpu.vector_load %arg12[%swap3A_249, %swap3A_250] {strides = array<i32>} : memref<80x128xbf16, #tpu.memory_space<vmem>>, vector<32xbf16>,
      tpu.vector_store %arg12[%swap3A_249, %swap3A_250], %mul3A_248 {strides = array<i32>} : memref<80x128xbf16, #tpu.memory_space<vmem>>, vector<32xbf16>,
      %add3A_252 = arith.constant 1 : i32
      %add3A_253 = arith.addi %mul3A_221, %add3A_252 : i32
      %broadcast_in_dim3A_254 = arith.constant 122 : i32
      %broadcast_in_dim3A_255 = vector.broadcast %broadcast_in_dim3A_254 : i32 to vector<16xi32>
      %broadcast_in_dim3A_256 = vector.broadcast %add3A_253 : i32 to vector<16xi32>
      %gather3A_257 = tpu.vector_load_idx %arg9[%broadcast_in_dim3A_255, %broadcast_in_dim3A_256] : memref<125x80xf32, #tpu.memory_space<vmem>>[vector<16xi32>, vector<16xi32>], vector<16xf32>,
      %pack3A_258 = tpu.pack_subelements %gather3A_257, %gather3A_257 {pack_format = #tpu.pack_format<interleaved>, positions = array<i32: 0, 1>} : vector<16xf32>, vector<16xf32> -> vector<32xbf16>
      %get3A_259 = arith.index_cast %add3A_253 : i32 to index
      %get3A_260 = arith.constant 0 : index
      %get3A_261 = tpu.vector_load %arg12[%get3A_259, %get3A_260] {strides = array<i32>} : memref<80x128xbf16, #tpu.memory_space<vmem>>, vector<32xbf16>,
      %mul3A_262 = arith.mulf %get3A_261, %pack3A_258 : vector<32xbf16>
      %swap3A_263 = arith.index_cast %add3A_253 : i32 to index
      %swap3A_264 = arith.constant 0 : index
      %swap3A_265 = tpu.vector_load %arg12[%swap3A_263, %swap3A_264] {strides = array<i32>} : memref<80x128xbf16, #tpu.memory_space<vmem>>, vector<32xbf16>,
      tpu.vector_store %arg12[%swap3A_263, %swap3A_264], %mul3A_262 {strides = array<i32>} : memref<80x128xbf16, #tpu.memory_space<vmem>>, vector<32xbf16>,
      %get3A_266 = arith.index_cast %add3A_253 : i32 to index
      %get3A_267 = arith.constant 32 : index
      %get3A_268 = tpu.vector_load %arg12[%get3A_266, %get3A_267] {strides = array<i32>} : memref<80x128xbf16, #tpu.memory_space<vmem>>, vector<32xbf16>,
      %mul3A_269 = arith.mulf %get3A_268, %pack3A_258 : vector<32xbf16>
      %swap3A_270 = arith.index_cast %add3A_253 : i32 to index
      %swap3A_271 = arith.constant 32 : index
      %swap3A_272 = tpu.vector_load %arg12[%swap3A_270, %swap3A_271] {strides = array<i32>} : memref<80x128xbf16, #tpu.memory_space<vmem>>, vector<32xbf16>,
      tpu.vector_store %arg12[%swap3A_270, %swap3A_271], %mul3A_269 {strides = array<i32>} : memref<80x128xbf16, #tpu.memory_space<vmem>>, vector<32xbf16>,
      %get3A_273 = arith.index_cast %add3A_253 : i32 to index
      %get3A_274 = arith.constant 64 : index
      %get3A_275 = tpu.vector_load %arg12[%get3A_273, %get3A_274] {strides = array<i32>} : memref<80x128xbf16, #tpu.memory_space<vmem>>, vector<32xbf16>,
      %mul3A_276 = arith.mulf %get3A_275, %pack3A_258 : vector<32xbf16>
      %swap3A_277 = arith.index_cast %add3A_253 : i32 to index
      %swap3A_278 = arith.constant 64 : index
      %swap3A_279 = tpu.vector_load %arg12[%swap3A_277, %swap3A_278] {strides = array<i32>} : memref<80x128xbf16, #tpu.memory_space<vmem>>, vector<32xbf16>,
      tpu.vector_store %arg12[%swap3A_277, %swap3A_278], %mul3A_276 {strides = array<i32>} : memref<80x128xbf16, #tpu.memory_space<vmem>>, vector<32xbf16>,
      %get3A_280 = arith.index_cast %add3A_253 : i32 to index
      %get3A_281 = arith.constant 96 : index
      %get3A_282 = tpu.vector_load %arg12[%get3A_280, %get3A_281] {strides = array<i32>} : memref<80x128xbf16, #tpu.memory_space<vmem>>, vector<32xbf16>,
      %mul3A_283 = arith.mulf %get3A_282, %pack3A_258 : vector<32xbf16>
      %swap3A_284 = arith.index_cast %add3A_253 : i32 to index
      %swap3A_285 = arith.constant 96 : index
      %swap3A_286 = tpu.vector_load %arg12[%swap3A_284, %swap3A_285] {strides = array<i32>} : memref<80x128xbf16, #tpu.memory_space<vmem>>, vector<32xbf16>,
      tpu.vector_store %arg12[%swap3A_284, %swap3A_285], %mul3A_283 {strides = array<i32>} : memref<80x128xbf16, #tpu.memory_space<vmem>>, vector<32xbf16>,
      %add3A_287 = arith.constant 2 : i32
      %add3A_288 = arith.addi %mul3A_221, %add3A_287 : i32
      %broadcast_in_dim3A_289 = arith.constant 122 : i32
      %broadcast_in_dim3A_290 = vector.broadcast %broadcast_in_dim3A_289 : i32 to vector<16xi32>
      %broadcast_in_dim3A_291 = vector.broadcast %add3A_288 : i32 to vector<16xi32>
      %gather3A_292 = tpu.vector_load_idx %arg9[%broadcast_in_dim3A_290, %broadcast_in_dim3A_291] : memref<125x80xf32, #tpu.memory_space<vmem>>[vector<16xi32>, vector<16xi32>], vector<16xf32>,
      %pack3A_293 = tpu.pack_subelements %gather3A_292, %gather3A_292 {pack_format = #tpu.pack_format<interleaved>, positions = array<i32: 0, 1>} : vector<16xf32>, vector<16xf32> -> vector<32xbf16>
      %get3A_294 = arith.index_cast %add3A_288 : i32 to index
      %get3A_295 = arith.constant 0 : index
      %get3A_296 = tpu.vector_load %arg12[%get3A_294, %get3A_295] {strides = array<i32>} : memref<80x128xbf16, #tpu.memory_space<vmem>>, vector<32xbf16>,
      %mul3A_297 = arith.mulf %get3A_296, %pack3A_293 : vector<32xbf16>
      %swap3A_298 = arith.index_cast %add3A_288 : i32 to index
      %swap3A_299 = arith.constant 0 : index
      %swap3A_300 = tpu.vector_load %arg12[%swap3A_298, %swap3A_299] {strides = array<i32>} : memref<80x128xbf16, #tpu.memory_space<vmem>>, vector<32xbf16>,
      tpu.vector_store %arg12[%swap3A_298, %swap3A_299], %mul3A_297 {strides = array<i32>} : memref<80x128xbf16, #tpu.memory_space<vmem>>, vector<32xbf16>,
      %get3A_301 = arith.index_cast %add3A_288 : i32 to index
      %get3A_302 = arith.constant 32 : index
      %get3A_303 = tpu.vector_load %arg12[%get3A_301, %get3A_302] {strides = array<i32>} : memref<80x128xbf16, #tpu.memory_space<vmem>>, vector<32xbf16>,
      %mul3A_304 = arith.mulf %get3A_303, %pack3A_293 : vector<32xbf16>
      %swap3A_305 = arith.index_cast %add3A_288 : i32 to index
      %swap3A_306 = arith.constant 32 : index
      %swap3A_307 = tpu.vector_load %arg12[%swap3A_305, %swap3A_306] {strides = array<i32>} : memref<80x128xbf16, #tpu.memory_space<vmem>>, vector<32xbf16>,
      tpu.vector_store %arg12[%swap3A_305, %swap3A_306], %mul3A_304 {strides = array<i32>} : memref<80x128xbf16, #tpu.memory_space<vmem>>, vector<32xbf16>,
      %get3A_308 = arith.index_cast %add3A_288 : i32 to index
      %get3A_309 = arith.constant 64 : index
      %get3A_310 = tpu.vector_load %arg12[%get3A_308, %get3A_309] {strides = array<i32>} : memref<80x128xbf16, #tpu.memory_space<vmem>>, vector<32xbf16>,
      %mul3A_311 = arith.mulf %get3A_310, %pack3A_293 : vector<32xbf16>
      %swap3A_312 = arith.index_cast %add3A_288 : i32 to index
      %swap3A_313 = arith.constant 64 : index
      %swap3A_314 = tpu.vector_load %arg12[%swap3A_312, %swap3A_313] {strides = array<i32>} : memref<80x128xbf16, #tpu.memory_space<vmem>>, vector<32xbf16>,
      tpu.vector_store %arg12[%swap3A_312, %swap3A_313], %mul3A_311 {strides = array<i32>} : memref<80x128xbf16, #tpu.memory_space<vmem>>, vector<32xbf16>,
      %get3A_315 = arith.index_cast %add3A_288 : i32 to index
      %get3A_316 = arith.constant 96 : index
      %get3A_317 = tpu.vector_load %arg12[%get3A_315, %get3A_316] {strides = array<i32>} : memref<80x128xbf16, #tpu.memory_space<vmem>>, vector<32xbf16>,
      %mul3A_318 = arith.mulf %get3A_317, %pack3A_293 : vector<32xbf16>
      %swap3A_319 = arith.index_cast %add3A_288 : i32 to index
      %swap3A_320 = arith.constant 96 : index
      %swap3A_321 = tpu.vector_load %arg12[%swap3A_319, %swap3A_320] {strides = array<i32>} : memref<80x128xbf16, #tpu.memory_space<vmem>>, vector<32xbf16>,
      tpu.vector_store %arg12[%swap3A_319, %swap3A_320], %mul3A_318 {strides = array<i32>} : memref<80x128xbf16, #tpu.memory_space<vmem>>, vector<32xbf16>,
      %add3A_322 = arith.constant 3 : i32
      %add3A_323 = arith.addi %mul3A_221, %add3A_322 : i32
      %broadcast_in_dim3A_324 = arith.constant 122 : i32
      %broadcast_in_dim3A_325 = vector.broadcast %broadcast_in_dim3A_324 : i32 to vector<16xi32>
      %broadcast_in_dim3A_326 = vector.broadcast %add3A_323 : i32 to vector<16xi32>
      %gather3A_327 = tpu.vector_load_idx %arg9[%broadcast_in_dim3A_325, %broadcast_in_dim3A_326] : memref<125x80xf32, #tpu.memory_space<vmem>>[vector<16xi32>, vector<16xi32>], vector<16xf32>,
      %pack3A_328 = tpu.pack_subelements %gather3A_327, %gather3A_327 {pack_format = #tpu.pack_format<interleaved>, positions = array<i32: 0, 1>} : vector<16xf32>, vector<16xf32> -> vector<32xbf16>
      %get3A_329 = arith.index_cast %add3A_323 : i32 to index
      %get3A_330 = arith.constant 0 : index
      %get3A_331 = tpu.vector_load %arg12[%get3A_329, %get3A_330] {strides = array<i32>} : memref<80x128xbf16, #tpu.memory_space<vmem>>, vector<32xbf16>,
      %mul3A_332 = arith.mulf %get3A_331, %pack3A_328 : vector<32xbf16>
      %swap3A_333 = arith.index_cast %add3A_323 : i32 to index
      %swap3A_334 = arith.constant 0 : index
      %swap3A_335 = tpu.vector_load %arg12[%swap3A_333, %swap3A_334] {strides = array<i32>} : memref<80x128xbf16, #tpu.memory_space<vmem>>, vector<32xbf16>,
      tpu.vector_store %arg12[%swap3A_333, %swap3A_334], %mul3A_332 {strides = array<i32>} : memref<80x128xbf16, #tpu.memory_space<vmem>>, vector<32xbf16>,
      %get3A_336 = arith.index_cast %add3A_323 : i32 to index
      %get3A_337 = arith.constant 32 : index
      %get3A_338 = tpu.vector_load %arg12[%get3A_336, %get3A_337] {strides = array<i32>} : memref<80x128xbf16, #tpu.memory_space<vmem>>, vector<32xbf16>,
      %mul3A_339 = arith.mulf %get3A_338, %pack3A_328 : vector<32xbf16>
      %swap3A_340 = arith.index_cast %add3A_323 : i32 to index
      %swap3A_341 = arith.constant 32 : index
      %swap3A_342 = tpu.vector_load %arg12[%swap3A_340, %swap3A_341] {strides = array<i32>} : memref<80x128xbf16, #tpu.memory_space<vmem>>, vector<32xbf16>,
      tpu.vector_store %arg12[%swap3A_340, %swap3A_341], %mul3A_339 {strides = array<i32>} : memref<80x128xbf16, #tpu.memory_space<vmem>>, vector<32xbf16>,
      %get3A_343 = arith.index_cast %add3A_323 : i32 to index
      %get3A_344 = arith.constant 64 : index
      %get3A_345 = tpu.vector_load %arg12[%get3A_343, %get3A_344] {strides = array<i32>} : memref<80x128xbf16, #tpu.memory_space<vmem>>, vector<32xbf16>,
      %mul3A_346 = arith.mulf %get3A_345, %pack3A_328 : vector<32xbf16>
      %swap3A_347 = arith.index_cast %add3A_323 : i32 to index
      %swap3A_348 = arith.constant 64 : index
      %swap3A_349 = tpu.vector_load %arg12[%swap3A_347, %swap3A_348] {strides = array<i32>} : memref<80x128xbf16, #tpu.memory_space<vmem>>, vector<32xbf16>,
      tpu.vector_store %arg12[%swap3A_347, %swap3A_348], %mul3A_346 {strides = array<i32>} : memref<80x128xbf16, #tpu.memory_space<vmem>>, vector<32xbf16>,
      %get3A_350 = arith.index_cast %add3A_323 : i32 to index
      %get3A_351 = arith.constant 96 : index
      %get3A_352 = tpu.vector_load %arg12[%get3A_350, %get3A_351] {strides = array<i32>} : memref<80x128xbf16, #tpu.memory_space<vmem>>, vector<32xbf16>,
      %mul3A_353 = arith.mulf %get3A_352, %pack3A_328 : vector<32xbf16>
      %swap3A_354 = arith.index_cast %add3A_323 : i32 to index
      %swap3A_355 = arith.constant 96 : index
      %swap3A_356 = tpu.vector_load %arg12[%swap3A_354, %swap3A_355] {strides = array<i32>} : memref<80x128xbf16, #tpu.memory_space<vmem>>, vector<32xbf16>,
      tpu.vector_store %arg12[%swap3A_354, %swap3A_355], %mul3A_353 {strides = array<i32>} : memref<80x128xbf16, #tpu.memory_space<vmem>>, vector<32xbf16>,
      %add3A_357 = arith.constant 4 : i32
      %add3A_358 = arith.addi %mul3A_221, %add3A_357 : i32
      %broadcast_in_dim3A_359 = arith.constant 122 : i32
      %broadcast_in_dim3A_360 = vector.broadcast %broadcast_in_dim3A_359 : i32 to vector<16xi32>
      %broadcast_in_dim3A_361 = vector.broadcast %add3A_358 : i32 to vector<16xi32>
      %gather3A_362 = tpu.vector_load_idx %arg9[%broadcast_in_dim3A_360, %broadcast_in_dim3A_361] : memref<125x80xf32, #tpu.memory_space<vmem>>[vector<16xi32>, vector<16xi32>], vector<16xf32>,
      %pack3A_363 = tpu.pack_subelements %gather3A_362, %gather3A_362 {pack_format = #tpu.pack_format<interleaved>, positions = array<i32: 0, 1>} : vector<16xf32>, vector<16xf32> -> vector<32xbf16>
      %get3A_364 = arith.index_cast %add3A_358 : i32 to index
      %get3A_365 = arith.constant 0 : index
      %get3A_366 = tpu.vector_load %arg12[%get3A_364, %get3A_365] {strides = array<i32>} : memref<80x128xbf16, #tpu.memory_space<vmem>>, vector<32xbf16>,
      %mul3A_367 = arith.mulf %get3A_366, %pack3A_363 : vector<32xbf16>
      %swap3A_368 = arith.index_cast %add3A_358 : i32 to index
      %swap3A_369 = arith.constant 0 : index
      %swap3A_370 = tpu.vector_load %arg12[%swap3A_368, %swap3A_369] {strides = array<i32>} : memref<80x128xbf16, #tpu.memory_space<vmem>>, vector<32xbf16>,
      tpu.vector_store %arg12[%swap3A_368, %swap3A_369], %mul3A_367 {strides = array<i32>} : memref<80x128xbf16, #tpu.memory_space<vmem>>, vector<32xbf16>,
      %get3A_371 = arith.index_cast %add3A_358 : i32 to index
      %get3A_372 = arith.constant 32 : index
      %get3A_373 = tpu.vector_load %arg12[%get3A_371, %get3A_372] {strides = array<i32>} : memref<80x128xbf16, #tpu.memory_space<vmem>>, vector<32xbf16>,
      %mul3A_374 = arith.mulf %get3A_373, %pack3A_363 : vector<32xbf16>
      %swap3A_375 = arith.index_cast %add3A_358 : i32 to index
      %swap3A_376 = arith.constant 32 : index
      %swap3A_377 = tpu.vector_load %arg12[%swap3A_375, %swap3A_376] {strides = array<i32>} : memref<80x128xbf16, #tpu.memory_space<vmem>>, vector<32xbf16>,
      tpu.vector_store %arg12[%swap3A_375, %swap3A_376], %mul3A_374 {strides = array<i32>} : memref<80x128xbf16, #tpu.memory_space<vmem>>, vector<32xbf16>,
      %get3A_378 = arith.index_cast %add3A_358 : i32 to index
      %get3A_379 = arith.constant 64 : index
      %get3A_380 = tpu.vector_load %arg12[%get3A_378, %get3A_379] {strides = array<i32>} : memref<80x128xbf16, #tpu.memory_space<vmem>>, vector<32xbf16>,
      %mul3A_381 = arith.mulf %get3A_380, %pack3A_363 : vector<32xbf16>
      %swap3A_382 = arith.index_cast %add3A_358 : i32 to index
      %swap3A_383 = arith.constant 64 : index
      %swap3A_384 = tpu.vector_load %arg12[%swap3A_382, %swap3A_383] {strides = array<i32>} : memref<80x128xbf16, #tpu.memory_space<vmem>>, vector<32xbf16>,
      tpu.vector_store %arg12[%swap3A_382, %swap3A_383], %mul3A_381 {strides = array<i32>} : memref<80x128xbf16, #tpu.memory_space<vmem>>, vector<32xbf16>,
      %get3A_385 = arith.index_cast %add3A_358 : i32 to index
      %get3A_386 = arith.constant 96 : index
      %get3A_387 = tpu.vector_load %arg12[%get3A_385, %get3A_386] {strides = array<i32>} : memref<80x128xbf16, #tpu.memory_space<vmem>>, vector<32xbf16>,
      %mul3A_388 = arith.mulf %get3A_387, %pack3A_363 : vector<32xbf16>
      %swap3A_389 = arith.index_cast %add3A_358 : i32 to index
      %swap3A_390 = arith.constant 96 : index
      %swap3A_391 = tpu.vector_load %arg12[%swap3A_389, %swap3A_390] {strides = array<i32>} : memref<80x128xbf16, #tpu.memory_space<vmem>>, vector<32xbf16>,
      tpu.vector_store %arg12[%swap3A_389, %swap3A_390], %mul3A_388 {strides = array<i32>} : memref<80x128xbf16, #tpu.memory_space<vmem>>, vector<32xbf16>,
      %add3A_392 = arith.constant 5 : i32
      %add3A_393 = arith.addi %mul3A_221, %add3A_392 : i32
      %broadcast_in_dim3A_394 = arith.constant 122 : i32
      %broadcast_in_dim3A_395 = vector.broadcast %broadcast_in_dim3A_394 : i32 to vector<16xi32>
      %broadcast_in_dim3A_396 = vector.broadcast %add3A_393 : i32 to vector<16xi32>
      %gather3A_397 = tpu.vector_load_idx %arg9[%broadcast_in_dim3A_395, %broadcast_in_dim3A_396] : memref<125x80xf32, #tpu.memory_space<vmem>>[vector<16xi32>, vector<16xi32>], vector<16xf32>,
      %pack3A_398 = tpu.pack_subelements %gather3A_397, %gather3A_397 {pack_format = #tpu.pack_format<interleaved>, positions = array<i32: 0, 1>} : vector<16xf32>, vector<16xf32> -> vector<32xbf16>
      %get3A_399 = arith.index_cast %add3A_393 : i32 to index
      %get3A_400 = arith.constant 0 : index
      %get3A_401 = tpu.vector_load %arg12[%get3A_399, %get3A_400] {strides = array<i32>} : memref<80x128xbf16, #tpu.memory_space<vmem>>, vector<32xbf16>,
      %mul3A_402 = arith.mulf %get3A_401, %pack3A_398 : vector<32xbf16>
      %swap3A_403 = arith.index_cast %add3A_393 : i32 to index
      %swap3A_404 = arith.constant 0 : index
      %swap3A_405 = tpu.vector_load %arg12[%swap3A_403, %swap3A_404] {strides = array<i32>} : memref<80x128xbf16, #tpu.memory_space<vmem>>, vector<32xbf16>,
      tpu.vector_store %arg12[%swap3A_403, %swap3A_404], %mul3A_402 {strides = array<i32>} : memref<80x128xbf16, #tpu.memory_space<vmem>>, vector<32xbf16>,
      %get3A_406 = arith.index_cast %add3A_393 : i32 to index
      %get3A_407 = arith.constant 32 : index
      %get3A_408 = tpu.vector_load %arg12[%get3A_406, %get3A_407] {strides = array<i32>} : memref<80x128xbf16, #tpu.memory_space<vmem>>, vector<32xbf16>,
      %mul3A_409 = arith.mulf %get3A_408, %pack3A_398 : vector<32xbf16>
      %swap3A_410 = arith.index_cast %add3A_393 : i32 to index
      %swap3A_411 = arith.constant 32 : index
      %swap3A_412 = tpu.vector_load %arg12[%swap3A_410, %swap3A_411] {strides = array<i32>} : memref<80x128xbf16, #tpu.memory_space<vmem>>, vector<32xbf16>,
      tpu.vector_store %arg12[%swap3A_410, %swap3A_411], %mul3A_409 {strides = array<i32>} : memref<80x128xbf16, #tpu.memory_space<vmem>>, vector<32xbf16>,
      %get3A_413 = arith.index_cast %add3A_393 : i32 to index
      %get3A_414 = arith.constant 64 : index
      %get3A_415 = tpu.vector_load %arg12[%get3A_413, %get3A_414] {strides = array<i32>} : memref<80x128xbf16, #tpu.memory_space<vmem>>, vector<32xbf16>,
      %mul3A_416 = arith.mulf %get3A_415, %pack3A_398 : vector<32xbf16>
      %swap3A_417 = arith.index_cast %add3A_393 : i32 to index
      %swap3A_418 = arith.constant 64 : index
      %swap3A_419 = tpu.vector_load %arg12[%swap3A_417, %swap3A_418] {strides = array<i32>} : memref<80x128xbf16, #tpu.memory_space<vmem>>, vector<32xbf16>,
      tpu.vector_store %arg12[%swap3A_417, %swap3A_418], %mul3A_416 {strides = array<i32>} : memref<80x128xbf16, #tpu.memory_space<vmem>>, vector<32xbf16>,
      %get3A_420 = arith.index_cast %add3A_393 : i32 to index
      %get3A_421 = arith.constant 96 : index
      %get3A_422 = tpu.vector_load %arg12[%get3A_420, %get3A_421] {strides = array<i32>} : memref<80x128xbf16, #tpu.memory_space<vmem>>, vector<32xbf16>,
      %mul3A_423 = arith.mulf %get3A_422, %pack3A_398 : vector<32xbf16>
      %swap3A_424 = arith.index_cast %add3A_393 : i32 to index
      %swap3A_425 = arith.constant 96 : index
      %swap3A_426 = tpu.vector_load %arg12[%swap3A_424, %swap3A_425] {strides = array<i32>} : memref<80x128xbf16, #tpu.memory_space<vmem>>, vector<32xbf16>,
      tpu.vector_store %arg12[%swap3A_424, %swap3A_425], %mul3A_423 {strides = array<i32>} : memref<80x128xbf16, #tpu.memory_space<vmem>>, vector<32xbf16>,
      %add3A_427 = arith.constant 6 : i32
      %add3A_428 = arith.addi %mul3A_221, %add3A_427 : i32
      %broadcast_in_dim3A_429 = arith.constant 122 : i32
      %broadcast_in_dim3A_430 = vector.broadcast %broadcast_in_dim3A_429 : i32 to vector<16xi32>
      %broadcast_in_dim3A_431 = vector.broadcast %add3A_428 : i32 to vector<16xi32>
      %gather3A_432 = tpu.vector_load_idx %arg9[%broadcast_in_dim3A_430, %broadcast_in_dim3A_431] : memref<125x80xf32, #tpu.memory_space<vmem>>[vector<16xi32>, vector<16xi32>], vector<16xf32>,
      %pack3A_433 = tpu.pack_subelements %gather3A_432, %gather3A_432 {pack_format = #tpu.pack_format<interleaved>, positions = array<i32: 0, 1>} : vector<16xf32>, vector<16xf32> -> vector<32xbf16>
      %get3A_434 = arith.index_cast %add3A_428 : i32 to index
      %get3A_435 = arith.constant 0 : index
      %get3A_436 = tpu.vector_load %arg12[%get3A_434, %get3A_435] {strides = array<i32>} : memref<80x128xbf16, #tpu.memory_space<vmem>>, vector<32xbf16>,
      %mul3A_437 = arith.mulf %get3A_436, %pack3A_433 : vector<32xbf16>
      %swap3A_438 = arith.index_cast %add3A_428 : i32 to index
      %swap3A_439 = arith.constant 0 : index
      %swap3A_440 = tpu.vector_load %arg12[%swap3A_438, %swap3A_439] {strides = array<i32>} : memref<80x128xbf16, #tpu.memory_space<vmem>>, vector<32xbf16>,
      tpu.vector_store %arg12[%swap3A_438, %swap3A_439], %mul3A_437 {strides = array<i32>} : memref<80x128xbf16, #tpu.memory_space<vmem>>, vector<32xbf16>,
      %get3A_441 = arith.index_cast %add3A_428 : i32 to index
      %get3A_442 = arith.constant 32 : index
      %get3A_443 = tpu.vector_load %arg12[%get3A_441, %get3A_442] {strides = array<i32>} : memref<80x128xbf16, #tpu.memory_space<vmem>>, vector<32xbf16>,
      %mul3A_444 = arith.mulf %get3A_443, %pack3A_433 : vector<32xbf16>
      %swap3A_445 = arith.index_cast %add3A_428 : i32 to index
      %swap3A_446 = arith.constant 32 : index
      %swap3A_447 = tpu.vector_load %arg12[%swap3A_445, %swap3A_446] {strides = array<i32>} : memref<80x128xbf16, #tpu.memory_space<vmem>>, vector<32xbf16>,
      tpu.vector_store %arg12[%swap3A_445, %swap3A_446], %mul3A_444 {strides = array<i32>} : memref<80x128xbf16, #tpu.memory_space<vmem>>, vector<32xbf16>,
      %get3A_448 = arith.index_cast %add3A_428 : i32 to index
      %get3A_449 = arith.constant 64 : index
      %get3A_450 = tpu.vector_load %arg12[%get3A_448, %get3A_449] {strides = array<i32>} : memref<80x128xbf16, #tpu.memory_space<vmem>>, vector<32xbf16>,
      %mul3A_451 = arith.mulf %get3A_450, %pack3A_433 : vector<32xbf16>
      %swap3A_452 = arith.index_cast %add3A_428 : i32 to index
      %swap3A_453 = arith.constant 64 : index
      %swap3A_454 = tpu.vector_load %arg12[%swap3A_452, %swap3A_453] {strides = array<i32>} : memref<80x128xbf16, #tpu.memory_space<vmem>>, vector<32xbf16>,
      tpu.vector_store %arg12[%swap3A_452, %swap3A_453], %mul3A_451 {strides = array<i32>} : memref<80x128xbf16, #tpu.memory_space<vmem>>, vector<32xbf16>,
      %get3A_455 = arith.index_cast %add3A_428 : i32 to index
      %get3A_456 = arith.constant 96 : index
      %get3A_457 = tpu.vector_load %arg12[%get3A_455, %get3A_456] {strides = array<i32>} : memref<80x128xbf16, #tpu.memory_space<vmem>>, vector<32xbf16>,
      %mul3A_458 = arith.mulf %get3A_457, %pack3A_433 : vector<32xbf16>
      %swap3A_459 = arith.index_cast %add3A_428 : i32 to index
      %swap3A_460 = arith.constant 96 : index
      %swap3A_461 = tpu.vector_load %arg12[%swap3A_459, %swap3A_460] {strides = array<i32>} : memref<80x128xbf16, #tpu.memory_space<vmem>>, vector<32xbf16>,
      tpu.vector_store %arg12[%swap3A_459, %swap3A_460], %mul3A_458 {strides = array<i32>} : memref<80x128xbf16, #tpu.memory_space<vmem>>, vector<32xbf16>,
      %add3A_462 = arith.constant 7 : i32
      %add3A_463 = arith.addi %mul3A_221, %add3A_462 : i32
      %broadcast_in_dim3A_464 = arith.constant 122 : i32
      %broadcast_in_dim3A_465 = vector.broadcast %broadcast_in_dim3A_464 : i32 to vector<16xi32>
      %broadcast_in_dim3A_466 = vector.broadcast %add3A_463 : i32 to vector<16xi32>
      %gather3A_467 = tpu.vector_load_idx %arg9[%broadcast_in_dim3A_465, %broadcast_in_dim3A_466] : memref<125x80xf32, #tpu.memory_space<vmem>>[vector<16xi32>, vector<16xi32>], vector<16xf32>,
      %pack3A_468 = tpu.pack_subelements %gather3A_467, %gather3A_467 {pack_format = #tpu.pack_format<interleaved>, positions = array<i32: 0, 1>} : vector<16xf32>, vector<16xf32> -> vector<32xbf16>
      %get3A_469 = arith.index_cast %add3A_463 : i32 to index
      %get3A_470 = arith.constant 0 : index
      %get3A_471 = tpu.vector_load %arg12[%get3A_469, %get3A_470] {strides = array<i32>} : memref<80x128xbf16, #tpu.memory_space<vmem>>, vector<32xbf16>,
      %mul3A_472 = arith.mulf %get3A_471, %pack3A_468 : vector<32xbf16>
      %swap3A_473 = arith.index_cast %add3A_463 : i32 to index
      %swap3A_474 = arith.constant 0 : index
      %swap3A_475 = tpu.vector_load %arg12[%swap3A_473, %swap3A_474] {strides = array<i32>} : memref<80x128xbf16, #tpu.memory_space<vmem>>, vector<32xbf16>,
      tpu.vector_store %arg12[%swap3A_473, %swap3A_474], %mul3A_472 {strides = array<i32>} : memref<80x128xbf16, #tpu.memory_space<vmem>>, vector<32xbf16>,
      %get3A_476 = arith.index_cast %add3A_463 : i32 to index
      %get3A_477 = arith.constant 32 : index
      %get3A_478 = tpu.vector_load %arg12[%get3A_476, %get3A_477] {strides = array<i32>} : memref<80x128xbf16, #tpu.memory_space<vmem>>, vector<32xbf16>,
      %mul3A_479 = arith.mulf %get3A_478, %pack3A_468 : vector<32xbf16>
      %swap3A_480 = arith.index_cast %add3A_463 : i32 to index
      %swap3A_481 = arith.constant 32 : index
      %swap3A_482 = tpu.vector_load %arg12[%swap3A_480, %swap3A_481] {strides = array<i32>} : memref<80x128xbf16, #tpu.memory_space<vmem>>, vector<32xbf16>,
      tpu.vector_store %arg12[%swap3A_480, %swap3A_481], %mul3A_479 {strides = array<i32>} : memref<80x128xbf16, #tpu.memory_space<vmem>>, vector<32xbf16>,
      %get3A_483 = arith.index_cast %add3A_463 : i32 to index
      %get3A_484 = arith.constant 64 : index
      %get3A_485 = tpu.vector_load %arg12[%get3A_483, %get3A_484] {strides = array<i32>} : memref<80x128xbf16, #tpu.memory_space<vmem>>, vector<32xbf16>,
      %mul3A_486 = arith.mulf %get3A_485, %pack3A_468 : vector<32xbf16>
      %swap3A_487 = arith.index_cast %add3A_463 : i32 to index
      %swap3A_488 = arith.constant 64 : index
      %swap3A_489 = tpu.vector_load %arg12[%swap3A_487, %swap3A_488] {strides = array<i32>} : memref<80x128xbf16, #tpu.memory_space<vmem>>, vector<32xbf16>,
      tpu.vector_store %arg12[%swap3A_487, %swap3A_488], %mul3A_486 {strides = array<i32>} : memref<80x128xbf16, #tpu.memory_space<vmem>>, vector<32xbf16>,
      %get3A_490 = arith.index_cast %add3A_463 : i32 to index
      %get3A_491 = arith.constant 96 : index
      %get3A_492 = tpu.vector_load %arg12[%get3A_490, %get3A_491] {strides = array<i32>} : memref<80x128xbf16, #tpu.memory_space<vmem>>, vector<32xbf16>,
      %mul3A_493 = arith.mulf %get3A_492, %pack3A_468 : vector<32xbf16>
      %swap3A_494 = arith.index_cast %add3A_463 : i32 to index
      %swap3A_495 = arith.constant 96 : index
      %swap3A_496 = tpu.vector_load %arg12[%swap3A_494, %swap3A_495] {strides = array<i32>} : memref<80x128xbf16, #tpu.memory_space<vmem>>, vector<32xbf16>,
      tpu.vector_store %arg12[%swap3A_494, %swap3A_495], %mul3A_493 {strides = array<i32>} : memref<80x128xbf16, #tpu.memory_space<vmem>>, vector<32xbf16>,
    }
    %scan3A_131 = arith.constant 10 : i32
    %dma_start3A_132 = arith.constant 122 : i32
    %dma_start3A_133 = arith.constant 0 : i32
    %dma_start3A_134 = tpu.memref_slice %arg8[%dma_start3A_132, %dma_start3A_133] : memref<125x80xi32, #tpu.memory_space<vmem>> -> memref<1x80xi32, #tpu.memory_space<vmem>>
    %dma_start3A_135 = tpu.memref_squeeze %dma_start3A_134 : memref<1x80xi32, #tpu.memory_space<vmem>> -> memref<80xi32, #tpu.memory_space<vmem>>
    %dma_start3A_136 = arith.constant 0 : i32
    %dma_start3A_137 = arith.constant 0 : i32
    %dma_start3A_138 = tpu.memref_slice %arg13[%dma_start3A_136, %dma_start3A_137] : memref<10000x128xbf16, #tpu.memory_space<vmem_shared>> -> memref<10000x128xbf16, #tpu.memory_space<vmem_shared>>
    tpu.enqueue_indirect_dma source(%arg12 : memref<80x128xbf16, #tpu.memory_space<vmem>>) target(%dma_start3A_138 : memref<10000x128xbf16, #tpu.memory_space<vmem_shared>>) offsets(%dma_start3A_135 : memref<80xi32, #tpu.memory_space<vmem>>) semaphore(%arg19 : memref<!tpu.dma_semaphore, #tpu.memory_space<semaphore_mem>>) {add = true}
    %dma_wait3A_139 = arith.constant 121 : i32
    %dma_wait3A_140 = arith.constant 0 : i32
    %dma_wait3A_141 = tpu.memref_slice %arg8[%dma_wait3A_139, %dma_wait3A_140] : memref<125x80xi32, #tpu.memory_space<vmem>> -> memref<1x80xi32, #tpu.memory_space<vmem>>
    %dma_wait3A_142 = tpu.memref_squeeze %dma_wait3A_141 : memref<1x80xi32, #tpu.memory_space<vmem>> -> memref<80xi32, #tpu.memory_space<vmem>>
    %dma_wait3A_143 = arith.constant 0 : i32
    %dma_wait3A_144 = arith.constant 0 : i32
    %dma_wait3A_145 = tpu.memref_slice %arg13[%dma_wait3A_143, %dma_wait3A_144] : memref<10000x128xbf16, #tpu.memory_space<vmem_shared>> -> memref<10000x128xbf16, #tpu.memory_space<vmem_shared>>
    tpu.wait_indirect_dma semaphore(%arg18 : memref<!tpu.dma_semaphore, #tpu.memory_space<semaphore_mem>>) src(%arg11 : memref<80x128xbf16, #tpu.memory_space<vmem>>) dst(%dma_wait3A_145 : memref<10000x128xbf16, #tpu.memory_space<vmem_shared>>)
    %dma_start3A_146 = arith.constant 124 : i32
    %dma_start3A_147 = arith.constant 0 : i32
    %dma_start3A_148 = tpu.memref_slice %arg7[%dma_start3A_146, %dma_start3A_147] : memref<125x80xi32, #tpu.memory_space<vmem>> -> memref<1x80xi32, #tpu.memory_space<vmem>>
    %dma_start3A_149 = tpu.memref_squeeze %dma_start3A_148 : memref<1x80xi32, #tpu.memory_space<vmem>> -> memref<80xi32, #tpu.memory_space<vmem>>
    %dma_start3A_150 = arith.constant 0 : i32
    %dma_start3A_151 = arith.constant 0 : i32
    %dma_start3A_152 = tpu.memref_slice %arg2[%dma_start3A_150, %dma_start3A_151] : memref<10000x128xbf16, #tpu.memory_space<hbm>> -> memref<10000x128xbf16, #tpu.memory_space<hbm>>
    tpu.enqueue_indirect_dma source(%dma_start3A_152 : memref<10000x128xbf16, #tpu.memory_space<hbm>>) target(%arg11 : memref<80x128xbf16, #tpu.memory_space<vmem>>) offsets(%dma_start3A_149 : memref<80xi32, #tpu.memory_space<vmem>>) semaphore(%arg15 : memref<!tpu.dma_semaphore, #tpu.memory_space<semaphore_mem>>)
    %dma_wait3A_153 = arith.constant 123 : i32
    %dma_wait3A_154 = arith.constant 0 : i32
    %dma_wait3A_155 = tpu.memref_slice %arg7[%dma_wait3A_153, %dma_wait3A_154] : memref<125x80xi32, #tpu.memory_space<vmem>> -> memref<1x80xi32, #tpu.memory_space<vmem>>
    %dma_wait3A_156 = tpu.memref_squeeze %dma_wait3A_155 : memref<1x80xi32, #tpu.memory_space<vmem>> -> memref<80xi32, #tpu.memory_space<vmem>>
    %dma_wait3A_157 = arith.constant 0 : i32
    %dma_wait3A_158 = arith.constant 0 : i32
    %dma_wait3A_159 = tpu.memref_slice %arg2[%dma_wait3A_157, %dma_wait3A_158] : memref<10000x128xbf16, #tpu.memory_space<hbm>> -> memref<10000x128xbf16, #tpu.memory_space<hbm>>
    tpu.wait_indirect_dma semaphore(%arg14 : memref<!tpu.dma_semaphore, #tpu.memory_space<semaphore_mem>>) src(%dma_wait3A_159 : memref<10000x128xbf16, #tpu.memory_space<hbm>>) dst(%arg10 : memref<80x128xbf16, #tpu.memory_space<vmem>>)
    %scan3A_160 = arith.constant 0 : i32
    %scan3A_161 = arith.constant 0 : i32
    %scan3A_162 = arith.constant 10 : i32
    %scan3A_163 = arith.addi %scan3A_161, %scan3A_162 : i32
    %scan3A_164 = arith.constant 1 : i32
    scf.for %scan3A_219 = %scan3A_161 to %scan3A_163 step %scan3A_164  : i32 {
      %mul3A_220 = arith.constant 8 : i32
      %mul3A_221 = arith.muli %scan3A_219, %mul3A_220 : i32
      %add3A_222 = arith.constant 0 : i32
      %add3A_223 = arith.addi %mul3A_221, %add3A_222 : i32
      %broadcast_in_dim3A = arith.constant 123 : i32
      %broadcast_in_dim3A_224 = vector.broadcast %broadcast_in_dim3A : i32 to vector<16xi32>
      %broadcast_in_dim3A_225 = vector.broadcast %add3A_223 : i32 to vector<16xi32>
      %gather3A = tpu.vector_load_idx %arg9[%broadcast_in_dim3A_224, %broadcast_in_dim3A_225] : memref<125x80xf32, #tpu.memory_space<vmem>>[vector<16xi32>, vector<16xi32>], vector<16xf32>,
      %pack3A = tpu.pack_subelements %gather3A, %gather3A {pack_format = #tpu.pack_format<interleaved>, positions = array<i32: 0, 1>} : vector<16xf32>, vector<16xf32> -> vector<32xbf16>
      %get3A = arith.index_cast %add3A_223 : i32 to index
      %get3A_226 = arith.constant 0 : index
      %get3A_227 = tpu.vector_load %arg10[%get3A, %get3A_226] {strides = array<i32>} : memref<80x128xbf16, #tpu.memory_space<vmem>>, vector<32xbf16>,
      %mul3A_228 = arith.mulf %get3A_227, %pack3A : vector<32xbf16>
      %swap3A = arith.index_cast %add3A_223 : i32 to index
      %swap3A_229 = arith.constant 0 : index
      %swap3A_230 = tpu.vector_load %arg10[%swap3A, %swap3A_229] {strides = array<i32>} : memref<80x128xbf16, #tpu.memory_space<vmem>>, vector<32xbf16>,
      tpu.vector_store %arg10[%swap3A, %swap3A_229], %mul3A_228 {strides = array<i32>} : memref<80x128xbf16, #tpu.memory_space<vmem>>, vector<32xbf16>,
      %get3A_231 = arith.index_cast %add3A_223 : i32 to index
      %get3A_232 = arith.constant 32 : index
      %get3A_233 = tpu.vector_load %arg10[%get3A_231, %get3A_232] {strides = array<i32>} : memref<80x128xbf16, #tpu.memory_space<vmem>>, vector<32xbf16>,
      %mul3A_234 = arith.mulf %get3A_233, %pack3A : vector<32xbf16>
      %swap3A_235 = arith.index_cast %add3A_223 : i32 to index
      %swap3A_236 = arith.constant 32 : index
      %swap3A_237 = tpu.vector_load %arg10[%swap3A_235, %swap3A_236] {strides = array<i32>} : memref<80x128xbf16, #tpu.memory_space<vmem>>, vector<32xbf16>,
      tpu.vector_store %arg10[%swap3A_235, %swap3A_236], %mul3A_234 {strides = array<i32>} : memref<80x128xbf16, #tpu.memory_space<vmem>>, vector<32xbf16>,
      %get3A_238 = arith.index_cast %add3A_223 : i32 to index
      %get3A_239 = arith.constant 64 : index
      %get3A_240 = tpu.vector_load %arg10[%get3A_238, %get3A_239] {strides = array<i32>} : memref<80x128xbf16, #tpu.memory_space<vmem>>, vector<32xbf16>,
      %mul3A_241 = arith.mulf %get3A_240, %pack3A : vector<32xbf16>
      %swap3A_242 = arith.index_cast %add3A_223 : i32 to index
      %swap3A_243 = arith.constant 64 : index
      %swap3A_244 = tpu.vector_load %arg10[%swap3A_242, %swap3A_243] {strides = array<i32>} : memref<80x128xbf16, #tpu.memory_space<vmem>>, vector<32xbf16>,
      tpu.vector_store %arg10[%swap3A_242, %swap3A_243], %mul3A_241 {strides = array<i32>} : memref<80x128xbf16, #tpu.memory_space<vmem>>, vector<32xbf16>,
      %get3A_245 = arith.index_cast %add3A_223 : i32 to index
      %get3A_246 = arith.constant 96 : index
      %get3A_247 = tpu.vector_load %arg10[%get3A_245, %get3A_246] {strides = array<i32>} : memref<80x128xbf16, #tpu.memory_space<vmem>>, vector<32xbf16>,
      %mul3A_248 = arith.mulf %get3A_247, %pack3A : vector<32xbf16>
      %swap3A_249 = arith.index_cast %add3A_223 : i32 to index
      %swap3A_250 = arith.constant 96 : index
      %swap3A_251 = tpu.vector_load %arg10[%swap3A_249, %swap3A_250] {strides = array<i32>} : memref<80x128xbf16, #tpu.memory_space<vmem>>, vector<32xbf16>,
      tpu.vector_store %arg10[%swap3A_249, %swap3A_250], %mul3A_248 {strides = array<i32>} : memref<80x128xbf16, #tpu.memory_space<vmem>>, vector<32xbf16>,
      %add3A_252 = arith.constant 1 : i32
      %add3A_253 = arith.addi %mul3A_221, %add3A_252 : i32
      %broadcast_in_dim3A_254 = arith.constant 123 : i32
      %broadcast_in_dim3A_255 = vector.broadcast %broadcast_in_dim3A_254 : i32 to vector<16xi32>
      %broadcast_in_dim3A_256 = vector.broadcast %add3A_253 : i32 to vector<16xi32>
      %gather3A_257 = tpu.vector_load_idx %arg9[%broadcast_in_dim3A_255, %broadcast_in_dim3A_256] : memref<125x80xf32, #tpu.memory_space<vmem>>[vector<16xi32>, vector<16xi32>], vector<16xf32>,
      %pack3A_258 = tpu.pack_subelements %gather3A_257, %gather3A_257 {pack_format = #tpu.pack_format<interleaved>, positions = array<i32: 0, 1>} : vector<16xf32>, vector<16xf32> -> vector<32xbf16>
      %get3A_259 = arith.index_cast %add3A_253 : i32 to index
      %get3A_260 = arith.constant 0 : index
      %get3A_261 = tpu.vector_load %arg10[%get3A_259, %get3A_260] {strides = array<i32>} : memref<80x128xbf16, #tpu.memory_space<vmem>>, vector<32xbf16>,
      %mul3A_262 = arith.mulf %get3A_261, %pack3A_258 : vector<32xbf16>
      %swap3A_263 = arith.index_cast %add3A_253 : i32 to index
      %swap3A_264 = arith.constant 0 : index
      %swap3A_265 = tpu.vector_load %arg10[%swap3A_263, %swap3A_264] {strides = array<i32>} : memref<80x128xbf16, #tpu.memory_space<vmem>>, vector<32xbf16>,
      tpu.vector_store %arg10[%swap3A_263, %swap3A_264], %mul3A_262 {strides = array<i32>} : memref<80x128xbf16, #tpu.memory_space<vmem>>, vector<32xbf16>,
      %get3A_266 = arith.index_cast %add3A_253 : i32 to index
      %get3A_267 = arith.constant 32 : index
      %get3A_268 = tpu.vector_load %arg10[%get3A_266, %get3A_267] {strides = array<i32>} : memref<80x128xbf16, #tpu.memory_space<vmem>>, vector<32xbf16>,
      %mul3A_269 = arith.mulf %get3A_268, %pack3A_258 : vector<32xbf16>
      %swap3A_270 = arith.index_cast %add3A_253 : i32 to index
      %swap3A_271 = arith.constant 32 : index
      %swap3A_272 = tpu.vector_load %arg10[%swap3A_270, %swap3A_271] {strides = array<i32>} : memref<80x128xbf16, #tpu.memory_space<vmem>>, vector<32xbf16>,
      tpu.vector_store %arg10[%swap3A_270, %swap3A_271], %mul3A_269 {strides = array<i32>} : memref<80x128xbf16, #tpu.memory_space<vmem>>, vector<32xbf16>,
      %get3A_273 = arith.index_cast %add3A_253 : i32 to index
      %get3A_274 = arith.constant 64 : index
      %get3A_275 = tpu.vector_load %arg10[%get3A_273, %get3A_274] {strides = array<i32>} : memref<80x128xbf16, #tpu.memory_space<vmem>>, vector<32xbf16>,
      %mul3A_276 = arith.mulf %get3A_275, %pack3A_258 : vector<32xbf16>
      %swap3A_277 = arith.index_cast %add3A_253 : i32 to index
      %swap3A_278 = arith.constant 64 : index
      %swap3A_279 = tpu.vector_load %arg10[%swap3A_277, %swap3A_278] {strides = array<i32>} : memref<80x128xbf16, #tpu.memory_space<vmem>>, vector<32xbf16>,
      tpu.vector_store %arg10[%swap3A_277, %swap3A_278], %mul3A_276 {strides = array<i32>} : memref<80x128xbf16, #tpu.memory_space<vmem>>, vector<32xbf16>,
      %get3A_280 = arith.index_cast %add3A_253 : i32 to index
      %get3A_281 = arith.constant 96 : index
      %get3A_282 = tpu.vector_load %arg10[%get3A_280, %get3A_281] {strides = array<i32>} : memref<80x128xbf16, #tpu.memory_space<vmem>>, vector<32xbf16>,
      %mul3A_283 = arith.mulf %get3A_282, %pack3A_258 : vector<32xbf16>
      %swap3A_284 = arith.index_cast %add3A_253 : i32 to index
      %swap3A_285 = arith.constant 96 : index
      %swap3A_286 = tpu.vector_load %arg10[%swap3A_284, %swap3A_285] {strides = array<i32>} : memref<80x128xbf16, #tpu.memory_space<vmem>>, vector<32xbf16>,
      tpu.vector_store %arg10[%swap3A_284, %swap3A_285], %mul3A_283 {strides = array<i32>} : memref<80x128xbf16, #tpu.memory_space<vmem>>, vector<32xbf16>,
      %add3A_287 = arith.constant 2 : i32
      %add3A_288 = arith.addi %mul3A_221, %add3A_287 : i32
      %broadcast_in_dim3A_289 = arith.constant 123 : i32
      %broadcast_in_dim3A_290 = vector.broadcast %broadcast_in_dim3A_289 : i32 to vector<16xi32>
      %broadcast_in_dim3A_291 = vector.broadcast %add3A_288 : i32 to vector<16xi32>
      %gather3A_292 = tpu.vector_load_idx %arg9[%broadcast_in_dim3A_290, %broadcast_in_dim3A_291] : memref<125x80xf32, #tpu.memory_space<vmem>>[vector<16xi32>, vector<16xi32>], vector<16xf32>,
      %pack3A_293 = tpu.pack_subelements %gather3A_292, %gather3A_292 {pack_format = #tpu.pack_format<interleaved>, positions = array<i32: 0, 1>} : vector<16xf32>, vector<16xf32> -> vector<32xbf16>
      %get3A_294 = arith.index_cast %add3A_288 : i32 to index
      %get3A_295 = arith.constant 0 : index
      %get3A_296 = tpu.vector_load %arg10[%get3A_294, %get3A_295] {strides = array<i32>} : memref<80x128xbf16, #tpu.memory_space<vmem>>, vector<32xbf16>,
      %mul3A_297 = arith.mulf %get3A_296, %pack3A_293 : vector<32xbf16>
      %swap3A_298 = arith.index_cast %add3A_288 : i32 to index
      %swap3A_299 = arith.constant 0 : index
      %swap3A_300 = tpu.vector_load %arg10[%swap3A_298, %swap3A_299] {strides = array<i32>} : memref<80x128xbf16, #tpu.memory_space<vmem>>, vector<32xbf16>,
      tpu.vector_store %arg10[%swap3A_298, %swap3A_299], %mul3A_297 {strides = array<i32>} : memref<80x128xbf16, #tpu.memory_space<vmem>>, vector<32xbf16>,
      %get3A_301 = arith.index_cast %add3A_288 : i32 to index
      %get3A_302 = arith.constant 32 : index
      %get3A_303 = tpu.vector_load %arg10[%get3A_301, %get3A_302] {strides = array<i32>} : memref<80x128xbf16, #tpu.memory_space<vmem>>, vector<32xbf16>,
      %mul3A_304 = arith.mulf %get3A_303, %pack3A_293 : vector<32xbf16>
      %swap3A_305 = arith.index_cast %add3A_288 : i32 to index
      %swap3A_306 = arith.constant 32 : index
      %swap3A_307 = tpu.vector_load %arg10[%swap3A_305, %swap3A_306] {strides = array<i32>} : memref<80x128xbf16, #tpu.memory_space<vmem>>, vector<32xbf16>,
      tpu.vector_store %arg10[%swap3A_305, %swap3A_306], %mul3A_304 {strides = array<i32>} : memref<80x128xbf16, #tpu.memory_space<vmem>>, vector<32xbf16>,
      %get3A_308 = arith.index_cast %add3A_288 : i32 to index
      %get3A_309 = arith.constant 64 : index
      %get3A_310 = tpu.vector_load %arg10[%get3A_308, %get3A_309] {strides = array<i32>} : memref<80x128xbf16, #tpu.memory_space<vmem>>, vector<32xbf16>,
      %mul3A_311 = arith.mulf %get3A_310, %pack3A_293 : vector<32xbf16>
      %swap3A_312 = arith.index_cast %add3A_288 : i32 to index
      %swap3A_313 = arith.constant 64 : index
      %swap3A_314 = tpu.vector_load %arg10[%swap3A_312, %swap3A_313] {strides = array<i32>} : memref<80x128xbf16, #tpu.memory_space<vmem>>, vector<32xbf16>,
      tpu.vector_store %arg10[%swap3A_312, %swap3A_313], %mul3A_311 {strides = array<i32>} : memref<80x128xbf16, #tpu.memory_space<vmem>>, vector<32xbf16>,
      %get3A_315 = arith.index_cast %add3A_288 : i32 to index
      %get3A_316 = arith.constant 96 : index
      %get3A_317 = tpu.vector_load %arg10[%get3A_315, %get3A_316] {strides = array<i32>} : memref<80x128xbf16, #tpu.memory_space<vmem>>, vector<32xbf16>,
      %mul3A_318 = arith.mulf %get3A_317, %pack3A_293 : vector<32xbf16>
      %swap3A_319 = arith.index_cast %add3A_288 : i32 to index
      %swap3A_320 = arith.constant 96 : index
      %swap3A_321 = tpu.vector_load %arg10[%swap3A_319, %swap3A_320] {strides = array<i32>} : memref<80x128xbf16, #tpu.memory_space<vmem>>, vector<32xbf16>,
      tpu.vector_store %arg10[%swap3A_319, %swap3A_320], %mul3A_318 {strides = array<i32>} : memref<80x128xbf16, #tpu.memory_space<vmem>>, vector<32xbf16>,
      %add3A_322 = arith.constant 3 : i32
      %add3A_323 = arith.addi %mul3A_221, %add3A_322 : i32
      %broadcast_in_dim3A_324 = arith.constant 123 : i32
      %broadcast_in_dim3A_325 = vector.broadcast %broadcast_in_dim3A_324 : i32 to vector<16xi32>
      %broadcast_in_dim3A_326 = vector.broadcast %add3A_323 : i32 to vector<16xi32>
      %gather3A_327 = tpu.vector_load_idx %arg9[%broadcast_in_dim3A_325, %broadcast_in_dim3A_326] : memref<125x80xf32, #tpu.memory_space<vmem>>[vector<16xi32>, vector<16xi32>], vector<16xf32>,
      %pack3A_328 = tpu.pack_subelements %gather3A_327, %gather3A_327 {pack_format = #tpu.pack_format<interleaved>, positions = array<i32: 0, 1>} : vector<16xf32>, vector<16xf32> -> vector<32xbf16>
      %get3A_329 = arith.index_cast %add3A_323 : i32 to index
      %get3A_330 = arith.constant 0 : index
      %get3A_331 = tpu.vector_load %arg10[%get3A_329, %get3A_330] {strides = array<i32>} : memref<80x128xbf16, #tpu.memory_space<vmem>>, vector<32xbf16>,
      %mul3A_332 = arith.mulf %get3A_331, %pack3A_328 : vector<32xbf16>
      %swap3A_333 = arith.index_cast %add3A_323 : i32 to index
      %swap3A_334 = arith.constant 0 : index
      %swap3A_335 = tpu.vector_load %arg10[%swap3A_333, %swap3A_334] {strides = array<i32>} : memref<80x128xbf16, #tpu.memory_space<vmem>>, vector<32xbf16>,
      tpu.vector_store %arg10[%swap3A_333, %swap3A_334], %mul3A_332 {strides = array<i32>} : memref<80x128xbf16, #tpu.memory_space<vmem>>, vector<32xbf16>,
      %get3A_336 = arith.index_cast %add3A_323 : i32 to index
      %get3A_337 = arith.constant 32 : index
      %get3A_338 = tpu.vector_load %arg10[%get3A_336, %get3A_337] {strides = array<i32>} : memref<80x128xbf16, #tpu.memory_space<vmem>>, vector<32xbf16>,
      %mul3A_339 = arith.mulf %get3A_338, %pack3A_328 : vector<32xbf16>
      %swap3A_340 = arith.index_cast %add3A_323 : i32 to index
      %swap3A_341 = arith.constant 32 : index
      %swap3A_342 = tpu.vector_load %arg10[%swap3A_340, %swap3A_341] {strides = array<i32>} : memref<80x128xbf16, #tpu.memory_space<vmem>>, vector<32xbf16>,
      tpu.vector_store %arg10[%swap3A_340, %swap3A_341], %mul3A_339 {strides = array<i32>} : memref<80x128xbf16, #tpu.memory_space<vmem>>, vector<32xbf16>,
      %get3A_343 = arith.index_cast %add3A_323 : i32 to index
      %get3A_344 = arith.constant 64 : index
      %get3A_345 = tpu.vector_load %arg10[%get3A_343, %get3A_344] {strides = array<i32>} : memref<80x128xbf16, #tpu.memory_space<vmem>>, vector<32xbf16>,
      %mul3A_346 = arith.mulf %get3A_345, %pack3A_328 : vector<32xbf16>
      %swap3A_347 = arith.index_cast %add3A_323 : i32 to index
      %swap3A_348 = arith.constant 64 : index
      %swap3A_349 = tpu.vector_load %arg10[%swap3A_347, %swap3A_348] {strides = array<i32>} : memref<80x128xbf16, #tpu.memory_space<vmem>>, vector<32xbf16>,
      tpu.vector_store %arg10[%swap3A_347, %swap3A_348], %mul3A_346 {strides = array<i32>} : memref<80x128xbf16, #tpu.memory_space<vmem>>, vector<32xbf16>,
      %get3A_350 = arith.index_cast %add3A_323 : i32 to index
      %get3A_351 = arith.constant 96 : index
      %get3A_352 = tpu.vector_load %arg10[%get3A_350, %get3A_351] {strides = array<i32>} : memref<80x128xbf16, #tpu.memory_space<vmem>>, vector<32xbf16>,
      %mul3A_353 = arith.mulf %get3A_352, %pack3A_328 : vector<32xbf16>
      %swap3A_354 = arith.index_cast %add3A_323 : i32 to index
      %swap3A_355 = arith.constant 96 : index
      %swap3A_356 = tpu.vector_load %arg10[%swap3A_354, %swap3A_355] {strides = array<i32>} : memref<80x128xbf16, #tpu.memory_space<vmem>>, vector<32xbf16>,
      tpu.vector_store %arg10[%swap3A_354, %swap3A_355], %mul3A_353 {strides = array<i32>} : memref<80x128xbf16, #tpu.memory_space<vmem>>, vector<32xbf16>,
      %add3A_357 = arith.constant 4 : i32
      %add3A_358 = arith.addi %mul3A_221, %add3A_357 : i32
      %broadcast_in_dim3A_359 = arith.constant 123 : i32
      %broadcast_in_dim3A_360 = vector.broadcast %broadcast_in_dim3A_359 : i32 to vector<16xi32>
      %broadcast_in_dim3A_361 = vector.broadcast %add3A_358 : i32 to vector<16xi32>
      %gather3A_362 = tpu.vector_load_idx %arg9[%broadcast_in_dim3A_360, %broadcast_in_dim3A_361] : memref<125x80xf32, #tpu.memory_space<vmem>>[vector<16xi32>, vector<16xi32>], vector<16xf32>,
      %pack3A_363 = tpu.pack_subelements %gather3A_362, %gather3A_362 {pack_format = #tpu.pack_format<interleaved>, positions = array<i32: 0, 1>} : vector<16xf32>, vector<16xf32> -> vector<32xbf16>
      %get3A_364 = arith.index_cast %add3A_358 : i32 to index
      %get3A_365 = arith.constant 0 : index
      %get3A_366 = tpu.vector_load %arg10[%get3A_364, %get3A_365] {strides = array<i32>} : memref<80x128xbf16, #tpu.memory_space<vmem>>, vector<32xbf16>,
      %mul3A_367 = arith.mulf %get3A_366, %pack3A_363 : vector<32xbf16>
      %swap3A_368 = arith.index_cast %add3A_358 : i32 to index
      %swap3A_369 = arith.constant 0 : index
      %swap3A_370 = tpu.vector_load %arg10[%swap3A_368, %swap3A_369] {strides = array<i32>} : memref<80x128xbf16, #tpu.memory_space<vmem>>, vector<32xbf16>,
      tpu.vector_store %arg10[%swap3A_368, %swap3A_369], %mul3A_367 {strides = array<i32>} : memref<80x128xbf16, #tpu.memory_space<vmem>>, vector<32xbf16>,
      %get3A_371 = arith.index_cast %add3A_358 : i32 to index
      %get3A_372 = arith.constant 32 : index
      %get3A_373 = tpu.vector_load %arg10[%get3A_371, %get3A_372] {strides = array<i32>} : memref<80x128xbf16, #tpu.memory_space<vmem>>, vector<32xbf16>,
      %mul3A_374 = arith.mulf %get3A_373, %pack3A_363 : vector<32xbf16>
      %swap3A_375 = arith.index_cast %add3A_358 : i32 to index
      %swap3A_376 = arith.constant 32 : index
      %swap3A_377 = tpu.vector_load %arg10[%swap3A_375, %swap3A_376] {strides = array<i32>} : memref<80x128xbf16, #tpu.memory_space<vmem>>, vector<32xbf16>,
      tpu.vector_store %arg10[%swap3A_375, %swap3A_376], %mul3A_374 {strides = array<i32>} : memref<80x128xbf16, #tpu.memory_space<vmem>>, vector<32xbf16>,
      %get3A_378 = arith.index_cast %add3A_358 : i32 to index
      %get3A_379 = arith.constant 64 : index
      %get3A_380 = tpu.vector_load %arg10[%get3A_378, %get3A_379] {strides = array<i32>} : memref<80x128xbf16, #tpu.memory_space<vmem>>, vector<32xbf16>,
      %mul3A_381 = arith.mulf %get3A_380, %pack3A_363 : vector<32xbf16>
      %swap3A_382 = arith.index_cast %add3A_358 : i32 to index
      %swap3A_383 = arith.constant 64 : index
      %swap3A_384 = tpu.vector_load %arg10[%swap3A_382, %swap3A_383] {strides = array<i32>} : memref<80x128xbf16, #tpu.memory_space<vmem>>, vector<32xbf16>,
      tpu.vector_store %arg10[%swap3A_382, %swap3A_383], %mul3A_381 {strides = array<i32>} : memref<80x128xbf16, #tpu.memory_space<vmem>>, vector<32xbf16>,
      %get3A_385 = arith.index_cast %add3A_358 : i32 to index
      %get3A_386 = arith.constant 96 : index
      %get3A_387 = tpu.vector_load %arg10[%get3A_385, %get3A_386] {strides = array<i32>} : memref<80x128xbf16, #tpu.memory_space<vmem>>, vector<32xbf16>,
      %mul3A_388 = arith.mulf %get3A_387, %pack3A_363 : vector<32xbf16>
      %swap3A_389 = arith.index_cast %add3A_358 : i32 to index
      %swap3A_390 = arith.constant 96 : index
      %swap3A_391 = tpu.vector_load %arg10[%swap3A_389, %swap3A_390] {strides = array<i32>} : memref<80x128xbf16, #tpu.memory_space<vmem>>, vector<32xbf16>,
      tpu.vector_store %arg10[%swap3A_389, %swap3A_390], %mul3A_388 {strides = array<i32>} : memref<80x128xbf16, #tpu.memory_space<vmem>>, vector<32xbf16>,
      %add3A_392 = arith.constant 5 : i32
      %add3A_393 = arith.addi %mul3A_221, %add3A_392 : i32
      %broadcast_in_dim3A_394 = arith.constant 123 : i32
      %broadcast_in_dim3A_395 = vector.broadcast %broadcast_in_dim3A_394 : i32 to vector<16xi32>
      %broadcast_in_dim3A_396 = vector.broadcast %add3A_393 : i32 to vector<16xi32>
      %gather3A_397 = tpu.vector_load_idx %arg9[%broadcast_in_dim3A_395, %broadcast_in_dim3A_396] : memref<125x80xf32, #tpu.memory_space<vmem>>[vector<16xi32>, vector<16xi32>], vector<16xf32>,
      %pack3A_398 = tpu.pack_subelements %gather3A_397, %gather3A_397 {pack_format = #tpu.pack_format<interleaved>, positions = array<i32: 0, 1>} : vector<16xf32>, vector<16xf32> -> vector<32xbf16>
      %get3A_399 = arith.index_cast %add3A_393 : i32 to index
      %get3A_400 = arith.constant 0 : index
      %get3A_401 = tpu.vector_load %arg10[%get3A_399, %get3A_400] {strides = array<i32>} : memref<80x128xbf16, #tpu.memory_space<vmem>>, vector<32xbf16>,
      %mul3A_402 = arith.mulf %get3A_401, %pack3A_398 : vector<32xbf16>
      %swap3A_403 = arith.index_cast %add3A_393 : i32 to index
      %swap3A_404 = arith.constant 0 : index
      %swap3A_405 = tpu.vector_load %arg10[%swap3A_403, %swap3A_404] {strides = array<i32>} : memref<80x128xbf16, #tpu.memory_space<vmem>>, vector<32xbf16>,
      tpu.vector_store %arg10[%swap3A_403, %swap3A_404], %mul3A_402 {strides = array<i32>} : memref<80x128xbf16, #tpu.memory_space<vmem>>, vector<32xbf16>,
      %get3A_406 = arith.index_cast %add3A_393 : i32 to index
      %get3A_407 = arith.constant 32 : index
      %get3A_408 = tpu.vector_load %arg10[%get3A_406, %get3A_407] {strides = array<i32>} : memref<80x128xbf16, #tpu.memory_space<vmem>>, vector<32xbf16>,
      %mul3A_409 = arith.mulf %get3A_408, %pack3A_398 : vector<32xbf16>
      %swap3A_410 = arith.index_cast %add3A_393 : i32 to index
      %swap3A_411 = arith.constant 32 : index
      %swap3A_412 = tpu.vector_load %arg10[%swap3A_410, %swap3A_411] {strides = array<i32>} : memref<80x128xbf16, #tpu.memory_space<vmem>>, vector<32xbf16>,
      tpu.vector_store %arg10[%swap3A_410, %swap3A_411], %mul3A_409 {strides = array<i32>} : memref<80x128xbf16, #tpu.memory_space<vmem>>, vector<32xbf16>,
      %get3A_413 = arith.index_cast %add3A_393 : i32 to index
      %get3A_414 = arith.constant 64 : index
      %get3A_415 = tpu.vector_load %arg10[%get3A_413, %get3A_414] {strides = array<i32>} : memref<80x128xbf16, #tpu.memory_space<vmem>>, vector<32xbf16>,
      %mul3A_416 = arith.mulf %get3A_415, %pack3A_398 : vector<32xbf16>
      %swap3A_417 = arith.index_cast %add3A_393 : i32 to index
      %swap3A_418 = arith.constant 64 : index
      %swap3A_419 = tpu.vector_load %arg10[%swap3A_417, %swap3A_418] {strides = array<i32>} : memref<80x128xbf16, #tpu.memory_space<vmem>>, vector<32xbf16>,
      tpu.vector_store %arg10[%swap3A_417, %swap3A_418], %mul3A_416 {strides = array<i32>} : memref<80x128xbf16, #tpu.memory_space<vmem>>, vector<32xbf16>,
      %get3A_420 = arith.index_cast %add3A_393 : i32 to index
      %get3A_421 = arith.constant 96 : index
      %get3A_422 = tpu.vector_load %arg10[%get3A_420, %get3A_421] {strides = array<i32>} : memref<80x128xbf16, #tpu.memory_space<vmem>>, vector<32xbf16>,
      %mul3A_423 = arith.mulf %get3A_422, %pack3A_398 : vector<32xbf16>
      %swap3A_424 = arith.index_cast %add3A_393 : i32 to index
      %swap3A_425 = arith.constant 96 : index
      %swap3A_426 = tpu.vector_load %arg10[%swap3A_424, %swap3A_425] {strides = array<i32>} : memref<80x128xbf16, #tpu.memory_space<vmem>>, vector<32xbf16>,
      tpu.vector_store %arg10[%swap3A_424, %swap3A_425], %mul3A_423 {strides = array<i32>} : memref<80x128xbf16, #tpu.memory_space<vmem>>, vector<32xbf16>,
      %add3A_427 = arith.constant 6 : i32
      %add3A_428 = arith.addi %mul3A_221, %add3A_427 : i32
      %broadcast_in_dim3A_429 = arith.constant 123 : i32
      %broadcast_in_dim3A_430 = vector.broadcast %broadcast_in_dim3A_429 : i32 to vector<16xi32>
      %broadcast_in_dim3A_431 = vector.broadcast %add3A_428 : i32 to vector<16xi32>
      %gather3A_432 = tpu.vector_load_idx %arg9[%broadcast_in_dim3A_430, %broadcast_in_dim3A_431] : memref<125x80xf32, #tpu.memory_space<vmem>>[vector<16xi32>, vector<16xi32>], vector<16xf32>,
      %pack3A_433 = tpu.pack_subelements %gather3A_432, %gather3A_432 {pack_format = #tpu.pack_format<interleaved>, positions = array<i32: 0, 1>} : vector<16xf32>, vector<16xf32> -> vector<32xbf16>
      %get3A_434 = arith.index_cast %add3A_428 : i32 to index
      %get3A_435 = arith.constant 0 : index
      %get3A_436 = tpu.vector_load %arg10[%get3A_434, %get3A_435] {strides = array<i32>} : memref<80x128xbf16, #tpu.memory_space<vmem>>, vector<32xbf16>,
      %mul3A_437 = arith.mulf %get3A_436, %pack3A_433 : vector<32xbf16>
      %swap3A_438 = arith.index_cast %add3A_428 : i32 to index
      %swap3A_439 = arith.constant 0 : index
      %swap3A_440 = tpu.vector_load %arg10[%swap3A_438, %swap3A_439] {strides = array<i32>} : memref<80x128xbf16, #tpu.memory_space<vmem>>, vector<32xbf16>,
      tpu.vector_store %arg10[%swap3A_438, %swap3A_439], %mul3A_437 {strides = array<i32>} : memref<80x128xbf16, #tpu.memory_space<vmem>>, vector<32xbf16>,
      %get3A_441 = arith.index_cast %add3A_428 : i32 to index
      %get3A_442 = arith.constant 32 : index
      %get3A_443 = tpu.vector_load %arg10[%get3A_441, %get3A_442] {strides = array<i32>} : memref<80x128xbf16, #tpu.memory_space<vmem>>, vector<32xbf16>,
      %mul3A_444 = arith.mulf %get3A_443, %pack3A_433 : vector<32xbf16>
      %swap3A_445 = arith.index_cast %add3A_428 : i32 to index
      %swap3A_446 = arith.constant 32 : index
      %swap3A_447 = tpu.vector_load %arg10[%swap3A_445, %swap3A_446] {strides = array<i32>} : memref<80x128xbf16, #tpu.memory_space<vmem>>, vector<32xbf16>,
      tpu.vector_store %arg10[%swap3A_445, %swap3A_446], %mul3A_444 {strides = array<i32>} : memref<80x128xbf16, #tpu.memory_space<vmem>>, vector<32xbf16>,
      %get3A_448 = arith.index_cast %add3A_428 : i32 to index
      %get3A_449 = arith.constant 64 : index
      %get3A_450 = tpu.vector_load %arg10[%get3A_448, %get3A_449] {strides = array<i32>} : memref<80x128xbf16, #tpu.memory_space<vmem>>, vector<32xbf16>,
      %mul3A_451 = arith.mulf %get3A_450, %pack3A_433 : vector<32xbf16>
      %swap3A_452 = arith.index_cast %add3A_428 : i32 to index
      %swap3A_453 = arith.constant 64 : index
      %swap3A_454 = tpu.vector_load %arg10[%swap3A_452, %swap3A_453] {strides = array<i32>} : memref<80x128xbf16, #tpu.memory_space<vmem>>, vector<32xbf16>,
      tpu.vector_store %arg10[%swap3A_452, %swap3A_453], %mul3A_451 {strides = array<i32>} : memref<80x128xbf16, #tpu.memory_space<vmem>>, vector<32xbf16>,
      %get3A_455 = arith.index_cast %add3A_428 : i32 to index
      %get3A_456 = arith.constant 96 : index
      %get3A_457 = tpu.vector_load %arg10[%get3A_455, %get3A_456] {strides = array<i32>} : memref<80x128xbf16, #tpu.memory_space<vmem>>, vector<32xbf16>,
      %mul3A_458 = arith.mulf %get3A_457, %pack3A_433 : vector<32xbf16>
      %swap3A_459 = arith.index_cast %add3A_428 : i32 to index
      %swap3A_460 = arith.constant 96 : index
      %swap3A_461 = tpu.vector_load %arg10[%swap3A_459, %swap3A_460] {strides = array<i32>} : memref<80x128xbf16, #tpu.memory_space<vmem>>, vector<32xbf16>,
      tpu.vector_store %arg10[%swap3A_459, %swap3A_460], %mul3A_458 {strides = array<i32>} : memref<80x128xbf16, #tpu.memory_space<vmem>>, vector<32xbf16>,
      %add3A_462 = arith.constant 7 : i32
      %add3A_463 = arith.addi %mul3A_221, %add3A_462 : i32
      %broadcast_in_dim3A_464 = arith.constant 123 : i32
      %broadcast_in_dim3A_465 = vector.broadcast %broadcast_in_dim3A_464 : i32 to vector<16xi32>
      %broadcast_in_dim3A_466 = vector.broadcast %add3A_463 : i32 to vector<16xi32>
      %gather3A_467 = tpu.vector_load_idx %arg9[%broadcast_in_dim3A_465, %broadcast_in_dim3A_466] : memref<125x80xf32, #tpu.memory_space<vmem>>[vector<16xi32>, vector<16xi32>], vector<16xf32>,
      %pack3A_468 = tpu.pack_subelements %gather3A_467, %gather3A_467 {pack_format = #tpu.pack_format<interleaved>, positions = array<i32: 0, 1>} : vector<16xf32>, vector<16xf32> -> vector<32xbf16>
      %get3A_469 = arith.index_cast %add3A_463 : i32 to index
      %get3A_470 = arith.constant 0 : index
      %get3A_471 = tpu.vector_load %arg10[%get3A_469, %get3A_470] {strides = array<i32>} : memref<80x128xbf16, #tpu.memory_space<vmem>>, vector<32xbf16>,
      %mul3A_472 = arith.mulf %get3A_471, %pack3A_468 : vector<32xbf16>
      %swap3A_473 = arith.index_cast %add3A_463 : i32 to index
      %swap3A_474 = arith.constant 0 : index
      %swap3A_475 = tpu.vector_load %arg10[%swap3A_473, %swap3A_474] {strides = array<i32>} : memref<80x128xbf16, #tpu.memory_space<vmem>>, vector<32xbf16>,
      tpu.vector_store %arg10[%swap3A_473, %swap3A_474], %mul3A_472 {strides = array<i32>} : memref<80x128xbf16, #tpu.memory_space<vmem>>, vector<32xbf16>,
      %get3A_476 = arith.index_cast %add3A_463 : i32 to index
      %get3A_477 = arith.constant 32 : index
      %get3A_478 = tpu.vector_load %arg10[%get3A_476, %get3A_477] {strides = array<i32>} : memref<80x128xbf16, #tpu.memory_space<vmem>>, vector<32xbf16>,
      %mul3A_479 = arith.mulf %get3A_478, %pack3A_468 : vector<32xbf16>
      %swap3A_480 = arith.index_cast %add3A_463 : i32 to index
      %swap3A_481 = arith.constant 32 : index
      %swap3A_482 = tpu.vector_load %arg10[%swap3A_480, %swap3A_481] {strides = array<i32>} : memref<80x128xbf16, #tpu.memory_space<vmem>>, vector<32xbf16>,
      tpu.vector_store %arg10[%swap3A_480, %swap3A_481], %mul3A_479 {strides = array<i32>} : memref<80x128xbf16, #tpu.memory_space<vmem>>, vector<32xbf16>,
      %get3A_483 = arith.index_cast %add3A_463 : i32 to index
      %get3A_484 = arith.constant 64 : index
      %get3A_485 = tpu.vector_load %arg10[%get3A_483, %get3A_484] {strides = array<i32>} : memref<80x128xbf16, #tpu.memory_space<vmem>>, vector<32xbf16>,
      %mul3A_486 = arith.mulf %get3A_485, %pack3A_468 : vector<32xbf16>
      %swap3A_487 = arith.index_cast %add3A_463 : i32 to index
      %swap3A_488 = arith.constant 64 : index
      %swap3A_489 = tpu.vector_load %arg10[%swap3A_487, %swap3A_488] {strides = array<i32>} : memref<80x128xbf16, #tpu.memory_space<vmem>>, vector<32xbf16>,
      tpu.vector_store %arg10[%swap3A_487, %swap3A_488], %mul3A_486 {strides = array<i32>} : memref<80x128xbf16, #tpu.memory_space<vmem>>, vector<32xbf16>,
      %get3A_490 = arith.index_cast %add3A_463 : i32 to index
      %get3A_491 = arith.constant 96 : index
      %get3A_492 = tpu.vector_load %arg10[%get3A_490, %get3A_491] {strides = array<i32>} : memref<80x128xbf16, #tpu.memory_space<vmem>>, vector<32xbf16>,
      %mul3A_493 = arith.mulf %get3A_492, %pack3A_468 : vector<32xbf16>
      %swap3A_494 = arith.index_cast %add3A_463 : i32 to index
      %swap3A_495 = arith.constant 96 : index
      %swap3A_496 = tpu.vector_load %arg10[%swap3A_494, %swap3A_495] {strides = array<i32>} : memref<80x128xbf16, #tpu.memory_space<vmem>>, vector<32xbf16>,
      tpu.vector_store %arg10[%swap3A_494, %swap3A_495], %mul3A_493 {strides = array<i32>} : memref<80x128xbf16, #tpu.memory_space<vmem>>, vector<32xbf16>,
    }
    %scan3A_165 = arith.constant 10 : i32
    %dma_start3A_166 = arith.constant 123 : i32
    %dma_start3A_167 = arith.constant 0 : i32
    %dma_start3A_168 = tpu.memref_slice %arg8[%dma_start3A_166, %dma_start3A_167] : memref<125x80xi32, #tpu.memory_space<vmem>> -> memref<1x80xi32, #tpu.memory_space<vmem>>
    %dma_start3A_169 = tpu.memref_squeeze %dma_start3A_168 : memref<1x80xi32, #tpu.memory_space<vmem>> -> memref<80xi32, #tpu.memory_space<vmem>>
    %dma_start3A_170 = arith.constant 0 : i32
    %dma_start3A_171 = arith.constant 0 : i32
    %dma_start3A_172 = tpu.memref_slice %arg13[%dma_start3A_170, %dma_start3A_171] : memref<10000x128xbf16, #tpu.memory_space<vmem_shared>> -> memref<10000x128xbf16, #tpu.memory_space<vmem_shared>>
    tpu.enqueue_indirect_dma source(%arg10 : memref<80x128xbf16, #tpu.memory_space<vmem>>) target(%dma_start3A_172 : memref<10000x128xbf16, #tpu.memory_space<vmem_shared>>) offsets(%dma_start3A_169 : memref<80xi32, #tpu.memory_space<vmem>>) semaphore(%arg17 : memref<!tpu.dma_semaphore, #tpu.memory_space<semaphore_mem>>) {add = true}
    %dma_wait3A_173 = arith.constant 122 : i32
    %dma_wait3A_174 = arith.constant 0 : i32
    %dma_wait3A_175 = tpu.memref_slice %arg8[%dma_wait3A_173, %dma_wait3A_174] : memref<125x80xi32, #tpu.memory_space<vmem>> -> memref<1x80xi32, #tpu.memory_space<vmem>>
    %dma_wait3A_176 = tpu.memref_squeeze %dma_wait3A_175 : memref<1x80xi32, #tpu.memory_space<vmem>> -> memref<80xi32, #tpu.memory_space<vmem>>
    %dma_wait3A_177 = arith.constant 0 : i32
    %dma_wait3A_178 = arith.constant 0 : i32
    %dma_wait3A_179 = tpu.memref_slice %arg13[%dma_wait3A_177, %dma_wait3A_178] : memref<10000x128xbf16, #tpu.memory_space<vmem_shared>> -> memref<10000x128xbf16, #tpu.memory_space<vmem_shared>>
    tpu.wait_indirect_dma semaphore(%arg19 : memref<!tpu.dma_semaphore, #tpu.memory_space<semaphore_mem>>) src(%arg12 : memref<80x128xbf16, #tpu.memory_space<vmem>>) dst(%dma_wait3A_179 : memref<10000x128xbf16, #tpu.memory_space<vmem_shared>>)
    %dma_wait3A_180 = arith.constant 124 : i32
    %dma_wait3A_181 = arith.constant 0 : i32
    %dma_wait3A_182 = tpu.memref_slice %arg7[%dma_wait3A_180, %dma_wait3A_181] : memref<125x80xi32, #tpu.memory_space<vmem>> -> memref<1x80xi32, #tpu.memory_space<vmem>>
    %dma_wait3A_183 = tpu.memref_squeeze %dma_wait3A_182 : memref<1x80xi32, #tpu.memory_space<vmem>> -> memref<80xi32, #tpu.memory_space<vmem>>
    %dma_wait3A_184 = arith.constant 0 : i32
    %dma_wait3A_185 = arith.constant 0 : i32
    %dma_wait3A_186 = tpu.memref_slice %arg2[%dma_wait3A_184, %dma_wait3A_185] : memref<10000x128xbf16, #tpu.memory_space<hbm>> -> memref<10000x128xbf16, #tpu.memory_space<hbm>>
    tpu.wait_indirect_dma semaphore(%arg15 : memref<!tpu.dma_semaphore, #tpu.memory_space<semaphore_mem>>) src(%dma_wait3A_186 : memref<10000x128xbf16, #tpu.memory_space<hbm>>) dst(%arg11 : memref<80x128xbf16, #tpu.memory_space<vmem>>)
    %scan3A_187 = arith.constant 0 : i32
    %scan3A_188 = arith.constant 0 : i32
    %scan3A_189 = arith.constant 10 : i32
    %scan3A_190 = arith.addi %scan3A_188, %scan3A_189 : i32
    %scan3A_191 = arith.constant 1 : i32
    scf.for %scan3A_219 = %scan3A_188 to %scan3A_190 step %scan3A_191  : i32 {
      %mul3A_220 = arith.constant 8 : i32
      %mul3A_221 = arith.muli %scan3A_219, %mul3A_220 : i32
      %add3A_222 = arith.constant 0 : i32
      %add3A_223 = arith.addi %mul3A_221, %add3A_222 : i32
      %broadcast_in_dim3A = arith.constant 124 : i32
      %broadcast_in_dim3A_224 = vector.broadcast %broadcast_in_dim3A : i32 to vector<16xi32>
      %broadcast_in_dim3A_225 = vector.broadcast %add3A_223 : i32 to vector<16xi32>
      %gather3A = tpu.vector_load_idx %arg9[%broadcast_in_dim3A_224, %broadcast_in_dim3A_225] : memref<125x80xf32, #tpu.memory_space<vmem>>[vector<16xi32>, vector<16xi32>], vector<16xf32>,
      %pack3A = tpu.pack_subelements %gather3A, %gather3A {pack_format = #tpu.pack_format<interleaved>, positions = array<i32: 0, 1>} : vector<16xf32>, vector<16xf32> -> vector<32xbf16>
      %get3A = arith.index_cast %add3A_223 : i32 to index
      %get3A_226 = arith.constant 0 : index
      %get3A_227 = tpu.vector_load %arg11[%get3A, %get3A_226] {strides = array<i32>} : memref<80x128xbf16, #tpu.memory_space<vmem>>, vector<32xbf16>,
      %mul3A_228 = arith.mulf %get3A_227, %pack3A : vector<32xbf16>
      %swap3A = arith.index_cast %add3A_223 : i32 to index
      %swap3A_229 = arith.constant 0 : index
      %swap3A_230 = tpu.vector_load %arg11[%swap3A, %swap3A_229] {strides = array<i32>} : memref<80x128xbf16, #tpu.memory_space<vmem>>, vector<32xbf16>,
      tpu.vector_store %arg11[%swap3A, %swap3A_229], %mul3A_228 {strides = array<i32>} : memref<80x128xbf16, #tpu.memory_space<vmem>>, vector<32xbf16>,
      %get3A_231 = arith.index_cast %add3A_223 : i32 to index
      %get3A_232 = arith.constant 32 : index
      %get3A_233 = tpu.vector_load %arg11[%get3A_231, %get3A_232] {strides = array<i32>} : memref<80x128xbf16, #tpu.memory_space<vmem>>, vector<32xbf16>,
      %mul3A_234 = arith.mulf %get3A_233, %pack3A : vector<32xbf16>
      %swap3A_235 = arith.index_cast %add3A_223 : i32 to index
      %swap3A_236 = arith.constant 32 : index
      %swap3A_237 = tpu.vector_load %arg11[%swap3A_235, %swap3A_236] {strides = array<i32>} : memref<80x128xbf16, #tpu.memory_space<vmem>>, vector<32xbf16>,
      tpu.vector_store %arg11[%swap3A_235, %swap3A_236], %mul3A_234 {strides = array<i32>} : memref<80x128xbf16, #tpu.memory_space<vmem>>, vector<32xbf16>,
      %get3A_238 = arith.index_cast %add3A_223 : i32 to index
      %get3A_239 = arith.constant 64 : index
      %get3A_240 = tpu.vector_load %arg11[%get3A_238, %get3A_239] {strides = array<i32>} : memref<80x128xbf16, #tpu.memory_space<vmem>>, vector<32xbf16>,
      %mul3A_241 = arith.mulf %get3A_240, %pack3A : vector<32xbf16>
      %swap3A_242 = arith.index_cast %add3A_223 : i32 to index
      %swap3A_243 = arith.constant 64 : index
      %swap3A_244 = tpu.vector_load %arg11[%swap3A_242, %swap3A_243] {strides = array<i32>} : memref<80x128xbf16, #tpu.memory_space<vmem>>, vector<32xbf16>,
      tpu.vector_store %arg11[%swap3A_242, %swap3A_243], %mul3A_241 {strides = array<i32>} : memref<80x128xbf16, #tpu.memory_space<vmem>>, vector<32xbf16>,
      %get3A_245 = arith.index_cast %add3A_223 : i32 to index
      %get3A_246 = arith.constant 96 : index
      %get3A_247 = tpu.vector_load %arg11[%get3A_245, %get3A_246] {strides = array<i32>} : memref<80x128xbf16, #tpu.memory_space<vmem>>, vector<32xbf16>,
      %mul3A_248 = arith.mulf %get3A_247, %pack3A : vector<32xbf16>
      %swap3A_249 = arith.index_cast %add3A_223 : i32 to index
      %swap3A_250 = arith.constant 96 : index
      %swap3A_251 = tpu.vector_load %arg11[%swap3A_249, %swap3A_250] {strides = array<i32>} : memref<80x128xbf16, #tpu.memory_space<vmem>>, vector<32xbf16>,
      tpu.vector_store %arg11[%swap3A_249, %swap3A_250], %mul3A_248 {strides = array<i32>} : memref<80x128xbf16, #tpu.memory_space<vmem>>, vector<32xbf16>,
      %add3A_252 = arith.constant 1 : i32
      %add3A_253 = arith.addi %mul3A_221, %add3A_252 : i32
      %broadcast_in_dim3A_254 = arith.constant 124 : i32
      %broadcast_in_dim3A_255 = vector.broadcast %broadcast_in_dim3A_254 : i32 to vector<16xi32>
      %broadcast_in_dim3A_256 = vector.broadcast %add3A_253 : i32 to vector<16xi32>
      %gather3A_257 = tpu.vector_load_idx %arg9[%broadcast_in_dim3A_255, %broadcast_in_dim3A_256] : memref<125x80xf32, #tpu.memory_space<vmem>>[vector<16xi32>, vector<16xi32>], vector<16xf32>,
      %pack3A_258 = tpu.pack_subelements %gather3A_257, %gather3A_257 {pack_format = #tpu.pack_format<interleaved>, positions = array<i32: 0, 1>} : vector<16xf32>, vector<16xf32> -> vector<32xbf16>
      %get3A_259 = arith.index_cast %add3A_253 : i32 to index
      %get3A_260 = arith.constant 0 : index
      %get3A_261 = tpu.vector_load %arg11[%get3A_259, %get3A_260] {strides = array<i32>} : memref<80x128xbf16, #tpu.memory_space<vmem>>, vector<32xbf16>,
      %mul3A_262 = arith.mulf %get3A_261, %pack3A_258 : vector<32xbf16>
      %swap3A_263 = arith.index_cast %add3A_253 : i32 to index
      %swap3A_264 = arith.constant 0 : index
      %swap3A_265 = tpu.vector_load %arg11[%swap3A_263, %swap3A_264] {strides = array<i32>} : memref<80x128xbf16, #tpu.memory_space<vmem>>, vector<32xbf16>,
      tpu.vector_store %arg11[%swap3A_263, %swap3A_264], %mul3A_262 {strides = array<i32>} : memref<80x128xbf16, #tpu.memory_space<vmem>>, vector<32xbf16>,
      %get3A_266 = arith.index_cast %add3A_253 : i32 to index
      %get3A_267 = arith.constant 32 : index
      %get3A_268 = tpu.vector_load %arg11[%get3A_266, %get3A_267] {strides = array<i32>} : memref<80x128xbf16, #tpu.memory_space<vmem>>, vector<32xbf16>,
      %mul3A_269 = arith.mulf %get3A_268, %pack3A_258 : vector<32xbf16>
      %swap3A_270 = arith.index_cast %add3A_253 : i32 to index
      %swap3A_271 = arith.constant 32 : index
      %swap3A_272 = tpu.vector_load %arg11[%swap3A_270, %swap3A_271] {strides = array<i32>} : memref<80x128xbf16, #tpu.memory_space<vmem>>, vector<32xbf16>,
      tpu.vector_store %arg11[%swap3A_270, %swap3A_271], %mul3A_269 {strides = array<i32>} : memref<80x128xbf16, #tpu.memory_space<vmem>>, vector<32xbf16>,
      %get3A_273 = arith.index_cast %add3A_253 : i32 to index
      %get3A_274 = arith.constant 64 : index
      %get3A_275 = tpu.vector_load %arg11[%get3A_273, %get3A_274] {strides = array<i32>} : memref<80x128xbf16, #tpu.memory_space<vmem>>, vector<32xbf16>,
      %mul3A_276 = arith.mulf %get3A_275, %pack3A_258 : vector<32xbf16>
      %swap3A_277 = arith.index_cast %add3A_253 : i32 to index
      %swap3A_278 = arith.constant 64 : index
      %swap3A_279 = tpu.vector_load %arg11[%swap3A_277, %swap3A_278] {strides = array<i32>} : memref<80x128xbf16, #tpu.memory_space<vmem>>, vector<32xbf16>,
      tpu.vector_store %arg11[%swap3A_277, %swap3A_278], %mul3A_276 {strides = array<i32>} : memref<80x128xbf16, #tpu.memory_space<vmem>>, vector<32xbf16>,
      %get3A_280 = arith.index_cast %add3A_253 : i32 to index
      %get3A_281 = arith.constant 96 : index
      %get3A_282 = tpu.vector_load %arg11[%get3A_280, %get3A_281] {strides = array<i32>} : memref<80x128xbf16, #tpu.memory_space<vmem>>, vector<32xbf16>,
      %mul3A_283 = arith.mulf %get3A_282, %pack3A_258 : vector<32xbf16>
      %swap3A_284 = arith.index_cast %add3A_253 : i32 to index
      %swap3A_285 = arith.constant 96 : index
      %swap3A_286 = tpu.vector_load %arg11[%swap3A_284, %swap3A_285] {strides = array<i32>} : memref<80x128xbf16, #tpu.memory_space<vmem>>, vector<32xbf16>,
      tpu.vector_store %arg11[%swap3A_284, %swap3A_285], %mul3A_283 {strides = array<i32>} : memref<80x128xbf16, #tpu.memory_space<vmem>>, vector<32xbf16>,
      %add3A_287 = arith.constant 2 : i32
      %add3A_288 = arith.addi %mul3A_221, %add3A_287 : i32
      %broadcast_in_dim3A_289 = arith.constant 124 : i32
      %broadcast_in_dim3A_290 = vector.broadcast %broadcast_in_dim3A_289 : i32 to vector<16xi32>
      %broadcast_in_dim3A_291 = vector.broadcast %add3A_288 : i32 to vector<16xi32>
      %gather3A_292 = tpu.vector_load_idx %arg9[%broadcast_in_dim3A_290, %broadcast_in_dim3A_291] : memref<125x80xf32, #tpu.memory_space<vmem>>[vector<16xi32>, vector<16xi32>], vector<16xf32>,
      %pack3A_293 = tpu.pack_subelements %gather3A_292, %gather3A_292 {pack_format = #tpu.pack_format<interleaved>, positions = array<i32: 0, 1>} : vector<16xf32>, vector<16xf32> -> vector<32xbf16>
      %get3A_294 = arith.index_cast %add3A_288 : i32 to index
      %get3A_295 = arith.constant 0 : index
      %get3A_296 = tpu.vector_load %arg11[%get3A_294, %get3A_295] {strides = array<i32>} : memref<80x128xbf16, #tpu.memory_space<vmem>>, vector<32xbf16>,
      %mul3A_297 = arith.mulf %get3A_296, %pack3A_293 : vector<32xbf16>
      %swap3A_298 = arith.index_cast %add3A_288 : i32 to index
      %swap3A_299 = arith.constant 0 : index
      %swap3A_300 = tpu.vector_load %arg11[%swap3A_298, %swap3A_299] {strides = array<i32>} : memref<80x128xbf16, #tpu.memory_space<vmem>>, vector<32xbf16>,
      tpu.vector_store %arg11[%swap3A_298, %swap3A_299], %mul3A_297 {strides = array<i32>} : memref<80x128xbf16, #tpu.memory_space<vmem>>, vector<32xbf16>,
      %get3A_301 = arith.index_cast %add3A_288 : i32 to index
      %get3A_302 = arith.constant 32 : index
      %get3A_303 = tpu.vector_load %arg11[%get3A_301, %get3A_302] {strides = array<i32>} : memref<80x128xbf16, #tpu.memory_space<vmem>>, vector<32xbf16>,
      %mul3A_304 = arith.mulf %get3A_303, %pack3A_293 : vector<32xbf16>
      %swap3A_305 = arith.index_cast %add3A_288 : i32 to index
      %swap3A_306 = arith.constant 32 : index
      %swap3A_307 = tpu.vector_load %arg11[%swap3A_305, %swap3A_306] {strides = array<i32>} : memref<80x128xbf16, #tpu.memory_space<vmem>>, vector<32xbf16>,
      tpu.vector_store %arg11[%swap3A_305, %swap3A_306], %mul3A_304 {strides = array<i32>} : memref<80x128xbf16, #tpu.memory_space<vmem>>, vector<32xbf16>,
      %get3A_308 = arith.index_cast %add3A_288 : i32 to index
      %get3A_309 = arith.constant 64 : index
      %get3A_310 = tpu.vector_load %arg11[%get3A_308, %get3A_309] {strides = array<i32>} : memref<80x128xbf16, #tpu.memory_space<vmem>>, vector<32xbf16>,
      %mul3A_311 = arith.mulf %get3A_310, %pack3A_293 : vector<32xbf16>
      %swap3A_312 = arith.index_cast %add3A_288 : i32 to index
      %swap3A_313 = arith.constant 64 : index
      %swap3A_314 = tpu.vector_load %arg11[%swap3A_312, %swap3A_313] {strides = array<i32>} : memref<80x128xbf16, #tpu.memory_space<vmem>>, vector<32xbf16>,
      tpu.vector_store %arg11[%swap3A_312, %swap3A_313], %mul3A_311 {strides = array<i32>} : memref<80x128xbf16, #tpu.memory_space<vmem>>, vector<32xbf16>,
      %get3A_315 = arith.index_cast %add3A_288 : i32 to index
      %get3A_316 = arith.constant 96 : index
      %get3A_317 = tpu.vector_load %arg11[%get3A_315, %get3A_316] {strides = array<i32>} : memref<80x128xbf16, #tpu.memory_space<vmem>>, vector<32xbf16>,
      %mul3A_318 = arith.mulf %get3A_317, %pack3A_293 : vector<32xbf16>
      %swap3A_319 = arith.index_cast %add3A_288 : i32 to index
      %swap3A_320 = arith.constant 96 : index
      %swap3A_321 = tpu.vector_load %arg11[%swap3A_319, %swap3A_320] {strides = array<i32>} : memref<80x128xbf16, #tpu.memory_space<vmem>>, vector<32xbf16>,
      tpu.vector_store %arg11[%swap3A_319, %swap3A_320], %mul3A_318 {strides = array<i32>} : memref<80x128xbf16, #tpu.memory_space<vmem>>, vector<32xbf16>,
      %add3A_322 = arith.constant 3 : i32
      %add3A_323 = arith.addi %mul3A_221, %add3A_322 : i32
      %broadcast_in_dim3A_324 = arith.constant 124 : i32
      %broadcast_in_dim3A_325 = vector.broadcast %broadcast_in_dim3A_324 : i32 to vector<16xi32>
      %broadcast_in_dim3A_326 = vector.broadcast %add3A_323 : i32 to vector<16xi32>
      %gather3A_327 = tpu.vector_load_idx %arg9[%broadcast_in_dim3A_325, %broadcast_in_dim3A_326] : memref<125x80xf32, #tpu.memory_space<vmem>>[vector<16xi32>, vector<16xi32>], vector<16xf32>,
      %pack3A_328 = tpu.pack_subelements %gather3A_327, %gather3A_327 {pack_format = #tpu.pack_format<interleaved>, positions = array<i32: 0, 1>} : vector<16xf32>, vector<16xf32> -> vector<32xbf16>
      %get3A_329 = arith.index_cast %add3A_323 : i32 to index
      %get3A_330 = arith.constant 0 : index
      %get3A_331 = tpu.vector_load %arg11[%get3A_329, %get3A_330] {strides = array<i32>} : memref<80x128xbf16, #tpu.memory_space<vmem>>, vector<32xbf16>,
      %mul3A_332 = arith.mulf %get3A_331, %pack3A_328 : vector<32xbf16>
      %swap3A_333 = arith.index_cast %add3A_323 : i32 to index
      %swap3A_334 = arith.constant 0 : index
      %swap3A_335 = tpu.vector_load %arg11[%swap3A_333, %swap3A_334] {strides = array<i32>} : memref<80x128xbf16, #tpu.memory_space<vmem>>, vector<32xbf16>,
      tpu.vector_store %arg11[%swap3A_333, %swap3A_334], %mul3A_332 {strides = array<i32>} : memref<80x128xbf16, #tpu.memory_space<vmem>>, vector<32xbf16>,
      %get3A_336 = arith.index_cast %add3A_323 : i32 to index
      %get3A_337 = arith.constant 32 : index
      %get3A_338 = tpu.vector_load %arg11[%get3A_336, %get3A_337] {strides = array<i32>} : memref<80x128xbf16, #tpu.memory_space<vmem>>, vector<32xbf16>,
      %mul3A_339 = arith.mulf %get3A_338, %pack3A_328 : vector<32xbf16>
      %swap3A_340 = arith.index_cast %add3A_323 : i32 to index
      %swap3A_341 = arith.constant 32 : index
      %swap3A_342 = tpu.vector_load %arg11[%swap3A_340, %swap3A_341] {strides = array<i32>} : memref<80x128xbf16, #tpu.memory_space<vmem>>, vector<32xbf16>,
      tpu.vector_store %arg11[%swap3A_340, %swap3A_341], %mul3A_339 {strides = array<i32>} : memref<80x128xbf16, #tpu.memory_space<vmem>>, vector<32xbf16>,
      %get3A_343 = arith.index_cast %add3A_323 : i32 to index
      %get3A_344 = arith.constant 64 : index
      %get3A_345 = tpu.vector_load %arg11[%get3A_343, %get3A_344] {strides = array<i32>} : memref<80x128xbf16, #tpu.memory_space<vmem>>, vector<32xbf16>,
      %mul3A_346 = arith.mulf %get3A_345, %pack3A_328 : vector<32xbf16>
      %swap3A_347 = arith.index_cast %add3A_323 : i32 to index
      %swap3A_348 = arith.constant 64 : index
      %swap3A_349 = tpu.vector_load %arg11[%swap3A_347, %swap3A_348] {strides = array<i32>} : memref<80x128xbf16, #tpu.memory_space<vmem>>, vector<32xbf16>,
      tpu.vector_store %arg11[%swap3A_347, %swap3A_348], %mul3A_346 {strides = array<i32>} : memref<80x128xbf16, #tpu.memory_space<vmem>>, vector<32xbf16>,
      %get3A_350 = arith.index_cast %add3A_323 : i32 to index
      %get3A_351 = arith.constant 96 : index
      %get3A_352 = tpu.vector_load %arg11[%get3A_350, %get3A_351] {strides = array<i32>} : memref<80x128xbf16, #tpu.memory_space<vmem>>, vector<32xbf16>,
      %mul3A_353 = arith.mulf %get3A_352, %pack3A_328 : vector<32xbf16>
      %swap3A_354 = arith.index_cast %add3A_323 : i32 to index
      %swap3A_355 = arith.constant 96 : index
      %swap3A_356 = tpu.vector_load %arg11[%swap3A_354, %swap3A_355] {strides = array<i32>} : memref<80x128xbf16, #tpu.memory_space<vmem>>, vector<32xbf16>,
      tpu.vector_store %arg11[%swap3A_354, %swap3A_355], %mul3A_353 {strides = array<i32>} : memref<80x128xbf16, #tpu.memory_space<vmem>>, vector<32xbf16>,
      %add3A_357 = arith.constant 4 : i32
      %add3A_358 = arith.addi %mul3A_221, %add3A_357 : i32
      %broadcast_in_dim3A_359 = arith.constant 124 : i32
      %broadcast_in_dim3A_360 = vector.broadcast %broadcast_in_dim3A_359 : i32 to vector<16xi32>
      %broadcast_in_dim3A_361 = vector.broadcast %add3A_358 : i32 to vector<16xi32>
      %gather3A_362 = tpu.vector_load_idx %arg9[%broadcast_in_dim3A_360, %broadcast_in_dim3A_361] : memref<125x80xf32, #tpu.memory_space<vmem>>[vector<16xi32>, vector<16xi32>], vector<16xf32>,
      %pack3A_363 = tpu.pack_subelements %gather3A_362, %gather3A_362 {pack_format = #tpu.pack_format<interleaved>, positions = array<i32: 0, 1>} : vector<16xf32>, vector<16xf32> -> vector<32xbf16>
      %get3A_364 = arith.index_cast %add3A_358 : i32 to index
      %get3A_365 = arith.constant 0 : index
      %get3A_366 = tpu.vector_load %arg11[%get3A_364, %get3A_365] {strides = array<i32>} : memref<80x128xbf16, #tpu.memory_space<vmem>>, vector<32xbf16>,
      %mul3A_367 = arith.mulf %get3A_366, %pack3A_363 : vector<32xbf16>
      %swap3A_368 = arith.index_cast %add3A_358 : i32 to index
      %swap3A_369 = arith.constant 0 : index
      %swap3A_370 = tpu.vector_load %arg11[%swap3A_368, %swap3A_369] {strides = array<i32>} : memref<80x128xbf16, #tpu.memory_space<vmem>>, vector<32xbf16>,
      tpu.vector_store %arg11[%swap3A_368, %swap3A_369], %mul3A_367 {strides = array<i32>} : memref<80x128xbf16, #tpu.memory_space<vmem>>, vector<32xbf16>,
      %get3A_371 = arith.index_cast %add3A_358 : i32 to index
      %get3A_372 = arith.constant 32 : index
      %get3A_373 = tpu.vector_load %arg11[%get3A_371, %get3A_372] {strides = array<i32>} : memref<80x128xbf16, #tpu.memory_space<vmem>>, vector<32xbf16>,
      %mul3A_374 = arith.mulf %get3A_373, %pack3A_363 : vector<32xbf16>
      %swap3A_375 = arith.index_cast %add3A_358 : i32 to index
      %swap3A_376 = arith.constant 32 : index
      %swap3A_377 = tpu.vector_load %arg11[%swap3A_375, %swap3A_376] {strides = array<i32>} : memref<80x128xbf16, #tpu.memory_space<vmem>>, vector<32xbf16>,
      tpu.vector_store %arg11[%swap3A_375, %swap3A_376], %mul3A_374 {strides = array<i32>} : memref<80x128xbf16, #tpu.memory_space<vmem>>, vector<32xbf16>,
      %get3A_378 = arith.index_cast %add3A_358 : i32 to index
      %get3A_379 = arith.constant 64 : index
      %get3A_380 = tpu.vector_load %arg11[%get3A_378, %get3A_379] {strides = array<i32>} : memref<80x128xbf16, #tpu.memory_space<vmem>>, vector<32xbf16>,
      %mul3A_381 = arith.mulf %get3A_380, %pack3A_363 : vector<32xbf16>
      %swap3A_382 = arith.index_cast %add3A_358 : i32 to index
      %swap3A_383 = arith.constant 64 : index
      %swap3A_384 = tpu.vector_load %arg11[%swap3A_382, %swap3A_383] {strides = array<i32>} : memref<80x128xbf16, #tpu.memory_space<vmem>>, vector<32xbf16>,
      tpu.vector_store %arg11[%swap3A_382, %swap3A_383], %mul3A_381 {strides = array<i32>} : memref<80x128xbf16, #tpu.memory_space<vmem>>, vector<32xbf16>,
      %get3A_385 = arith.index_cast %add3A_358 : i32 to index
      %get3A_386 = arith.constant 96 : index
      %get3A_387 = tpu.vector_load %arg11[%get3A_385, %get3A_386] {strides = array<i32>} : memref<80x128xbf16, #tpu.memory_space<vmem>>, vector<32xbf16>,
      %mul3A_388 = arith.mulf %get3A_387, %pack3A_363 : vector<32xbf16>
      %swap3A_389 = arith.index_cast %add3A_358 : i32 to index
      %swap3A_390 = arith.constant 96 : index
      %swap3A_391 = tpu.vector_load %arg11[%swap3A_389, %swap3A_390] {strides = array<i32>} : memref<80x128xbf16, #tpu.memory_space<vmem>>, vector<32xbf16>,
      tpu.vector_store %arg11[%swap3A_389, %swap3A_390], %mul3A_388 {strides = array<i32>} : memref<80x128xbf16, #tpu.memory_space<vmem>>, vector<32xbf16>,
      %add3A_392 = arith.constant 5 : i32
      %add3A_393 = arith.addi %mul3A_221, %add3A_392 : i32
      %broadcast_in_dim3A_394 = arith.constant 124 : i32
      %broadcast_in_dim3A_395 = vector.broadcast %broadcast_in_dim3A_394 : i32 to vector<16xi32>
      %broadcast_in_dim3A_396 = vector.broadcast %add3A_393 : i32 to vector<16xi32>
      %gather3A_397 = tpu.vector_load_idx %arg9[%broadcast_in_dim3A_395, %broadcast_in_dim3A_396] : memref<125x80xf32, #tpu.memory_space<vmem>>[vector<16xi32>, vector<16xi32>], vector<16xf32>,
      %pack3A_398 = tpu.pack_subelements %gather3A_397, %gather3A_397 {pack_format = #tpu.pack_format<interleaved>, positions = array<i32: 0, 1>} : vector<16xf32>, vector<16xf32> -> vector<32xbf16>
      %get3A_399 = arith.index_cast %add3A_393 : i32 to index
      %get3A_400 = arith.constant 0 : index
      %get3A_401 = tpu.vector_load %arg11[%get3A_399, %get3A_400] {strides = array<i32>} : memref<80x128xbf16, #tpu.memory_space<vmem>>, vector<32xbf16>,
      %mul3A_402 = arith.mulf %get3A_401, %pack3A_398 : vector<32xbf16>
      %swap3A_403 = arith.index_cast %add3A_393 : i32 to index
      %swap3A_404 = arith.constant 0 : index
      %swap3A_405 = tpu.vector_load %arg11[%swap3A_403, %swap3A_404] {strides = array<i32>} : memref<80x128xbf16, #tpu.memory_space<vmem>>, vector<32xbf16>,
      tpu.vector_store %arg11[%swap3A_403, %swap3A_404], %mul3A_402 {strides = array<i32>} : memref<80x128xbf16, #tpu.memory_space<vmem>>, vector<32xbf16>,
      %get3A_406 = arith.index_cast %add3A_393 : i32 to index
      %get3A_407 = arith.constant 32 : index
      %get3A_408 = tpu.vector_load %arg11[%get3A_406, %get3A_407] {strides = array<i32>} : memref<80x128xbf16, #tpu.memory_space<vmem>>, vector<32xbf16>,
      %mul3A_409 = arith.mulf %get3A_408, %pack3A_398 : vector<32xbf16>
      %swap3A_410 = arith.index_cast %add3A_393 : i32 to index
      %swap3A_411 = arith.constant 32 : index
      %swap3A_412 = tpu.vector_load %arg11[%swap3A_410, %swap3A_411] {strides = array<i32>} : memref<80x128xbf16, #tpu.memory_space<vmem>>, vector<32xbf16>,
      tpu.vector_store %arg11[%swap3A_410, %swap3A_411], %mul3A_409 {strides = array<i32>} : memref<80x128xbf16, #tpu.memory_space<vmem>>, vector<32xbf16>,
      %get3A_413 = arith.index_cast %add3A_393 : i32 to index
      %get3A_414 = arith.constant 64 : index
      %get3A_415 = tpu.vector_load %arg11[%get3A_413, %get3A_414] {strides = array<i32>} : memref<80x128xbf16, #tpu.memory_space<vmem>>, vector<32xbf16>,
      %mul3A_416 = arith.mulf %get3A_415, %pack3A_398 : vector<32xbf16>
      %swap3A_417 = arith.index_cast %add3A_393 : i32 to index
      %swap3A_418 = arith.constant 64 : index
      %swap3A_419 = tpu.vector_load %arg11[%swap3A_417, %swap3A_418] {strides = array<i32>} : memref<80x128xbf16, #tpu.memory_space<vmem>>, vector<32xbf16>,
      tpu.vector_store %arg11[%swap3A_417, %swap3A_418], %mul3A_416 {strides = array<i32>} : memref<80x128xbf16, #tpu.memory_space<vmem>>, vector<32xbf16>,
      %get3A_420 = arith.index_cast %add3A_393 : i32 to index
      %get3A_421 = arith.constant 96 : index
      %get3A_422 = tpu.vector_load %arg11[%get3A_420, %get3A_421] {strides = array<i32>} : memref<80x128xbf16, #tpu.memory_space<vmem>>, vector<32xbf16>,
      %mul3A_423 = arith.mulf %get3A_422, %pack3A_398 : vector<32xbf16>
      %swap3A_424 = arith.index_cast %add3A_393 : i32 to index
      %swap3A_425 = arith.constant 96 : index
      %swap3A_426 = tpu.vector_load %arg11[%swap3A_424, %swap3A_425] {strides = array<i32>} : memref<80x128xbf16, #tpu.memory_space<vmem>>, vector<32xbf16>,
      tpu.vector_store %arg11[%swap3A_424, %swap3A_425], %mul3A_423 {strides = array<i32>} : memref<80x128xbf16, #tpu.memory_space<vmem>>, vector<32xbf16>,
      %add3A_427 = arith.constant 6 : i32
      %add3A_428 = arith.addi %mul3A_221, %add3A_427 : i32
      %broadcast_in_dim3A_429 = arith.constant 124 : i32
      %broadcast_in_dim3A_430 = vector.broadcast %broadcast_in_dim3A_429 : i32 to vector<16xi32>
      %broadcast_in_dim3A_431 = vector.broadcast %add3A_428 : i32 to vector<16xi32>
      %gather3A_432 = tpu.vector_load_idx %arg9[%broadcast_in_dim3A_430, %broadcast_in_dim3A_431] : memref<125x80xf32, #tpu.memory_space<vmem>>[vector<16xi32>, vector<16xi32>], vector<16xf32>,
      %pack3A_433 = tpu.pack_subelements %gather3A_432, %gather3A_432 {pack_format = #tpu.pack_format<interleaved>, positions = array<i32: 0, 1>} : vector<16xf32>, vector<16xf32> -> vector<32xbf16>
      %get3A_434 = arith.index_cast %add3A_428 : i32 to index
      %get3A_435 = arith.constant 0 : index
      %get3A_436 = tpu.vector_load %arg11[%get3A_434, %get3A_435] {strides = array<i32>} : memref<80x128xbf16, #tpu.memory_space<vmem>>, vector<32xbf16>,
      %mul3A_437 = arith.mulf %get3A_436, %pack3A_433 : vector<32xbf16>
      %swap3A_438 = arith.index_cast %add3A_428 : i32 to index
      %swap3A_439 = arith.constant 0 : index
      %swap3A_440 = tpu.vector_load %arg11[%swap3A_438, %swap3A_439] {strides = array<i32>} : memref<80x128xbf16, #tpu.memory_space<vmem>>, vector<32xbf16>,
      tpu.vector_store %arg11[%swap3A_438, %swap3A_439], %mul3A_437 {strides = array<i32>} : memref<80x128xbf16, #tpu.memory_space<vmem>>, vector<32xbf16>,
      %get3A_441 = arith.index_cast %add3A_428 : i32 to index
      %get3A_442 = arith.constant 32 : index
      %get3A_443 = tpu.vector_load %arg11[%get3A_441, %get3A_442] {strides = array<i32>} : memref<80x128xbf16, #tpu.memory_space<vmem>>, vector<32xbf16>,
      %mul3A_444 = arith.mulf %get3A_443, %pack3A_433 : vector<32xbf16>
      %swap3A_445 = arith.index_cast %add3A_428 : i32 to index
      %swap3A_446 = arith.constant 32 : index
      %swap3A_447 = tpu.vector_load %arg11[%swap3A_445, %swap3A_446] {strides = array<i32>} : memref<80x128xbf16, #tpu.memory_space<vmem>>, vector<32xbf16>,
      tpu.vector_store %arg11[%swap3A_445, %swap3A_446], %mul3A_444 {strides = array<i32>} : memref<80x128xbf16, #tpu.memory_space<vmem>>, vector<32xbf16>,
      %get3A_448 = arith.index_cast %add3A_428 : i32 to index
      %get3A_449 = arith.constant 64 : index
      %get3A_450 = tpu.vector_load %arg11[%get3A_448, %get3A_449] {strides = array<i32>} : memref<80x128xbf16, #tpu.memory_space<vmem>>, vector<32xbf16>,
      %mul3A_451 = arith.mulf %get3A_450, %pack3A_433 : vector<32xbf16>
      %swap3A_452 = arith.index_cast %add3A_428 : i32 to index
      %swap3A_453 = arith.constant 64 : index
      %swap3A_454 = tpu.vector_load %arg11[%swap3A_452, %swap3A_453] {strides = array<i32>} : memref<80x128xbf16, #tpu.memory_space<vmem>>, vector<32xbf16>,
      tpu.vector_store %arg11[%swap3A_452, %swap3A_453], %mul3A_451 {strides = array<i32>} : memref<80x128xbf16, #tpu.memory_space<vmem>>, vector<32xbf16>,
      %get3A_455 = arith.index_cast %add3A_428 : i32 to index
      %get3A_456 = arith.constant 96 : index
      %get3A_457 = tpu.vector_load %arg11[%get3A_455, %get3A_456] {strides = array<i32>} : memref<80x128xbf16, #tpu.memory_space<vmem>>, vector<32xbf16>,
      %mul3A_458 = arith.mulf %get3A_457, %pack3A_433 : vector<32xbf16>
      %swap3A_459 = arith.index_cast %add3A_428 : i32 to index
      %swap3A_460 = arith.constant 96 : index
      %swap3A_461 = tpu.vector_load %arg11[%swap3A_459, %swap3A_460] {strides = array<i32>} : memref<80x128xbf16, #tpu.memory_space<vmem>>, vector<32xbf16>,
      tpu.vector_store %arg11[%swap3A_459, %swap3A_460], %mul3A_458 {strides = array<i32>} : memref<80x128xbf16, #tpu.memory_space<vmem>>, vector<32xbf16>,
      %add3A_462 = arith.constant 7 : i32
      %add3A_463 = arith.addi %mul3A_221, %add3A_462 : i32
      %broadcast_in_dim3A_464 = arith.constant 124 : i32
      %broadcast_in_dim3A_465 = vector.broadcast %broadcast_in_dim3A_464 : i32 to vector<16xi32>
      %broadcast_in_dim3A_466 = vector.broadcast %add3A_463 : i32 to vector<16xi32>
      %gather3A_467 = tpu.vector_load_idx %arg9[%broadcast_in_dim3A_465, %broadcast_in_dim3A_466] : memref<125x80xf32, #tpu.memory_space<vmem>>[vector<16xi32>, vector<16xi32>], vector<16xf32>,
      %pack3A_468 = tpu.pack_subelements %gather3A_467, %gather3A_467 {pack_format = #tpu.pack_format<interleaved>, positions = array<i32: 0, 1>} : vector<16xf32>, vector<16xf32> -> vector<32xbf16>
      %get3A_469 = arith.index_cast %add3A_463 : i32 to index
      %get3A_470 = arith.constant 0 : index
      %get3A_471 = tpu.vector_load %arg11[%get3A_469, %get3A_470] {strides = array<i32>} : memref<80x128xbf16, #tpu.memory_space<vmem>>, vector<32xbf16>,
      %mul3A_472 = arith.mulf %get3A_471, %pack3A_468 : vector<32xbf16>
      %swap3A_473 = arith.index_cast %add3A_463 : i32 to index
      %swap3A_474 = arith.constant 0 : index
      %swap3A_475 = tpu.vector_load %arg11[%swap3A_473, %swap3A_474] {strides = array<i32>} : memref<80x128xbf16, #tpu.memory_space<vmem>>, vector<32xbf16>,
      tpu.vector_store %arg11[%swap3A_473, %swap3A_474], %mul3A_472 {strides = array<i32>} : memref<80x128xbf16, #tpu.memory_space<vmem>>, vector<32xbf16>,
      %get3A_476 = arith.index_cast %add3A_463 : i32 to index
      %get3A_477 = arith.constant 32 : index
      %get3A_478 = tpu.vector_load %arg11[%get3A_476, %get3A_477] {strides = array<i32>} : memref<80x128xbf16, #tpu.memory_space<vmem>>, vector<32xbf16>,
      %mul3A_479 = arith.mulf %get3A_478, %pack3A_468 : vector<32xbf16>
      %swap3A_480 = arith.index_cast %add3A_463 : i32 to index
      %swap3A_481 = arith.constant 32 : index
      %swap3A_482 = tpu.vector_load %arg11[%swap3A_480, %swap3A_481] {strides = array<i32>} : memref<80x128xbf16, #tpu.memory_space<vmem>>, vector<32xbf16>,
      tpu.vector_store %arg11[%swap3A_480, %swap3A_481], %mul3A_479 {strides = array<i32>} : memref<80x128xbf16, #tpu.memory_space<vmem>>, vector<32xbf16>,
      %get3A_483 = arith.index_cast %add3A_463 : i32 to index
      %get3A_484 = arith.constant 64 : index
      %get3A_485 = tpu.vector_load %arg11[%get3A_483, %get3A_484] {strides = array<i32>} : memref<80x128xbf16, #tpu.memory_space<vmem>>, vector<32xbf16>,
      %mul3A_486 = arith.mulf %get3A_485, %pack3A_468 : vector<32xbf16>
      %swap3A_487 = arith.index_cast %add3A_463 : i32 to index
      %swap3A_488 = arith.constant 64 : index
      %swap3A_489 = tpu.vector_load %arg11[%swap3A_487, %swap3A_488] {strides = array<i32>} : memref<80x128xbf16, #tpu.memory_space<vmem>>, vector<32xbf16>,
      tpu.vector_store %arg11[%swap3A_487, %swap3A_488], %mul3A_486 {strides = array<i32>} : memref<80x128xbf16, #tpu.memory_space<vmem>>, vector<32xbf16>,
      %get3A_490 = arith.index_cast %add3A_463 : i32 to index
      %get3A_491 = arith.constant 96 : index
      %get3A_492 = tpu.vector_load %arg11[%get3A_490, %get3A_491] {strides = array<i32>} : memref<80x128xbf16, #tpu.memory_space<vmem>>, vector<32xbf16>,
      %mul3A_493 = arith.mulf %get3A_492, %pack3A_468 : vector<32xbf16>
      %swap3A_494 = arith.index_cast %add3A_463 : i32 to index
      %swap3A_495 = arith.constant 96 : index
      %swap3A_496 = tpu.vector_load %arg11[%swap3A_494, %swap3A_495] {strides = array<i32>} : memref<80x128xbf16, #tpu.memory_space<vmem>>, vector<32xbf16>,
      tpu.vector_store %arg11[%swap3A_494, %swap3A_495], %mul3A_493 {strides = array<i32>} : memref<80x128xbf16, #tpu.memory_space<vmem>>, vector<32xbf16>,
    }
    %scan3A_192 = arith.constant 10 : i32
    %dma_start3A_193 = arith.constant 124 : i32
    %dma_start3A_194 = arith.constant 0 : i32
    %dma_start3A_195 = tpu.memref_slice %arg8[%dma_start3A_193, %dma_start3A_194] : memref<125x80xi32, #tpu.memory_space<vmem>> -> memref<1x80xi32, #tpu.memory_space<vmem>>
    %dma_start3A_196 = tpu.memref_squeeze %dma_start3A_195 : memref<1x80xi32, #tpu.memory_space<vmem>> -> memref<80xi32, #tpu.memory_space<vmem>>
    %dma_start3A_197 = arith.constant 0 : i32
    %dma_start3A_198 = arith.constant 0 : i32
    %dma_start3A_199 = tpu.memref_slice %arg13[%dma_start3A_197, %dma_start3A_198] : memref<10000x128xbf16, #tpu.memory_space<vmem_shared>> -> memref<10000x128xbf16, #tpu.memory_space<vmem_shared>>
    tpu.enqueue_indirect_dma source(%arg11 : memref<80x128xbf16, #tpu.memory_space<vmem>>) target(%dma_start3A_199 : memref<10000x128xbf16, #tpu.memory_space<vmem_shared>>) offsets(%dma_start3A_196 : memref<80xi32, #tpu.memory_space<vmem>>) semaphore(%arg18 : memref<!tpu.dma_semaphore, #tpu.memory_space<semaphore_mem>>) {add = true}
    %dma_wait3A_200 = arith.constant 123 : i32
    %dma_wait3A_201 = arith.constant 0 : i32
    %dma_wait3A_202 = tpu.memref_slice %arg8[%dma_wait3A_200, %dma_wait3A_201] : memref<125x80xi32, #tpu.memory_space<vmem>> -> memref<1x80xi32, #tpu.memory_space<vmem>>
    %dma_wait3A_203 = tpu.memref_squeeze %dma_wait3A_202 : memref<1x80xi32, #tpu.memory_space<vmem>> -> memref<80xi32, #tpu.memory_space<vmem>>
    %dma_wait3A_204 = arith.constant 0 : i32
    %dma_wait3A_205 = arith.constant 0 : i32
    %dma_wait3A_206 = tpu.memref_slice %arg13[%dma_wait3A_204, %dma_wait3A_205] : memref<10000x128xbf16, #tpu.memory_space<vmem_shared>> -> memref<10000x128xbf16, #tpu.memory_space<vmem_shared>>
    tpu.wait_indirect_dma semaphore(%arg17 : memref<!tpu.dma_semaphore, #tpu.memory_space<semaphore_mem>>) src(%arg10 : memref<80x128xbf16, #tpu.memory_space<vmem>>) dst(%dma_wait3A_206 : memref<10000x128xbf16, #tpu.memory_space<vmem_shared>>)
    %dma_wait3A_207 = arith.constant 124 : i32
    %dma_wait3A_208 = arith.constant 0 : i32
    %dma_wait3A_209 = tpu.memref_slice %arg8[%dma_wait3A_207, %dma_wait3A_208] : memref<125x80xi32, #tpu.memory_space<vmem>> -> memref<1x80xi32, #tpu.memory_space<vmem>>
    %dma_wait3A_210 = tpu.memref_squeeze %dma_wait3A_209 : memref<1x80xi32, #tpu.memory_space<vmem>> -> memref<80xi32, #tpu.memory_space<vmem>>
    %dma_wait3A_211 = arith.constant 0 : i32
    %dma_wait3A_212 = arith.constant 0 : i32
    %dma_wait3A_213 = tpu.memref_slice %arg13[%dma_wait3A_211, %dma_wait3A_212] : memref<10000x128xbf16, #tpu.memory_space<vmem_shared>> -> memref<10000x128xbf16, #tpu.memory_space<vmem_shared>>
    tpu.wait_indirect_dma semaphore(%arg18 : memref<!tpu.dma_semaphore, #tpu.memory_space<semaphore_mem>>) src(%arg11 : memref<80x128xbf16, #tpu.memory_space<vmem>>) dst(%dma_wait3A_213 : memref<10000x128xbf16, #tpu.memory_space<vmem_shared>>)
    %barrier3A_214 = arith.constant 0 : index
    tpu.barrier barrier_id(%barrier3A_214)
    %mul3A_215 = arith.constant 625 : i32
    %mul3A_216 = arith.muli %arg1, %mul3A_215 : i32
    %mul3A_217 = arith.constant 625 : i32
    %mul3A_218 = arith.muli %arg1, %mul3A_217 : i32
    "tpu.region"() ({
      %run_scoped3A = tpu.sem_alloc : memref<!tpu.dma_semaphore, #tpu.memory_space<semaphore_mem>>
      %dma_start3A_219 = arith.constant 0 : i32
      %dma_start3A_220 = arith.constant 0 : i32
      %dma_start3A_221 = tpu.memref_slice %arg6[%arg0, %dma_start3A_219, %dma_start3A_220] : memref<2x10000x128xbf16, #tpu.memory_space<hbm>> -> memref<1x10000x128xbf16, #tpu.memory_space<hbm>>
      %dma_start3A_222 = tpu.memref_squeeze %dma_start3A_221 : memref<1x10000x128xbf16, #tpu.memory_space<hbm>> -> memref<10000x128xbf16, #tpu.memory_space<hbm>>
      %dma_start3A_223 = arith.constant 0 : i32
      %dma_start3A_224 = tpu.memref_slice %dma_start3A_222[%mul3A_218, %dma_start3A_223] : memref<10000x128xbf16, #tpu.memory_space<hbm>> -> memref<625x128xbf16, #tpu.memory_space<hbm>>
      %dma_start3A_225 = arith.constant 0 : i32
      %dma_start3A_226 = tpu.memref_slice %arg13[%mul3A_216, %dma_start3A_225] : memref<10000x128xbf16, #tpu.memory_space<vmem_shared>> -> memref<625x128xbf16, #tpu.memory_space<vmem_shared>>
      tpu.enqueue_dma source(%dma_start3A_226 : memref<625x128xbf16, #tpu.memory_space<vmem_shared>>) target(%dma_start3A_224 : memref<625x128xbf16, #tpu.memory_space<hbm>>) target_semaphore(%run_scoped3A : memref<!tpu.dma_semaphore, #tpu.memory_space<semaphore_mem>>)
      %dma_wait3A_227 = arith.constant 0 : i32
      %dma_wait3A_228 = arith.constant 0 : i32
      %dma_wait3A_229 = tpu.memref_slice %arg6[%arg0, %dma_wait3A_227, %dma_wait3A_228] : memref<2x10000x128xbf16, #tpu.memory_space<hbm>> -> memref<1x10000x128xbf16, #tpu.memory_space<hbm>>
      %dma_wait3A_230 = tpu.memref_squeeze %dma_wait3A_229 : memref<1x10000x128xbf16, #tpu.memory_space<hbm>> -> memref<10000x128xbf16, #tpu.memory_space<hbm>>
      %dma_wait3A_231 = arith.constant 0 : i32
      %dma_wait3A_232 = tpu.memref_slice %dma_wait3A_230[%mul3A_218, %dma_wait3A_231] : memref<10000x128xbf16, #tpu.memory_space<hbm>> -> memref<625x128xbf16, #tpu.memory_space<hbm>>
      %dma_wait3A_233 = arith.constant 0 : i32
      %dma_wait3A_234 = tpu.memref_slice %arg13[%mul3A_216, %dma_wait3A_233] : memref<10000x128xbf16, #tpu.memory_space<vmem_shared>> -> memref<625x128xbf16, #tpu.memory_space<vmem_shared>>
      tpu.wait_dma2 semaphore(%run_scoped3A : memref<!tpu.dma_semaphore, #tpu.memory_space<semaphore_mem>>) src(%dma_wait3A_234 : memref<625x128xbf16, #tpu.memory_space<vmem_shared>>) dst(%dma_wait3A_232 : memref<625x128xbf16, #tpu.memory_space<hbm>>)
      tpu.yield
    }) : () -> ()
    return
  }
}

module attributes {stable_mosaic.version = 14 : i64} {
  func.func @_mm_body(%arg0: i32, %arg1: memref<1000x128xf32, #tpu.memory_space<vmem>>, %arg2: memref<1000x128xbf16, #tpu.memory_space<vmem>>, %arg3: memref<1000x128xbf16, #tpu.memory_space<vmem>>, %arg4: memref<128x128xf32, #tpu.memory_space<vmem>>, %arg5: memref<128x128xf32, #tpu.memory_space<vmem>>, %arg6: memref<1x128xf32, #tpu.memory_space<vmem>>, %arg7: memref<1000x128xf32, #tpu.memory_space<vmem>>) attributes {dimension_semantics = [#tpu.dimension_semantics<arbitrary>], iteration_bounds = array<i64: 10>, scalar_prefetch = 0 : i64, scratch_operands = 0 : i64, tpu.core_type = #tpu.core_type<tc>, window_params = [{transform_indices = @transform_0, window_bounds = array<i64: 1000, 128>}, {transform_indices = @transform_1, window_bounds = array<i64: 1000, 128>}, {transform_indices = @transform_2, window_bounds = array<i64: 1000, 128>}, {pipeline_mode = #tpu.pipeline_mode<synchronous>, transform_indices = @transform_3, window_bounds = array<i64: 128, 128>}, {pipeline_mode = #tpu.pipeline_mode<synchronous>, transform_indices = @transform_4, window_bounds = array<i64: 128, 128>}, {pipeline_mode = #tpu.pipeline_mode<synchronous>, transform_indices = @transform_5, window_bounds = array<i64: 1, 128>}, {transform_indices = @transform_6, window_bounds = array<i64: 1000, 128>}]} {
    %get3A = arith.constant 0 : index
    %get3A_0 = arith.constant 0 : index
    %get3A_1 = vector.load %arg2[%get3A, %get3A_0] : memref<1000x128xbf16, #tpu.memory_space<vmem>>, vector<1000x128xbf16>
    %convert_element_type3A = arith.extf %get3A_1 : vector<1000x128xbf16> to vector<1000x128xf32>
    %get3A_2 = arith.constant 0 : index
    %get3A_3 = arith.constant 0 : index
    %get3A_4 = vector.load %arg3[%get3A_2, %get3A_3] : memref<1000x128xbf16, #tpu.memory_space<vmem>>, vector<1000x128xbf16>
    %convert_element_type3A_5 = arith.extf %get3A_4 : vector<1000x128xbf16> to vector<1000x128xf32>
    %add3A = arith.addf %convert_element_type3A, %convert_element_type3A_5 : vector<1000x128xf32>
    %get3A_6 = arith.constant 0 : index
    %get3A_7 = arith.constant 0 : index
    %get3A_8 = vector.load %arg1[%get3A_6, %get3A_7] : memref<1000x128xf32, #tpu.memory_space<vmem>>, vector<1000x128xf32>
    %get3A_9 = arith.constant 0 : index
    %get3A_10 = arith.constant 0 : index
    %get3A_11 = vector.load %arg4[%get3A_9, %get3A_10] : memref<128x128xf32, #tpu.memory_space<vmem>>, vector<128x128xf32>
    %dot_general3A = arith.constant dense<0.000000e+00> : vector<1000x128xf32>
    %dot_general3A_12 = tpu.matmul %get3A_8, %get3A_11, %dot_general3A {dimension_numbers = #tpu.dot_dimension_numbers<[1], [0], [0], [1], [0, 0, 1, 1], [], []>, transpose_lhs_hint = false} : vector<1000x128xf32>, vector<128x128xf32>, vector<1000x128xf32> -> vector<1000x128xf32>
    %get3A_13 = arith.constant 0 : index
    %get3A_14 = arith.constant 0 : index
    %get3A_15 = vector.load %arg5[%get3A_13, %get3A_14] : memref<128x128xf32, #tpu.memory_space<vmem>>, vector<128x128xf32>
    %dot_general3A_16 = arith.constant dense<0.000000e+00> : vector<1000x128xf32>
    %dot_general3A_17 = tpu.matmul %add3A, %get3A_15, %dot_general3A_16 {dimension_numbers = #tpu.dot_dimension_numbers<[1], [0], [0], [1], [0, 0, 1, 1], [], []>, transpose_lhs_hint = false} : vector<1000x128xf32>, vector<128x128xf32>, vector<1000x128xf32> -> vector<1000x128xf32>
    %add3A_18 = arith.addf %dot_general3A_12, %dot_general3A_17 : vector<1000x128xf32>
    %get3A_19 = arith.constant 0 : index
    %get3A_20 = arith.constant 0 : index
    %get3A_21 = vector.load %arg6[%get3A_19, %get3A_20] : memref<1x128xf32, #tpu.memory_space<vmem>>, vector<1x128xf32>
    %add3A_22 = vector.broadcast %get3A_21 : vector<1x128xf32> to vector<1000x128xf32>
    %add3A_23 = arith.addf %add3A_18, %add3A_22 : vector<1000x128xf32>
    %swap3A = arith.constant 0 : index
    %swap3A_24 = arith.constant 0 : index
    %swap3A_25 = vector.load %arg7[%swap3A, %swap3A_24] : memref<1000x128xf32, #tpu.memory_space<vmem>>, vector<1000x128xf32>
    tpu.vector_store %arg7[%swap3A, %swap3A_24], %add3A_23 {strides = array<i32>} : memref<1000x128xf32, #tpu.memory_space<vmem>>, vector<1000x128xf32>,
    return
  }
  func.func @transform_0(%arg0: i32) -> (i32, i32) {
    %c0_i32 = arith.constant 0 : i32
    %c0_i32_0 = arith.constant 0 : i32
    return %arg0, %c0_i32 : i32, i32
  }
  func.func @transform_1(%arg0: i32) -> (i32, i32) {
    %c0_i32 = arith.constant 0 : i32
    %c0_i32_0 = arith.constant 0 : i32
    return %arg0, %c0_i32 : i32, i32
  }
  func.func @transform_2(%arg0: i32) -> (i32, i32) {
    %c0_i32 = arith.constant 0 : i32
    %c0_i32_0 = arith.constant 0 : i32
    return %arg0, %c0_i32 : i32, i32
  }
  func.func @transform_3(%arg0: i32) -> (i32, i32) {
    %c0_i32 = arith.constant 0 : i32
    %c0_i32_0 = arith.constant 0 : i32
    %c0_i32_1 = arith.constant 0 : i32
    return %c0_i32, %c0_i32_0 : i32, i32
  }
  func.func @transform_4(%arg0: i32) -> (i32, i32) {
    %c0_i32 = arith.constant 0 : i32
    %c0_i32_0 = arith.constant 0 : i32
    %c0_i32_1 = arith.constant 0 : i32
    return %c0_i32, %c0_i32_0 : i32, i32
  }
  func.func @transform_5(%arg0: i32) -> (i32, i32) {
    %c0_i32 = arith.constant 0 : i32
    %c0_i32_0 = arith.constant 0 : i32
    %c0_i32_1 = arith.constant 0 : i32
    return %c0_i32, %c0_i32_0 : i32, i32
  }
  func.func @transform_6(%arg0: i32) -> (i32, i32) {
    %c0_i32 = arith.constant 0 : i32
    %c0_i32_0 = arith.constant 0 : i32
    return %arg0, %c0_i32 : i32, i32
  }
}

</mosaic_0001>

<sc_bundles>
// kernel: kernel.4.cloned.1.call-start
scs
__scs_entry_jumppad:
0x0: {  	(pc) =	sbr.rel $0x88, $3  }
0x1: {  	(tag) =	ssettag $0x0;
	lr =	simm.s32 $0x1  }
0x2: {  	[smem:$0x3F9C] =	sst lr;
	_ =	strace $0xD0000000  }
0x3: {  	_ = 	snop  }
0x4: {  	_ = 	snop  }
0x5: {  	_ = 	snop  }
0x6: {  	_ = 	snop  }
0x7: {  	_ = 	snop  }
__scs_overlays_trampoline_lowered:
0x8: {  	[smem:$0x3FAB] =	sst s0  }
0x9: {  	[smem:$0x3FAC] =	sst s1  }
0xa: {  	[smem:$0x3FAD] =	sst s2  }
0xb: {  	[smem:$0x3FAE] =	sst s3  }
0xc: {  	[smem:$0x3FAF] =	sst s4  }
0xd: {  	[smem:$0x3FB0] =	sst s5  }
0xe: {  	[smem:$0x3FB1] =	sst s6  }
0xf: {  	[smem:$0x3FB2] =	sst s7  }
0x10: {  	[smem:$0x3FB3] =	sst s8  }
0x11: {  	[smem:$0x3FB4] =	sst s9;
	s0 =	simm.s32 @!p0 $0x0  }
0x12: {  	s1 =	sld [smem:$0x3F9A];
	s0 =	simm.s32 @p0 $0x1  }
0x13: {  	[smem:$0x3FB5] =	sst s0;
	s0 =	simm.s32 @!p1 $0x0  }
0x14: {  	s2 =	sld [smem:$0x3F99];
	s0 =	simm.s32 @p1 $0x1  }
0x15: {  	[smem:$0x3FB6] =	sst s0;
	s0 =	simm.s32 @!p2 $0x0  }
0x16: {  	s3 =	sld [smem:$0x3FDB];
	s0 =	simm.s32 @p2 $0x1  }
0x17: {  	s4 =	simm.s32 $0x1BF5;
	[smem:$0x3FB8] =	sst s0  }
0x18: {  	s0 =	sld [smem:$0x3F9B];
	_ =	swait.ge [sflag:s4], $0x0  }
0x19: {  	s7 =	sld [smem:$0x3F9C]  }
0x1a: {  	s8 =	sadd.s32 $0xFFFFE003, lr  }
0x1b: {  	s9 =	sadd.s32 $0xFFFFFEF7, lr;
	s5 =	simm.s32 $0xFFFFFFFF;
	p2 =	slt.u32 s8, $0xFFFFF086  }
0x1c: {  	p1 =	slt.u32 s9, $0xF7A;
	s5 =	simm.s32 @!p2 $0x0  }
0x1d: {  	s5 =	simm.s32 @p1 $0x1;
	p0 =	seq.s32 s7, s2  }
0x1e: {  	s7 =	smul.u32 @!p0 $0xF7A, s2;
	p2 =	seq.s32 @!p0 s5, $0x0  }
0x1f: {  	s9 =	smul.u32 $0xF7A, s1;
	s8 =	simm.s32 @!p0 $0x1BF5;
	p2 =	por !p2, p0  }
0x20: {  	[sflag:s8] =	ssyncset.s32 @!p0 $0xFFFFF086;
	s6 =	sadd.s32 @!p0 s3, s7;
	s7 =	simm.s32 @!p0 $0x108  }
0x21: {  	s3 =	sadd.s32 s3, s9;
	s6 =	sadd.s32 @!p0 $0x88, s6;
	s7 =	simm.s32 @p2 $0x1082  }
0x22: {  	[simem:s7], [sflag:s8] =	dma.local @!p0 [hbm:s6], $0xF7A  }
0x23: {  	s9 =	sor.u32 $0xD0000000, s2;
	s6 =	simm.s32 $0x108;
	_ =	swait.ge @!p0 [sflag:s8], $0x0  }
0x24: {  	s3 =	sadd.s32 $0x88, s3;
	s6 =	simm.s32 @!p1 $0x1082;
	[sflag:s4] =	ssyncset.s32 $0xFFFFF086  }
0x25: {  	[simem:s6], [sflag:s4] =	dma.local [hbm:s3], $0xF7A  }
0x26: {  	[smem:$0x3F9C] =	sst s1;
	(tag) =	ssettag s2;
	_ =	strace s9  }
0x27: {  	s1 =	sld [smem:$0x3FAC]  }
0x28: {  	s2 =	sld [smem:$0x3FAD]  }
0x29: {  	s4 =	sld [smem:$0x3FAF]  }
0x2a: {  	p0 =	seq.s32 s5, $0x0;
	s5 =	sld [smem:$0x3FB0]  }
0x2b: {  	s6 =	sld [smem:$0x3FB1]  }
0x2c: {  	s7 =	sld [smem:$0x3FB2]  }
0x2d: {  	s3 =	simm.s32 $0x108;
	s8 =	sld [smem:$0x3FB3]  }
0x2e: {  	s3 =	simm.s32 @!p0 $0x1082;
	s9 =	sld [smem:$0x3FB4]  }
0x2f: {  	lr =	sadd.s32 s0, s3;
	s0 =	sld [smem:$0x3FAB]  }
0x30: {  	s3 =	sld [smem:$0x3FAE]  }
0x31: {  	[smem:$0x3FB7] =	sst s10  }
0x32: {  	s10 =	sld [smem:$0x3FB5];
	_ =	sdelay $0x3  }
0x33: {  	p0 =	seq.s32 s10, $0x1;
	s10 =	sld [smem:$0x3FB7];
	_ =	sdelay $0x3  }
0x34: {  	[smem:$0x3FB7] =	sst s10  }
0x35: {  	s10 =	sld [smem:$0x3FB6];
	_ =	sdelay $0x3  }
0x36: {  	p1 =	seq.s32 s10, $0x1;
	s10 =	sld [smem:$0x3FB7];
	_ =	sdelay $0x3  }
0x37: {  	[smem:$0x3FB7] =	sst s10  }
0x38: {  	s10 =	sld [smem:$0x3FB8]  }
0x39: {  	_ = 	snop;
	(pc) =	sbr.ind lr, $3  }
0x3a: {  	_ = 	snop  }
0x3b: {  	_ = 	snop  }
0x3c: {  	p2 =	seq.s32 s10, $0x1;
	s10 =	sld [smem:$0x3FB7]  }
0x3d: {  	_ =	shalt  }
0x3e: {  	_ =	shalt  }
0x3f: {  	_ =	shalt  }
0x40: {  	_ =	shalt  }
0x41: {  	_ =	shalt  }
0x42: {  	_ =	shalt  }
0x43: {  	_ =	shalt  }
0x44: {  	_ =	shalt  }
0x45: {  	_ =	shalt  }
0x46: {  	_ =	shalt  }
0x47: {  	_ =	shalt  }
0x48: {  	_ =	shalt  }
0x49: {  	_ =	shalt  }
0x4a: {  	_ =	shalt  }
0x4b: {  	_ =	shalt  }
0x4c: {  	_ =	shalt  }
0x4d: {  	_ =	shalt  }
0x4e: {  	_ =	shalt  }
0x4f: {  	_ =	shalt  }
0x50: {  	_ =	shalt  }
0x51: {  	_ =	shalt  }
0x52: {  	_ =	shalt  }
0x53: {  	_ =	shalt  }
0x54: {  	_ =	shalt  }
0x55: {  	_ =	shalt  }
0x56: {  	_ =	shalt  }
0x57: {  	_ =	shalt  }
0x58: {  	_ =	shalt  }
0x59: {  	_ =	shalt  }
0x5a: {  	_ =	shalt  }
0x5b: {  	_ =	shalt  }
0x5c: {  	_ =	shalt  }
0x5d: {  	_ =	shalt  }
0x5e: {  	_ =	shalt  }
0x5f: {  	_ =	shalt  }
0x60: {  	_ =	shalt  }
0x61: {  	_ =	shalt  }
0x62: {  	_ =	shalt  }
0x63: {  	_ =	shalt  }
0x64: {  	_ =	shalt  }
0x65: {  	_ =	shalt  }
0x66: {  	_ =	shalt  }
0x67: {  	_ =	shalt  }
0x68: {  	_ =	shalt  }
0x69: {  	_ =	shalt  }
0x6a: {  	_ =	shalt  }
0x6b: {  	_ =	shalt  }
0x6c: {  	_ =	shalt  }
0x6d: {  	_ =	shalt  }
0x6e: {  	_ =	shalt  }
0x6f: {  	_ =	shalt  }
0x70: {  	_ =	shalt  }
0x71: {  	_ =	shalt  }
0x72: {  	_ =	shalt  }
0x73: {  	_ =	shalt  }
0x74: {  	_ =	shalt  }
0x75: {  	_ =	shalt  }
0x76: {  	_ =	shalt  }
0x77: {  	_ =	shalt  }
0x78: {  	_ =	shalt  }
0x79: {  	_ =	shalt  }
0x7a: {  	_ =	shalt  }
0x7b: {  	_ =	shalt  }
0x7c: {  	_ =	shalt  }
0x7d: {  	_ =	shalt  }
0x7e: {  	_ =	shalt  }
0x7f: {  	_ =	shalt  }
0x80: {  	_ =	shalt  }
0x81: {  	_ =	shalt  }
0x82: {  	_ =	shalt  }
0x83: {  	_ =	shalt  }
0x84: {  	_ =	shalt  }
0x85: {  	_ =	shalt  }
0x86: {  	_ =	shalt  }
0x87: {  	_ =	shalt  }
.Lfunc_end0:
.L_simem_size_0:
called_computation_lowered:
.L_overlay_start_0:
0x88: {  	s2 =	sld [smem:$0x3FD9]  }
0x89: {  	s3 =	sld [smem:$0x3FFE];
	_ =	sdelay $0x1  }
0x8a: {  	s1 =	srdreg.scid  }
0x8b: {  	s0 =	sand.u32 $0x1, s1  }
0x8c: {  	s17 =	sshll.u32 s0, $0xA;
	s2 =	sadd.s32 s3, s2  }
0x8d: {  	s2 =	sadd.s32 s2, s17  }
0x8e: {  	[smem:$0x3FC3] =	sst s2  }
0x8f: {  	_ = 	snop  }
0x90: {  	s2 =	sld [smem:$0x3FC7]  }
0x91: {  	s18 =	sld [smem:$0x3FD0];
	(tm) =	ssettm $0x1  }
0x92: {  	s4 =	sld [smem:$0x3FFB];
	_ =	sdelay $0x3  }
0x93: {  	_ =	strace s4  }
0x94: {  	s4 =	sld [smem:$0x3FFC];
	_ =	sdelay $0x3  }
0x95: {  	_ =	strace s4  }
0x96: {  	s4 =	sld [smem:$0x3FFD];
	_ =	sdelay $0x3  }
0x97: {  	_ =	strace s4  }
0x98: {  	_ =	strace $0x8FFFFFFF  }
0x99: {  	s19 =	sld [smem:$0x3FDB];
	_ =	sdelay $0x1  }
0x9a: {  	s5 =	simm.s32 $_scs_section_size  }
0x9b: {  	s6 =	simm.s32 $_size__tile_overlayer_lowered;
	s7 =	simm.s32 $_tile_overlayer_lowered  }
0x9c: {  	s22 =	simm.s32 $0x1BFF;
	s21 =	sshll.u32 s7, $0x1;
	s4 =	sadd.s32 s5, s19  }
0x9d: {  	s8 =	simm.s32 $0x0;
	s20 =	sshll.u32 s6, $0x1;
	s6 =	sadd.s32 s21, s4  }
0x9e: {  	[timem:s8], [sflag:s22] =	dma.local [hbm:s6], s20  }
0x9f: {  	_ =	swait.ge [sflag:s22], s20  }
0xa0: {  	s5 =	ssub.s32 $0x0, s20;
	[sflag:s22] =	ssyncset.done $0x0  }
0xa1: {  	[sflag:s22] =	ssyncadd.s32 s5;
	_ =	sdelay $0x1  }
0xa2: {  	s23 =	simm.s32 $0x1B8B  }
0xa3: {  	_ =	swait.ge [sflag:s23], $0x1  }
0xa4: {  	[sflag:s23] =	ssyncset.done $0x0  }
0xa5: {  	s25 =	simm.s32 $0x1B8E;
	s24 =	sld [smem:$0x3FFE];
	[sflag:s23] =	ssyncadd.s32 $0xFFFFFFFF  }
0xa6: {  	s26 =	simm.s32 $execute0_lowered;
	[smem:$0x3FD2] =	sst s25  }
0xa7: {  	s6 =	sshll.u32 s26, $0x1;
	_ =	strace $0x80000046;
	[dreg:$0x1] =	wrdreg $0xFFFFFFFF  }
0xa8: {  	s28 =	simm.s32 $_size_execute0_lowered;
	s4 =	sadd.s32 s4, s6;
	[dreg:$0x0] =	wrdreg $0x0  }
0xa9: {  	s6 =	sshll.u32 s28, $0x1;
	[dreg:$0x2] =	wrdreg s4  }
0xaa: {  	[dreg:$0x3] =	wrdreg s6  }
0xab: {  	[dreg:$0x4] =	wrdreg $0xC0  }
0xac: {  	_ =	task [dreg:s8], $0x5FFFF  }
0xad: {  	[dreg:$0x1] =	wrdreg $0xFFFFFFFF  }
0xae: {  	[dreg:$0x0] =	wrdreg $0x60  }
0xaf: {  	[dreg:$0x2] =	wrdreg s24  }
0xb0: {  	[dreg:$0x3] =	wrdreg s2  }
0xb1: {  	[dreg:$0x4] =	wrdreg s18  }
0xb2: {  	[dreg:$0x5] =	wrdreg $0xB1300  }
0xb3: {  	[dreg:$0x6] =	wrdreg $0x9  }
0xb4: {  	_ =	task.clear_ibuf [dreg:s8], $0x7FFFF;
	_ =	strace $0x90000046  }
0xb5: {  	s29 =	simm.s32 $0x9;
	_ =	strace $0x80000048  }
0xb6: {  	_ =	swait.ge [sflag:s29], $0x1  }
0xb7: {  	[sflag:s29] =	ssyncadd.s32 $0xFFFFFFFF  }
0xb8: {  	_ =	strace $0x90000048  }
0xb9: {  	_ =	sfence  }
0xba: {  	s30 =	sld [smem:$0x0];
	_ =	sdelay $0x2  }
0xbb: {  	s31 =	sshll.u32 s1, $0xD;
	s1 =	sshrl.u32 s1, $0x2  }
0xbc: {  	s3 =	sand.u32 $0x4000, s31;
	s1 =	sadd.s32 s1, s30  }
0xbd: {  	s0 =	sor.u32 s3, s0;
	s1 =	sshll.u32 s1, $0x11  }
0xbe: {  	s0 =	sor.u32 s1, s0  }
0xbf: {  	s0 =	sadd.s32 $0x8F2B, s0  }
0xc0: {  	[sflag:s0] =	ssyncadd.remote.s32 $0x1  }
0xc1: {  	_ =	sfence.sel $0xFFFF  }
0xc2: {  	[dreg:$0x0] =	wrdreg $0xFFFFFFFF;
	(pc) =	sbr.abs _section_cstart, $3  }
0xc3: {  	[dreg:$0x1] =	wrdreg $0xFFFFFFFF  }
0xc4: {  	_ =	task.clear_ibuf [dreg:s8], $0x2FFFF;
	_ =	strace $0x9FFFFFFF  }
0xc5: {  	(tm) =	ssettm $0x7FFFFFFF  }
tec
execute0_lowered:
.L_overlay_start_1:
0x0: {  	(tag) =	ssettag $0x1  }
0x1: {  	s0 =	rddreg [dreg:$0x0]  }
0x2: {  	s1 =	rddreg [dreg:$0x1];
	s2 =	srdreg.scid  }
0x3: {  	s5 =	rddreg [dreg:$0x2];
	s12 =	stileid.u32;
	s3 =	simm.s32 $0x0  }
0x4: {  	s28 =	simm.s32 $0x2;
	s29 =	simm.s32 $0x4;
	s30 =	simm.s32 $0x3  }
0x5: {  	s31 =	simm.s32 $0x5;
	s6 =	sand.u32 $0x1, s2;
	s2 =	rddreg [dreg:$0x3]  }
0x6: {  	[smem:$0x7FF] =	sst s3;
	s9 =	smul.u32 $0x13880, s12;
	s4 =	sshll.u32 s6, $0x4  }
0x7: {  	_ =	strace $0x80000047;
	s8 =	ssub.s32 $0x2, s6;
	s6 =	smul.u32 $0x13880, s6  }
0x8: {  	s4 =	sor.u32 s12, s4;
	s11 =	sshrl.u32 s8, $0x1;
	s12 =	smul.u32 $0x27100, s12  }
0x9: {  	s18 =	sshrl.u32 s9, $0x1;
	s26 =	sshrl.u32 s9, $0x4;
	s7 =	smul.u32 $0x4E2, s4  }
0xa: {  	s4 =	sadd.s32 $0x14200, s0;
	s11 =	ssub.s32 s8, s11;
	s8 =	sadd.s32 s18, s2  }
0xb: {  	s25 =	sadd.s32 s5, s6;
	s19 =	sshrl.u32 s12, $0x2;
	s10 =	sadd.s32 s7, s0  }
0xc: {  	s1 =	sadd.s32 s1, s7;
	s20 =	sadd.s32 s19, s2;
	s19 =	simm.s32 $0x4E20  }
0xd: {  	s0 =	simm.s32 $0x6;
	s16 =	sadd.s32 $0xA400, s10;
	[dreg:$0x7] =	wrdreg s1  }
0xe: {  	s17 =	sadd.s32 $0x600, s10;
	s21 =	sadd.s32 $0x1400, s20;
	[dreg:$0x5] =	wrdreg s16  }
0xf: {  	s22 =	sadd.s32 $0x2800, s20;
	s23 =	sadd.s32 $0x3C00, s20;
	[dreg:$0x6] =	wrdreg s17  }
0x10: {  	s24 =	sadd.s32 $0x5000, s20;
	s13 =	sadd.s32 $0x6400, s20;
	[dreg:$0x8] =	wrdreg s21  }
0x11: {  	s14 =	sadd.s32 $0x7800, s20;
	s15 =	sadd.s32 $0x8C00, s20;
	[dreg:$0x9] =	wrdreg s22  }
0x12: {  	s10 =	simm.s32 $0x2710;
	s20 =	simm.s32 $0x7530;
	[dreg:$0xa] =	wrdreg s23  }
0x13: {  	[dreg:$0xb] =	wrdreg s24;
	s16 =	smax.u32 s11, $0x1;
	s17 =	simm.s32 $0x7  }
0x14: {  	v1 =	vimm.s32 $0x0;
	vm0 =	vcmask $0x300;
	s21 =	simm.s32 $0x50;
	s22 =	simm.s32 $0x8930;
	s23 =	simm.s32 $0x1  }
0x15: {  	v0 =	vimm.bf16 $0.0e+00;
	v1 =	vsel vm0, $0x3, v1;
	s24 =	sadd.s32 s26, s25;
	s26 =	simm.s32 $0x9D30;
	s25 =	simm.s32 $0x0  }
.LBB2_1:
0x16: {  	s1 =	rddreg [dreg:$0x5]  }
0x17: {  	[tilespmem:s3], [sflag:$0x7] =	stream.linear.gather [hbm4b:s1+s3], $0x2710, $0x38;
	[tilespmem:$0x14D70] =	vst v63  }
0x18: {  	_ =	swait.ge [sflag:s17], $0x2710  }
0x19: {  	[sflag:s17] =	ssyncset.done $0x0  }
0x1a: {  	s12 =	rddreg [dreg:$0x6];
	[sflag:s17] =	ssyncadd.s32 $0xFFFFD8F0  }
0x1b: {  	[tilespmem:s10], [sflag:$0x7] =	stream.linear.gather [hbm4b:s12+s3], $0x2710, $0x38;
	[tilespmem:$0x14D70] =	vst v63  }
0x1c: {  	_ =	swait.ge [sflag:s17], $0x2710  }
0x1d: {  	[sflag:s17] =	ssyncset.done $0x0  }
0x1e: {  	s18 =	rddreg [dreg:$0x7];
	[sflag:s17] =	ssyncadd.s32 $0xFFFFD8F0  }
0x1f: {  	[tilespmem:s19], [sflag:$0x7] =	stream.linear.gather [hbm4b:s18+s3], $0x2710, $0x38;
	[tilespmem:$0x14D70] =	vst v63  }
0x20: {  	_ =	swait.ge [sflag:s17], $0x2710  }
0x21: {  	[sflag:s17] =	ssyncset.done $0x0  }
0x22: {  	s5 =	simm.s32 $0x100;
	s1 =	simm.s32 $0x0;
	[sflag:s17] =	ssyncadd.s32 $0xFFFFD8F0  }
.LBB2_2:
0x23: {  	p0 =	sne.s32 s5, $0x4F00;
	[tilespmem:s1+$0x7560] =	vst v0;
	s6 =	smov.u32 s5;
	s5 =	sadd.s32 $0x100, s5  }
.Ltmp0:
0x24: {  	[tilespmem:s1+$0x7550] =	vst v0;
	(pc) =	sbr.rel @p0 .LBB2_2-.Ltmp0, $3  }
0x25: {  	[tilespmem:s1+$0x7530] =	vst v0  }
0x26: {  	[tilespmem:s1+$0x7540] =	vst v0;
	_ =	sdelay $0x1  }
0x27: {  	s1 =	sshra.s32 s6, $0x2  }
0x28: {  	[tilespmem:s1+$0x7560] =	vst v0  }
0x29: {  	[tilespmem:s1+$0x7550] =	vst v0  }
0x2a: {  	[tilespmem:s1+$0x7530] =	vst v0  }
0x2b: {  	[tilespmem:s1+$0x7540] =	vst v0;
	s1 =	simm.s32 $0x7  }
0x2c: {  	[spmem:s8] =	stream.linear.scatter [tilespmem:s20], [sflag:$0x7], $0x1400, $0x38;
	[tilespmem:$0x14D70] =	vst v63  }
0x2d: {  	_ =	swait.ge [sflag:s1], $0x1400  }
0x2e: {  	[sflag:s1] =	ssyncset.done $0x0  }
0x2f: {  	s5 =	rddreg [dreg:$0x8];
	[sflag:s1] =	ssyncadd.s32 $0xFFFFEC00  }
0x30: {  	[spmem:s5] =	stream.linear.scatter [tilespmem:s20], [sflag:$0x7], $0x1400, $0x38;
	[tilespmem:$0x14D70] =	vst v63  }
0x31: {  	_ =	swait.ge [sflag:s1], $0x1400  }
0x32: {  	[sflag:s1] =	ssyncset.done $0x0  }
0x33: {  	s11 =	rddreg [dreg:$0x9];
	[sflag:s1] =	ssyncadd.s32 $0xFFFFEC00  }
0x34: {  	[spmem:s11] =	stream.linear.scatter [tilespmem:s20], [sflag:$0x7], $0x1400, $0x38;
	[tilespmem:$0x14D70] =	vst v63  }
0x35: {  	_ =	swait.ge [sflag:s1], $0x1400  }
0x36: {  	[sflag:s1] =	ssyncset.done $0x0  }
0x37: {  	s12 =	rddreg [dreg:$0xa];
	[sflag:s1] =	ssyncadd.s32 $0xFFFFEC00  }
0x38: {  	[spmem:s12] =	stream.linear.scatter [tilespmem:s20], [sflag:$0x7], $0x1400, $0x38;
	[tilespmem:$0x14D70] =	vst v63  }
0x39: {  	_ =	swait.ge [sflag:s1], $0x1400  }
0x3a: {  	[sflag:s1] =	ssyncset.done $0x0  }
0x3b: {  	s18 =	rddreg [dreg:$0xb];
	[sflag:s1] =	ssyncadd.s32 $0xFFFFEC00  }
0x3c: {  	[spmem:s18] =	stream.linear.scatter [tilespmem:s20], [sflag:$0x7], $0x1400, $0x38;
	[tilespmem:$0x14D70] =	vst v63  }
0x3d: {  	_ =	swait.ge [sflag:s1], $0x1400  }
0x3e: {  	[sflag:s1] =	ssyncset.done $0x0  }
0x3f: {  	[sflag:s1] =	ssyncadd.s32 $0xFFFFEC00  }
0x40: {  	[spmem:s13] =	stream.linear.scatter [tilespmem:s20], [sflag:$0x7], $0x1400, $0x38;
	[tilespmem:$0x14D70] =	vst v63  }
0x41: {  	_ =	swait.ge [sflag:s1], $0x1400  }
0x42: {  	[sflag:s1] =	ssyncset.done $0x0  }
0x43: {  	[sflag:s1] =	ssyncadd.s32 $0xFFFFEC00  }
0x44: {  	[spmem:s14] =	stream.linear.scatter [tilespmem:s20], [sflag:$0x7], $0x1400, $0x38;
	[tilespmem:$0x14D70] =	vst v63  }
0x45: {  	_ =	swait.ge [sflag:s1], $0x1400  }
0x46: {  	[sflag:s1] =	ssyncset.done $0x0  }
0x47: {  	[sflag:s1] =	ssyncadd.s32 $0xFFFFEC00  }
0x48: {  	[spmem:s15] =	stream.linear.scatter [tilespmem:s20], [sflag:$0x7], $0x1040, $0x38;
	[tilespmem:$0x14D70] =	vst v63  }
0x49: {  	s6 =	simm.s32 $0x0;
	_ =	swait.ge [sflag:s1], $0x1040  }
0x4a: {  	v2 =	vmov s6;
	[sflag:s1] =	ssyncset.done $0x0  }
0x4b: {  	v2 =	vshrl.u32 v2, $0x3;
	[sflag:s1] =	ssyncadd.s32 $0xFFFFEFC0  }
0x4c: {  	v2 =	vshll.u32 v2, v1;
	[bflag:$0x0] =	sbarrier.arrive $0xFFFF  }
0x4d: {  	v2 =	vbroadcast v2, $0x0;
	[tilespmem:s20], [sflag:$0x1] =	stream.indirect.gather [hbm4b:s4+s21], $0x40, s3, s21, $0xb8;
	[tilespmem:$0x14D70] =	vst v63  }
0x4e: {  	_ = 	snop  }
0x4f: {  	[tilespmem:s22], [sflag:$0x2] =	stream.indirect.gather [hbm4b:s4+s21], $0x40, s21, s21, $0xb8;
	[tilespmem:$0x14D70] =	vst v63  }
0x50: {  	_ =	swait.ge [sflag:s23], $0x1400  }
0x51: {  	[sflag:s23] =	ssyncset.done $0x0  }
0x52: {  	[sflag:s23] =	ssyncadd.s32 $0xFFFFEC00  }
0x53: {  	s5 =	simm.s32 $0x7630;
	v2 =	vld.idx.msk [tilespmem:v2+s19+$0x0], $0xffff  }
0x54: {  	s6 =	simm.s32 $0x1;
	v3 =	vld [tilespmem:s5+$0xFFFFFF00]  }
0x55: {  	v4 =	vmov s6;
	v5 =	vld [tilespmem:s5+$0xFFFFFF10]  }
0x56: {  	v4 =	vshrl.u32 v4, $0x3;
	v6 =	vld [tilespmem:s5+$0xFFFFFF20]  }
0x57: {  	v4 =	vshll.u32 v4, v1;
	v7 =	vld [tilespmem:s5+$0xFFFFFF30]  }
0x58: {  	v4 =	vadd.s32 $0x1, v4;
	v2 =	vpack.i.f32.bf16 v2, v2  }
0x59: {  	v4 =	vbroadcast v4, $0x0;
	v3 =	vmul.bf16 v3, v2  }
0x5a: {  	v5 =	vmul.bf16 v5, v2  }
0x5b: {  	v6 =	vmul.bf16 v6, v2;
	[tilespmem:s5+$0xFFFFFF00] =	vst v3  }
0x5c: {  	v2 =	vmul.bf16 v7, v2;
	[tilespmem:s5+$0xFFFFFF10] =	vst v5  }
0x5d: {  	[tilespmem:s5+$0xFFFFFF20] =	vst v6  }
0x5e: {  	[tilespmem:s5+$0xFFFFFF30] =	vst v2  }
0x5f: {  	v2 =	vld.idx.msk [tilespmem:v4+s19+$0x0], $0xffff  }
0x60: {  	s7 =	simm.s32 $0x2;
	v3 =	vld [tilespmem:s5+$0xFFFFFF60]  }
0x61: {  	v5 =	vmov s7;
	v4 =	vld [tilespmem:s5+$0xFFFFFF50]  }
0x62: {  	v6 =	vld [tilespmem:s5+$0xFFFFFF40];
	v5 =	vshrl.u32 v5, $0x3  }
0x63: {  	v7 =	vld [tilespmem:s5+$0xFFFFFF70];
	v5 =	vshll.u32 v5, v1  }
0x64: {  	v5 =	vadd.s32 $0x2, v5;
	v2 =	vpack.i.f32.bf16 v2, v2  }
0x65: {  	v5 =	vbroadcast v5, $0x0;
	v3 =	vmul.bf16 v3, v2  }
0x66: {  	v4 =	vmul.bf16 v4, v2  }
0x67: {  	v6 =	vmul.bf16 v6, v2;
	[tilespmem:s5+$0xFFFFFF60] =	vst v3  }
0x68: {  	v2 =	vmul.bf16 v7, v2;
	[tilespmem:s5+$0xFFFFFF50] =	vst v4  }
0x69: {  	[tilespmem:s5+$0xFFFFFF40] =	vst v6  }
0x6a: {  	[tilespmem:s5+$0xFFFFFF70] =	vst v2  }
0x6b: {  	v2 =	vld.idx.msk [tilespmem:v5+s19+$0x0], $0xffff  }
0x6c: {  	s9 =	simm.s32 $0x3;
	v3 =	vld [tilespmem:s5+$0xFFFFFFB0]  }
0x6d: {  	v4 =	vld [tilespmem:s5+$0xFFFFFF80];
	v5 =	vmov s9  }
0x6e: {  	v6 =	vld [tilespmem:s5+$0xFFFFFF90];
	v5 =	vshrl.u32 v5, $0x3  }
0x6f: {  	v7 =	vld [tilespmem:s5+$0xFFFFFFA0];
	v5 =	vshll.u32 v5, v1  }
0x70: {  	v5 =	vadd.s32 $0x3, v5;
	v2 =	vpack.i.f32.bf16 v2, v2  }
0x71: {  	v5 =	vbroadcast v5, $0x0;
	v3 =	vmul.bf16 v3, v2  }
0x72: {  	v4 =	vmul.bf16 v4, v2  }
0x73: {  	v6 =	vmul.bf16 v6, v2;
	[tilespmem:s5+$0xFFFFFFB0] =	vst v3  }
0x74: {  	v2 =	vmul.bf16 v7, v2;
	[tilespmem:s5+$0xFFFFFF80] =	vst v4  }
0x75: {  	[tilespmem:s5+$0xFFFFFF90] =	vst v6  }
0x76: {  	[tilespmem:s5+$0xFFFFFFA0] =	vst v2  }
0x77: {  	v2 =	vld.idx.msk [tilespmem:v5+s19+$0x0], $0xffff  }
0x78: {  	s11 =	simm.s32 $0x4;
	v4 =	vld [tilespmem:s5+$0xFFFFFFC0]  }
0x79: {  	v6 =	vmov s11;
	v5 =	vld [tilespmem:s5+$0xFFFFFFE0]  }
0x7a: {  	v3 =	vld [tilespmem:s5+$0xFFFFFFD0];
	v6 =	vshrl.u32 v6, $0x3  }
0x7b: {  	v7 =	vld [tilespmem:s5+$0xFFFFFFF0];
	v6 =	vshll.u32 v6, v1  }
0x7c: {  	v6 =	vadd.s32 $0x4, v6;
	v2 =	vpack.i.f32.bf16 v2, v2  }
0x7d: {  	v6 =	vbroadcast v6, $0x0;
	v4 =	vmul.bf16 v4, v2  }
0x7e: {  	v5 =	vmul.bf16 v5, v2  }
0x7f: {  	v3 =	vmul.bf16 v3, v2;
	[tilespmem:s5+$0xFFFFFFC0] =	vst v4  }
0x80: {  	v2 =	vmul.bf16 v7, v2;
	[tilespmem:s5+$0xFFFFFFE0] =	vst v5  }
0x81: {  	[tilespmem:s5+$0xFFFFFFD0] =	vst v3  }
0x82: {  	[tilespmem:s5+$0xFFFFFFF0] =	vst v2  }
0x83: {  	v2 =	vld.idx.msk [tilespmem:v6+s19+$0x0], $0xffff  }
0x84: {  	s12 =	simm.s32 $0x5;
	v5 =	vld [tilespmem:s5+$0x30]  }
0x85: {  	v4 =	vld [tilespmem:s5+$0x10];
	v6 =	vmov s12  }
0x86: {  	v7 =	vld [tilespmem:s5+$0x20];
	v6 =	vshrl.u32 v6, $0x3  }
0x87: {  	v3 =	vld [tilespmem:s5+$0x0];
	v6 =	vshll.u32 v6, v1  }
0x88: {  	v6 =	vadd.s32 $0x5, v6;
	v2 =	vpack.i.f32.bf16 v2, v2  }
0x89: {  	v6 =	vbroadcast v6, $0x0;
	v5 =	vmul.bf16 v5, v2  }
0x8a: {  	v4 =	vmul.bf16 v4, v2  }
0x8b: {  	v7 =	vmul.bf16 v7, v2;
	[tilespmem:s5+$0x30] =	vst v5  }
0x8c: {  	v2 =	vmul.bf16 v3, v2;
	[tilespmem:s5+$0x10] =	vst v4  }
0x8d: {  	[tilespmem:s5+$0x20] =	vst v7  }
0x8e: {  	[tilespmem:s5+$0x0] =	vst v2  }
0x8f: {  	v3 =	vld.idx.msk [tilespmem:v6+s19+$0x0], $0xffff  }
0x90: {  	v2 =	vld [tilespmem:s5+$0x40];
	_ =	sdelay $0x1  }
0x91: {  	s18 =	simm.s32 $0x6;
	v4 =	vld [tilespmem:s5+$0x50]  }
0x92: {  	v5 =	vld [tilespmem:s5+$0x60];
	v6 =	vmov s18  }
0x93: {  	v7 =	vshrl.u32 v6, $0x3;
	v6 =	vpack.i.f32.bf16 v3, v3  }
0x94: {  	v3 =	vmul.bf16 v2, v6;
	v2 =	vld [tilespmem:s5+$0x70]  }
0x95: {  	v7 =	vshll.u32 v7, v1  }
0x96: {  	v8 =	vadd.s32 $0x6, v7;
	v4 =	vmul.bf16 v4, v6  }
0x97: {  	s6 =	simm.s32 $0x7630;
	s7 =	simm.s32 $0xF;
	v7 =	vmul.bf16 v5, v6;
	v5 =	vbroadcast v8, $0x0  }
.LBB2_4:
0x98: {  	p0 =	sne.s32 s7, $0x4F  }
0x99: {  	v2 =	vmul.bf16 v2, v6;
	s5 =	sadd.s32 $0x200, s5;
	s9 =	smov.u32 s7;
	s7 =	sadd.s32 $0x8, s7  }
0x9a: {  	[tilespmem:s6+$0x60] =	vst v7  }
0x9b: {  	[tilespmem:s6+$0x70] =	vst v2  }
0x9c: {  	[tilespmem:s6+$0x50] =	vst v4  }
0x9d: {  	[tilespmem:s6+$0x40] =	vst v3;
	v2 =	vld [tilespmem:s6+$0xB0]  }
0x9e: {  	v3 =	vld.idx.msk [tilespmem:v5+s19+$0x0], $0xffff  }
0x9f: {  	v4 =	vld [tilespmem:s6+$0x90]  }
0xa0: {  	v5 =	vld [tilespmem:s6+$0x80]  }
0xa1: {  	v7 =	vmov s1;
	s1 =	smov.u32 s9;
	v6 =	vld [tilespmem:s6+$0xA0]  }
0xa2: {  	v7 =	vshrl.u32 v7, $0x3  }
0xa3: {  	v7 =	vshll.u32 v7, v1  }
0xa4: {  	v7 =	vadd.s32 $0x7, v7;
	v3 =	vpack.i.f32.bf16 v3, v3  }
0xa5: {  	v7 =	vbroadcast v7, $0x0;
	v2 =	vmul.bf16 v2, v3  }
0xa6: {  	v5 =	vmul.bf16 v5, v3;
	v6 =	vmul.bf16 v6, v3  }
0xa7: {  	v3 =	vmul.bf16 v4, v3;
	[tilespmem:s6+$0xB0] =	vst v2  }
0xa8: {  	[tilespmem:s6+$0xA0] =	vst v6  }
0xa9: {  	[tilespmem:s6+$0x90] =	vst v3  }
0xaa: {  	[tilespmem:s6+$0x80] =	vst v5  }
0xab: {  	v2 =	vld.idx.msk [tilespmem:v7+s19+$0x0], $0xffff;
	_ =	sdelay $0x1  }
0xac: {  	v3 =	vld [tilespmem:s6+$0xC0]  }
0xad: {  	s9 =	sadd.s32 $0xFFFFFFF9, s1;
	v4 =	vld [tilespmem:s6+$0xD0]  }
0xae: {  	v5 =	vmov s9;
	v6 =	vld [tilespmem:s6+$0xE0]  }
0xaf: {  	v5 =	vshrl.u32 v5, $0x3;
	v7 =	vld [tilespmem:s6+$0xF0]  }
0xb0: {  	v5 =	vshll.u32 v5, v1  }
0xb1: {  	v5 =	vbroadcast v5, $0x0  }
0xb2: {  	v2 =	vpack.i.f32.bf16 v2, v2  }
0xb3: {  	v4 =	vmul.bf16 v4, v2;
	v6 =	vmul.bf16 v6, v2  }
0xb4: {  	v3 =	vmul.bf16 v3, v2;
	v2 =	vmul.bf16 v7, v2  }
0xb5: {  	[tilespmem:s6+$0xE0] =	vst v6  }
0xb6: {  	[tilespmem:s6+$0xC0] =	vst v3  }
0xb7: {  	[tilespmem:s6+$0xF0] =	vst v2  }
0xb8: {  	v2 =	vld [tilespmem:s5+$0xFFFFFF00];
	[tilespmem:s6+$0xD0] =	vst v4;
	s6 =	smov.u32 s5  }
0xb9: {  	s9 =	sadd.s32 $0xFFFFFFFA, s1;
	v3 =	vld.idx.msk [tilespmem:v5+s19+$0x0], $0xffff  }
0xba: {  	v5 =	vmov s9;
	v4 =	vld [tilespmem:s5+$0xFFFFFF20]  }
0xbb: {  	v5 =	vshrl.u32 v5, $0x3;
	v6 =	vld [tilespmem:s5+$0xFFFFFF10]  }
0xbc: {  	v5 =	vshll.u32 v5, v1  }
0xbd: {  	v5 =	vadd.s32 $0x1, v5  }
0xbe: {  	v5 =	vbroadcast v5, $0x0;
	v7 =	vld [tilespmem:s5+$0xFFFFFF30]  }
0xbf: {  	v3 =	vpack.i.f32.bf16 v3, v3  }
0xc0: {  	v2 =	vmul.bf16 v2, v3;
	v6 =	vmul.bf16 v6, v3  }
0xc1: {  	v4 =	vmul.bf16 v4, v3  }
0xc2: {  	[tilespmem:s5+$0xFFFFFF00] =	vst v2  }
0xc3: {  	[tilespmem:s5+$0xFFFFFF10] =	vst v6;
	v2 =	vmul.bf16 v7, v3;
	v3 =	vld [tilespmem:s5+$0xFFFFFF70]  }
0xc4: {  	[tilespmem:s5+$0xFFFFFF20] =	vst v4  }
0xc5: {  	[tilespmem:s5+$0xFFFFFF30] =	vst v2;
	v2 =	vld [tilespmem:s5+$0xFFFFFF50]  }
0xc6: {  	s9 =	sadd.s32 $0xFFFFFFFB, s1;
	v4 =	vld.idx.msk [tilespmem:v5+s19+$0x0], $0xffff  }
0xc7: {  	v6 =	vmov s9;
	v5 =	vld [tilespmem:s5+$0xFFFFFF60]  }
0xc8: {  	v6 =	vshrl.u32 v6, $0x3  }
0xc9: {  	v6 =	vshll.u32 v6, v1  }
0xca: {  	v6 =	vadd.s32 $0x2, v6;
	v7 =	vld [tilespmem:s5+$0xFFFFFF40]  }
0xcb: {  	v6 =	vbroadcast v6, $0x0  }
0xcc: {  	v4 =	vpack.i.f32.bf16 v4, v4  }
0xcd: {  	v5 =	vmul.bf16 v5, v4;
	v3 =	vmul.bf16 v3, v4  }
0xce: {  	v2 =	vmul.bf16 v2, v4  }
0xcf: {  	v4 =	vmul.bf16 v7, v4;
	[tilespmem:s5+$0xFFFFFF60] =	vst v5  }
0xd0: {  	[tilespmem:s5+$0xFFFFFF50] =	vst v2;
	v2 =	vld [tilespmem:s5+$0xFFFFFFB0]  }
0xd1: {  	[tilespmem:s5+$0xFFFFFF40] =	vst v4  }
0xd2: {  	[tilespmem:s5+$0xFFFFFF70] =	vst v3  }
0xd3: {  	s9 =	sadd.s32 $0xFFFFFFFC, s1;
	v3 =	vld [tilespmem:s5+$0xFFFFFF80]  }
0xd4: {  	v5 =	vmov s9;
	v4 =	vld [tilespmem:s5+$0xFFFFFFA0]  }
0xd5: {  	v5 =	vshrl.u32 v5, $0x3;
	v6 =	vld.idx.msk [tilespmem:v6+s19+$0x0], $0xffff  }
0xd6: {  	v5 =	vshll.u32 v5, v1  }
0xd7: {  	v5 =	vadd.s32 $0x3, v5  }
0xd8: {  	v5 =	vbroadcast v5, $0x0;
	v7 =	vld [tilespmem:s5+$0xFFFFFF90];
	_ =	sdelay $0x2  }
0xd9: {  	v6 =	vpack.i.f32.bf16 v6, v6  }
0xda: {  	v4 =	vmul.bf16 v4, v6;
	v2 =	vmul.bf16 v2, v6  }
0xdb: {  	v3 =	vmul.bf16 v3, v6;
	v6 =	vmul.bf16 v7, v6;
	v7 =	vld [tilespmem:s5+$0xFFFFFFF0]  }
0xdc: {  	[tilespmem:s5+$0xFFFFFFB0] =	vst v2  }
0xdd: {  	[tilespmem:s5+$0xFFFFFF80] =	vst v3;
	v2 =	vld [tilespmem:s5+$0xFFFFFFD0]  }
0xde: {  	s9 =	sadd.s32 $0xFFFFFFFD, s1;
	[tilespmem:s5+$0xFFFFFF90] =	vst v6  }
0xdf: {  	[tilespmem:s5+$0xFFFFFFA0] =	vst v4;
	v3 =	vld [tilespmem:s5+$0xFFFFFFE0];
	v4 =	vmov s9  }
0xe0: {  	v5 =	vld.idx.msk [tilespmem:v5+s19+$0x0], $0xffff;
	v4 =	vshrl.u32 v4, $0x3  }
0xe1: {  	v4 =	vshll.u32 v4, v1  }
0xe2: {  	v6 =	vld [tilespmem:s5+$0xFFFFFFC0];
	v4 =	vadd.s32 $0x4, v4  }
0xe3: {  	v4 =	vbroadcast v4, $0x0;
	_ =	sdelay $0x2  }
0xe4: {  	v5 =	vpack.i.f32.bf16 v5, v5  }
0xe5: {  	v2 =	vmul.bf16 v2, v5;
	v6 =	vmul.bf16 v6, v5  }
0xe6: {  	v3 =	vmul.bf16 v3, v5;
	v5 =	vmul.bf16 v7, v5;
	v7 =	vld [tilespmem:s5+$0x30]  }
0xe7: {  	[tilespmem:s5+$0xFFFFFFC0] =	vst v6  }
0xe8: {  	[tilespmem:s5+$0xFFFFFFE0] =	vst v3;
	v3 =	vld [tilespmem:s5+$0x10]  }
0xe9: {  	[tilespmem:s5+$0xFFFFFFD0] =	vst v2;
	v2 =	vld [tilespmem:s5+$0x0]  }
0xea: {  	s9 =	sadd.s32 $0xFFFFFFFE, s1;
	[tilespmem:s5+$0xFFFFFFF0] =	vst v5  }
0xeb: {  	v5 =	vmov s9;
	v4 =	vld.idx.msk [tilespmem:v4+s19+$0x0], $0xffff  }
0xec: {  	v5 =	vshrl.u32 v5, $0x3  }
0xed: {  	v5 =	vshll.u32 v5, v1  }
0xee: {  	v5 =	vadd.s32 $0x5, v5;
	v6 =	vld [tilespmem:s5+$0x20]  }
0xef: {  	v5 =	vbroadcast v5, $0x0;
	_ =	sdelay $0x1  }
0xf0: {  	v4 =	vpack.i.f32.bf16 v4, v4  }
0xf1: {  	v8 =	vmul.bf16 v2, v4;
	v2 =	vmul.bf16 v7, v4  }
0xf2: {  	v3 =	vmul.bf16 v3, v4;
	v4 =	vmul.bf16 v6, v4  }
0xf3: {  	[tilespmem:s5+$0x30] =	vst v2;
	v2 =	vld [tilespmem:s5+$0x70]  }
0xf4: {  	[tilespmem:s5+$0x10] =	vst v3  }
0xf5: {  	[tilespmem:s5+$0x20] =	vst v4  }
0xf6: {  	[tilespmem:s5+$0x0] =	vst v8;
	v3 =	vld [tilespmem:s5+$0x40]  }
0xf7: {  	v7 =	vld [tilespmem:s5+$0x60]  }
0xf8: {  	v4 =	vld.idx.msk [tilespmem:v5+s19+$0x0], $0xffff;
	_ =	sdelay $0x1  }
0xf9: {  	v5 =	vld [tilespmem:s5+$0x50]  }
0xfa: {  	s9 =	sadd.s32 $0xFFFFFFFF, s1  }
.Ltmp1:
0xfb: {  	v6 =	vmov s9;
	(pc) =	sbr.rel @p0 .LBB2_4-.Ltmp1, $4  }
0xfc: {  	v8 =	vshrl.u32 v6, $0x3  }
0xfd: {  	v8 =	vshll.u32 v8, v1;
	v6 =	vpack.i.f32.bf16 v4, v4  }
0xfe: {  	v3 =	vmul.bf16 v3, v6;
	v4 =	vmul.bf16 v5, v6;
	v5 =	vadd.s32 $0x6, v8  }
0xff: {  	v7 =	vmul.bf16 v7, v6;
	v5 =	vbroadcast v5, $0x0  }
0x100: {  	_ = 	snop  }
0x101: {  	[tilespmem:s6+$0x50] =	vst v4  }
0x102: {  	v2 =	vmul.bf16 v2, v6;
	[tilespmem:s6+$0x40] =	vst v3  }
0x103: {  	[tilespmem:s6+$0x60] =	vst v7  }
0x104: {  	[tilespmem:s6+$0x70] =	vst v2  }
0x105: {  	v2 =	vld.idx.msk [tilespmem:v5+s19+$0x0], $0xffff  }
0x106: {  	v3 =	vld [tilespmem:s6+$0xB0]  }
0x107: {  	v57 =	vld [tilespmem:s6+$0xA0];
	v58 =	vmov s1  }
0x108: {  	v59 =	vld [tilespmem:s6+$0x90];
	v5 =	vshrl.u32 v58, $0x3  }
0x109: {  	v60 =	vld [tilespmem:s6+$0x80];
	v5 =	vshll.u32 v5, v1  }
0x10a: {  	v5 =	vadd.s32 $0x7, v5;
	v2 =	vpack.i.f32.bf16 v2, v2  }
0x10b: {  	v5 =	vbroadcast v5, $0x0;
	v3 =	vmul.bf16 v3, v2  }
0x10c: {  	v4 =	vmul.bf16 v57, v2  }
0x10d: {  	v6 =	vmul.bf16 v59, v2;
	[tilespmem:s6+$0xB0] =	vst v3  }
0x10e: {  	v2 =	vmul.bf16 v60, v2;
	[tilespmem:s6+$0xA0] =	vst v4  }
0x10f: {  	[tilespmem:s6+$0x90] =	vst v6  }
0x110: {  	[tilespmem:s6+$0x80] =	vst v2  }
0x111: {  	v2 =	vld.idx.msk [tilespmem:v5+s19+$0x0], $0xffff  }
0x112: {  	v3 =	vld [tilespmem:s6+$0xE0]  }
0x113: {  	v61 =	vld [tilespmem:s6+$0xC0]  }
0x114: {  	v62 =	vld [tilespmem:s6+$0xF0]  }
0x115: {  	v63 =	vld [tilespmem:s6+$0xD0]  }
0x116: {  	v2 =	vpack.i.f32.bf16 v2, v2  }
0x117: {  	v3 =	vmul.bf16 v3, v2  }
0x118: {  	v4 =	vmul.bf16 v61, v2  }
0x119: {  	v5 =	vmul.bf16 v62, v2;
	[tilespmem:s6+$0xE0] =	vst v3  }
0x11a: {  	v2 =	vmul.bf16 v63, v2;
	[tilespmem:s6+$0xC0] =	vst v4  }
0x11b: {  	[tilespmem:s6+$0xF0] =	vst v5  }
0x11c: {  	[tilespmem:s6+$0xD0] =	vst v2  }
0x11d: {  	[spmem:s2] =	stream.indirect.scatter.add.bf16 [tilespmem:s20], [sflag:$0x4], $0x40, s10, s21, $0xb8;
	[tilespmem:$0x14D70] =	vst v63  }
0x11e: {  	s18 =	simm.s32 $0xA0;
	s1 =	simm.s32 $0x0  }
0x11f: {  	[tilespmem:s26], [sflag:$0x3] =	stream.indirect.gather [hbm4b:s4+s21], $0x40, s18, s21, $0xb8;
	[tilespmem:$0x14D70] =	vst v63  }
.LBB2_6:
0x120: {  	s18 =	smul.u32 $0x3, s1;
	_ =	sdelay $0x1  }
0x121: {  	s6 =	simm.s32 $0x0;
	s5 =	sadd.s32 $0x1, s18  }
0x122: {  	v3 =	vmov s6;
	v2 =	vmov s5  }
0x123: {  	v3 =	vshrl.u32 v3, $0x3;
	v2 =	vmul.u32 $0x50, v2  }
0x124: {  	v3 =	vshll.u32 v3, v1  }
0x125: {  	v3 =	vadd.s32 v2, v3  }
0x126: {  	v3 =	vbroadcast v3, $0x0;
	_ =	sdelay $0x2  }
0x127: {  	_ =	swait.ge [sflag:s28], $0x1400  }
0x128: {  	[sflag:s28] =	ssyncset.done $0x0  }
0x129: {  	[sflag:s28] =	ssyncadd.s32 $0xFFFFEC00  }
0x12a: {  	s6 =	simm.s32 $0x8A30;
	v4 =	vld.idx.msk [tilespmem:v3+s19+$0x0], $0xffff  }
0x12b: {  	s7 =	simm.s32 $0x1;
	v5 =	vld [tilespmem:s6+$0xFFFFFF00]  }
0x12c: {  	v6 =	vld [tilespmem:s6+$0xFFFFFF10];
	v3 =	vmov s7  }
0x12d: {  	v7 =	vld [tilespmem:s6+$0xFFFFFF20];
	v8 =	vshrl.u32 v3, $0x3  }
0x12e: {  	v9 =	vld [tilespmem:s6+$0xFFFFFF30];
	v3 =	vor.u32 $0x1, v2;
	v8 =	vshll.u32 v8, v1  }
0x12f: {  	v8 =	vadd.s32 v8, v3;
	v4 =	vpack.i.f32.bf16 v4, v4  }
0x130: {  	v8 =	vbroadcast v8, $0x0;
	v5 =	vmul.bf16 v5, v4  }
0x131: {  	v6 =	vmul.bf16 v6, v4  }
0x132: {  	v7 =	vmul.bf16 v7, v4;
	[tilespmem:s6+$0xFFFFFF00] =	vst v5  }
0x133: {  	v4 =	vmul.bf16 v9, v4;
	[tilespmem:s6+$0xFFFFFF10] =	vst v6  }
0x134: {  	[tilespmem:s6+$0xFFFFFF20] =	vst v7  }
0x135: {  	[tilespmem:s6+$0xFFFFFF30] =	vst v4  }
0x136: {  	v5 =	vld.idx.msk [tilespmem:v8+s19+$0x0], $0xffff  }
0x137: {  	s12 =	simm.s32 $0x2;
	v6 =	vld [tilespmem:s6+$0xFFFFFF60]  }
0x138: {  	v7 =	vld [tilespmem:s6+$0xFFFFFF50];
	v4 =	vmov s12  }
0x139: {  	v9 =	vld [tilespmem:s6+$0xFFFFFF40];
	v8 =	vshrl.u32 v4, $0x3  }
0x13a: {  	v10 =	vld [tilespmem:s6+$0xFFFFFF70];
	v4 =	vor.u32 $0x2, v2;
	v8 =	vshll.u32 v8, v1  }
0x13b: {  	v8 =	vadd.s32 v8, v4;
	v5 =	vpack.i.f32.bf16 v5, v5  }
0x13c: {  	v8 =	vbroadcast v8, $0x0;
	v6 =	vmul.bf16 v6, v5  }
0x13d: {  	v7 =	vmul.bf16 v7, v5  }
0x13e: {  	v9 =	vmul.bf16 v9, v5;
	[tilespmem:s6+$0xFFFFFF60] =	vst v6  }
0x13f: {  	v5 =	vmul.bf16 v10, v5;
	[tilespmem:s6+$0xFFFFFF50] =	vst v7  }
0x140: {  	[tilespmem:s6+$0xFFFFFF40] =	vst v9  }
0x141: {  	[tilespmem:s6+$0xFFFFFF70] =	vst v5  }
0x142: {  	v6 =	vld.idx.msk [tilespmem:v8+s19+$0x0], $0xffff  }
0x143: {  	s9 =	simm.s32 $0x3;
	v7 =	vld [tilespmem:s6+$0xFFFFFFB0]  }
0x144: {  	v5 =	vmov s9;
	v8 =	vld [tilespmem:s6+$0xFFFFFF80]  }
0x145: {  	v10 =	vld [tilespmem:s6+$0xFFFFFF90];
	v9 =	vshrl.u32 v5, $0x3  }
0x146: {  	v11 =	vld [tilespmem:s6+$0xFFFFFFA0];
	v5 =	vor.u32 $0x3, v2;
	v9 =	vshll.u32 v9, v1  }
0x147: {  	v9 =	vadd.s32 v9, v5;
	v6 =	vpack.i.f32.bf16 v6, v6  }
0x148: {  	v9 =	vbroadcast v9, $0x0;
	v7 =	vmul.bf16 v7, v6  }
0x149: {  	v8 =	vmul.bf16 v8, v6  }
0x14a: {  	v10 =	vmul.bf16 v10, v6;
	[tilespmem:s6+$0xFFFFFFB0] =	vst v7  }
0x14b: {  	v6 =	vmul.bf16 v11, v6;
	[tilespmem:s6+$0xFFFFFF80] =	vst v8  }
0x14c: {  	[tilespmem:s6+$0xFFFFFF90] =	vst v10  }
0x14d: {  	[tilespmem:s6+$0xFFFFFFA0] =	vst v6  }
0x14e: {  	v8 =	vld.idx.msk [tilespmem:v9+s19+$0x0], $0xffff  }
0x14f: {  	s10 =	simm.s32 $0x4;
	v9 =	vld [tilespmem:s6+$0xFFFFFFC0]  }
0x150: {  	v10 =	vld [tilespmem:s6+$0xFFFFFFE0];
	v6 =	vmov s10  }
0x151: {  	v7 =	vld [tilespmem:s6+$0xFFFFFFD0];
	v11 =	vshrl.u32 v6, $0x3  }
0x152: {  	v12 =	vld [tilespmem:s6+$0xFFFFFFF0];
	v6 =	vor.u32 $0x4, v2;
	v11 =	vshll.u32 v11, v1  }
0x153: {  	v11 =	vadd.s32 v11, v6;
	v8 =	vpack.i.f32.bf16 v8, v8  }
0x154: {  	v11 =	vbroadcast v11, $0x0;
	v9 =	vmul.bf16 v9, v8  }
0x155: {  	v10 =	vmul.bf16 v10, v8  }
0x156: {  	v7 =	vmul.bf16 v7, v8;
	[tilespmem:s6+$0xFFFFFFC0] =	vst v9  }
0x157: {  	v8 =	vmul.bf16 v12, v8;
	[tilespmem:s6+$0xFFFFFFE0] =	vst v10  }
0x158: {  	[tilespmem:s6+$0xFFFFFFD0] =	vst v7  }
0x159: {  	[tilespmem:s6+$0xFFFFFFF0] =	vst v8  }
0x15a: {  	v8 =	vld.idx.msk [tilespmem:v11+s19+$0x0], $0xffff  }
0x15b: {  	s11 =	simm.s32 $0x5;
	v11 =	vld [tilespmem:s6+$0x30]  }
0x15c: {  	v9 =	vld [tilespmem:s6+$0x10];
	v7 =	vmov s11  }
0x15d: {  	v13 =	vld [tilespmem:s6+$0x20];
	v12 =	vshrl.u32 v7, $0x3  }
0x15e: {  	v10 =	vld [tilespmem:s6+$0x0];
	v7 =	vor.u32 $0x5, v2;
	v12 =	vshll.u32 v12, v1  }
0x15f: {  	v12 =	vadd.s32 v12, v7;
	v8 =	vpack.i.f32.bf16 v8, v8  }
0x160: {  	v12 =	vbroadcast v12, $0x0;
	v11 =	vmul.bf16 v11, v8  }
0x161: {  	v9 =	vmul.bf16 v9, v8  }
0x162: {  	v13 =	vmul.bf16 v13, v8;
	[tilespmem:s6+$0x30] =	vst v11  }
0x163: {  	v8 =	vmul.bf16 v10, v8;
	[tilespmem:s6+$0x10] =	vst v9  }
0x164: {  	[tilespmem:s6+$0x20] =	vst v13  }
0x165: {  	[tilespmem:s6+$0x0] =	vst v8  }
0x166: {  	v10 =	vld.idx.msk [tilespmem:v12+s19+$0x0], $0xffff;
	_ =	sdelay $0x1  }
0x167: {  	s12 =	simm.s32 $0x6;
	v8 =	vld [tilespmem:s6+$0x40]  }
0x168: {  	v9 =	vmov s12;
	v12 =	vld [tilespmem:s6+$0x50]  }
0x169: {  	v13 =	vld [tilespmem:s6+$0x60];
	v11 =	vshrl.u32 v9, $0x3  }
0x16a: {  	v9 =	vor.u32 $0x6, v2;
	v14 =	vpack.i.f32.bf16 v10, v10;
	v10 =	vshll.u32 v11, v1  }
0x16b: {  	v16 =	vadd.s32 v10, v9;
	v10 =	vld [tilespmem:s6+$0x70];
	_ =	sdelay $0x1  }
0x16c: {  	v11 =	vmul.bf16 v8, v14;
	v12 =	vmul.bf16 v12, v14  }
0x16d: {  	s7 =	simm.s32 $0x8A30;
	s9 =	simm.s32 $0x7;
	s10 =	simm.s32 $0xF;
	v8 =	vor.u32 $0x7, v2;
	v15 =	vmul.bf16 v13, v14;
	v13 =	vbroadcast v16, $0x0  }
.LBB2_7:
0x16e: {  	p0 =	sne.s32 s10, $0x4F  }
0x16f: {  	v10 =	vmul.bf16 v10, v14;
	s6 =	sadd.s32 $0x200, s6;
	s11 =	smov.u32 s10;
	s10 =	sadd.s32 $0x8, s10  }
0x170: {  	[tilespmem:s7+$0x60] =	vst v15  }
0x171: {  	[tilespmem:s7+$0x70] =	vst v10  }
0x172: {  	[tilespmem:s7+$0x50] =	vst v12  }
0x173: {  	[tilespmem:s7+$0x40] =	vst v11;
	v10 =	vld [tilespmem:s7+$0xB0]  }
0x174: {  	v11 =	vld.idx.msk [tilespmem:v13+s19+$0x0], $0xffff  }
0x175: {  	v12 =	vld [tilespmem:s7+$0x90]  }
0x176: {  	v13 =	vld [tilespmem:s7+$0x80]  }
0x177: {  	v15 =	vmov s9;
	s9 =	smov.u32 s11;
	v14 =	vld [tilespmem:s7+$0xA0]  }
0x178: {  	v15 =	vshrl.u32 v15, $0x3  }
0x179: {  	v15 =	vshll.u32 v15, v1  }
0x17a: {  	v15 =	vadd.s32 v15, v8;
	v11 =	vpack.i.f32.bf16 v11, v11  }
0x17b: {  	v15 =	vbroadcast v15, $0x0;
	v10 =	vmul.bf16 v10, v11  }
0x17c: {  	v13 =	vmul.bf16 v13, v11;
	v14 =	vmul.bf16 v14, v11  }
0x17d: {  	v11 =	vmul.bf16 v12, v11;
	[tilespmem:s7+$0xB0] =	vst v10  }
0x17e: {  	[tilespmem:s7+$0xA0] =	vst v14  }
0x17f: {  	[tilespmem:s7+$0x90] =	vst v11  }
0x180: {  	[tilespmem:s7+$0x80] =	vst v13  }
0x181: {  	v10 =	vld.idx.msk [tilespmem:v15+s19+$0x0], $0xffff;
	_ =	sdelay $0x1  }
0x182: {  	s11 =	sadd.s32 $0xFFFFFFF9, s9;
	v11 =	vld [tilespmem:s7+$0xC0]  }
0x183: {  	v12 =	vmov s11;
	v13 =	vld [tilespmem:s7+$0xD0]  }
0x184: {  	v12 =	vshrl.u32 v12, $0x3;
	v14 =	vld [tilespmem:s7+$0xE0]  }
0x185: {  	v12 =	vshll.u32 v12, v1;
	v15 =	vld [tilespmem:s7+$0xF0]  }
0x186: {  	v12 =	vadd.s32 v2, v12  }
0x187: {  	v12 =	vbroadcast v12, $0x0  }
0x188: {  	v10 =	vpack.i.f32.bf16 v10, v10  }
0x189: {  	v13 =	vmul.bf16 v13, v10;
	v14 =	vmul.bf16 v14, v10  }
0x18a: {  	v11 =	vmul.bf16 v11, v10;
	v10 =	vmul.bf16 v15, v10  }
0x18b: {  	[tilespmem:s7+$0xE0] =	vst v14  }
0x18c: {  	[tilespmem:s7+$0xC0] =	vst v11  }
0x18d: {  	[tilespmem:s7+$0xF0] =	vst v10  }
0x18e: {  	v10 =	vld [tilespmem:s6+$0xFFFFFF00];
	[tilespmem:s7+$0xD0] =	vst v13;
	s7 =	smov.u32 s6  }
0x18f: {  	s11 =	sadd.s32 $0xFFFFFFFA, s9;
	v11 =	vld.idx.msk [tilespmem:v12+s19+$0x0], $0xffff  }
0x190: {  	v13 =	vmov s11;
	v12 =	vld [tilespmem:s6+$0xFFFFFF20]  }
0x191: {  	v13 =	vshrl.u32 v13, $0x3;
	v14 =	vld [tilespmem:s6+$0xFFFFFF10]  }
0x192: {  	v13 =	vshll.u32 v13, v1  }
0x193: {  	v13 =	vadd.s32 v13, v3  }
0x194: {  	v13 =	vbroadcast v13, $0x0;
	v15 =	vld [tilespmem:s6+$0xFFFFFF30]  }
0x195: {  	v11 =	vpack.i.f32.bf16 v11, v11  }
0x196: {  	v10 =	vmul.bf16 v10, v11;
	v14 =	vmul.bf16 v14, v11  }
0x197: {  	v12 =	vmul.bf16 v12, v11  }
0x198: {  	[tilespmem:s6+$0xFFFFFF00] =	vst v10  }
0x199: {  	[tilespmem:s6+$0xFFFFFF10] =	vst v14;
	v10 =	vmul.bf16 v15, v11;
	v11 =	vld [tilespmem:s6+$0xFFFFFF70]  }
0x19a: {  	[tilespmem:s6+$0xFFFFFF20] =	vst v12  }
0x19b: {  	[tilespmem:s6+$0xFFFFFF30] =	vst v10;
	v10 =	vld [tilespmem:s6+$0xFFFFFF50]  }
0x19c: {  	s11 =	sadd.s32 $0xFFFFFFFB, s9;
	v12 =	vld.idx.msk [tilespmem:v13+s19+$0x0], $0xffff  }
0x19d: {  	v14 =	vmov s11;
	v13 =	vld [tilespmem:s6+$0xFFFFFF60]  }
0x19e: {  	v14 =	vshrl.u32 v14, $0x3  }
0x19f: {  	v14 =	vshll.u32 v14, v1  }
0x1a0: {  	v14 =	vadd.s32 v14, v4;
	v15 =	vld [tilespmem:s6+$0xFFFFFF40]  }
0x1a1: {  	v14 =	vbroadcast v14, $0x0  }
0x1a2: {  	v12 =	vpack.i.f32.bf16 v12, v12  }
0x1a3: {  	v13 =	vmul.bf16 v13, v12;
	v11 =	vmul.bf16 v11, v12  }
0x1a4: {  	v10 =	vmul.bf16 v10, v12  }
0x1a5: {  	v12 =	vmul.bf16 v15, v12;
	[tilespmem:s6+$0xFFFFFF60] =	vst v13  }
0x1a6: {  	[tilespmem:s6+$0xFFFFFF50] =	vst v10;
	v10 =	vld [tilespmem:s6+$0xFFFFFFB0]  }
0x1a7: {  	[tilespmem:s6+$0xFFFFFF40] =	vst v12  }
0x1a8: {  	[tilespmem:s6+$0xFFFFFF70] =	vst v11  }
0x1a9: {  	s11 =	sadd.s32 $0xFFFFFFFC, s9;
	v11 =	vld [tilespmem:s6+$0xFFFFFF80]  }
0x1aa: {  	v13 =	vmov s11;
	v12 =	vld [tilespmem:s6+$0xFFFFFFA0]  }
0x1ab: {  	v13 =	vshrl.u32 v13, $0x3;
	v14 =	vld.idx.msk [tilespmem:v14+s19+$0x0], $0xffff  }
0x1ac: {  	v13 =	vshll.u32 v13, v1  }
0x1ad: {  	v13 =	vadd.s32 v13, v5  }
0x1ae: {  	v13 =	vbroadcast v13, $0x0;
	v15 =	vld [tilespmem:s6+$0xFFFFFF90];
	_ =	sdelay $0x2  }
0x1af: {  	v14 =	vpack.i.f32.bf16 v14, v14  }
0x1b0: {  	v12 =	vmul.bf16 v12, v14;
	v10 =	vmul.bf16 v10, v14  }
0x1b1: {  	v11 =	vmul.bf16 v11, v14;
	v14 =	vmul.bf16 v15, v14;
	v15 =	vld [tilespmem:s6+$0xFFFFFFF0]  }
0x1b2: {  	[tilespmem:s6+$0xFFFFFFB0] =	vst v10  }
0x1b3: {  	[tilespmem:s6+$0xFFFFFF80] =	vst v11;
	v10 =	vld [tilespmem:s6+$0xFFFFFFD0]  }
0x1b4: {  	s11 =	sadd.s32 $0xFFFFFFFD, s9;
	[tilespmem:s6+$0xFFFFFF90] =	vst v14  }
0x1b5: {  	[tilespmem:s6+$0xFFFFFFA0] =	vst v12;
	v11 =	vld [tilespmem:s6+$0xFFFFFFE0];
	v12 =	vmov s11  }
0x1b6: {  	v13 =	vld.idx.msk [tilespmem:v13+s19+$0x0], $0xffff;
	v12 =	vshrl.u32 v12, $0x3  }
0x1b7: {  	v12 =	vshll.u32 v12, v1  }
0x1b8: {  	v14 =	vld [tilespmem:s6+$0xFFFFFFC0];
	v12 =	vadd.s32 v12, v6  }
0x1b9: {  	v12 =	vbroadcast v12, $0x0;
	_ =	sdelay $0x2  }
0x1ba: {  	v13 =	vpack.i.f32.bf16 v13, v13  }
0x1bb: {  	v10 =	vmul.bf16 v10, v13;
	v14 =	vmul.bf16 v14, v13  }
0x1bc: {  	v11 =	vmul.bf16 v11, v13;
	v13 =	vmul.bf16 v15, v13;
	v15 =	vld [tilespmem:s6+$0x30]  }
0x1bd: {  	[tilespmem:s6+$0xFFFFFFC0] =	vst v14  }
0x1be: {  	[tilespmem:s6+$0xFFFFFFE0] =	vst v11;
	v11 =	vld [tilespmem:s6+$0x10]  }
0x1bf: {  	[tilespmem:s6+$0xFFFFFFD0] =	vst v10;
	v10 =	vld [tilespmem:s6+$0x0]  }
0x1c0: {  	s11 =	sadd.s32 $0xFFFFFFFE, s9;
	[tilespmem:s6+$0xFFFFFFF0] =	vst v13  }
0x1c1: {  	v13 =	vmov s11;
	v12 =	vld.idx.msk [tilespmem:v12+s19+$0x0], $0xffff  }
0x1c2: {  	v13 =	vshrl.u32 v13, $0x3  }
0x1c3: {  	v13 =	vshll.u32 v13, v1  }
0x1c4: {  	v13 =	vadd.s32 v13, v7;
	v14 =	vld [tilespmem:s6+$0x20]  }
0x1c5: {  	v13 =	vbroadcast v13, $0x0;
	_ =	sdelay $0x1  }
0x1c6: {  	v12 =	vpack.i.f32.bf16 v12, v12  }
0x1c7: {  	v16 =	vmul.bf16 v10, v12;
	v10 =	vmul.bf16 v15, v12  }
0x1c8: {  	v11 =	vmul.bf16 v11, v12;
	v12 =	vmul.bf16 v14, v12  }
0x1c9: {  	[tilespmem:s6+$0x30] =	vst v10;
	v10 =	vld [tilespmem:s6+$0x70]  }
0x1ca: {  	[tilespmem:s6+$0x10] =	vst v11  }
0x1cb: {  	[tilespmem:s6+$0x20] =	vst v12  }
0x1cc: {  	[tilespmem:s6+$0x0] =	vst v16;
	v11 =	vld [tilespmem:s6+$0x40]  }
0x1cd: {  	v15 =	vld [tilespmem:s6+$0x60]  }
0x1ce: {  	v12 =	vld.idx.msk [tilespmem:v13+s19+$0x0], $0xffff;
	_ =	sdelay $0x1  }
0x1cf: {  	v13 =	vld [tilespmem:s6+$0x50]  }
0x1d0: {  	s11 =	sadd.s32 $0xFFFFFFFF, s9  }
.Ltmp2:
0x1d1: {  	v14 =	vmov s11;
	(pc) =	sbr.rel @p0 .LBB2_7-.Ltmp2, $4  }
0x1d2: {  	v16 =	vshrl.u32 v14, $0x3  }
0x1d3: {  	v16 =	vshll.u32 v16, v1;
	v14 =	vpack.i.f32.bf16 v12, v12  }
0x1d4: {  	v11 =	vmul.bf16 v11, v14;
	v12 =	vmul.bf16 v13, v14;
	v13 =	vadd.s32 v16, v9  }
0x1d5: {  	v15 =	vmul.bf16 v15, v14;
	v13 =	vbroadcast v13, $0x0  }
0x1d6: {  	_ = 	snop  }
0x1d7: {  	[tilespmem:s7+$0x50] =	vst v12  }
0x1d8: {  	v2 =	vmul.bf16 v10, v14;
	[tilespmem:s7+$0x40] =	vst v11  }
0x1d9: {  	[tilespmem:s7+$0x60] =	vst v15  }
0x1da: {  	[tilespmem:s7+$0x70] =	vst v2  }
0x1db: {  	v2 =	vld.idx.msk [tilespmem:v13+s19+$0x0], $0xffff  }
0x1dc: {  	v3 =	vld [tilespmem:s7+$0xB0]  }
0x1dd: {  	v4 =	vld [tilespmem:s7+$0xA0];
	v5 =	vmov s9  }
0x1de: {  	v6 =	vld [tilespmem:s7+$0x90];
	v5 =	vshrl.u32 v5, $0x3  }
0x1df: {  	v7 =	vld [tilespmem:s7+$0x80];
	v5 =	vshll.u32 v5, v1  }
0x1e0: {  	v5 =	vadd.s32 v5, v8;
	v2 =	vpack.i.f32.bf16 v2, v2  }
0x1e1: {  	v5 =	vbroadcast v5, $0x0;
	v3 =	vmul.bf16 v3, v2  }
0x1e2: {  	v4 =	vmul.bf16 v4, v2  }
0x1e3: {  	v6 =	vmul.bf16 v6, v2;
	[tilespmem:s7+$0xB0] =	vst v3  }
0x1e4: {  	v2 =	vmul.bf16 v7, v2;
	[tilespmem:s7+$0xA0] =	vst v4  }
0x1e5: {  	[tilespmem:s7+$0x90] =	vst v6  }
0x1e6: {  	[tilespmem:s7+$0x80] =	vst v2  }
0x1e7: {  	v2 =	vld.idx.msk [tilespmem:v5+s19+$0x0], $0xffff  }
0x1e8: {  	v3 =	vld [tilespmem:s7+$0xE0]  }
0x1e9: {  	v4 =	vld [tilespmem:s7+$0xC0]  }
0x1ea: {  	v5 =	vld [tilespmem:s7+$0xF0]  }
0x1eb: {  	v6 =	vld [tilespmem:s7+$0xD0]  }
0x1ec: {  	v2 =	vpack.i.f32.bf16 v2, v2  }
0x1ed: {  	v3 =	vmul.bf16 v3, v2  }
0x1ee: {  	v4 =	vmul.bf16 v4, v2  }
0x1ef: {  	s6 =	smul.u32 $0x140, s5;
	v5 =	vmul.bf16 v5, v2;
	[tilespmem:s7+$0xE0] =	vst v3  }
0x1f0: {  	s5 =	sadd.s32 $0x2, s18;
	s12 =	simm.s32 $0x0;
	v2 =	vmul.bf16 v6, v2;
	[tilespmem:s7+$0xC0] =	vst v4  }
0x1f1: {  	s6 =	sshra.s32 s6, $0x2;
	[tilespmem:s7+$0xF0] =	vst v5;
	v3 =	vmov s5;
	v4 =	vmov s12  }
0x1f2: {  	s6 =	sadd.s32 $0x2710, s6;
	[tilespmem:s7+$0xD0] =	vst v2;
	v2 =	vmul.u32 $0x50, v3;
	v3 =	vshrl.u32 v4, $0x3  }
0x1f3: {  	[spmem:s2] =	stream.indirect.scatter.add.bf16 [tilespmem:s22], [sflag:$0x5], $0x40, s6, s21, $0xb8;
	v3 =	vshll.u32 v3, v1;
	[tilespmem:$0x14D70] =	vst v63  }
0x1f4: {  	s6 =	sadd.s32 $0x3, s18;
	_ =	swait.ge [sflag:s29], $0x1400;
	v3 =	vadd.s32 v2, v3  }
0x1f5: {  	s18 =	smul.u32 $0x50, s6;
	[sflag:s29] =	ssyncset.done $0x0;
	v3 =	vbroadcast v3, $0x0  }
0x1f6: {  	[sflag:s29] =	ssyncadd.s32 $0xFFFFEC00  }
0x1f7: {  	[tilespmem:s20], [sflag:$0x1] =	stream.indirect.gather [hbm4b:s4+s21], $0x40, s18, s21, $0xb8;
	[tilespmem:$0x14D70] =	vst v63  }
0x1f8: {  	_ =	swait.ge [sflag:s30], $0x1400  }
0x1f9: {  	[sflag:s30] =	ssyncset.done $0x0  }
0x1fa: {  	[sflag:s30] =	ssyncadd.s32 $0xFFFFEC00  }
0x1fb: {  	s7 =	simm.s32 $0x9E30;
	v4 =	vld.idx.msk [tilespmem:v3+s19+$0x0], $0xffff  }
0x1fc: {  	s10 =	simm.s32 $0x1;
	v5 =	vld [tilespmem:s7+$0xFFFFFF00]  }
0x1fd: {  	v6 =	vld [tilespmem:s7+$0xFFFFFF10];
	v3 =	vmov s10  }
0x1fe: {  	v7 =	vld [tilespmem:s7+$0xFFFFFF20];
	v8 =	vshrl.u32 v3, $0x3  }
0x1ff: {  	v9 =	vld [tilespmem:s7+$0xFFFFFF30];
	v3 =	vor.u32 $0x1, v2;
	v8 =	vshll.u32 v8, v1  }
0x200: {  	v8 =	vadd.s32 v8, v3;
	v4 =	vpack.i.f32.bf16 v4, v4  }
0x201: {  	v8 =	vbroadcast v8, $0x0;
	v5 =	vmul.bf16 v5, v4  }
0x202: {  	v6 =	vmul.bf16 v6, v4  }
0x203: {  	v7 =	vmul.bf16 v7, v4;
	[tilespmem:s7+$0xFFFFFF00] =	vst v5  }
0x204: {  	v4 =	vmul.bf16 v9, v4;
	[tilespmem:s7+$0xFFFFFF10] =	vst v6  }
0x205: {  	[tilespmem:s7+$0xFFFFFF20] =	vst v7  }
0x206: {  	[tilespmem:s7+$0xFFFFFF30] =	vst v4  }
0x207: {  	v5 =	vld.idx.msk [tilespmem:v8+s19+$0x0], $0xffff  }
0x208: {  	s11 =	simm.s32 $0x2;
	v6 =	vld [tilespmem:s7+$0xFFFFFF60]  }
0x209: {  	v7 =	vld [tilespmem:s7+$0xFFFFFF50];
	v4 =	vmov s11  }
0x20a: {  	v9 =	vld [tilespmem:s7+$0xFFFFFF40];
	v8 =	vshrl.u32 v4, $0x3  }
0x20b: {  	v10 =	vld [tilespmem:s7+$0xFFFFFF70];
	v4 =	vor.u32 $0x2, v2;
	v8 =	vshll.u32 v8, v1  }
0x20c: {  	v8 =	vadd.s32 v8, v4;
	v5 =	vpack.i.f32.bf16 v5, v5  }
0x20d: {  	v8 =	vbroadcast v8, $0x0;
	v6 =	vmul.bf16 v6, v5  }
0x20e: {  	v7 =	vmul.bf16 v7, v5  }
0x20f: {  	v9 =	vmul.bf16 v9, v5;
	[tilespmem:s7+$0xFFFFFF60] =	vst v6  }
0x210: {  	v5 =	vmul.bf16 v10, v5;
	[tilespmem:s7+$0xFFFFFF50] =	vst v7  }
0x211: {  	[tilespmem:s7+$0xFFFFFF40] =	vst v9  }
0x212: {  	[tilespmem:s7+$0xFFFFFF70] =	vst v5  }
0x213: {  	v6 =	vld.idx.msk [tilespmem:v8+s19+$0x0], $0xffff  }
0x214: {  	s12 =	simm.s32 $0x3;
	v7 =	vld [tilespmem:s7+$0xFFFFFFB0]  }
0x215: {  	v5 =	vmov s12;
	v8 =	vld [tilespmem:s7+$0xFFFFFF80]  }
0x216: {  	v10 =	vld [tilespmem:s7+$0xFFFFFF90];
	v9 =	vshrl.u32 v5, $0x3  }
0x217: {  	v11 =	vld [tilespmem:s7+$0xFFFFFFA0];
	v5 =	vor.u32 $0x3, v2;
	v9 =	vshll.u32 v9, v1  }
0x218: {  	v9 =	vadd.s32 v9, v5;
	v6 =	vpack.i.f32.bf16 v6, v6  }
0x219: {  	v9 =	vbroadcast v9, $0x0;
	v7 =	vmul.bf16 v7, v6  }
0x21a: {  	v8 =	vmul.bf16 v8, v6  }
0x21b: {  	v10 =	vmul.bf16 v10, v6;
	[tilespmem:s7+$0xFFFFFFB0] =	vst v7  }
0x21c: {  	v6 =	vmul.bf16 v11, v6;
	[tilespmem:s7+$0xFFFFFF80] =	vst v8  }
0x21d: {  	[tilespmem:s7+$0xFFFFFF90] =	vst v10  }
0x21e: {  	[tilespmem:s7+$0xFFFFFFA0] =	vst v6  }
0x21f: {  	v8 =	vld.idx.msk [tilespmem:v9+s19+$0x0], $0xffff  }
0x220: {  	s10 =	simm.s32 $0x4;
	v9 =	vld [tilespmem:s7+$0xFFFFFFC0]  }
0x221: {  	v10 =	vld [tilespmem:s7+$0xFFFFFFE0];
	v6 =	vmov s10  }
0x222: {  	v7 =	vld [tilespmem:s7+$0xFFFFFFD0];
	v11 =	vshrl.u32 v6, $0x3  }
0x223: {  	v12 =	vld [tilespmem:s7+$0xFFFFFFF0];
	v6 =	vor.u32 $0x4, v2;
	v11 =	vshll.u32 v11, v1  }
0x224: {  	v11 =	vadd.s32 v11, v6;
	v8 =	vpack.i.f32.bf16 v8, v8  }
0x225: {  	v11 =	vbroadcast v11, $0x0;
	v9 =	vmul.bf16 v9, v8  }
0x226: {  	v10 =	vmul.bf16 v10, v8  }
0x227: {  	v7 =	vmul.bf16 v7, v8;
	[tilespmem:s7+$0xFFFFFFC0] =	vst v9  }
0x228: {  	v8 =	vmul.bf16 v12, v8;
	[tilespmem:s7+$0xFFFFFFE0] =	vst v10  }
0x229: {  	[tilespmem:s7+$0xFFFFFFD0] =	vst v7  }
0x22a: {  	[tilespmem:s7+$0xFFFFFFF0] =	vst v8  }
0x22b: {  	v8 =	vld.idx.msk [tilespmem:v11+s19+$0x0], $0xffff  }
0x22c: {  	s11 =	simm.s32 $0x5;
	v11 =	vld [tilespmem:s7+$0x30]  }
0x22d: {  	v9 =	vld [tilespmem:s7+$0x10];
	v7 =	vmov s11  }
0x22e: {  	v13 =	vld [tilespmem:s7+$0x20];
	v12 =	vshrl.u32 v7, $0x3  }
0x22f: {  	v10 =	vld [tilespmem:s7+$0x0];
	v7 =	vor.u32 $0x5, v2;
	v12 =	vshll.u32 v12, v1  }
0x230: {  	v12 =	vadd.s32 v12, v7;
	v8 =	vpack.i.f32.bf16 v8, v8  }
0x231: {  	v12 =	vbroadcast v12, $0x0;
	v11 =	vmul.bf16 v11, v8  }
0x232: {  	v9 =	vmul.bf16 v9, v8  }
0x233: {  	v13 =	vmul.bf16 v13, v8;
	[tilespmem:s7+$0x30] =	vst v11  }
0x234: {  	v8 =	vmul.bf16 v10, v8;
	[tilespmem:s7+$0x10] =	vst v9  }
0x235: {  	[tilespmem:s7+$0x20] =	vst v13  }
0x236: {  	[tilespmem:s7+$0x0] =	vst v8  }
0x237: {  	v10 =	vld.idx.msk [tilespmem:v12+s19+$0x0], $0xffff;
	_ =	sdelay $0x1  }
0x238: {  	s12 =	simm.s32 $0x6;
	v8 =	vld [tilespmem:s7+$0x40]  }
0x239: {  	v9 =	vmov s12;
	v12 =	vld [tilespmem:s7+$0x50]  }
0x23a: {  	v13 =	vld [tilespmem:s7+$0x60];
	v11 =	vshrl.u32 v9, $0x3  }
0x23b: {  	v9 =	vor.u32 $0x6, v2;
	v14 =	vpack.i.f32.bf16 v10, v10;
	v10 =	vshll.u32 v11, v1  }
0x23c: {  	v16 =	vadd.s32 v10, v9;
	v10 =	vld [tilespmem:s7+$0x70];
	_ =	sdelay $0x1  }
0x23d: {  	v11 =	vmul.bf16 v8, v14;
	v12 =	vmul.bf16 v12, v14  }
0x23e: {  	s9 =	simm.s32 $0x9E30;
	s10 =	simm.s32 $0x7;
	s11 =	simm.s32 $0xF;
	v8 =	vor.u32 $0x7, v2;
	v15 =	vmul.bf16 v13, v14;
	v13 =	vbroadcast v16, $0x0  }
.LBB2_9:
0x23f: {  	p0 =	sne.s32 s11, $0x4F  }
0x240: {  	v10 =	vmul.bf16 v10, v14;
	s7 =	sadd.s32 $0x200, s7;
	s12 =	smov.u32 s11;
	s11 =	sadd.s32 $0x8, s11  }
0x241: {  	[tilespmem:s9+$0x60] =	vst v15  }
0x242: {  	[tilespmem:s9+$0x70] =	vst v10  }
0x243: {  	[tilespmem:s9+$0x50] =	vst v12  }
0x244: {  	[tilespmem:s9+$0x40] =	vst v11;
	v10 =	vld [tilespmem:s9+$0xB0]  }
0x245: {  	v11 =	vld.idx.msk [tilespmem:v13+s19+$0x0], $0xffff  }
0x246: {  	v12 =	vld [tilespmem:s9+$0x90]  }
0x247: {  	v13 =	vld [tilespmem:s9+$0x80]  }
0x248: {  	v15 =	vmov s10;
	s10 =	smov.u32 s12;
	v14 =	vld [tilespmem:s9+$0xA0]  }
0x249: {  	v15 =	vshrl.u32 v15, $0x3  }
0x24a: {  	v15 =	vshll.u32 v15, v1  }
0x24b: {  	v15 =	vadd.s32 v15, v8;
	v11 =	vpack.i.f32.bf16 v11, v11  }
0x24c: {  	v15 =	vbroadcast v15, $0x0;
	v10 =	vmul.bf16 v10, v11  }
0x24d: {  	v13 =	vmul.bf16 v13, v11;
	v14 =	vmul.bf16 v14, v11  }
0x24e: {  	v11 =	vmul.bf16 v12, v11;
	[tilespmem:s9+$0xB0] =	vst v10  }
0x24f: {  	[tilespmem:s9+$0xA0] =	vst v14  }
0x250: {  	[tilespmem:s9+$0x90] =	vst v11  }
0x251: {  	[tilespmem:s9+$0x80] =	vst v13  }
0x252: {  	v10 =	vld.idx.msk [tilespmem:v15+s19+$0x0], $0xffff;
	_ =	sdelay $0x1  }
0x253: {  	s12 =	sadd.s32 $0xFFFFFFF9, s10;
	v11 =	vld [tilespmem:s9+$0xC0]  }
0x254: {  	v12 =	vmov s12;
	v13 =	vld [tilespmem:s9+$0xD0]  }
0x255: {  	v12 =	vshrl.u32 v12, $0x3;
	v14 =	vld [tilespmem:s9+$0xE0]  }
0x256: {  	v12 =	vshll.u32 v12, v1;
	v15 =	vld [tilespmem:s9+$0xF0]  }
0x257: {  	v12 =	vadd.s32 v2, v12  }
0x258: {  	v12 =	vbroadcast v12, $0x0  }
0x259: {  	v10 =	vpack.i.f32.bf16 v10, v10  }
0x25a: {  	v13 =	vmul.bf16 v13, v10;
	v14 =	vmul.bf16 v14, v10  }
0x25b: {  	v11 =	vmul.bf16 v11, v10;
	v10 =	vmul.bf16 v15, v10  }
0x25c: {  	[tilespmem:s9+$0xE0] =	vst v14  }
0x25d: {  	[tilespmem:s9+$0xC0] =	vst v11  }
0x25e: {  	[tilespmem:s9+$0xF0] =	vst v10  }
0x25f: {  	v10 =	vld [tilespmem:s7+$0xFFFFFF00];
	[tilespmem:s9+$0xD0] =	vst v13;
	s9 =	smov.u32 s7  }
0x260: {  	s12 =	sadd.s32 $0xFFFFFFFA, s10;
	v11 =	vld.idx.msk [tilespmem:v12+s19+$0x0], $0xffff  }
0x261: {  	v13 =	vmov s12;
	v12 =	vld [tilespmem:s7+$0xFFFFFF20]  }
0x262: {  	v13 =	vshrl.u32 v13, $0x3;
	v14 =	vld [tilespmem:s7+$0xFFFFFF10]  }
0x263: {  	v13 =	vshll.u32 v13, v1  }
0x264: {  	v13 =	vadd.s32 v13, v3  }
0x265: {  	v13 =	vbroadcast v13, $0x0;
	v15 =	vld [tilespmem:s7+$0xFFFFFF30]  }
0x266: {  	v11 =	vpack.i.f32.bf16 v11, v11  }
0x267: {  	v10 =	vmul.bf16 v10, v11;
	v14 =	vmul.bf16 v14, v11  }
0x268: {  	v12 =	vmul.bf16 v12, v11  }
0x269: {  	[tilespmem:s7+$0xFFFFFF00] =	vst v10  }
0x26a: {  	[tilespmem:s7+$0xFFFFFF10] =	vst v14;
	v10 =	vmul.bf16 v15, v11;
	v11 =	vld [tilespmem:s7+$0xFFFFFF70]  }
0x26b: {  	[tilespmem:s7+$0xFFFFFF20] =	vst v12  }
0x26c: {  	[tilespmem:s7+$0xFFFFFF30] =	vst v10;
	v10 =	vld [tilespmem:s7+$0xFFFFFF50]  }
0x26d: {  	s12 =	sadd.s32 $0xFFFFFFFB, s10;
	v12 =	vld.idx.msk [tilespmem:v13+s19+$0x0], $0xffff  }
0x26e: {  	v14 =	vmov s12;
	v13 =	vld [tilespmem:s7+$0xFFFFFF60]  }
0x26f: {  	v14 =	vshrl.u32 v14, $0x3  }
0x270: {  	v14 =	vshll.u32 v14, v1  }
0x271: {  	v14 =	vadd.s32 v14, v4;
	v15 =	vld [tilespmem:s7+$0xFFFFFF40]  }
0x272: {  	v14 =	vbroadcast v14, $0x0  }
0x273: {  	v12 =	vpack.i.f32.bf16 v12, v12  }
0x274: {  	v13 =	vmul.bf16 v13, v12;
	v11 =	vmul.bf16 v11, v12  }
0x275: {  	v10 =	vmul.bf16 v10, v12  }
0x276: {  	v12 =	vmul.bf16 v15, v12;
	[tilespmem:s7+$0xFFFFFF60] =	vst v13  }
0x277: {  	[tilespmem:s7+$0xFFFFFF50] =	vst v10;
	v10 =	vld [tilespmem:s7+$0xFFFFFFB0]  }
0x278: {  	[tilespmem:s7+$0xFFFFFF40] =	vst v12  }
0x279: {  	[tilespmem:s7+$0xFFFFFF70] =	vst v11  }
0x27a: {  	s12 =	sadd.s32 $0xFFFFFFFC, s10;
	v11 =	vld [tilespmem:s7+$0xFFFFFF80]  }
0x27b: {  	v13 =	vmov s12;
	v12 =	vld [tilespmem:s7+$0xFFFFFFA0]  }
0x27c: {  	v13 =	vshrl.u32 v13, $0x3;
	v14 =	vld.idx.msk [tilespmem:v14+s19+$0x0], $0xffff  }
0x27d: {  	v13 =	vshll.u32 v13, v1  }
0x27e: {  	v13 =	vadd.s32 v13, v5  }
0x27f: {  	v13 =	vbroadcast v13, $0x0;
	v15 =	vld [tilespmem:s7+$0xFFFFFF90];
	_ =	sdelay $0x2  }
0x280: {  	v14 =	vpack.i.f32.bf16 v14, v14  }
0x281: {  	v12 =	vmul.bf16 v12, v14;
	v10 =	vmul.bf16 v10, v14  }
0x282: {  	v11 =	vmul.bf16 v11, v14;
	v14 =	vmul.bf16 v15, v14;
	v15 =	vld [tilespmem:s7+$0xFFFFFFF0]  }
0x283: {  	[tilespmem:s7+$0xFFFFFFB0] =	vst v10  }
0x284: {  	[tilespmem:s7+$0xFFFFFF80] =	vst v11;
	v10 =	vld [tilespmem:s7+$0xFFFFFFD0]  }
0x285: {  	s12 =	sadd.s32 $0xFFFFFFFD, s10;
	[tilespmem:s7+$0xFFFFFF90] =	vst v14  }
0x286: {  	[tilespmem:s7+$0xFFFFFFA0] =	vst v12;
	v11 =	vld [tilespmem:s7+$0xFFFFFFE0];
	v12 =	vmov s12  }
0x287: {  	v13 =	vld.idx.msk [tilespmem:v13+s19+$0x0], $0xffff;
	v12 =	vshrl.u32 v12, $0x3  }
0x288: {  	v12 =	vshll.u32 v12, v1  }
0x289: {  	v14 =	vld [tilespmem:s7+$0xFFFFFFC0];
	v12 =	vadd.s32 v12, v6  }
0x28a: {  	v12 =	vbroadcast v12, $0x0;
	_ =	sdelay $0x2  }
0x28b: {  	v13 =	vpack.i.f32.bf16 v13, v13  }
0x28c: {  	v10 =	vmul.bf16 v10, v13;
	v14 =	vmul.bf16 v14, v13  }
0x28d: {  	v11 =	vmul.bf16 v11, v13;
	v13 =	vmul.bf16 v15, v13;
	v15 =	vld [tilespmem:s7+$0x30]  }
0x28e: {  	[tilespmem:s7+$0xFFFFFFC0] =	vst v14  }
0x28f: {  	[tilespmem:s7+$0xFFFFFFE0] =	vst v11;
	v11 =	vld [tilespmem:s7+$0x10]  }
0x290: {  	[tilespmem:s7+$0xFFFFFFD0] =	vst v10;
	v10 =	vld [tilespmem:s7+$0x0]  }
0x291: {  	s12 =	sadd.s32 $0xFFFFFFFE, s10;
	[tilespmem:s7+$0xFFFFFFF0] =	vst v13  }
0x292: {  	v13 =	vmov s12;
	v12 =	vld.idx.msk [tilespmem:v12+s19+$0x0], $0xffff  }
0x293: {  	v13 =	vshrl.u32 v13, $0x3  }
0x294: {  	v13 =	vshll.u32 v13, v1  }
0x295: {  	v13 =	vadd.s32 v13, v7;
	v14 =	vld [tilespmem:s7+$0x20]  }
0x296: {  	v13 =	vbroadcast v13, $0x0;
	_ =	sdelay $0x1  }
0x297: {  	v12 =	vpack.i.f32.bf16 v12, v12  }
0x298: {  	v16 =	vmul.bf16 v10, v12;
	v10 =	vmul.bf16 v15, v12  }
0x299: {  	v11 =	vmul.bf16 v11, v12;
	v12 =	vmul.bf16 v14, v12  }
0x29a: {  	[tilespmem:s7+$0x30] =	vst v10;
	v10 =	vld [tilespmem:s7+$0x70]  }
0x29b: {  	[tilespmem:s7+$0x10] =	vst v11  }
0x29c: {  	[tilespmem:s7+$0x20] =	vst v12  }
0x29d: {  	[tilespmem:s7+$0x0] =	vst v16;
	v11 =	vld [tilespmem:s7+$0x40]  }
0x29e: {  	v15 =	vld [tilespmem:s7+$0x60]  }
0x29f: {  	v12 =	vld.idx.msk [tilespmem:v13+s19+$0x0], $0xffff;
	_ =	sdelay $0x1  }
0x2a0: {  	v13 =	vld [tilespmem:s7+$0x50]  }
0x2a1: {  	s12 =	sadd.s32 $0xFFFFFFFF, s10  }
.Ltmp3:
0x2a2: {  	v14 =	vmov s12;
	(pc) =	sbr.rel @p0 .LBB2_9-.Ltmp3, $4  }
0x2a3: {  	v16 =	vshrl.u32 v14, $0x3  }
0x2a4: {  	v16 =	vshll.u32 v16, v1;
	v14 =	vpack.i.f32.bf16 v12, v12  }
0x2a5: {  	v11 =	vmul.bf16 v11, v14;
	v12 =	vmul.bf16 v13, v14;
	v13 =	vadd.s32 v16, v9  }
0x2a6: {  	v15 =	vmul.bf16 v15, v14;
	v13 =	vbroadcast v13, $0x0  }
0x2a7: {  	_ = 	snop  }
0x2a8: {  	[tilespmem:s9+$0x50] =	vst v12  }
0x2a9: {  	v2 =	vmul.bf16 v10, v14;
	[tilespmem:s9+$0x40] =	vst v11  }
0x2aa: {  	[tilespmem:s9+$0x60] =	vst v15  }
0x2ab: {  	[tilespmem:s9+$0x70] =	vst v2  }
0x2ac: {  	v2 =	vld.idx.msk [tilespmem:v13+s19+$0x0], $0xffff  }
0x2ad: {  	v3 =	vld [tilespmem:s9+$0xB0]  }
0x2ae: {  	v4 =	vld [tilespmem:s9+$0xA0];
	v5 =	vmov s10  }
0x2af: {  	v6 =	vld [tilespmem:s9+$0x90];
	v5 =	vshrl.u32 v5, $0x3  }
0x2b0: {  	v7 =	vld [tilespmem:s9+$0x80];
	v5 =	vshll.u32 v5, v1  }
0x2b1: {  	v5 =	vadd.s32 v5, v8;
	v2 =	vpack.i.f32.bf16 v2, v2  }
0x2b2: {  	v5 =	vbroadcast v5, $0x0;
	v3 =	vmul.bf16 v3, v2  }
0x2b3: {  	v4 =	vmul.bf16 v4, v2  }
0x2b4: {  	v6 =	vmul.bf16 v6, v2;
	[tilespmem:s9+$0xB0] =	vst v3  }
0x2b5: {  	v2 =	vmul.bf16 v7, v2;
	[tilespmem:s9+$0xA0] =	vst v4  }
0x2b6: {  	[tilespmem:s9+$0x90] =	vst v6  }
0x2b7: {  	[tilespmem:s9+$0x80] =	vst v2;
	v3 =	vld [tilespmem:s9+$0xE0]  }
0x2b8: {  	v2 =	vld.idx.msk [tilespmem:v5+s19+$0x0], $0xffff  }
0x2b9: {  	v4 =	vld [tilespmem:s9+$0xC0]  }
0x2ba: {  	v6 =	vld [tilespmem:s9+$0xD0]  }
0x2bb: {  	v5 =	vld [tilespmem:s9+$0xF0];
	_ =	sdelay $0x1  }
0x2bc: {  	v2 =	vpack.i.f32.bf16 v2, v2  }
0x2bd: {  	v3 =	vmul.bf16 v3, v2  }
0x2be: {  	v4 =	vmul.bf16 v4, v2  }
0x2bf: {  	s5 =	smul.u32 $0x140, s5;
	v5 =	vmul.bf16 v5, v2;
	v2 =	vmul.bf16 v6, v2;
	[tilespmem:s9+$0xE0] =	vst v3  }
0x2c0: {  	s7 =	simm.s32 $0x0;
	[tilespmem:s9+$0xC0] =	vst v4  }
0x2c1: {  	s5 =	sshra.s32 s5, $0x2;
	[tilespmem:s9+$0xD0] =	vst v2;
	v2 =	vmov s6;
	v3 =	vmov s7  }
0x2c2: {  	s5 =	sadd.s32 $0x2710, s5;
	[tilespmem:s9+$0xF0] =	vst v5;
	s9 =	smul.u32 $0x3C0, s1;
	v2 =	vmul.u32 $0x50, v2;
	v3 =	vshrl.u32 v3, $0x3  }
0x2c3: {  	[spmem:s2] =	stream.indirect.scatter.add.bf16 [tilespmem:s26], [sflag:$0x6], $0x40, s5, s21, $0xb8;
	v3 =	vshll.u32 v3, v1;
	[tilespmem:$0x14D70] =	vst v63  }
0x2c4: {  	_ =	swait.ge [sflag:s31], $0x1400;
	v3 =	vadd.s32 v2, v3  }
0x2c5: {  	s5 =	sshra.s32 s9, $0x2;
	[sflag:s31] =	ssyncset.done $0x0;
	v3 =	vbroadcast v3, $0x0  }
0x2c6: {  	s10 =	sadd.s32 $0x140, s5;
	[sflag:s31] =	ssyncadd.s32 $0xFFFFEC00  }
0x2c7: {  	[tilespmem:s22], [sflag:$0x2] =	stream.indirect.gather [hbm4b:s4+s21], $0x40, s10, s21, $0xb8;
	[tilespmem:$0x14D70] =	vst v63  }
0x2c8: {  	_ =	swait.ge [sflag:s23], $0x1400  }
0x2c9: {  	[sflag:s23] =	ssyncset.done $0x0  }
0x2ca: {  	[sflag:s23] =	ssyncadd.s32 $0xFFFFEC00  }
0x2cb: {  	s6 =	simm.s32 $0x7630;
	v4 =	vld.idx.msk [tilespmem:v3+s19+$0x0], $0xffff  }
0x2cc: {  	s11 =	simm.s32 $0x1;
	v5 =	vld [tilespmem:s6+$0xFFFFFF00]  }
0x2cd: {  	v6 =	vld [tilespmem:s6+$0xFFFFFF10];
	v3 =	vmov s11  }
0x2ce: {  	v7 =	vld [tilespmem:s6+$0xFFFFFF20];
	v8 =	vshrl.u32 v3, $0x3  }
0x2cf: {  	v9 =	vld [tilespmem:s6+$0xFFFFFF30];
	v3 =	vor.u32 $0x1, v2;
	v8 =	vshll.u32 v8, v1  }
0x2d0: {  	v8 =	vadd.s32 v8, v3;
	v4 =	vpack.i.f32.bf16 v4, v4  }
0x2d1: {  	v8 =	vbroadcast v8, $0x0;
	v5 =	vmul.bf16 v5, v4  }
0x2d2: {  	v6 =	vmul.bf16 v6, v4  }
0x2d3: {  	v7 =	vmul.bf16 v7, v4;
	[tilespmem:s6+$0xFFFFFF00] =	vst v5  }
0x2d4: {  	v4 =	vmul.bf16 v9, v4;
	[tilespmem:s6+$0xFFFFFF10] =	vst v6  }
0x2d5: {  	[tilespmem:s6+$0xFFFFFF20] =	vst v7  }
0x2d6: {  	[tilespmem:s6+$0xFFFFFF30] =	vst v4  }
0x2d7: {  	v5 =	vld.idx.msk [tilespmem:v8+s19+$0x0], $0xffff  }
0x2d8: {  	s12 =	simm.s32 $0x2;
	v6 =	vld [tilespmem:s6+$0xFFFFFF60]  }
0x2d9: {  	v7 =	vld [tilespmem:s6+$0xFFFFFF50];
	v4 =	vmov s12  }
0x2da: {  	v9 =	vld [tilespmem:s6+$0xFFFFFF40];
	v8 =	vshrl.u32 v4, $0x3  }
0x2db: {  	v10 =	vld [tilespmem:s6+$0xFFFFFF70];
	v4 =	vor.u32 $0x2, v2;
	v8 =	vshll.u32 v8, v1  }
0x2dc: {  	v8 =	vadd.s32 v8, v4;
	v5 =	vpack.i.f32.bf16 v5, v5  }
0x2dd: {  	v8 =	vbroadcast v8, $0x0;
	v6 =	vmul.bf16 v6, v5  }
0x2de: {  	v7 =	vmul.bf16 v7, v5  }
0x2df: {  	v9 =	vmul.bf16 v9, v5;
	[tilespmem:s6+$0xFFFFFF60] =	vst v6  }
0x2e0: {  	v5 =	vmul.bf16 v10, v5;
	[tilespmem:s6+$0xFFFFFF50] =	vst v7  }
0x2e1: {  	[tilespmem:s6+$0xFFFFFF40] =	vst v9  }
0x2e2: {  	[tilespmem:s6+$0xFFFFFF70] =	vst v5  }
0x2e3: {  	v6 =	vld.idx.msk [tilespmem:v8+s19+$0x0], $0xffff  }
0x2e4: {  	s9 =	simm.s32 $0x3;
	v7 =	vld [tilespmem:s6+$0xFFFFFFB0]  }
0x2e5: {  	v5 =	vmov s9;
	v8 =	vld [tilespmem:s6+$0xFFFFFF80]  }
0x2e6: {  	v10 =	vld [tilespmem:s6+$0xFFFFFF90];
	v9 =	vshrl.u32 v5, $0x3  }
0x2e7: {  	v11 =	vld [tilespmem:s6+$0xFFFFFFA0];
	v5 =	vor.u32 $0x3, v2;
	v9 =	vshll.u32 v9, v1  }
0x2e8: {  	v9 =	vadd.s32 v9, v5;
	v6 =	vpack.i.f32.bf16 v6, v6  }
0x2e9: {  	v9 =	vbroadcast v9, $0x0;
	v7 =	vmul.bf16 v7, v6  }
0x2ea: {  	v8 =	vmul.bf16 v8, v6  }
0x2eb: {  	v10 =	vmul.bf16 v10, v6;
	[tilespmem:s6+$0xFFFFFFB0] =	vst v7  }
0x2ec: {  	v6 =	vmul.bf16 v11, v6;
	[tilespmem:s6+$0xFFFFFF80] =	vst v8  }
0x2ed: {  	[tilespmem:s6+$0xFFFFFF90] =	vst v10  }
0x2ee: {  	[tilespmem:s6+$0xFFFFFFA0] =	vst v6  }
0x2ef: {  	v8 =	vld.idx.msk [tilespmem:v9+s19+$0x0], $0xffff  }
0x2f0: {  	s10 =	simm.s32 $0x4;
	v9 =	vld [tilespmem:s6+$0xFFFFFFC0]  }
0x2f1: {  	v10 =	vld [tilespmem:s6+$0xFFFFFFE0];
	v6 =	vmov s10  }
0x2f2: {  	v7 =	vld [tilespmem:s6+$0xFFFFFFD0];
	v11 =	vshrl.u32 v6, $0x3  }
0x2f3: {  	v12 =	vld [tilespmem:s6+$0xFFFFFFF0];
	v6 =	vor.u32 $0x4, v2;
	v11 =	vshll.u32 v11, v1  }
0x2f4: {  	v11 =	vadd.s32 v11, v6;
	v8 =	vpack.i.f32.bf16 v8, v8  }
0x2f5: {  	v11 =	vbroadcast v11, $0x0;
	v9 =	vmul.bf16 v9, v8  }
0x2f6: {  	v10 =	vmul.bf16 v10, v8  }
0x2f7: {  	v7 =	vmul.bf16 v7, v8;
	[tilespmem:s6+$0xFFFFFFC0] =	vst v9  }
0x2f8: {  	v8 =	vmul.bf16 v12, v8;
	[tilespmem:s6+$0xFFFFFFE0] =	vst v10  }
0x2f9: {  	[tilespmem:s6+$0xFFFFFFD0] =	vst v7  }
0x2fa: {  	[tilespmem:s6+$0xFFFFFFF0] =	vst v8  }
0x2fb: {  	v8 =	vld.idx.msk [tilespmem:v11+s19+$0x0], $0xffff  }
0x2fc: {  	s11 =	simm.s32 $0x5;
	v11 =	vld [tilespmem:s6+$0x30]  }
0x2fd: {  	v9 =	vld [tilespmem:s6+$0x10];
	v7 =	vmov s11  }
0x2fe: {  	v13 =	vld [tilespmem:s6+$0x20];
	v12 =	vshrl.u32 v7, $0x3  }
0x2ff: {  	v10 =	vld [tilespmem:s6+$0x0];
	v7 =	vor.u32 $0x5, v2;
	v12 =	vshll.u32 v12, v1  }
0x300: {  	v12 =	vadd.s32 v12, v7;
	v8 =	vpack.i.f32.bf16 v8, v8  }
0x301: {  	v12 =	vbroadcast v12, $0x0;
	v11 =	vmul.bf16 v11, v8  }
0x302: {  	v9 =	vmul.bf16 v9, v8  }
0x303: {  	v13 =	vmul.bf16 v13, v8;
	[tilespmem:s6+$0x30] =	vst v11  }
0x304: {  	v8 =	vmul.bf16 v10, v8;
	[tilespmem:s6+$0x10] =	vst v9  }
0x305: {  	[tilespmem:s6+$0x20] =	vst v13  }
0x306: {  	[tilespmem:s6+$0x0] =	vst v8  }
0x307: {  	v10 =	vld.idx.msk [tilespmem:v12+s19+$0x0], $0xffff;
	_ =	sdelay $0x1  }
0x308: {  	s12 =	simm.s32 $0x6;
	v8 =	vld [tilespmem:s6+$0x40]  }
0x309: {  	v9 =	vmov s12;
	v12 =	vld [tilespmem:s6+$0x50]  }
0x30a: {  	v13 =	vld [tilespmem:s6+$0x60];
	v11 =	vshrl.u32 v9, $0x3  }
0x30b: {  	v9 =	vor.u32 $0x6, v2;
	v14 =	vpack.i.f32.bf16 v10, v10;
	v10 =	vshll.u32 v11, v1  }
0x30c: {  	v16 =	vadd.s32 v10, v9;
	v10 =	vld [tilespmem:s6+$0x70];
	_ =	sdelay $0x1  }
0x30d: {  	v11 =	vmul.bf16 v8, v14;
	v12 =	vmul.bf16 v12, v14  }
0x30e: {  	s7 =	simm.s32 $0x7630;
	s9 =	simm.s32 $0x7;
	s10 =	simm.s32 $0xF;
	v8 =	vor.u32 $0x7, v2;
	v15 =	vmul.bf16 v13, v14;
	v13 =	vbroadcast v16, $0x0  }
.LBB2_11:
0x30f: {  	p0 =	sne.s32 s10, $0x4F  }
0x310: {  	v10 =	vmul.bf16 v10, v14;
	s6 =	sadd.s32 $0x200, s6;
	s11 =	smov.u32 s10;
	s10 =	sadd.s32 $0x8, s10  }
0x311: {  	[tilespmem:s7+$0x60] =	vst v15  }
0x312: {  	[tilespmem:s7+$0x70] =	vst v10  }
0x313: {  	[tilespmem:s7+$0x50] =	vst v12  }
0x314: {  	[tilespmem:s7+$0x40] =	vst v11;
	v10 =	vld [tilespmem:s7+$0xB0]  }
0x315: {  	v11 =	vld.idx.msk [tilespmem:v13+s19+$0x0], $0xffff  }
0x316: {  	v12 =	vld [tilespmem:s7+$0x90]  }
0x317: {  	v13 =	vld [tilespmem:s7+$0x80]  }
0x318: {  	v15 =	vmov s9;
	s9 =	smov.u32 s11;
	v14 =	vld [tilespmem:s7+$0xA0]  }
0x319: {  	v15 =	vshrl.u32 v15, $0x3  }
0x31a: {  	v15 =	vshll.u32 v15, v1  }
0x31b: {  	v15 =	vadd.s32 v15, v8;
	v11 =	vpack.i.f32.bf16 v11, v11  }
0x31c: {  	v15 =	vbroadcast v15, $0x0;
	v10 =	vmul.bf16 v10, v11  }
0x31d: {  	v13 =	vmul.bf16 v13, v11;
	v14 =	vmul.bf16 v14, v11  }
0x31e: {  	v11 =	vmul.bf16 v12, v11;
	[tilespmem:s7+$0xB0] =	vst v10  }
0x31f: {  	[tilespmem:s7+$0xA0] =	vst v14  }
0x320: {  	[tilespmem:s7+$0x90] =	vst v11  }
0x321: {  	[tilespmem:s7+$0x80] =	vst v13  }
0x322: {  	v10 =	vld.idx.msk [tilespmem:v15+s19+$0x0], $0xffff;
	_ =	sdelay $0x1  }
0x323: {  	s11 =	sadd.s32 $0xFFFFFFF9, s9;
	v11 =	vld [tilespmem:s7+$0xC0]  }
0x324: {  	v12 =	vmov s11;
	v13 =	vld [tilespmem:s7+$0xD0]  }
0x325: {  	v12 =	vshrl.u32 v12, $0x3;
	v14 =	vld [tilespmem:s7+$0xE0]  }
0x326: {  	v12 =	vshll.u32 v12, v1;
	v15 =	vld [tilespmem:s7+$0xF0]  }
0x327: {  	v12 =	vadd.s32 v2, v12  }
0x328: {  	v12 =	vbroadcast v12, $0x0  }
0x329: {  	v10 =	vpack.i.f32.bf16 v10, v10  }
0x32a: {  	v13 =	vmul.bf16 v13, v10;
	v14 =	vmul.bf16 v14, v10  }
0x32b: {  	v11 =	vmul.bf16 v11, v10;
	v10 =	vmul.bf16 v15, v10  }
0x32c: {  	[tilespmem:s7+$0xE0] =	vst v14  }
0x32d: {  	[tilespmem:s7+$0xC0] =	vst v11  }
0x32e: {  	[tilespmem:s7+$0xF0] =	vst v10  }
0x32f: {  	v10 =	vld [tilespmem:s6+$0xFFFFFF00];
	[tilespmem:s7+$0xD0] =	vst v13;
	s7 =	smov.u32 s6  }
0x330: {  	s11 =	sadd.s32 $0xFFFFFFFA, s9;
	v11 =	vld.idx.msk [tilespmem:v12+s19+$0x0], $0xffff  }
0x331: {  	v13 =	vmov s11;
	v12 =	vld [tilespmem:s6+$0xFFFFFF20]  }
0x332: {  	v13 =	vshrl.u32 v13, $0x3;
	v14 =	vld [tilespmem:s6+$0xFFFFFF10]  }
0x333: {  	v13 =	vshll.u32 v13, v1  }
0x334: {  	v13 =	vadd.s32 v13, v3  }
0x335: {  	v13 =	vbroadcast v13, $0x0;
	v15 =	vld [tilespmem:s6+$0xFFFFFF30]  }
0x336: {  	v11 =	vpack.i.f32.bf16 v11, v11  }
0x337: {  	v10 =	vmul.bf16 v10, v11;
	v14 =	vmul.bf16 v14, v11  }
0x338: {  	v12 =	vmul.bf16 v12, v11  }
0x339: {  	[tilespmem:s6+$0xFFFFFF00] =	vst v10  }
0x33a: {  	[tilespmem:s6+$0xFFFFFF10] =	vst v14;
	v10 =	vmul.bf16 v15, v11;
	v11 =	vld [tilespmem:s6+$0xFFFFFF70]  }
0x33b: {  	[tilespmem:s6+$0xFFFFFF20] =	vst v12  }
0x33c: {  	[tilespmem:s6+$0xFFFFFF30] =	vst v10;
	v10 =	vld [tilespmem:s6+$0xFFFFFF50]  }
0x33d: {  	s11 =	sadd.s32 $0xFFFFFFFB, s9;
	v12 =	vld.idx.msk [tilespmem:v13+s19+$0x0], $0xffff  }
0x33e: {  	v14 =	vmov s11;
	v13 =	vld [tilespmem:s6+$0xFFFFFF60]  }
0x33f: {  	v14 =	vshrl.u32 v14, $0x3  }
0x340: {  	v14 =	vshll.u32 v14, v1  }
0x341: {  	v14 =	vadd.s32 v14, v4;
	v15 =	vld [tilespmem:s6+$0xFFFFFF40]  }
0x342: {  	v14 =	vbroadcast v14, $0x0  }
0x343: {  	v12 =	vpack.i.f32.bf16 v12, v12  }
0x344: {  	v13 =	vmul.bf16 v13, v12;
	v11 =	vmul.bf16 v11, v12  }
0x345: {  	v10 =	vmul.bf16 v10, v12  }
0x346: {  	v12 =	vmul.bf16 v15, v12;
	[tilespmem:s6+$0xFFFFFF60] =	vst v13  }
0x347: {  	[tilespmem:s6+$0xFFFFFF50] =	vst v10;
	v10 =	vld [tilespmem:s6+$0xFFFFFFB0]  }
0x348: {  	[tilespmem:s6+$0xFFFFFF40] =	vst v12  }
0x349: {  	[tilespmem:s6+$0xFFFFFF70] =	vst v11  }
0x34a: {  	s11 =	sadd.s32 $0xFFFFFFFC, s9;
	v11 =	vld [tilespmem:s6+$0xFFFFFF80]  }
0x34b: {  	v13 =	vmov s11;
	v12 =	vld [tilespmem:s6+$0xFFFFFFA0]  }
0x34c: {  	v13 =	vshrl.u32 v13, $0x3;
	v14 =	vld.idx.msk [tilespmem:v14+s19+$0x0], $0xffff  }
0x34d: {  	v13 =	vshll.u32 v13, v1  }
0x34e: {  	v13 =	vadd.s32 v13, v5  }
0x34f: {  	v13 =	vbroadcast v13, $0x0;
	v15 =	vld [tilespmem:s6+$0xFFFFFF90];
	_ =	sdelay $0x2  }
0x350: {  	v14 =	vpack.i.f32.bf16 v14, v14  }
0x351: {  	v12 =	vmul.bf16 v12, v14;
	v10 =	vmul.bf16 v10, v14  }
0x352: {  	v11 =	vmul.bf16 v11, v14;
	v14 =	vmul.bf16 v15, v14;
	v15 =	vld [tilespmem:s6+$0xFFFFFFF0]  }
0x353: {  	[tilespmem:s6+$0xFFFFFFB0] =	vst v10  }
0x354: {  	[tilespmem:s6+$0xFFFFFF80] =	vst v11;
	v10 =	vld [tilespmem:s6+$0xFFFFFFD0]  }
0x355: {  	s11 =	sadd.s32 $0xFFFFFFFD, s9;
	[tilespmem:s6+$0xFFFFFF90] =	vst v14  }
0x356: {  	[tilespmem:s6+$0xFFFFFFA0] =	vst v12;
	v11 =	vld [tilespmem:s6+$0xFFFFFFE0];
	v12 =	vmov s11  }
0x357: {  	v13 =	vld.idx.msk [tilespmem:v13+s19+$0x0], $0xffff;
	v12 =	vshrl.u32 v12, $0x3  }
0x358: {  	v12 =	vshll.u32 v12, v1  }
0x359: {  	v14 =	vld [tilespmem:s6+$0xFFFFFFC0];
	v12 =	vadd.s32 v12, v6  }
0x35a: {  	v12 =	vbroadcast v12, $0x0;
	_ =	sdelay $0x2  }
0x35b: {  	v13 =	vpack.i.f32.bf16 v13, v13  }
0x35c: {  	v10 =	vmul.bf16 v10, v13;
	v14 =	vmul.bf16 v14, v13  }
0x35d: {  	v11 =	vmul.bf16 v11, v13;
	v13 =	vmul.bf16 v15, v13;
	v15 =	vld [tilespmem:s6+$0x30]  }
0x35e: {  	[tilespmem:s6+$0xFFFFFFC0] =	vst v14  }
0x35f: {  	[tilespmem:s6+$0xFFFFFFE0] =	vst v11;
	v11 =	vld [tilespmem:s6+$0x10]  }
0x360: {  	[tilespmem:s6+$0xFFFFFFD0] =	vst v10;
	v10 =	vld [tilespmem:s6+$0x0]  }
0x361: {  	s11 =	sadd.s32 $0xFFFFFFFE, s9;
	[tilespmem:s6+$0xFFFFFFF0] =	vst v13  }
0x362: {  	v13 =	vmov s11;
	v12 =	vld.idx.msk [tilespmem:v12+s19+$0x0], $0xffff  }
0x363: {  	v13 =	vshrl.u32 v13, $0x3  }
0x364: {  	v13 =	vshll.u32 v13, v1  }
0x365: {  	v13 =	vadd.s32 v13, v7;
	v14 =	vld [tilespmem:s6+$0x20]  }
0x366: {  	v13 =	vbroadcast v13, $0x0;
	_ =	sdelay $0x1  }
0x367: {  	v12 =	vpack.i.f32.bf16 v12, v12  }
0x368: {  	v16 =	vmul.bf16 v10, v12;
	v10 =	vmul.bf16 v15, v12  }
0x369: {  	v11 =	vmul.bf16 v11, v12;
	v12 =	vmul.bf16 v14, v12  }
0x36a: {  	[tilespmem:s6+$0x30] =	vst v10;
	v10 =	vld [tilespmem:s6+$0x70]  }
0x36b: {  	[tilespmem:s6+$0x10] =	vst v11  }
0x36c: {  	[tilespmem:s6+$0x20] =	vst v12  }
0x36d: {  	[tilespmem:s6+$0x0] =	vst v16;
	v11 =	vld [tilespmem:s6+$0x40]  }
0x36e: {  	v15 =	vld [tilespmem:s6+$0x60]  }
0x36f: {  	v12 =	vld.idx.msk [tilespmem:v13+s19+$0x0], $0xffff;
	_ =	sdelay $0x1  }
0x370: {  	v13 =	vld [tilespmem:s6+$0x50]  }
0x371: {  	s11 =	sadd.s32 $0xFFFFFFFF, s9  }
.Ltmp4:
0x372: {  	v14 =	vmov s11;
	(pc) =	sbr.rel @p0 .LBB2_11-.Ltmp4, $4  }
0x373: {  	v16 =	vshrl.u32 v14, $0x3  }
0x374: {  	v16 =	vshll.u32 v16, v1;
	v14 =	vpack.i.f32.bf16 v12, v12  }
0x375: {  	v11 =	vmul.bf16 v11, v14;
	v12 =	vmul.bf16 v13, v14;
	v13 =	vadd.s32 v16, v9  }
0x376: {  	v15 =	vmul.bf16 v15, v14;
	v13 =	vbroadcast v13, $0x0  }
0x377: {  	_ = 	snop  }
0x378: {  	[tilespmem:s7+$0x50] =	vst v12  }
0x379: {  	v2 =	vmul.bf16 v10, v14;
	[tilespmem:s7+$0x40] =	vst v11  }
0x37a: {  	[tilespmem:s7+$0x60] =	vst v15  }
0x37b: {  	[tilespmem:s7+$0x70] =	vst v2  }
0x37c: {  	v2 =	vld.idx.msk [tilespmem:v13+s19+$0x0], $0xffff  }
0x37d: {  	v3 =	vld [tilespmem:s7+$0xB0]  }
0x37e: {  	v4 =	vld [tilespmem:s7+$0xA0];
	v5 =	vmov s9  }
0x37f: {  	v6 =	vld [tilespmem:s7+$0x90];
	v5 =	vshrl.u32 v5, $0x3  }
0x380: {  	v7 =	vld [tilespmem:s7+$0x80];
	v5 =	vshll.u32 v5, v1  }
0x381: {  	v5 =	vadd.s32 v5, v8;
	v2 =	vpack.i.f32.bf16 v2, v2  }
0x382: {  	v5 =	vbroadcast v5, $0x0;
	v3 =	vmul.bf16 v3, v2  }
0x383: {  	v4 =	vmul.bf16 v4, v2  }
0x384: {  	v6 =	vmul.bf16 v6, v2;
	[tilespmem:s7+$0xB0] =	vst v3  }
0x385: {  	v2 =	vmul.bf16 v7, v2;
	[tilespmem:s7+$0xA0] =	vst v4  }
0x386: {  	[tilespmem:s7+$0x90] =	vst v6  }
0x387: {  	[tilespmem:s7+$0x80] =	vst v2  }
0x388: {  	v2 =	vld.idx.msk [tilespmem:v5+s19+$0x0], $0xffff  }
0x389: {  	v3 =	vld [tilespmem:s7+$0xE0]  }
0x38a: {  	v61 =	vld [tilespmem:s7+$0xC0]  }
0x38b: {  	v62 =	vld [tilespmem:s7+$0xF0]  }
0x38c: {  	v63 =	vld [tilespmem:s7+$0xD0]  }
0x38d: {  	v2 =	vpack.i.f32.bf16 v2, v2  }
0x38e: {  	v3 =	vmul.bf16 v3, v2  }
0x38f: {  	v4 =	vmul.bf16 v61, v2  }
0x390: {  	v5 =	vmul.bf16 v62, v2;
	[tilespmem:s7+$0xE0] =	vst v3  }
0x391: {  	v2 =	vmul.bf16 v63, v2;
	[tilespmem:s7+$0xC0] =	vst v4  }
0x392: {  	s1 =	sadd.s32 $0x1, s1;
	[tilespmem:s7+$0xF0] =	vst v5  }
0x393: {  	s6 =	sadd.s32 $0x2710, s18;
	p0 =	sne.s32 s1, $0x28;
	[tilespmem:s7+$0xD0] =	vst v2  }
0x394: {  	[spmem:s2] =	stream.indirect.scatter.add.bf16 [tilespmem:s20], [sflag:$0x4], $0x40, s6, s21, $0xb8;
	[tilespmem:$0x14D70] =	vst v63  }
.Ltmp5:
0x395: {  	_ = 	snop;
	(pc) =	sbr.rel @p0 .LBB2_6-.Ltmp5, $4  }
0x396: {  	_ =	swait.ge [sflag:s0], $0x1400  }
0x397: {  	[sflag:s0] =	ssyncset.done $0x0  }
0x398: {  	s5 =	sadd.s32 $0x190, s5;
	[sflag:s0] =	ssyncadd.s32 $0xFFFFEC00  }
0x399: {  	[tilespmem:s26], [sflag:$0x3] =	stream.indirect.gather [hbm4b:s4+s21], $0x40, s5, s21, $0xb8;
	[tilespmem:$0x14D70] =	vst v63  }
0x39a: {  	s1 =	simm.s32 $0x0  }
0x39b: {  	v2 =	vmov s1  }
0x39c: {  	v2 =	vshrl.u32 v2, $0x3  }
0x39d: {  	v2 =	vshll.u32 v2, v1  }
0x39e: {  	v2 =	vadd.s32 $0x25D0, v2  }
0x39f: {  	v2 =	vbroadcast v2, $0x0;
	_ =	sdelay $0x2  }
0x3a0: {  	_ =	swait.ge [sflag:s28], $0x1400  }
0x3a1: {  	[sflag:s28] =	ssyncset.done $0x0  }
0x3a2: {  	[sflag:s28] =	ssyncadd.s32 $0xFFFFEC00  }
0x3a3: {  	s1 =	simm.s32 $0x8A30;
	v2 =	vld.idx.msk [tilespmem:v2+s19+$0x0], $0xffff  }
0x3a4: {  	s5 =	simm.s32 $0x1;
	v3 =	vld [tilespmem:s1+$0xFFFFFF00]  }
0x3a5: {  	v4 =	vmov s5;
	v5 =	vld [tilespmem:s1+$0xFFFFFF10]  }
0x3a6: {  	v4 =	vshrl.u32 v4, $0x3;
	v6 =	vld [tilespmem:s1+$0xFFFFFF20]  }
0x3a7: {  	v4 =	vshll.u32 v4, v1;
	v7 =	vld [tilespmem:s1+$0xFFFFFF30]  }
0x3a8: {  	v4 =	vadd.s32 $0x25D1, v4;
	v2 =	vpack.i.f32.bf16 v2, v2  }
0x3a9: {  	v4 =	vbroadcast v4, $0x0;
	v3 =	vmul.bf16 v3, v2  }
0x3aa: {  	v5 =	vmul.bf16 v5, v2  }
0x3ab: {  	v6 =	vmul.bf16 v6, v2;
	[tilespmem:s1+$0xFFFFFF00] =	vst v3  }
0x3ac: {  	v2 =	vmul.bf16 v7, v2;
	[tilespmem:s1+$0xFFFFFF10] =	vst v5  }
0x3ad: {  	[tilespmem:s1+$0xFFFFFF20] =	vst v6  }
0x3ae: {  	[tilespmem:s1+$0xFFFFFF30] =	vst v2  }
0x3af: {  	v2 =	vld.idx.msk [tilespmem:v4+s19+$0x0], $0xffff  }
0x3b0: {  	s9 =	simm.s32 $0x2;
	v3 =	vld [tilespmem:s1+$0xFFFFFF60]  }
0x3b1: {  	v5 =	vmov s9;
	v4 =	vld [tilespmem:s1+$0xFFFFFF50]  }
0x3b2: {  	v6 =	vld [tilespmem:s1+$0xFFFFFF40];
	v5 =	vshrl.u32 v5, $0x3  }
0x3b3: {  	v7 =	vld [tilespmem:s1+$0xFFFFFF70];
	v5 =	vshll.u32 v5, v1  }
0x3b4: {  	v5 =	vadd.s32 $0x25D2, v5;
	v2 =	vpack.i.f32.bf16 v2, v2  }
0x3b5: {  	v5 =	vbroadcast v5, $0x0;
	v3 =	vmul.bf16 v3, v2  }
0x3b6: {  	v4 =	vmul.bf16 v4, v2  }
0x3b7: {  	v6 =	vmul.bf16 v6, v2;
	[tilespmem:s1+$0xFFFFFF60] =	vst v3  }
0x3b8: {  	v2 =	vmul.bf16 v7, v2;
	[tilespmem:s1+$0xFFFFFF50] =	vst v4  }
0x3b9: {  	[tilespmem:s1+$0xFFFFFF40] =	vst v6  }
0x3ba: {  	[tilespmem:s1+$0xFFFFFF70] =	vst v2  }
0x3bb: {  	v2 =	vld.idx.msk [tilespmem:v5+s19+$0x0], $0xffff  }
0x3bc: {  	s10 =	simm.s32 $0x3;
	v3 =	vld [tilespmem:s1+$0xFFFFFFB0]  }
0x3bd: {  	v4 =	vld [tilespmem:s1+$0xFFFFFF80];
	v5 =	vmov s10  }
0x3be: {  	v6 =	vld [tilespmem:s1+$0xFFFFFF90];
	v5 =	vshrl.u32 v5, $0x3  }
0x3bf: {  	v7 =	vld [tilespmem:s1+$0xFFFFFFA0];
	v5 =	vshll.u32 v5, v1  }
0x3c0: {  	v5 =	vadd.s32 $0x25D3, v5;
	v2 =	vpack.i.f32.bf16 v2, v2  }
0x3c1: {  	v5 =	vbroadcast v5, $0x0;
	v3 =	vmul.bf16 v3, v2  }
0x3c2: {  	v4 =	vmul.bf16 v4, v2  }
0x3c3: {  	v6 =	vmul.bf16 v6, v2;
	[tilespmem:s1+$0xFFFFFFB0] =	vst v3  }
0x3c4: {  	v2 =	vmul.bf16 v7, v2;
	[tilespmem:s1+$0xFFFFFF80] =	vst v4  }
0x3c5: {  	[tilespmem:s1+$0xFFFFFF90] =	vst v6  }
0x3c6: {  	[tilespmem:s1+$0xFFFFFFA0] =	vst v2  }
0x3c7: {  	v2 =	vld.idx.msk [tilespmem:v5+s19+$0x0], $0xffff  }
0x3c8: {  	s11 =	simm.s32 $0x4;
	v4 =	vld [tilespmem:s1+$0xFFFFFFC0]  }
0x3c9: {  	v6 =	vmov s11;
	v5 =	vld [tilespmem:s1+$0xFFFFFFE0]  }
0x3ca: {  	v3 =	vld [tilespmem:s1+$0xFFFFFFD0];
	v6 =	vshrl.u32 v6, $0x3  }
0x3cb: {  	v7 =	vld [tilespmem:s1+$0xFFFFFFF0];
	v6 =	vshll.u32 v6, v1  }
0x3cc: {  	v6 =	vadd.s32 $0x25D4, v6;
	v2 =	vpack.i.f32.bf16 v2, v2  }
0x3cd: {  	v6 =	vbroadcast v6, $0x0;
	v4 =	vmul.bf16 v4, v2  }
0x3ce: {  	v5 =	vmul.bf16 v5, v2  }
0x3cf: {  	v3 =	vmul.bf16 v3, v2;
	[tilespmem:s1+$0xFFFFFFC0] =	vst v4  }
0x3d0: {  	v2 =	vmul.bf16 v7, v2;
	[tilespmem:s1+$0xFFFFFFE0] =	vst v5  }
0x3d1: {  	[tilespmem:s1+$0xFFFFFFD0] =	vst v3  }
0x3d2: {  	[tilespmem:s1+$0xFFFFFFF0] =	vst v2  }
0x3d3: {  	v2 =	vld.idx.msk [tilespmem:v6+s19+$0x0], $0xffff  }
0x3d4: {  	s12 =	simm.s32 $0x5;
	v5 =	vld [tilespmem:s1+$0x30]  }
0x3d5: {  	v4 =	vld [tilespmem:s1+$0x10];
	v6 =	vmov s12  }
0x3d6: {  	v7 =	vld [tilespmem:s1+$0x20];
	v6 =	vshrl.u32 v6, $0x3  }
0x3d7: {  	v3 =	vld [tilespmem:s1+$0x0];
	v6 =	vshll.u32 v6, v1  }
0x3d8: {  	v6 =	vadd.s32 $0x25D5, v6;
	v2 =	vpack.i.f32.bf16 v2, v2  }
0x3d9: {  	v6 =	vbroadcast v6, $0x0;
	v5 =	vmul.bf16 v5, v2  }
0x3da: {  	v4 =	vmul.bf16 v4, v2  }
0x3db: {  	v7 =	vmul.bf16 v7, v2;
	[tilespmem:s1+$0x30] =	vst v5  }
0x3dc: {  	v2 =	vmul.bf16 v3, v2;
	[tilespmem:s1+$0x10] =	vst v4  }
0x3dd: {  	[tilespmem:s1+$0x20] =	vst v7  }
0x3de: {  	[tilespmem:s1+$0x0] =	vst v2  }
0x3df: {  	v3 =	vld.idx.msk [tilespmem:v6+s19+$0x0], $0xffff  }
0x3e0: {  	v2 =	vld [tilespmem:s1+$0x40];
	_ =	sdelay $0x1  }
0x3e1: {  	s18 =	simm.s32 $0x6;
	v4 =	vld [tilespmem:s1+$0x50]  }
0x3e2: {  	v5 =	vld [tilespmem:s1+$0x60];
	v6 =	vmov s18  }
0x3e3: {  	v7 =	vshrl.u32 v6, $0x3;
	v6 =	vpack.i.f32.bf16 v3, v3  }
0x3e4: {  	v3 =	vmul.bf16 v2, v6;
	v2 =	vld [tilespmem:s1+$0x70]  }
0x3e5: {  	v7 =	vshll.u32 v7, v1  }
0x3e6: {  	v8 =	vadd.s32 $0x25D6, v7;
	v4 =	vmul.bf16 v4, v6  }
0x3e7: {  	s6 =	simm.s32 $0x7;
	s7 =	simm.s32 $0xF;
	s5 =	simm.s32 $0x8A30;
	v7 =	vmul.bf16 v5, v6;
	v5 =	vbroadcast v8, $0x0  }
.LBB2_14:
0x3e8: {  	p0 =	sne.s32 s7, $0x4F  }
0x3e9: {  	v2 =	vmul.bf16 v2, v6;
	s1 =	sadd.s32 $0x200, s1;
	s9 =	smov.u32 s7;
	s7 =	sadd.s32 $0x8, s7  }
0x3ea: {  	[tilespmem:s5+$0x60] =	vst v7  }
0x3eb: {  	[tilespmem:s5+$0x70] =	vst v2  }
0x3ec: {  	[tilespmem:s5+$0x50] =	vst v4  }
0x3ed: {  	[tilespmem:s5+$0x40] =	vst v3;
	v2 =	vld [tilespmem:s5+$0xB0]  }
0x3ee: {  	v3 =	vld.idx.msk [tilespmem:v5+s19+$0x0], $0xffff  }
0x3ef: {  	v4 =	vld [tilespmem:s5+$0x90]  }
0x3f0: {  	v5 =	vld [tilespmem:s5+$0x80]  }
0x3f1: {  	v7 =	vmov s6;
	s6 =	smov.u32 s9;
	v6 =	vld [tilespmem:s5+$0xA0]  }
0x3f2: {  	v7 =	vshrl.u32 v7, $0x3  }
0x3f3: {  	v7 =	vshll.u32 v7, v1  }
0x3f4: {  	v7 =	vadd.s32 $0x25D7, v7;
	v3 =	vpack.i.f32.bf16 v3, v3  }
0x3f5: {  	v7 =	vbroadcast v7, $0x0;
	v2 =	vmul.bf16 v2, v3  }
0x3f6: {  	v5 =	vmul.bf16 v5, v3;
	v6 =	vmul.bf16 v6, v3  }
0x3f7: {  	v3 =	vmul.bf16 v4, v3;
	[tilespmem:s5+$0xB0] =	vst v2  }
0x3f8: {  	[tilespmem:s5+$0xA0] =	vst v6  }
0x3f9: {  	[tilespmem:s5+$0x90] =	vst v3  }
0x3fa: {  	[tilespmem:s5+$0x80] =	vst v5  }
0x3fb: {  	v2 =	vld.idx.msk [tilespmem:v7+s19+$0x0], $0xffff;
	_ =	sdelay $0x1  }
0x3fc: {  	s9 =	sadd.s32 $0xFFFFFFF9, s6;
	v3 =	vld [tilespmem:s5+$0xC0]  }
0x3fd: {  	v4 =	vmov s9;
	v5 =	vld [tilespmem:s5+$0xD0]  }
0x3fe: {  	v4 =	vshrl.u32 v4, $0x3;
	v6 =	vld [tilespmem:s5+$0xE0]  }
0x3ff: {  	v4 =	vshll.u32 v4, v1;
	v7 =	vld [tilespmem:s5+$0xF0]  }
0x400: {  	v4 =	vadd.s32 $0x25D0, v4  }
0x401: {  	v4 =	vbroadcast v4, $0x0  }
0x402: {  	v2 =	vpack.i.f32.bf16 v2, v2  }
0x403: {  	v5 =	vmul.bf16 v5, v2;
	v6 =	vmul.bf16 v6, v2  }
0x404: {  	v3 =	vmul.bf16 v3, v2;
	v2 =	vmul.bf16 v7, v2  }
0x405: {  	[tilespmem:s5+$0xE0] =	vst v6  }
0x406: {  	[tilespmem:s5+$0xC0] =	vst v3  }
0x407: {  	[tilespmem:s5+$0xF0] =	vst v2  }
0x408: {  	v2 =	vld [tilespmem:s1+$0xFFFFFF00];
	[tilespmem:s5+$0xD0] =	vst v5;
	s5 =	smov.u32 s1  }
0x409: {  	s9 =	sadd.s32 $0xFFFFFFFA, s6;
	v3 =	vld.idx.msk [tilespmem:v4+s19+$0x0], $0xffff  }
0x40a: {  	v5 =	vmov s9;
	v4 =	vld [tilespmem:s1+$0xFFFFFF20]  }
0x40b: {  	v5 =	vshrl.u32 v5, $0x3;
	v6 =	vld [tilespmem:s1+$0xFFFFFF10]  }
0x40c: {  	v5 =	vshll.u32 v5, v1  }
0x40d: {  	v5 =	vadd.s32 $0x25D1, v5  }
0x40e: {  	v5 =	vbroadcast v5, $0x0;
	v7 =	vld [tilespmem:s1+$0xFFFFFF30]  }
0x40f: {  	v3 =	vpack.i.f32.bf16 v3, v3  }
0x410: {  	v2 =	vmul.bf16 v2, v3;
	v6 =	vmul.bf16 v6, v3  }
0x411: {  	v4 =	vmul.bf16 v4, v3  }
0x412: {  	[tilespmem:s1+$0xFFFFFF00] =	vst v2  }
0x413: {  	[tilespmem:s1+$0xFFFFFF10] =	vst v6;
	v2 =	vmul.bf16 v7, v3;
	v3 =	vld [tilespmem:s1+$0xFFFFFF70]  }
0x414: {  	[tilespmem:s1+$0xFFFFFF20] =	vst v4  }
0x415: {  	[tilespmem:s1+$0xFFFFFF30] =	vst v2;
	v2 =	vld [tilespmem:s1+$0xFFFFFF50]  }
0x416: {  	s9 =	sadd.s32 $0xFFFFFFFB, s6;
	v4 =	vld.idx.msk [tilespmem:v5+s19+$0x0], $0xffff  }
0x417: {  	v6 =	vmov s9;
	v5 =	vld [tilespmem:s1+$0xFFFFFF60]  }
0x418: {  	v6 =	vshrl.u32 v6, $0x3  }
0x419: {  	v6 =	vshll.u32 v6, v1  }
0x41a: {  	v6 =	vadd.s32 $0x25D2, v6;
	v7 =	vld [tilespmem:s1+$0xFFFFFF40]  }
0x41b: {  	v6 =	vbroadcast v6, $0x0  }
0x41c: {  	v4 =	vpack.i.f32.bf16 v4, v4  }
0x41d: {  	v5 =	vmul.bf16 v5, v4;
	v3 =	vmul.bf16 v3, v4  }
0x41e: {  	v2 =	vmul.bf16 v2, v4  }
0x41f: {  	v4 =	vmul.bf16 v7, v4;
	[tilespmem:s1+$0xFFFFFF60] =	vst v5  }
0x420: {  	[tilespmem:s1+$0xFFFFFF50] =	vst v2;
	v2 =	vld [tilespmem:s1+$0xFFFFFFB0]  }
0x421: {  	[tilespmem:s1+$0xFFFFFF40] =	vst v4  }
0x422: {  	[tilespmem:s1+$0xFFFFFF70] =	vst v3  }
0x423: {  	s9 =	sadd.s32 $0xFFFFFFFC, s6;
	v3 =	vld [tilespmem:s1+$0xFFFFFF80]  }
0x424: {  	v5 =	vmov s9;
	v4 =	vld [tilespmem:s1+$0xFFFFFFA0]  }
0x425: {  	v5 =	vshrl.u32 v5, $0x3;
	v6 =	vld.idx.msk [tilespmem:v6+s19+$0x0], $0xffff  }
0x426: {  	v5 =	vshll.u32 v5, v1  }
0x427: {  	v5 =	vadd.s32 $0x25D3, v5  }
0x428: {  	v5 =	vbroadcast v5, $0x0;
	v7 =	vld [tilespmem:s1+$0xFFFFFF90];
	_ =	sdelay $0x2  }
0x429: {  	v6 =	vpack.i.f32.bf16 v6, v6  }
0x42a: {  	v4 =	vmul.bf16 v4, v6;
	v2 =	vmul.bf16 v2, v6  }
0x42b: {  	v3 =	vmul.bf16 v3, v6;
	v6 =	vmul.bf16 v7, v6;
	v7 =	vld [tilespmem:s1+$0xFFFFFFF0]  }
0x42c: {  	[tilespmem:s1+$0xFFFFFFB0] =	vst v2  }
0x42d: {  	[tilespmem:s1+$0xFFFFFF80] =	vst v3;
	v2 =	vld [tilespmem:s1+$0xFFFFFFD0]  }
0x42e: {  	s9 =	sadd.s32 $0xFFFFFFFD, s6;
	[tilespmem:s1+$0xFFFFFF90] =	vst v6  }
0x42f: {  	[tilespmem:s1+$0xFFFFFFA0] =	vst v4;
	v3 =	vld [tilespmem:s1+$0xFFFFFFE0];
	v4 =	vmov s9  }
0x430: {  	v5 =	vld.idx.msk [tilespmem:v5+s19+$0x0], $0xffff;
	v4 =	vshrl.u32 v4, $0x3  }
0x431: {  	v4 =	vshll.u32 v4, v1  }
0x432: {  	v6 =	vld [tilespmem:s1+$0xFFFFFFC0];
	v4 =	vadd.s32 $0x25D4, v4  }
0x433: {  	v4 =	vbroadcast v4, $0x0;
	_ =	sdelay $0x2  }
0x434: {  	v5 =	vpack.i.f32.bf16 v5, v5  }
0x435: {  	v2 =	vmul.bf16 v2, v5;
	v6 =	vmul.bf16 v6, v5  }
0x436: {  	v3 =	vmul.bf16 v3, v5;
	v5 =	vmul.bf16 v7, v5;
	v7 =	vld [tilespmem:s1+$0x30]  }
0x437: {  	[tilespmem:s1+$0xFFFFFFC0] =	vst v6  }
0x438: {  	[tilespmem:s1+$0xFFFFFFE0] =	vst v3;
	v3 =	vld [tilespmem:s1+$0x10]  }
0x439: {  	[tilespmem:s1+$0xFFFFFFD0] =	vst v2;
	v2 =	vld [tilespmem:s1+$0x0]  }
0x43a: {  	s9 =	sadd.s32 $0xFFFFFFFE, s6;
	[tilespmem:s1+$0xFFFFFFF0] =	vst v5  }
0x43b: {  	v5 =	vmov s9;
	v4 =	vld.idx.msk [tilespmem:v4+s19+$0x0], $0xffff  }
0x43c: {  	v5 =	vshrl.u32 v5, $0x3  }
0x43d: {  	v5 =	vshll.u32 v5, v1  }
0x43e: {  	v5 =	vadd.s32 $0x25D5, v5;
	v6 =	vld [tilespmem:s1+$0x20]  }
0x43f: {  	v5 =	vbroadcast v5, $0x0;
	_ =	sdelay $0x1  }
0x440: {  	v4 =	vpack.i.f32.bf16 v4, v4  }
0x441: {  	v8 =	vmul.bf16 v2, v4;
	v2 =	vmul.bf16 v7, v4  }
0x442: {  	v3 =	vmul.bf16 v3, v4;
	v4 =	vmul.bf16 v6, v4  }
0x443: {  	[tilespmem:s1+$0x30] =	vst v2;
	v2 =	vld [tilespmem:s1+$0x70]  }
0x444: {  	[tilespmem:s1+$0x10] =	vst v3  }
0x445: {  	[tilespmem:s1+$0x20] =	vst v4  }
0x446: {  	[tilespmem:s1+$0x0] =	vst v8;
	v3 =	vld [tilespmem:s1+$0x40]  }
0x447: {  	v7 =	vld [tilespmem:s1+$0x60]  }
0x448: {  	v4 =	vld.idx.msk [tilespmem:v5+s19+$0x0], $0xffff;
	_ =	sdelay $0x1  }
0x449: {  	v5 =	vld [tilespmem:s1+$0x50]  }
0x44a: {  	s9 =	sadd.s32 $0xFFFFFFFF, s6  }
.Ltmp6:
0x44b: {  	v6 =	vmov s9;
	(pc) =	sbr.rel @p0 .LBB2_14-.Ltmp6, $4  }
0x44c: {  	v8 =	vshrl.u32 v6, $0x3  }
0x44d: {  	v8 =	vshll.u32 v8, v1;
	v6 =	vpack.i.f32.bf16 v4, v4  }
0x44e: {  	v3 =	vmul.bf16 v3, v6;
	v4 =	vmul.bf16 v5, v6;
	v5 =	vadd.s32 $0x25D6, v8  }
0x44f: {  	v7 =	vmul.bf16 v7, v6;
	v5 =	vbroadcast v5, $0x0  }
0x450: {  	_ = 	snop  }
0x451: {  	[tilespmem:s5+$0x50] =	vst v4  }
0x452: {  	v2 =	vmul.bf16 v2, v6;
	[tilespmem:s5+$0x40] =	vst v3  }
0x453: {  	[tilespmem:s5+$0x60] =	vst v7  }
0x454: {  	[tilespmem:s5+$0x70] =	vst v2  }
0x455: {  	v2 =	vld.idx.msk [tilespmem:v5+s19+$0x0], $0xffff  }
0x456: {  	v3 =	vld [tilespmem:s5+$0xB0]  }
0x457: {  	v4 =	vld [tilespmem:s5+$0xA0];
	v5 =	vmov s6  }
0x458: {  	v6 =	vld [tilespmem:s5+$0x90];
	v5 =	vshrl.u32 v5, $0x3  }
0x459: {  	v7 =	vld [tilespmem:s5+$0x80];
	v5 =	vshll.u32 v5, v1  }
0x45a: {  	v5 =	vadd.s32 $0x25D7, v5;
	v2 =	vpack.i.f32.bf16 v2, v2  }
0x45b: {  	v5 =	vbroadcast v5, $0x0;
	v3 =	vmul.bf16 v3, v2  }
0x45c: {  	v4 =	vmul.bf16 v4, v2  }
0x45d: {  	v6 =	vmul.bf16 v6, v2;
	[tilespmem:s5+$0xB0] =	vst v3  }
0x45e: {  	v2 =	vmul.bf16 v7, v2;
	[tilespmem:s5+$0xA0] =	vst v4  }
0x45f: {  	[tilespmem:s5+$0x90] =	vst v6  }
0x460: {  	[tilespmem:s5+$0x80] =	vst v2  }
0x461: {  	v2 =	vld.idx.msk [tilespmem:v5+s19+$0x0], $0xffff  }
0x462: {  	v3 =	vld [tilespmem:s5+$0xE0]  }
0x463: {  	v4 =	vld [tilespmem:s5+$0xC0]  }
0x464: {  	v5 =	vld [tilespmem:s5+$0xF0]  }
0x465: {  	v6 =	vld [tilespmem:s5+$0xD0]  }
0x466: {  	v2 =	vpack.i.f32.bf16 v2, v2  }
0x467: {  	v3 =	vmul.bf16 v3, v2  }
0x468: {  	v4 =	vmul.bf16 v4, v2  }
0x469: {  	v5 =	vmul.bf16 v5, v2;
	[tilespmem:s5+$0xE0] =	vst v3  }
0x46a: {  	s1 =	simm.s32 $0x0;
	v2 =	vmul.bf16 v6, v2;
	[tilespmem:s5+$0xC0] =	vst v4  }
0x46b: {  	[tilespmem:s5+$0xF0] =	vst v5;
	v3 =	vmov s1  }
0x46c: {  	[tilespmem:s5+$0xD0] =	vst v2;
	s5 =	simm.s32 $0x4CE0;
	v2 =	vshrl.u32 v3, $0x3  }
0x46d: {  	[spmem:s2] =	stream.indirect.scatter.add.bf16 [tilespmem:s22], [sflag:$0x5], $0x40, s5, s21, $0xb8;
	v2 =	vshll.u32 v2, v1;
	[tilespmem:$0x14D70] =	vst v63  }
0x46e: {  	_ =	swait.ge [sflag:s29], $0x1400;
	v2 =	vadd.s32 $0x2620, v2  }
0x46f: {  	[sflag:s29] =	ssyncset.done $0x0;
	v2 =	vbroadcast v2, $0x0  }
0x470: {  	s6 =	simm.s32 $0x2670;
	[sflag:s29] =	ssyncadd.s32 $0xFFFFEC00  }
0x471: {  	[tilespmem:s20], [sflag:$0x1] =	stream.indirect.gather [hbm4b:s4+s21], $0x40, s6, s21, $0xb8;
	[tilespmem:$0x14D70] =	vst v63  }
0x472: {  	_ =	swait.ge [sflag:s30], $0x1400  }
0x473: {  	[sflag:s30] =	ssyncset.done $0x0  }
0x474: {  	[sflag:s30] =	ssyncadd.s32 $0xFFFFEC00  }
0x475: {  	s1 =	simm.s32 $0x9E30;
	v2 =	vld.idx.msk [tilespmem:v2+s19+$0x0], $0xffff  }
0x476: {  	s7 =	simm.s32 $0x1;
	v3 =	vld [tilespmem:s1+$0xFFFFFF00]  }
0x477: {  	v4 =	vmov s7;
	v5 =	vld [tilespmem:s1+$0xFFFFFF10]  }
0x478: {  	v4 =	vshrl.u32 v4, $0x3;
	v6 =	vld [tilespmem:s1+$0xFFFFFF20]  }
0x479: {  	v4 =	vshll.u32 v4, v1;
	v7 =	vld [tilespmem:s1+$0xFFFFFF30]  }
0x47a: {  	v4 =	vadd.s32 $0x2621, v4;
	v2 =	vpack.i.f32.bf16 v2, v2  }
0x47b: {  	v4 =	vbroadcast v4, $0x0;
	v3 =	vmul.bf16 v3, v2  }
0x47c: {  	v5 =	vmul.bf16 v5, v2  }
0x47d: {  	v6 =	vmul.bf16 v6, v2;
	[tilespmem:s1+$0xFFFFFF00] =	vst v3  }
0x47e: {  	v2 =	vmul.bf16 v7, v2;
	[tilespmem:s1+$0xFFFFFF10] =	vst v5  }
0x47f: {  	[tilespmem:s1+$0xFFFFFF20] =	vst v6  }
0x480: {  	[tilespmem:s1+$0xFFFFFF30] =	vst v2  }
0x481: {  	v2 =	vld.idx.msk [tilespmem:v4+s19+$0x0], $0xffff  }
0x482: {  	s9 =	simm.s32 $0x2;
	v3 =	vld [tilespmem:s1+$0xFFFFFF60]  }
0x483: {  	v5 =	vmov s9;
	v4 =	vld [tilespmem:s1+$0xFFFFFF50]  }
0x484: {  	v6 =	vld [tilespmem:s1+$0xFFFFFF40];
	v5 =	vshrl.u32 v5, $0x3  }
0x485: {  	v7 =	vld [tilespmem:s1+$0xFFFFFF70];
	v5 =	vshll.u32 v5, v1  }
0x486: {  	v5 =	vadd.s32 $0x2622, v5;
	v2 =	vpack.i.f32.bf16 v2, v2  }
0x487: {  	v5 =	vbroadcast v5, $0x0;
	v3 =	vmul.bf16 v3, v2  }
0x488: {  	v4 =	vmul.bf16 v4, v2  }
0x489: {  	v6 =	vmul.bf16 v6, v2;
	[tilespmem:s1+$0xFFFFFF60] =	vst v3  }
0x48a: {  	v2 =	vmul.bf16 v7, v2;
	[tilespmem:s1+$0xFFFFFF50] =	vst v4  }
0x48b: {  	[tilespmem:s1+$0xFFFFFF40] =	vst v6  }
0x48c: {  	[tilespmem:s1+$0xFFFFFF70] =	vst v2  }
0x48d: {  	v2 =	vld.idx.msk [tilespmem:v5+s19+$0x0], $0xffff  }
0x48e: {  	s10 =	simm.s32 $0x3;
	v3 =	vld [tilespmem:s1+$0xFFFFFFB0]  }
0x48f: {  	v4 =	vld [tilespmem:s1+$0xFFFFFF80];
	v5 =	vmov s10  }
0x490: {  	v6 =	vld [tilespmem:s1+$0xFFFFFF90];
	v5 =	vshrl.u32 v5, $0x3  }
0x491: {  	v7 =	vld [tilespmem:s1+$0xFFFFFFA0];
	v5 =	vshll.u32 v5, v1  }
0x492: {  	v5 =	vadd.s32 $0x2623, v5;
	v2 =	vpack.i.f32.bf16 v2, v2  }
0x493: {  	v5 =	vbroadcast v5, $0x0;
	v3 =	vmul.bf16 v3, v2  }
0x494: {  	v4 =	vmul.bf16 v4, v2  }
0x495: {  	v6 =	vmul.bf16 v6, v2;
	[tilespmem:s1+$0xFFFFFFB0] =	vst v3  }
0x496: {  	v2 =	vmul.bf16 v7, v2;
	[tilespmem:s1+$0xFFFFFF80] =	vst v4  }
0x497: {  	[tilespmem:s1+$0xFFFFFF90] =	vst v6  }
0x498: {  	[tilespmem:s1+$0xFFFFFFA0] =	vst v2  }
0x499: {  	v2 =	vld.idx.msk [tilespmem:v5+s19+$0x0], $0xffff  }
0x49a: {  	s11 =	simm.s32 $0x4;
	v4 =	vld [tilespmem:s1+$0xFFFFFFC0]  }
0x49b: {  	v6 =	vmov s11;
	v5 =	vld [tilespmem:s1+$0xFFFFFFE0]  }
0x49c: {  	v3 =	vld [tilespmem:s1+$0xFFFFFFD0];
	v6 =	vshrl.u32 v6, $0x3  }
0x49d: {  	v7 =	vld [tilespmem:s1+$0xFFFFFFF0];
	v6 =	vshll.u32 v6, v1  }
0x49e: {  	v6 =	vadd.s32 $0x2624, v6;
	v2 =	vpack.i.f32.bf16 v2, v2  }
0x49f: {  	v6 =	vbroadcast v6, $0x0;
	v4 =	vmul.bf16 v4, v2  }
0x4a0: {  	v5 =	vmul.bf16 v5, v2  }
0x4a1: {  	v3 =	vmul.bf16 v3, v2;
	[tilespmem:s1+$0xFFFFFFC0] =	vst v4  }
0x4a2: {  	v2 =	vmul.bf16 v7, v2;
	[tilespmem:s1+$0xFFFFFFE0] =	vst v5  }
0x4a3: {  	[tilespmem:s1+$0xFFFFFFD0] =	vst v3  }
0x4a4: {  	[tilespmem:s1+$0xFFFFFFF0] =	vst v2  }
0x4a5: {  	v2 =	vld.idx.msk [tilespmem:v6+s19+$0x0], $0xffff  }
0x4a6: {  	s12 =	simm.s32 $0x5;
	v5 =	vld [tilespmem:s1+$0x30]  }
0x4a7: {  	v4 =	vld [tilespmem:s1+$0x10];
	v6 =	vmov s12  }
0x4a8: {  	v7 =	vld [tilespmem:s1+$0x20];
	v6 =	vshrl.u32 v6, $0x3  }
0x4a9: {  	v3 =	vld [tilespmem:s1+$0x0];
	v6 =	vshll.u32 v6, v1  }
0x4aa: {  	v6 =	vadd.s32 $0x2625, v6;
	v2 =	vpack.i.f32.bf16 v2, v2  }
0x4ab: {  	v6 =	vbroadcast v6, $0x0;
	v5 =	vmul.bf16 v5, v2  }
0x4ac: {  	v4 =	vmul.bf16 v4, v2  }
0x4ad: {  	v7 =	vmul.bf16 v7, v2;
	[tilespmem:s1+$0x30] =	vst v5  }
0x4ae: {  	v2 =	vmul.bf16 v3, v2;
	[tilespmem:s1+$0x10] =	vst v4  }
0x4af: {  	[tilespmem:s1+$0x20] =	vst v7  }
0x4b0: {  	[tilespmem:s1+$0x0] =	vst v2  }
0x4b1: {  	v3 =	vld.idx.msk [tilespmem:v6+s19+$0x0], $0xffff  }
0x4b2: {  	v2 =	vld [tilespmem:s1+$0x40];
	_ =	sdelay $0x1  }
0x4b3: {  	s18 =	simm.s32 $0x6;
	v4 =	vld [tilespmem:s1+$0x50]  }
0x4b4: {  	v5 =	vld [tilespmem:s1+$0x60];
	v6 =	vmov s18  }
0x4b5: {  	v7 =	vshrl.u32 v6, $0x3;
	v6 =	vpack.i.f32.bf16 v3, v3  }
0x4b6: {  	v3 =	vmul.bf16 v2, v6;
	v2 =	vld [tilespmem:s1+$0x70]  }
0x4b7: {  	v7 =	vshll.u32 v7, v1  }
0x4b8: {  	s7 =	simm.s32 $0xF;
	v8 =	vadd.s32 $0x2626, v7;
	v4 =	vmul.bf16 v4, v6  }
0x4b9: {  	s5 =	simm.s32 $0x9E30;
	s6 =	simm.s32 $0x7;
	s10 =	simm.s32 $0x2710;
	v7 =	vmul.bf16 v5, v6;
	v5 =	vbroadcast v8, $0x0  }
.LBB2_16:
0x4ba: {  	p0 =	sne.s32 s7, $0x4F  }
0x4bb: {  	v2 =	vmul.bf16 v2, v6;
	s1 =	sadd.s32 $0x200, s1;
	s9 =	smov.u32 s7;
	s7 =	sadd.s32 $0x8, s7  }
0x4bc: {  	[tilespmem:s5+$0x60] =	vst v7  }
0x4bd: {  	[tilespmem:s5+$0x70] =	vst v2  }
0x4be: {  	[tilespmem:s5+$0x50] =	vst v4  }
0x4bf: {  	[tilespmem:s5+$0x40] =	vst v3;
	v2 =	vld [tilespmem:s5+$0xB0]  }
0x4c0: {  	v3 =	vld.idx.msk [tilespmem:v5+s19+$0x0], $0xffff  }
0x4c1: {  	v4 =	vld [tilespmem:s5+$0x90]  }
0x4c2: {  	v5 =	vld [tilespmem:s5+$0x80]  }
0x4c3: {  	v7 =	vmov s6;
	s6 =	smov.u32 s9;
	v6 =	vld [tilespmem:s5+$0xA0]  }
0x4c4: {  	v7 =	vshrl.u32 v7, $0x3  }
0x4c5: {  	v7 =	vshll.u32 v7, v1  }
0x4c6: {  	v7 =	vadd.s32 $0x2627, v7;
	v3 =	vpack.i.f32.bf16 v3, v3  }
0x4c7: {  	v7 =	vbroadcast v7, $0x0;
	v2 =	vmul.bf16 v2, v3  }
0x4c8: {  	v5 =	vmul.bf16 v5, v3;
	v6 =	vmul.bf16 v6, v3  }
0x4c9: {  	v3 =	vmul.bf16 v4, v3;
	[tilespmem:s5+$0xB0] =	vst v2  }
0x4ca: {  	[tilespmem:s5+$0xA0] =	vst v6  }
0x4cb: {  	[tilespmem:s5+$0x90] =	vst v3  }
0x4cc: {  	[tilespmem:s5+$0x80] =	vst v5  }
0x4cd: {  	v2 =	vld.idx.msk [tilespmem:v7+s19+$0x0], $0xffff;
	_ =	sdelay $0x1  }
0x4ce: {  	s9 =	sadd.s32 $0xFFFFFFF9, s6;
	v3 =	vld [tilespmem:s5+$0xC0]  }
0x4cf: {  	v4 =	vmov s9;
	v5 =	vld [tilespmem:s5+$0xD0]  }
0x4d0: {  	v4 =	vshrl.u32 v4, $0x3;
	v6 =	vld [tilespmem:s5+$0xE0]  }
0x4d1: {  	v4 =	vshll.u32 v4, v1;
	v7 =	vld [tilespmem:s5+$0xF0]  }
0x4d2: {  	v4 =	vadd.s32 $0x2620, v4  }
0x4d3: {  	v4 =	vbroadcast v4, $0x0  }
0x4d4: {  	v2 =	vpack.i.f32.bf16 v2, v2  }
0x4d5: {  	v5 =	vmul.bf16 v5, v2;
	v6 =	vmul.bf16 v6, v2  }
0x4d6: {  	v3 =	vmul.bf16 v3, v2;
	v2 =	vmul.bf16 v7, v2  }
0x4d7: {  	[tilespmem:s5+$0xE0] =	vst v6  }
0x4d8: {  	[tilespmem:s5+$0xC0] =	vst v3  }
0x4d9: {  	[tilespmem:s5+$0xF0] =	vst v2  }
0x4da: {  	v2 =	vld [tilespmem:s1+$0xFFFFFF00];
	[tilespmem:s5+$0xD0] =	vst v5;
	s5 =	smov.u32 s1  }
0x4db: {  	s9 =	sadd.s32 $0xFFFFFFFA, s6;
	v3 =	vld.idx.msk [tilespmem:v4+s19+$0x0], $0xffff  }
0x4dc: {  	v5 =	vmov s9;
	v4 =	vld [tilespmem:s1+$0xFFFFFF20]  }
0x4dd: {  	v5 =	vshrl.u32 v5, $0x3;
	v6 =	vld [tilespmem:s1+$0xFFFFFF10]  }
0x4de: {  	v5 =	vshll.u32 v5, v1  }
0x4df: {  	v5 =	vadd.s32 $0x2621, v5  }
0x4e0: {  	v5 =	vbroadcast v5, $0x0;
	v7 =	vld [tilespmem:s1+$0xFFFFFF30]  }
0x4e1: {  	v3 =	vpack.i.f32.bf16 v3, v3  }
0x4e2: {  	v2 =	vmul.bf16 v2, v3;
	v6 =	vmul.bf16 v6, v3  }
0x4e3: {  	v4 =	vmul.bf16 v4, v3  }
0x4e4: {  	[tilespmem:s1+$0xFFFFFF00] =	vst v2  }
0x4e5: {  	[tilespmem:s1+$0xFFFFFF10] =	vst v6;
	v2 =	vmul.bf16 v7, v3;
	v3 =	vld [tilespmem:s1+$0xFFFFFF70]  }
0x4e6: {  	[tilespmem:s1+$0xFFFFFF20] =	vst v4  }
0x4e7: {  	[tilespmem:s1+$0xFFFFFF30] =	vst v2;
	v2 =	vld [tilespmem:s1+$0xFFFFFF50]  }
0x4e8: {  	s9 =	sadd.s32 $0xFFFFFFFB, s6;
	v4 =	vld.idx.msk [tilespmem:v5+s19+$0x0], $0xffff  }
0x4e9: {  	v6 =	vmov s9;
	v5 =	vld [tilespmem:s1+$0xFFFFFF60]  }
0x4ea: {  	v6 =	vshrl.u32 v6, $0x3  }
0x4eb: {  	v6 =	vshll.u32 v6, v1  }
0x4ec: {  	v6 =	vadd.s32 $0x2622, v6;
	v7 =	vld [tilespmem:s1+$0xFFFFFF40]  }
0x4ed: {  	v6 =	vbroadcast v6, $0x0  }
0x4ee: {  	v4 =	vpack.i.f32.bf16 v4, v4  }
0x4ef: {  	v5 =	vmul.bf16 v5, v4;
	v3 =	vmul.bf16 v3, v4  }
0x4f0: {  	v2 =	vmul.bf16 v2, v4  }
0x4f1: {  	v4 =	vmul.bf16 v7, v4;
	[tilespmem:s1+$0xFFFFFF60] =	vst v5  }
0x4f2: {  	[tilespmem:s1+$0xFFFFFF50] =	vst v2;
	v2 =	vld [tilespmem:s1+$0xFFFFFFB0]  }
0x4f3: {  	[tilespmem:s1+$0xFFFFFF40] =	vst v4  }
0x4f4: {  	[tilespmem:s1+$0xFFFFFF70] =	vst v3  }
0x4f5: {  	s9 =	sadd.s32 $0xFFFFFFFC, s6;
	v3 =	vld [tilespmem:s1+$0xFFFFFF80]  }
0x4f6: {  	v5 =	vmov s9;
	v4 =	vld [tilespmem:s1+$0xFFFFFFA0]  }
0x4f7: {  	v5 =	vshrl.u32 v5, $0x3;
	v6 =	vld.idx.msk [tilespmem:v6+s19+$0x0], $0xffff  }
0x4f8: {  	v5 =	vshll.u32 v5, v1  }
0x4f9: {  	v5 =	vadd.s32 $0x2623, v5  }
0x4fa: {  	v5 =	vbroadcast v5, $0x0;
	v7 =	vld [tilespmem:s1+$0xFFFFFF90];
	_ =	sdelay $0x2  }
0x4fb: {  	v6 =	vpack.i.f32.bf16 v6, v6  }
0x4fc: {  	v4 =	vmul.bf16 v4, v6;
	v2 =	vmul.bf16 v2, v6  }
0x4fd: {  	v3 =	vmul.bf16 v3, v6;
	v6 =	vmul.bf16 v7, v6;
	v7 =	vld [tilespmem:s1+$0xFFFFFFF0]  }
0x4fe: {  	[tilespmem:s1+$0xFFFFFFB0] =	vst v2  }
0x4ff: {  	[tilespmem:s1+$0xFFFFFF80] =	vst v3;
	v2 =	vld [tilespmem:s1+$0xFFFFFFD0]  }
0x500: {  	s9 =	sadd.s32 $0xFFFFFFFD, s6;
	[tilespmem:s1+$0xFFFFFF90] =	vst v6  }
0x501: {  	[tilespmem:s1+$0xFFFFFFA0] =	vst v4;
	v3 =	vld [tilespmem:s1+$0xFFFFFFE0];
	v4 =	vmov s9  }
0x502: {  	v5 =	vld.idx.msk [tilespmem:v5+s19+$0x0], $0xffff;
	v4 =	vshrl.u32 v4, $0x3  }
0x503: {  	v4 =	vshll.u32 v4, v1  }
0x504: {  	v6 =	vld [tilespmem:s1+$0xFFFFFFC0];
	v4 =	vadd.s32 $0x2624, v4  }
0x505: {  	v4 =	vbroadcast v4, $0x0;
	_ =	sdelay $0x2  }
0x506: {  	v5 =	vpack.i.f32.bf16 v5, v5  }
0x507: {  	v2 =	vmul.bf16 v2, v5;
	v6 =	vmul.bf16 v6, v5  }
0x508: {  	v3 =	vmul.bf16 v3, v5;
	v5 =	vmul.bf16 v7, v5;
	v7 =	vld [tilespmem:s1+$0x30]  }
0x509: {  	[tilespmem:s1+$0xFFFFFFC0] =	vst v6  }
0x50a: {  	[tilespmem:s1+$0xFFFFFFE0] =	vst v3;
	v3 =	vld [tilespmem:s1+$0x10]  }
0x50b: {  	[tilespmem:s1+$0xFFFFFFD0] =	vst v2;
	v2 =	vld [tilespmem:s1+$0x0]  }
0x50c: {  	s9 =	sadd.s32 $0xFFFFFFFE, s6;
	[tilespmem:s1+$0xFFFFFFF0] =	vst v5  }
0x50d: {  	v5 =	vmov s9;
	v4 =	vld.idx.msk [tilespmem:v4+s19+$0x0], $0xffff  }
0x50e: {  	v5 =	vshrl.u32 v5, $0x3  }
0x50f: {  	v5 =	vshll.u32 v5, v1  }
0x510: {  	v5 =	vadd.s32 $0x2625, v5;
	v6 =	vld [tilespmem:s1+$0x20]  }
0x511: {  	v5 =	vbroadcast v5, $0x0;
	_ =	sdelay $0x1  }
0x512: {  	v4 =	vpack.i.f32.bf16 v4, v4  }
0x513: {  	v8 =	vmul.bf16 v2, v4;
	v2 =	vmul.bf16 v7, v4  }
0x514: {  	v3 =	vmul.bf16 v3, v4;
	v4 =	vmul.bf16 v6, v4  }
0x515: {  	[tilespmem:s1+$0x30] =	vst v2;
	v2 =	vld [tilespmem:s1+$0x70]  }
0x516: {  	[tilespmem:s1+$0x10] =	vst v3  }
0x517: {  	[tilespmem:s1+$0x20] =	vst v4  }
0x518: {  	[tilespmem:s1+$0x0] =	vst v8;
	v3 =	vld [tilespmem:s1+$0x40]  }
0x519: {  	v7 =	vld [tilespmem:s1+$0x60]  }
0x51a: {  	v4 =	vld.idx.msk [tilespmem:v5+s19+$0x0], $0xffff;
	_ =	sdelay $0x1  }
0x51b: {  	v5 =	vld [tilespmem:s1+$0x50]  }
0x51c: {  	s9 =	sadd.s32 $0xFFFFFFFF, s6  }
.Ltmp7:
0x51d: {  	v6 =	vmov s9;
	(pc) =	sbr.rel @p0 .LBB2_16-.Ltmp7, $4  }
0x51e: {  	v8 =	vshrl.u32 v6, $0x3  }
0x51f: {  	v8 =	vshll.u32 v8, v1;
	v6 =	vpack.i.f32.bf16 v4, v4  }
0x520: {  	v3 =	vmul.bf16 v3, v6;
	v4 =	vmul.bf16 v5, v6;
	v5 =	vadd.s32 $0x2626, v8  }
0x521: {  	v7 =	vmul.bf16 v7, v6;
	v5 =	vbroadcast v5, $0x0  }
0x522: {  	_ = 	snop  }
0x523: {  	[tilespmem:s5+$0x50] =	vst v4  }
0x524: {  	v2 =	vmul.bf16 v2, v6;
	[tilespmem:s5+$0x40] =	vst v3  }
0x525: {  	[tilespmem:s5+$0x60] =	vst v7  }
0x526: {  	[tilespmem:s5+$0x70] =	vst v2  }
0x527: {  	v2 =	vld.idx.msk [tilespmem:v5+s19+$0x0], $0xffff  }
0x528: {  	v3 =	vld [tilespmem:s5+$0xB0]  }
0x529: {  	v4 =	vld [tilespmem:s5+$0xA0];
	v5 =	vmov s6  }
0x52a: {  	v6 =	vld [tilespmem:s5+$0x90];
	v5 =	vshrl.u32 v5, $0x3  }
0x52b: {  	v7 =	vld [tilespmem:s5+$0x80];
	v5 =	vshll.u32 v5, v1  }
0x52c: {  	v5 =	vadd.s32 $0x2627, v5;
	v2 =	vpack.i.f32.bf16 v2, v2  }
0x52d: {  	v5 =	vbroadcast v5, $0x0;
	v3 =	vmul.bf16 v3, v2  }
0x52e: {  	v4 =	vmul.bf16 v4, v2  }
0x52f: {  	v6 =	vmul.bf16 v6, v2;
	[tilespmem:s5+$0xB0] =	vst v3  }
0x530: {  	v2 =	vmul.bf16 v7, v2;
	[tilespmem:s5+$0xA0] =	vst v4  }
0x531: {  	[tilespmem:s5+$0x90] =	vst v6  }
0x532: {  	[tilespmem:s5+$0x80] =	vst v2  }
0x533: {  	v2 =	vld.idx.msk [tilespmem:v5+s19+$0x0], $0xffff  }
0x534: {  	v3 =	vld [tilespmem:s5+$0xE0]  }
0x535: {  	v4 =	vld [tilespmem:s5+$0xC0]  }
0x536: {  	v5 =	vld [tilespmem:s5+$0xF0]  }
0x537: {  	v6 =	vld [tilespmem:s5+$0xD0]  }
0x538: {  	v2 =	vpack.i.f32.bf16 v2, v2  }
0x539: {  	v3 =	vmul.bf16 v3, v2  }
0x53a: {  	v4 =	vmul.bf16 v4, v2  }
0x53b: {  	v5 =	vmul.bf16 v5, v2;
	[tilespmem:s5+$0xE0] =	vst v3  }
0x53c: {  	s1 =	simm.s32 $0x0;
	v2 =	vmul.bf16 v6, v2;
	[tilespmem:s5+$0xC0] =	vst v4  }
0x53d: {  	[tilespmem:s5+$0xF0] =	vst v5;
	v3 =	vmov s1  }
0x53e: {  	s18 =	simm.s32 $0x4D30;
	[tilespmem:s5+$0xD0] =	vst v2;
	v2 =	vshrl.u32 v3, $0x3  }
0x53f: {  	[spmem:s2] =	stream.indirect.scatter.add.bf16 [tilespmem:s26], [sflag:$0x6], $0x40, s18, s21, $0xb8;
	v2 =	vshll.u32 v2, v1;
	[tilespmem:$0x14D70] =	vst v63  }
0x540: {  	_ =	swait.ge [sflag:s31], $0x1400;
	v2 =	vadd.s32 $0x2670, v2  }
0x541: {  	[sflag:s31] =	ssyncset.done $0x0;
	v2 =	vbroadcast v2, $0x0  }
0x542: {  	s5 =	simm.s32 $0x26C0;
	[sflag:s31] =	ssyncadd.s32 $0xFFFFEC00  }
0x543: {  	[tilespmem:s22], [sflag:$0x2] =	stream.indirect.gather [hbm4b:s4+s21], $0x40, s5, s21, $0xb8;
	[tilespmem:$0x14D70] =	vst v63  }
0x544: {  	_ =	swait.ge [sflag:s23], $0x1400  }
0x545: {  	[sflag:s23] =	ssyncset.done $0x0  }
0x546: {  	[sflag:s23] =	ssyncadd.s32 $0xFFFFEC00  }
0x547: {  	s1 =	simm.s32 $0x7630;
	v2 =	vld.idx.msk [tilespmem:v2+s19+$0x0], $0xffff  }
0x548: {  	s6 =	simm.s32 $0x1;
	v3 =	vld [tilespmem:s1+$0xFFFFFF00]  }
0x549: {  	v4 =	vmov s6;
	v5 =	vld [tilespmem:s1+$0xFFFFFF10]  }
0x54a: {  	v4 =	vshrl.u32 v4, $0x3;
	v6 =	vld [tilespmem:s1+$0xFFFFFF20]  }
0x54b: {  	v4 =	vshll.u32 v4, v1;
	v7 =	vld [tilespmem:s1+$0xFFFFFF30]  }
0x54c: {  	v4 =	vadd.s32 $0x2671, v4;
	v2 =	vpack.i.f32.bf16 v2, v2  }
0x54d: {  	v4 =	vbroadcast v4, $0x0;
	v3 =	vmul.bf16 v3, v2  }
0x54e: {  	v5 =	vmul.bf16 v5, v2  }
0x54f: {  	v6 =	vmul.bf16 v6, v2;
	[tilespmem:s1+$0xFFFFFF00] =	vst v3  }
0x550: {  	v2 =	vmul.bf16 v7, v2;
	[tilespmem:s1+$0xFFFFFF10] =	vst v5  }
0x551: {  	[tilespmem:s1+$0xFFFFFF20] =	vst v6  }
0x552: {  	[tilespmem:s1+$0xFFFFFF30] =	vst v2  }
0x553: {  	v2 =	vld.idx.msk [tilespmem:v4+s19+$0x0], $0xffff  }
0x554: {  	s7 =	simm.s32 $0x2;
	v3 =	vld [tilespmem:s1+$0xFFFFFF60]  }
0x555: {  	v5 =	vmov s7;
	v4 =	vld [tilespmem:s1+$0xFFFFFF50]  }
0x556: {  	v6 =	vld [tilespmem:s1+$0xFFFFFF40];
	v5 =	vshrl.u32 v5, $0x3  }
0x557: {  	v7 =	vld [tilespmem:s1+$0xFFFFFF70];
	v5 =	vshll.u32 v5, v1  }
0x558: {  	v5 =	vadd.s32 $0x2672, v5;
	v2 =	vpack.i.f32.bf16 v2, v2  }
0x559: {  	v5 =	vbroadcast v5, $0x0;
	v3 =	vmul.bf16 v3, v2  }
0x55a: {  	v4 =	vmul.bf16 v4, v2  }
0x55b: {  	v6 =	vmul.bf16 v6, v2;
	[tilespmem:s1+$0xFFFFFF60] =	vst v3  }
0x55c: {  	v2 =	vmul.bf16 v7, v2;
	[tilespmem:s1+$0xFFFFFF50] =	vst v4  }
0x55d: {  	[tilespmem:s1+$0xFFFFFF40] =	vst v6  }
0x55e: {  	[tilespmem:s1+$0xFFFFFF70] =	vst v2  }
0x55f: {  	v2 =	vld.idx.msk [tilespmem:v5+s19+$0x0], $0xffff  }
0x560: {  	s9 =	simm.s32 $0x3;
	v3 =	vld [tilespmem:s1+$0xFFFFFFB0]  }
0x561: {  	v4 =	vld [tilespmem:s1+$0xFFFFFF80];
	v5 =	vmov s9  }
0x562: {  	v6 =	vld [tilespmem:s1+$0xFFFFFF90];
	v5 =	vshrl.u32 v5, $0x3  }
0x563: {  	v7 =	vld [tilespmem:s1+$0xFFFFFFA0];
	v5 =	vshll.u32 v5, v1  }
0x564: {  	v5 =	vadd.s32 $0x2673, v5;
	v2 =	vpack.i.f32.bf16 v2, v2  }
0x565: {  	v5 =	vbroadcast v5, $0x0;
	v3 =	vmul.bf16 v3, v2  }
0x566: {  	v4 =	vmul.bf16 v4, v2  }
0x567: {  	v6 =	vmul.bf16 v6, v2;
	[tilespmem:s1+$0xFFFFFFB0] =	vst v3  }
0x568: {  	v2 =	vmul.bf16 v7, v2;
	[tilespmem:s1+$0xFFFFFF80] =	vst v4  }
0x569: {  	[tilespmem:s1+$0xFFFFFF90] =	vst v6  }
0x56a: {  	[tilespmem:s1+$0xFFFFFFA0] =	vst v2  }
0x56b: {  	v2 =	vld.idx.msk [tilespmem:v5+s19+$0x0], $0xffff  }
0x56c: {  	s11 =	simm.s32 $0x4;
	v4 =	vld [tilespmem:s1+$0xFFFFFFC0]  }
0x56d: {  	v6 =	vmov s11;
	v5 =	vld [tilespmem:s1+$0xFFFFFFE0]  }
0x56e: {  	v3 =	vld [tilespmem:s1+$0xFFFFFFD0];
	v6 =	vshrl.u32 v6, $0x3  }
0x56f: {  	v7 =	vld [tilespmem:s1+$0xFFFFFFF0];
	v6 =	vshll.u32 v6, v1  }
0x570: {  	v6 =	vadd.s32 $0x2674, v6;
	v2 =	vpack.i.f32.bf16 v2, v2  }
0x571: {  	v6 =	vbroadcast v6, $0x0;
	v4 =	vmul.bf16 v4, v2  }
0x572: {  	v5 =	vmul.bf16 v5, v2  }
0x573: {  	v3 =	vmul.bf16 v3, v2;
	[tilespmem:s1+$0xFFFFFFC0] =	vst v4  }
0x574: {  	v2 =	vmul.bf16 v7, v2;
	[tilespmem:s1+$0xFFFFFFE0] =	vst v5  }
0x575: {  	[tilespmem:s1+$0xFFFFFFD0] =	vst v3  }
0x576: {  	[tilespmem:s1+$0xFFFFFFF0] =	vst v2  }
0x577: {  	v2 =	vld.idx.msk [tilespmem:v6+s19+$0x0], $0xffff  }
0x578: {  	s12 =	simm.s32 $0x5;
	v5 =	vld [tilespmem:s1+$0x30]  }
0x579: {  	v4 =	vld [tilespmem:s1+$0x10];
	v6 =	vmov s12  }
0x57a: {  	v7 =	vld [tilespmem:s1+$0x20];
	v6 =	vshrl.u32 v6, $0x3  }
0x57b: {  	v3 =	vld [tilespmem:s1+$0x0];
	v6 =	vshll.u32 v6, v1  }
0x57c: {  	v6 =	vadd.s32 $0x2675, v6;
	v2 =	vpack.i.f32.bf16 v2, v2  }
0x57d: {  	v6 =	vbroadcast v6, $0x0;
	v5 =	vmul.bf16 v5, v2  }
0x57e: {  	v4 =	vmul.bf16 v4, v2  }
0x57f: {  	v7 =	vmul.bf16 v7, v2;
	[tilespmem:s1+$0x30] =	vst v5  }
0x580: {  	v2 =	vmul.bf16 v3, v2;
	[tilespmem:s1+$0x10] =	vst v4  }
0x581: {  	[tilespmem:s1+$0x20] =	vst v7  }
0x582: {  	[tilespmem:s1+$0x0] =	vst v2  }
0x583: {  	v3 =	vld.idx.msk [tilespmem:v6+s19+$0x0], $0xffff  }
0x584: {  	v2 =	vld [tilespmem:s1+$0x40];
	_ =	sdelay $0x1  }
0x585: {  	s18 =	simm.s32 $0x6;
	v4 =	vld [tilespmem:s1+$0x50]  }
0x586: {  	v5 =	vld [tilespmem:s1+$0x60];
	v6 =	vmov s18  }
0x587: {  	v7 =	vshrl.u32 v6, $0x3;
	v6 =	vpack.i.f32.bf16 v3, v3  }
0x588: {  	v3 =	vmul.bf16 v2, v6;
	v2 =	vld [tilespmem:s1+$0x70]  }
0x589: {  	v7 =	vshll.u32 v7, v1  }
0x58a: {  	v8 =	vadd.s32 $0x2676, v7;
	v4 =	vmul.bf16 v4, v6  }
0x58b: {  	s6 =	simm.s32 $0x7;
	s5 =	simm.s32 $0x7630;
	s7 =	simm.s32 $0xF;
	v7 =	vmul.bf16 v5, v6;
	v5 =	vbroadcast v8, $0x0  }
.LBB2_18:
0x58c: {  	p0 =	sne.s32 s7, $0x4F  }
0x58d: {  	v2 =	vmul.bf16 v2, v6;
	s1 =	sadd.s32 $0x200, s1;
	s9 =	smov.u32 s7;
	s7 =	sadd.s32 $0x8, s7  }
0x58e: {  	[tilespmem:s5+$0x60] =	vst v7  }
0x58f: {  	[tilespmem:s5+$0x70] =	vst v2  }
0x590: {  	[tilespmem:s5+$0x50] =	vst v4  }
0x591: {  	[tilespmem:s5+$0x40] =	vst v3;
	v2 =	vld [tilespmem:s5+$0xB0]  }
0x592: {  	v3 =	vld.idx.msk [tilespmem:v5+s19+$0x0], $0xffff  }
0x593: {  	v4 =	vld [tilespmem:s5+$0x90]  }
0x594: {  	v5 =	vld [tilespmem:s5+$0x80]  }
0x595: {  	v7 =	vmov s6;
	s6 =	smov.u32 s9;
	v6 =	vld [tilespmem:s5+$0xA0]  }
0x596: {  	v7 =	vshrl.u32 v7, $0x3  }
0x597: {  	v7 =	vshll.u32 v7, v1  }
0x598: {  	v7 =	vadd.s32 $0x2677, v7;
	v3 =	vpack.i.f32.bf16 v3, v3  }
0x599: {  	v7 =	vbroadcast v7, $0x0;
	v2 =	vmul.bf16 v2, v3  }
0x59a: {  	v5 =	vmul.bf16 v5, v3;
	v6 =	vmul.bf16 v6, v3  }
0x59b: {  	v3 =	vmul.bf16 v4, v3;
	[tilespmem:s5+$0xB0] =	vst v2  }
0x59c: {  	[tilespmem:s5+$0xA0] =	vst v6  }
0x59d: {  	[tilespmem:s5+$0x90] =	vst v3  }
0x59e: {  	[tilespmem:s5+$0x80] =	vst v5  }
0x59f: {  	v2 =	vld.idx.msk [tilespmem:v7+s19+$0x0], $0xffff;
	_ =	sdelay $0x1  }
0x5a0: {  	s9 =	sadd.s32 $0xFFFFFFF9, s6;
	v3 =	vld [tilespmem:s5+$0xC0]  }
0x5a1: {  	v4 =	vmov s9;
	v5 =	vld [tilespmem:s5+$0xD0]  }
0x5a2: {  	v4 =	vshrl.u32 v4, $0x3;
	v6 =	vld [tilespmem:s5+$0xE0]  }
0x5a3: {  	v4 =	vshll.u32 v4, v1;
	v7 =	vld [tilespmem:s5+$0xF0]  }
0x5a4: {  	v4 =	vadd.s32 $0x2670, v4  }
0x5a5: {  	v4 =	vbroadcast v4, $0x0  }
0x5a6: {  	v2 =	vpack.i.f32.bf16 v2, v2  }
0x5a7: {  	v5 =	vmul.bf16 v5, v2;
	v6 =	vmul.bf16 v6, v2  }
0x5a8: {  	v3 =	vmul.bf16 v3, v2;
	v2 =	vmul.bf16 v7, v2  }
0x5a9: {  	[tilespmem:s5+$0xE0] =	vst v6  }
0x5aa: {  	[tilespmem:s5+$0xC0] =	vst v3  }
0x5ab: {  	[tilespmem:s5+$0xF0] =	vst v2  }
0x5ac: {  	v2 =	vld [tilespmem:s1+$0xFFFFFF00];
	[tilespmem:s5+$0xD0] =	vst v5;
	s5 =	smov.u32 s1  }
0x5ad: {  	s9 =	sadd.s32 $0xFFFFFFFA, s6;
	v3 =	vld.idx.msk [tilespmem:v4+s19+$0x0], $0xffff  }
0x5ae: {  	v5 =	vmov s9;
	v4 =	vld [tilespmem:s1+$0xFFFFFF20]  }
0x5af: {  	v5 =	vshrl.u32 v5, $0x3;
	v6 =	vld [tilespmem:s1+$0xFFFFFF10]  }
0x5b0: {  	v5 =	vshll.u32 v5, v1  }
0x5b1: {  	v5 =	vadd.s32 $0x2671, v5  }
0x5b2: {  	v5 =	vbroadcast v5, $0x0;
	v7 =	vld [tilespmem:s1+$0xFFFFFF30]  }
0x5b3: {  	v3 =	vpack.i.f32.bf16 v3, v3  }
0x5b4: {  	v2 =	vmul.bf16 v2, v3;
	v6 =	vmul.bf16 v6, v3  }
0x5b5: {  	v4 =	vmul.bf16 v4, v3  }
0x5b6: {  	[tilespmem:s1+$0xFFFFFF00] =	vst v2  }
0x5b7: {  	[tilespmem:s1+$0xFFFFFF10] =	vst v6;
	v2 =	vmul.bf16 v7, v3;
	v3 =	vld [tilespmem:s1+$0xFFFFFF70]  }
0x5b8: {  	[tilespmem:s1+$0xFFFFFF20] =	vst v4  }
0x5b9: {  	[tilespmem:s1+$0xFFFFFF30] =	vst v2;
	v2 =	vld [tilespmem:s1+$0xFFFFFF50]  }
0x5ba: {  	s9 =	sadd.s32 $0xFFFFFFFB, s6;
	v4 =	vld.idx.msk [tilespmem:v5+s19+$0x0], $0xffff  }
0x5bb: {  	v6 =	vmov s9;
	v5 =	vld [tilespmem:s1+$0xFFFFFF60]  }
0x5bc: {  	v6 =	vshrl.u32 v6, $0x3  }
0x5bd: {  	v6 =	vshll.u32 v6, v1  }
0x5be: {  	v6 =	vadd.s32 $0x2672, v6;
	v7 =	vld [tilespmem:s1+$0xFFFFFF40]  }
0x5bf: {  	v6 =	vbroadcast v6, $0x0  }
0x5c0: {  	v4 =	vpack.i.f32.bf16 v4, v4  }
0x5c1: {  	v5 =	vmul.bf16 v5, v4;
	v3 =	vmul.bf16 v3, v4  }
0x5c2: {  	v2 =	vmul.bf16 v2, v4  }
0x5c3: {  	v4 =	vmul.bf16 v7, v4;
	[tilespmem:s1+$0xFFFFFF60] =	vst v5  }
0x5c4: {  	[tilespmem:s1+$0xFFFFFF50] =	vst v2;
	v2 =	vld [tilespmem:s1+$0xFFFFFFB0]  }
0x5c5: {  	[tilespmem:s1+$0xFFFFFF40] =	vst v4  }
0x5c6: {  	[tilespmem:s1+$0xFFFFFF70] =	vst v3  }
0x5c7: {  	s9 =	sadd.s32 $0xFFFFFFFC, s6;
	v3 =	vld [tilespmem:s1+$0xFFFFFF80]  }
0x5c8: {  	v5 =	vmov s9;
	v4 =	vld [tilespmem:s1+$0xFFFFFFA0]  }
0x5c9: {  	v5 =	vshrl.u32 v5, $0x3;
	v6 =	vld.idx.msk [tilespmem:v6+s19+$0x0], $0xffff  }
0x5ca: {  	v5 =	vshll.u32 v5, v1  }
0x5cb: {  	v5 =	vadd.s32 $0x2673, v5  }
0x5cc: {  	v5 =	vbroadcast v5, $0x0;
	v7 =	vld [tilespmem:s1+$0xFFFFFF90];
	_ =	sdelay $0x2  }
0x5cd: {  	v6 =	vpack.i.f32.bf16 v6, v6  }
0x5ce: {  	v4 =	vmul.bf16 v4, v6;
	v2 =	vmul.bf16 v2, v6  }
0x5cf: {  	v3 =	vmul.bf16 v3, v6;
	v6 =	vmul.bf16 v7, v6;
	v7 =	vld [tilespmem:s1+$0xFFFFFFF0]  }
0x5d0: {  	[tilespmem:s1+$0xFFFFFFB0] =	vst v2  }
0x5d1: {  	[tilespmem:s1+$0xFFFFFF80] =	vst v3;
	v2 =	vld [tilespmem:s1+$0xFFFFFFD0]  }
0x5d2: {  	s9 =	sadd.s32 $0xFFFFFFFD, s6;
	[tilespmem:s1+$0xFFFFFF90] =	vst v6  }
0x5d3: {  	[tilespmem:s1+$0xFFFFFFA0] =	vst v4;
	v3 =	vld [tilespmem:s1+$0xFFFFFFE0];
	v4 =	vmov s9  }
0x5d4: {  	v5 =	vld.idx.msk [tilespmem:v5+s19+$0x0], $0xffff;
	v4 =	vshrl.u32 v4, $0x3  }
0x5d5: {  	v4 =	vshll.u32 v4, v1  }
0x5d6: {  	v6 =	vld [tilespmem:s1+$0xFFFFFFC0];
	v4 =	vadd.s32 $0x2674, v4  }
0x5d7: {  	v4 =	vbroadcast v4, $0x0;
	_ =	sdelay $0x2  }
0x5d8: {  	v5 =	vpack.i.f32.bf16 v5, v5  }
0x5d9: {  	v2 =	vmul.bf16 v2, v5;
	v6 =	vmul.bf16 v6, v5  }
0x5da: {  	v3 =	vmul.bf16 v3, v5;
	v5 =	vmul.bf16 v7, v5;
	v7 =	vld [tilespmem:s1+$0x30]  }
0x5db: {  	[tilespmem:s1+$0xFFFFFFC0] =	vst v6  }
0x5dc: {  	[tilespmem:s1+$0xFFFFFFE0] =	vst v3;
	v3 =	vld [tilespmem:s1+$0x10]  }
0x5dd: {  	[tilespmem:s1+$0xFFFFFFD0] =	vst v2;
	v2 =	vld [tilespmem:s1+$0x0]  }
0x5de: {  	s9 =	sadd.s32 $0xFFFFFFFE, s6;
	[tilespmem:s1+$0xFFFFFFF0] =	vst v5  }
0x5df: {  	v5 =	vmov s9;
	v4 =	vld.idx.msk [tilespmem:v4+s19+$0x0], $0xffff  }
0x5e0: {  	v5 =	vshrl.u32 v5, $0x3  }
0x5e1: {  	v5 =	vshll.u32 v5, v1  }
0x5e2: {  	v5 =	vadd.s32 $0x2675, v5;
	v6 =	vld [tilespmem:s1+$0x20]  }
0x5e3: {  	v5 =	vbroadcast v5, $0x0;
	_ =	sdelay $0x1  }
0x5e4: {  	v4 =	vpack.i.f32.bf16 v4, v4  }
0x5e5: {  	v8 =	vmul.bf16 v2, v4;
	v2 =	vmul.bf16 v7, v4  }
0x5e6: {  	v3 =	vmul.bf16 v3, v4;
	v4 =	vmul.bf16 v6, v4  }
0x5e7: {  	[tilespmem:s1+$0x30] =	vst v2;
	v2 =	vld [tilespmem:s1+$0x70]  }
0x5e8: {  	[tilespmem:s1+$0x10] =	vst v3  }
0x5e9: {  	[tilespmem:s1+$0x20] =	vst v4  }
0x5ea: {  	[tilespmem:s1+$0x0] =	vst v8;
	v3 =	vld [tilespmem:s1+$0x40]  }
0x5eb: {  	v7 =	vld [tilespmem:s1+$0x60]  }
0x5ec: {  	v4 =	vld.idx.msk [tilespmem:v5+s19+$0x0], $0xffff;
	_ =	sdelay $0x1  }
0x5ed: {  	v5 =	vld [tilespmem:s1+$0x50]  }
0x5ee: {  	s9 =	sadd.s32 $0xFFFFFFFF, s6  }
.Ltmp8:
0x5ef: {  	v6 =	vmov s9;
	(pc) =	sbr.rel @p0 .LBB2_18-.Ltmp8, $4  }
0x5f0: {  	v8 =	vshrl.u32 v6, $0x3  }
0x5f1: {  	v8 =	vshll.u32 v8, v1;
	v6 =	vpack.i.f32.bf16 v4, v4  }
0x5f2: {  	v3 =	vmul.bf16 v3, v6;
	v4 =	vmul.bf16 v5, v6;
	v5 =	vadd.s32 $0x2676, v8  }
0x5f3: {  	v7 =	vmul.bf16 v7, v6;
	v5 =	vbroadcast v5, $0x0  }
0x5f4: {  	_ = 	snop  }
0x5f5: {  	[tilespmem:s5+$0x50] =	vst v4  }
0x5f6: {  	v2 =	vmul.bf16 v2, v6;
	[tilespmem:s5+$0x40] =	vst v3  }
0x5f7: {  	[tilespmem:s5+$0x60] =	vst v7  }
0x5f8: {  	[tilespmem:s5+$0x70] =	vst v2  }
0x5f9: {  	v2 =	vld.idx.msk [tilespmem:v5+s19+$0x0], $0xffff  }
0x5fa: {  	v3 =	vld [tilespmem:s5+$0xB0]  }
0x5fb: {  	v4 =	vld [tilespmem:s5+$0xA0];
	v5 =	vmov s6  }
0x5fc: {  	v6 =	vld [tilespmem:s5+$0x90];
	v5 =	vshrl.u32 v5, $0x3  }
0x5fd: {  	v7 =	vld [tilespmem:s5+$0x80];
	v5 =	vshll.u32 v5, v1  }
0x5fe: {  	v5 =	vadd.s32 $0x2677, v5;
	v2 =	vpack.i.f32.bf16 v2, v2  }
0x5ff: {  	v5 =	vbroadcast v5, $0x0;
	v3 =	vmul.bf16 v3, v2  }
0x600: {  	v4 =	vmul.bf16 v4, v2  }
0x601: {  	v6 =	vmul.bf16 v6, v2;
	[tilespmem:s5+$0xB0] =	vst v3  }
0x602: {  	v2 =	vmul.bf16 v7, v2;
	[tilespmem:s5+$0xA0] =	vst v4  }
0x603: {  	[tilespmem:s5+$0x90] =	vst v6  }
0x604: {  	[tilespmem:s5+$0x80] =	vst v2  }
0x605: {  	v2 =	vld.idx.msk [tilespmem:v5+s19+$0x0], $0xffff  }
0x606: {  	v3 =	vld [tilespmem:s5+$0xE0]  }
0x607: {  	v4 =	vld [tilespmem:s5+$0xC0]  }
0x608: {  	v5 =	vld [tilespmem:s5+$0xF0]  }
0x609: {  	v6 =	vld [tilespmem:s5+$0xD0]  }
0x60a: {  	v2 =	vpack.i.f32.bf16 v2, v2  }
0x60b: {  	v3 =	vmul.bf16 v3, v2  }
0x60c: {  	v4 =	vmul.bf16 v4, v2  }
0x60d: {  	s1 =	simm.s32 $0x0;
	v5 =	vmul.bf16 v5, v2;
	[tilespmem:s5+$0xE0] =	vst v3  }
0x60e: {  	v2 =	vmul.bf16 v6, v2;
	[tilespmem:s5+$0xC0] =	vst v4;
	v3 =	vmov s1  }
0x60f: {  	[tilespmem:s5+$0xF0] =	vst v5;
	v3 =	vshrl.u32 v3, $0x3  }
0x610: {  	[tilespmem:s5+$0xD0] =	vst v2;
	s5 =	simm.s32 $0x4D80;
	v2 =	vshll.u32 v3, v1  }
0x611: {  	[spmem:s2] =	stream.indirect.scatter.add.bf16 [tilespmem:s20], [sflag:$0x4], $0x40, s5, s21, $0xb8;
	v2 =	vadd.s32 $0x26C0, v2;
	[tilespmem:$0x14D70] =	vst v63  }
0x612: {  	_ =	swait.ge [sflag:s0], $0x1400;
	v2 =	vbroadcast v2, $0x0  }
0x613: {  	[sflag:s0] =	ssyncset.done $0x0  }
0x614: {  	[sflag:s0] =	ssyncadd.s32 $0xFFFFEC00  }
0x615: {  	_ =	swait.ge [sflag:s28], $0x1400  }
0x616: {  	[sflag:s28] =	ssyncset.done $0x0  }
0x617: {  	[sflag:s28] =	ssyncadd.s32 $0xFFFFEC00  }
0x618: {  	s1 =	simm.s32 $0x8A30;
	v2 =	vld.idx.msk [tilespmem:v2+s19+$0x0], $0xffff  }
0x619: {  	s6 =	simm.s32 $0x1;
	v3 =	vld [tilespmem:s1+$0xFFFFFF00]  }
0x61a: {  	v4 =	vmov s6;
	v5 =	vld [tilespmem:s1+$0xFFFFFF10]  }
0x61b: {  	v4 =	vshrl.u32 v4, $0x3;
	v6 =	vld [tilespmem:s1+$0xFFFFFF20]  }
0x61c: {  	v4 =	vshll.u32 v4, v1;
	v7 =	vld [tilespmem:s1+$0xFFFFFF30]  }
0x61d: {  	v4 =	vadd.s32 $0x26C1, v4;
	v2 =	vpack.i.f32.bf16 v2, v2  }
0x61e: {  	v4 =	vbroadcast v4, $0x0;
	v3 =	vmul.bf16 v3, v2  }
0x61f: {  	v5 =	vmul.bf16 v5, v2  }
0x620: {  	v6 =	vmul.bf16 v6, v2;
	[tilespmem:s1+$0xFFFFFF00] =	vst v3  }
0x621: {  	v2 =	vmul.bf16 v7, v2;
	[tilespmem:s1+$0xFFFFFF10] =	vst v5  }
0x622: {  	[tilespmem:s1+$0xFFFFFF20] =	vst v6  }
0x623: {  	[tilespmem:s1+$0xFFFFFF30] =	vst v2  }
0x624: {  	v2 =	vld.idx.msk [tilespmem:v4+s19+$0x0], $0xffff  }
0x625: {  	s7 =	simm.s32 $0x2;
	v3 =	vld [tilespmem:s1+$0xFFFFFF60]  }
0x626: {  	v5 =	vmov s7;
	v4 =	vld [tilespmem:s1+$0xFFFFFF50]  }
0x627: {  	v6 =	vld [tilespmem:s1+$0xFFFFFF40];
	v5 =	vshrl.u32 v5, $0x3  }
0x628: {  	v7 =	vld [tilespmem:s1+$0xFFFFFF70];
	v5 =	vshll.u32 v5, v1  }
0x629: {  	v5 =	vadd.s32 $0x26C2, v5;
	v2 =	vpack.i.f32.bf16 v2, v2  }
0x62a: {  	v5 =	vbroadcast v5, $0x0;
	v3 =	vmul.bf16 v3, v2  }
0x62b: {  	v4 =	vmul.bf16 v4, v2  }
0x62c: {  	v6 =	vmul.bf16 v6, v2;
	[tilespmem:s1+$0xFFFFFF60] =	vst v3  }
0x62d: {  	v2 =	vmul.bf16 v7, v2;
	[tilespmem:s1+$0xFFFFFF50] =	vst v4  }
0x62e: {  	[tilespmem:s1+$0xFFFFFF40] =	vst v6  }
0x62f: {  	[tilespmem:s1+$0xFFFFFF70] =	vst v2  }
0x630: {  	v2 =	vld.idx.msk [tilespmem:v5+s19+$0x0], $0xffff  }
0x631: {  	s9 =	simm.s32 $0x3;
	v3 =	vld [tilespmem:s1+$0xFFFFFFB0]  }
0x632: {  	v4 =	vld [tilespmem:s1+$0xFFFFFF80];
	v5 =	vmov s9  }
0x633: {  	v6 =	vld [tilespmem:s1+$0xFFFFFF90];
	v5 =	vshrl.u32 v5, $0x3  }
0x634: {  	v7 =	vld [tilespmem:s1+$0xFFFFFFA0];
	v5 =	vshll.u32 v5, v1  }
0x635: {  	v5 =	vadd.s32 $0x26C3, v5;
	v2 =	vpack.i.f32.bf16 v2, v2  }
0x636: {  	v5 =	vbroadcast v5, $0x0;
	v3 =	vmul.bf16 v3, v2  }
0x637: {  	v4 =	vmul.bf16 v4, v2  }
0x638: {  	v6 =	vmul.bf16 v6, v2;
	[tilespmem:s1+$0xFFFFFFB0] =	vst v3  }
0x639: {  	v2 =	vmul.bf16 v7, v2;
	[tilespmem:s1+$0xFFFFFF80] =	vst v4  }
0x63a: {  	[tilespmem:s1+$0xFFFFFF90] =	vst v6  }
0x63b: {  	[tilespmem:s1+$0xFFFFFFA0] =	vst v2  }
0x63c: {  	v2 =	vld.idx.msk [tilespmem:v5+s19+$0x0], $0xffff  }
0x63d: {  	s11 =	simm.s32 $0x4;
	v4 =	vld [tilespmem:s1+$0xFFFFFFC0]  }
0x63e: {  	v6 =	vmov s11;
	v5 =	vld [tilespmem:s1+$0xFFFFFFE0]  }
0x63f: {  	v3 =	vld [tilespmem:s1+$0xFFFFFFD0];
	v6 =	vshrl.u32 v6, $0x3  }
0x640: {  	v7 =	vld [tilespmem:s1+$0xFFFFFFF0];
	v6 =	vshll.u32 v6, v1  }
0x641: {  	v6 =	vadd.s32 $0x26C4, v6;
	v2 =	vpack.i.f32.bf16 v2, v2  }
0x642: {  	v6 =	vbroadcast v6, $0x0;
	v4 =	vmul.bf16 v4, v2  }
0x643: {  	v5 =	vmul.bf16 v5, v2  }
0x644: {  	v3 =	vmul.bf16 v3, v2;
	[tilespmem:s1+$0xFFFFFFC0] =	vst v4  }
0x645: {  	v2 =	vmul.bf16 v7, v2;
	[tilespmem:s1+$0xFFFFFFE0] =	vst v5  }
0x646: {  	[tilespmem:s1+$0xFFFFFFD0] =	vst v3  }
0x647: {  	[tilespmem:s1+$0xFFFFFFF0] =	vst v2  }
0x648: {  	v2 =	vld.idx.msk [tilespmem:v6+s19+$0x0], $0xffff  }
0x649: {  	s12 =	simm.s32 $0x5;
	v5 =	vld [tilespmem:s1+$0x30]  }
0x64a: {  	v4 =	vld [tilespmem:s1+$0x10];
	v6 =	vmov s12  }
0x64b: {  	v7 =	vld [tilespmem:s1+$0x20];
	v6 =	vshrl.u32 v6, $0x3  }
0x64c: {  	v3 =	vld [tilespmem:s1+$0x0];
	v6 =	vshll.u32 v6, v1  }
0x64d: {  	v6 =	vadd.s32 $0x26C5, v6;
	v2 =	vpack.i.f32.bf16 v2, v2  }
0x64e: {  	v6 =	vbroadcast v6, $0x0;
	v5 =	vmul.bf16 v5, v2  }
0x64f: {  	v4 =	vmul.bf16 v4, v2  }
0x650: {  	v7 =	vmul.bf16 v7, v2;
	[tilespmem:s1+$0x30] =	vst v5  }
0x651: {  	v2 =	vmul.bf16 v3, v2;
	[tilespmem:s1+$0x10] =	vst v4  }
0x652: {  	[tilespmem:s1+$0x20] =	vst v7  }
0x653: {  	[tilespmem:s1+$0x0] =	vst v2  }
0x654: {  	v3 =	vld.idx.msk [tilespmem:v6+s19+$0x0], $0xffff  }
0x655: {  	v2 =	vld [tilespmem:s1+$0x40];
	_ =	sdelay $0x1  }
0x656: {  	s18 =	simm.s32 $0x6;
	v4 =	vld [tilespmem:s1+$0x50]  }
0x657: {  	v5 =	vld [tilespmem:s1+$0x60];
	v6 =	vmov s18  }
0x658: {  	v7 =	vshrl.u32 v6, $0x3;
	v6 =	vpack.i.f32.bf16 v3, v3  }
0x659: {  	v3 =	vmul.bf16 v2, v6;
	v2 =	vld [tilespmem:s1+$0x70]  }
0x65a: {  	v7 =	vshll.u32 v7, v1  }
0x65b: {  	v8 =	vadd.s32 $0x26C6, v7;
	v4 =	vmul.bf16 v4, v6  }
0x65c: {  	s6 =	simm.s32 $0x7;
	s5 =	simm.s32 $0x8A30;
	s7 =	simm.s32 $0xF;
	v7 =	vmul.bf16 v5, v6;
	v5 =	vbroadcast v8, $0x0  }
.LBB2_20:
0x65d: {  	p0 =	sne.s32 s7, $0x4F  }
0x65e: {  	v2 =	vmul.bf16 v2, v6;
	s1 =	sadd.s32 $0x200, s1;
	s9 =	smov.u32 s7;
	s7 =	sadd.s32 $0x8, s7  }
0x65f: {  	[tilespmem:s5+$0x60] =	vst v7  }
0x660: {  	[tilespmem:s5+$0x70] =	vst v2  }
0x661: {  	[tilespmem:s5+$0x50] =	vst v4  }
0x662: {  	[tilespmem:s5+$0x40] =	vst v3;
	v2 =	vld [tilespmem:s5+$0xB0]  }
0x663: {  	v3 =	vld.idx.msk [tilespmem:v5+s19+$0x0], $0xffff  }
0x664: {  	v4 =	vld [tilespmem:s5+$0x90]  }
0x665: {  	v5 =	vld [tilespmem:s5+$0x80]  }
0x666: {  	v7 =	vmov s6;
	s6 =	smov.u32 s9;
	v6 =	vld [tilespmem:s5+$0xA0]  }
0x667: {  	v7 =	vshrl.u32 v7, $0x3  }
0x668: {  	v7 =	vshll.u32 v7, v1  }
0x669: {  	v7 =	vadd.s32 $0x26C7, v7;
	v3 =	vpack.i.f32.bf16 v3, v3  }
0x66a: {  	v7 =	vbroadcast v7, $0x0;
	v2 =	vmul.bf16 v2, v3  }
0x66b: {  	v5 =	vmul.bf16 v5, v3;
	v6 =	vmul.bf16 v6, v3  }
0x66c: {  	v3 =	vmul.bf16 v4, v3;
	[tilespmem:s5+$0xB0] =	vst v2  }
0x66d: {  	[tilespmem:s5+$0xA0] =	vst v6  }
0x66e: {  	[tilespmem:s5+$0x90] =	vst v3  }
0x66f: {  	[tilespmem:s5+$0x80] =	vst v5  }
0x670: {  	v2 =	vld.idx.msk [tilespmem:v7+s19+$0x0], $0xffff;
	_ =	sdelay $0x1  }
0x671: {  	s9 =	sadd.s32 $0xFFFFFFF9, s6;
	v3 =	vld [tilespmem:s5+$0xC0]  }
0x672: {  	v4 =	vmov s9;
	v5 =	vld [tilespmem:s5+$0xD0]  }
0x673: {  	v4 =	vshrl.u32 v4, $0x3;
	v6 =	vld [tilespmem:s5+$0xE0]  }
0x674: {  	v4 =	vshll.u32 v4, v1;
	v7 =	vld [tilespmem:s5+$0xF0]  }
0x675: {  	v4 =	vadd.s32 $0x26C0, v4  }
0x676: {  	v4 =	vbroadcast v4, $0x0  }
0x677: {  	v2 =	vpack.i.f32.bf16 v2, v2  }
0x678: {  	v5 =	vmul.bf16 v5, v2;
	v6 =	vmul.bf16 v6, v2  }
0x679: {  	v3 =	vmul.bf16 v3, v2;
	v2 =	vmul.bf16 v7, v2  }
0x67a: {  	[tilespmem:s5+$0xE0] =	vst v6  }
0x67b: {  	[tilespmem:s5+$0xC0] =	vst v3  }
0x67c: {  	[tilespmem:s5+$0xF0] =	vst v2  }
0x67d: {  	v2 =	vld [tilespmem:s1+$0xFFFFFF00];
	[tilespmem:s5+$0xD0] =	vst v5;
	s5 =	smov.u32 s1  }
0x67e: {  	s9 =	sadd.s32 $0xFFFFFFFA, s6;
	v3 =	vld.idx.msk [tilespmem:v4+s19+$0x0], $0xffff  }
0x67f: {  	v5 =	vmov s9;
	v4 =	vld [tilespmem:s1+$0xFFFFFF20]  }
0x680: {  	v5 =	vshrl.u32 v5, $0x3;
	v6 =	vld [tilespmem:s1+$0xFFFFFF10]  }
0x681: {  	v5 =	vshll.u32 v5, v1  }
0x682: {  	v5 =	vadd.s32 $0x26C1, v5  }
0x683: {  	v5 =	vbroadcast v5, $0x0;
	v7 =	vld [tilespmem:s1+$0xFFFFFF30]  }
0x684: {  	v3 =	vpack.i.f32.bf16 v3, v3  }
0x685: {  	v2 =	vmul.bf16 v2, v3;
	v6 =	vmul.bf16 v6, v3  }
0x686: {  	v4 =	vmul.bf16 v4, v3  }
0x687: {  	[tilespmem:s1+$0xFFFFFF00] =	vst v2  }
0x688: {  	[tilespmem:s1+$0xFFFFFF10] =	vst v6;
	v2 =	vmul.bf16 v7, v3;
	v3 =	vld [tilespmem:s1+$0xFFFFFF70]  }
0x689: {  	[tilespmem:s1+$0xFFFFFF20] =	vst v4  }
0x68a: {  	[tilespmem:s1+$0xFFFFFF30] =	vst v2;
	v2 =	vld [tilespmem:s1+$0xFFFFFF50]  }
0x68b: {  	s9 =	sadd.s32 $0xFFFFFFFB, s6;
	v4 =	vld.idx.msk [tilespmem:v5+s19+$0x0], $0xffff  }
0x68c: {  	v6 =	vmov s9;
	v5 =	vld [tilespmem:s1+$0xFFFFFF60]  }
0x68d: {  	v6 =	vshrl.u32 v6, $0x3  }
0x68e: {  	v6 =	vshll.u32 v6, v1  }
0x68f: {  	v6 =	vadd.s32 $0x26C2, v6;
	v7 =	vld [tilespmem:s1+$0xFFFFFF40]  }
0x690: {  	v6 =	vbroadcast v6, $0x0  }
0x691: {  	v4 =	vpack.i.f32.bf16 v4, v4  }
0x692: {  	v5 =	vmul.bf16 v5, v4;
	v3 =	vmul.bf16 v3, v4  }
0x693: {  	v2 =	vmul.bf16 v2, v4  }
0x694: {  	v4 =	vmul.bf16 v7, v4;
	[tilespmem:s1+$0xFFFFFF60] =	vst v5  }
0x695: {  	[tilespmem:s1+$0xFFFFFF50] =	vst v2;
	v2 =	vld [tilespmem:s1+$0xFFFFFFB0]  }
0x696: {  	[tilespmem:s1+$0xFFFFFF40] =	vst v4  }
0x697: {  	[tilespmem:s1+$0xFFFFFF70] =	vst v3  }
0x698: {  	s9 =	sadd.s32 $0xFFFFFFFC, s6;
	v3 =	vld [tilespmem:s1+$0xFFFFFF80]  }
0x699: {  	v5 =	vmov s9;
	v4 =	vld [tilespmem:s1+$0xFFFFFFA0]  }
0x69a: {  	v5 =	vshrl.u32 v5, $0x3;
	v6 =	vld.idx.msk [tilespmem:v6+s19+$0x0], $0xffff  }
0x69b: {  	v5 =	vshll.u32 v5, v1  }
0x69c: {  	v5 =	vadd.s32 $0x26C3, v5  }
0x69d: {  	v5 =	vbroadcast v5, $0x0;
	v7 =	vld [tilespmem:s1+$0xFFFFFF90];
	_ =	sdelay $0x2  }
0x69e: {  	v6 =	vpack.i.f32.bf16 v6, v6  }
0x69f: {  	v4 =	vmul.bf16 v4, v6;
	v2 =	vmul.bf16 v2, v6  }
0x6a0: {  	v3 =	vmul.bf16 v3, v6;
	v6 =	vmul.bf16 v7, v6;
	v7 =	vld [tilespmem:s1+$0xFFFFFFF0]  }
0x6a1: {  	[tilespmem:s1+$0xFFFFFFB0] =	vst v2  }
0x6a2: {  	[tilespmem:s1+$0xFFFFFF80] =	vst v3;
	v2 =	vld [tilespmem:s1+$0xFFFFFFD0]  }
0x6a3: {  	s9 =	sadd.s32 $0xFFFFFFFD, s6;
	[tilespmem:s1+$0xFFFFFF90] =	vst v6  }
0x6a4: {  	[tilespmem:s1+$0xFFFFFFA0] =	vst v4;
	v3 =	vld [tilespmem:s1+$0xFFFFFFE0];
	v4 =	vmov s9  }
0x6a5: {  	v5 =	vld.idx.msk [tilespmem:v5+s19+$0x0], $0xffff;
	v4 =	vshrl.u32 v4, $0x3  }
0x6a6: {  	v4 =	vshll.u32 v4, v1  }
0x6a7: {  	v6 =	vld [tilespmem:s1+$0xFFFFFFC0];
	v4 =	vadd.s32 $0x26C4, v4  }
0x6a8: {  	v4 =	vbroadcast v4, $0x0;
	_ =	sdelay $0x2  }
0x6a9: {  	v5 =	vpack.i.f32.bf16 v5, v5  }
0x6aa: {  	v2 =	vmul.bf16 v2, v5;
	v6 =	vmul.bf16 v6, v5  }
0x6ab: {  	v3 =	vmul.bf16 v3, v5;
	v5 =	vmul.bf16 v7, v5;
	v7 =	vld [tilespmem:s1+$0x30]  }
0x6ac: {  	[tilespmem:s1+$0xFFFFFFC0] =	vst v6  }
0x6ad: {  	[tilespmem:s1+$0xFFFFFFE0] =	vst v3;
	v3 =	vld [tilespmem:s1+$0x10]  }
0x6ae: {  	[tilespmem:s1+$0xFFFFFFD0] =	vst v2;
	v2 =	vld [tilespmem:s1+$0x0]  }
0x6af: {  	s9 =	sadd.s32 $0xFFFFFFFE, s6;
	[tilespmem:s1+$0xFFFFFFF0] =	vst v5  }
0x6b0: {  	v5 =	vmov s9;
	v4 =	vld.idx.msk [tilespmem:v4+s19+$0x0], $0xffff  }
0x6b1: {  	v5 =	vshrl.u32 v5, $0x3  }
0x6b2: {  	v5 =	vshll.u32 v5, v1  }
0x6b3: {  	v5 =	vadd.s32 $0x26C5, v5;
	v6 =	vld [tilespmem:s1+$0x20]  }
0x6b4: {  	v5 =	vbroadcast v5, $0x0;
	_ =	sdelay $0x1  }
0x6b5: {  	v4 =	vpack.i.f32.bf16 v4, v4  }
0x6b6: {  	v8 =	vmul.bf16 v2, v4;
	v2 =	vmul.bf16 v7, v4  }
0x6b7: {  	v3 =	vmul.bf16 v3, v4;
	v4 =	vmul.bf16 v6, v4  }
0x6b8: {  	[tilespmem:s1+$0x30] =	vst v2;
	v2 =	vld [tilespmem:s1+$0x70]  }
0x6b9: {  	[tilespmem:s1+$0x10] =	vst v3  }
0x6ba: {  	[tilespmem:s1+$0x20] =	vst v4  }
0x6bb: {  	[tilespmem:s1+$0x0] =	vst v8;
	v3 =	vld [tilespmem:s1+$0x40]  }
0x6bc: {  	v7 =	vld [tilespmem:s1+$0x60]  }
0x6bd: {  	v4 =	vld.idx.msk [tilespmem:v5+s19+$0x0], $0xffff;
	_ =	sdelay $0x1  }
0x6be: {  	v5 =	vld [tilespmem:s1+$0x50]  }
0x6bf: {  	s9 =	sadd.s32 $0xFFFFFFFF, s6  }
.Ltmp9:
0x6c0: {  	v6 =	vmov s9;
	(pc) =	sbr.rel @p0 .LBB2_20-.Ltmp9, $4  }
0x6c1: {  	v8 =	vshrl.u32 v6, $0x3  }
0x6c2: {  	v8 =	vshll.u32 v8, v1;
	v6 =	vpack.i.f32.bf16 v4, v4  }
0x6c3: {  	v3 =	vmul.bf16 v3, v6;
	v4 =	vmul.bf16 v5, v6;
	v5 =	vadd.s32 $0x26C6, v8  }
0x6c4: {  	v7 =	vmul.bf16 v7, v6;
	v5 =	vbroadcast v5, $0x0  }
0x6c5: {  	_ = 	snop  }
0x6c6: {  	[tilespmem:s5+$0x50] =	vst v4  }
0x6c7: {  	v2 =	vmul.bf16 v2, v6;
	[tilespmem:s5+$0x40] =	vst v3  }
0x6c8: {  	[tilespmem:s5+$0x60] =	vst v7  }
0x6c9: {  	[tilespmem:s5+$0x70] =	vst v2  }
0x6ca: {  	v2 =	vld.idx.msk [tilespmem:v5+s19+$0x0], $0xffff  }
0x6cb: {  	v3 =	vld [tilespmem:s5+$0xB0]  }
0x6cc: {  	v57 =	vld [tilespmem:s5+$0xA0];
	v58 =	vmov s6  }
0x6cd: {  	v59 =	vld [tilespmem:s5+$0x90];
	v5 =	vshrl.u32 v58, $0x3  }
0x6ce: {  	v60 =	vld [tilespmem:s5+$0x80];
	v5 =	vshll.u32 v5, v1  }
0x6cf: {  	v5 =	vadd.s32 $0x26C7, v5;
	v2 =	vpack.i.f32.bf16 v2, v2  }
0x6d0: {  	v5 =	vbroadcast v5, $0x0;
	v3 =	vmul.bf16 v3, v2  }
0x6d1: {  	v4 =	vmul.bf16 v57, v2  }
0x6d2: {  	v6 =	vmul.bf16 v59, v2;
	[tilespmem:s5+$0xB0] =	vst v3  }
0x6d3: {  	v2 =	vmul.bf16 v60, v2;
	[tilespmem:s5+$0xA0] =	vst v4  }
0x6d4: {  	[tilespmem:s5+$0x90] =	vst v6  }
0x6d5: {  	[tilespmem:s5+$0x80] =	vst v2  }
0x6d6: {  	v2 =	vld.idx.msk [tilespmem:v5+s19+$0x0], $0xffff  }
0x6d7: {  	v3 =	vld [tilespmem:s5+$0xE0]  }
0x6d8: {  	v61 =	vld [tilespmem:s5+$0xC0]  }
0x6d9: {  	v62 =	vld [tilespmem:s5+$0xF0]  }
0x6da: {  	v63 =	vld [tilespmem:s5+$0xD0]  }
0x6db: {  	v2 =	vpack.i.f32.bf16 v2, v2  }
0x6dc: {  	v3 =	vmul.bf16 v3, v2  }
0x6dd: {  	v4 =	vmul.bf16 v61, v2  }
0x6de: {  	v5 =	vmul.bf16 v62, v2;
	[tilespmem:s5+$0xE0] =	vst v3  }
0x6df: {  	v2 =	vmul.bf16 v63, v2;
	[tilespmem:s5+$0xC0] =	vst v4  }
0x6e0: {  	[tilespmem:s5+$0xF0] =	vst v5  }
0x6e1: {  	s1 =	simm.s32 $0x4DD0;
	[tilespmem:s5+$0xD0] =	vst v2  }
0x6e2: {  	[spmem:s2] =	stream.indirect.scatter.add.bf16 [tilespmem:s22], [sflag:$0x5], $0x40, s1, s21, $0xb8;
	[tilespmem:$0x14D70] =	vst v63  }
0x6e3: {  	_ =	swait.ge [sflag:s29], $0x1400  }
0x6e4: {  	[sflag:s29] =	ssyncset.done $0x0  }
0x6e5: {  	[sflag:s29] =	ssyncadd.s32 $0xFFFFEC00  }
0x6e6: {  	s12 =	stileid.u32;
	_ =	swait.ge [sflag:s31], $0x1400  }
0x6e7: {  	s18 =	sshrl.u32 s8, $0x3;
	s25 =	sadd.s32 $0x1, s25;
	[sflag:s31] =	ssyncset.done $0x0  }
0x6e8: {  	p0 =	sne.s32 s25, s16;
	s1 =	sshll.u32 s12, $0x6;
	[sflag:s31] =	ssyncadd.s32 $0xFFFFEC00  }
.Ltmp10:
0x6e9: {  	s1 =	sor.u32 $0x1C07, s1;
	[bflag:$0x0] =	sbarrier.arrive $0xFFFF;
	(pc) =	sbr.rel @p0 .LBB2_1-.Ltmp10, $4  }
0x6ea: {  	[hbm:s24], [sflag:s1] =	dma.local [spmem:s18], $0x1388  }
0x6eb: {  	_ =	swait.ge [sflag:s17], $0x1388  }
0x6ec: {  	[sflag:s17] =	ssyncset.done $0x0  }
0x6ed: {  	[sflag:s17] =	ssyncadd.s32 $0xFFFFEC78  }
0x6ee: {  	_ =	sfence.sel $0x180000  }
0x6ef: {  	[bflag:$0x0] =	sbarrier.arrive $0xFFFF  }
0x6f0: {  	_ =	strace $0x90000047  }
0x6f1: {  	s0 =	stileid.u32;
	[bflag:$0x2] =	sbarrier.arrive $0xFFFF  }
0x6f2: {  	p0 =	sne.s32 s0, $0x0;
	s0 =	rddreg [dreg:$0x4]  }
0x6f3: {  	s0 =	sadd.s32 @!p0 $0x100000, s0  }
0x6f4: {  	[sflag:s0] =	ssyncadd.tile.s32 @!p0 $0x1;
	_ =	shalt  }
.Lfunc_end2:
_tile_overlayer_lowered:
.L_overlay_start_2:
0x6f5: {  	(tag) =	ssettag $0x2  }
0x6f6: {  	s0 =	rddreg [dreg:$0x0];
	s2 =	stileid.u32  }
0x6f7: {  	s1 =	rddreg [dreg:$0x1];
	p0 =	sne.s32 s2, $0x0  }
0x6f8: {  	s3 =	rddreg [dreg:$0x2];
	[bflag:$0x3] =	sbarrier.arrive $0xFFFF;
	s2 =	simm.s32 @!p0 $0x1C07  }
0x6f9: {  	[timem:s3], [sflag:s2] =	dma.local @!p0 [hbm:s0], s1  }
0x6fa: {  	s0 =	simm.s32 @!p0 $0x7  }
0x6fb: {  	_ =	swait.ge @!p0 [sflag:s0], s1  }
0x6fc: {  	s1 =	ssub.s32 @!p0 $0x0, s1;
	[sflag:s0] =	ssyncset.done @!p0 $0x0  }
0x6fd: {  	[sflag:s0] =	ssyncadd.s32 @!p0 s1  }
0x6fe: {  	[bflag:$0x3] =	sbarrier.arrive $0xFFFF  }
0x6ff: {  	_ =	shalt  }

</sc_bundles>
